<compile_context>
chip_gen: v7x
topology: tpu7x:2x2x1
jax: 0.10.2.dev20260603
libtpu: 0.0.44.dev20260713+nightly
codegen_flags: <defaults>
</compile_context>

<pallas_src>
import functools

import jax
import jax.numpy as jnp
from jax import lax
from jax.experimental import pallas as pl
from jax.experimental.pallas import tpu as pltpu
from jax.experimental.pallas import tpu_sc as plsc

VOCAB = 1000000
DIM = 64
B = 16384
NEG = 20

NC = 2
NS = 16
NW = NC * NS
EX_PER_W = B // NW
E = 32
CHUNKS = EX_PER_W // E
ROWS_C = E * (1 + NEG)
GROUPS = ROWS_C // 16
NCHUNKS_TOT = B // E


def _sc_scores(hidden_state, idx_all, out_table):
    mesh = plsc.VectorSubcoreMesh(core_axis_name="c", subcore_axis_name="s")

    def row_gathers(tab_hbm, idx_buf, k, rows, hid, hid_hbm, sem):
        for j in range(5):
            pltpu.async_copy(
                tab_hbm.at[idx_buf.at[k, pl.ds(j * 128, 128)]],
                rows.at[pl.ds(j * 128, 128)], sem)
        pltpu.async_copy(
            tab_hbm.at[idx_buf.at[k, pl.ds(640, 32)]],
            rows.at[pl.ds(640, 32)], sem)
        pltpu.async_copy(hid_hbm.at[pl.ds(k * E, E)], hid, sem)

    def drain(tab_hbm, hid_hbm, rows, hid, sem):
        pltpu.make_async_copy(tab_hbm.at[pl.ds(0, ROWS_C)], rows, sem).wait()
        pltpu.make_async_copy(hid_hbm.at[pl.ds(0, E)], hid, sem).wait()

    @functools.partial(
        pl.kernel,
        mesh=mesh,
        compiler_params=pltpu.CompilerParams(
            needs_layout_passes=False, use_tc_tiling_on_sc=False),
        out_type=jax.ShapeDtypeStruct((NCHUNKS_TOT, ROWS_C), jnp.float32),
        scratch_types=[
            pltpu.VMEM((CHUNKS, ROWS_C), jnp.int32),
            pltpu.VMEM((ROWS_C, DIM), jnp.float32),
            pltpu.VMEM((ROWS_C, DIM), jnp.float32),
            pltpu.VMEM((E, DIM), jnp.float32),
            pltpu.VMEM((E, DIM), jnp.float32),
            pltpu.VMEM((ROWS_C,), jnp.float32),
            pltpu.VMEM((ROWS_C,), jnp.float32),
            pltpu.SemaphoreType.DMA,
            pltpu.SemaphoreType.DMA,
            pltpu.SemaphoreType.DMA,
            pltpu.SemaphoreType.DMA,
        ],
    )
    def body(hid_hbm, idx_hbm, tab_hbm, sc_out,
             idx_buf, rows0, rows1, hidb0, hidb1, sb0, sb1,
             sem0, sem1, ssem0, ssem1):
        wid = lax.axis_index("s") * NC + lax.axis_index("c")
        lanes = lax.iota(jnp.int32, 16)

        my_hid = hid_hbm.at[pl.ds(wid * EX_PER_W, EX_PER_W)]
        my_out = sc_out.at[pl.ds(wid * CHUNKS, CHUNKS)]

        pltpu.sync_copy(idx_hbm.at[pl.ds(wid * CHUNKS, CHUNKS)], idx_buf)

        def compute(rows, hid, scores):
            def group_body(g, carry):
                cand = g * 16 + lanes
                el = jnp.where(cand < E, cand, (cand - E) // NEG)
                acc = jnp.zeros((16,), jnp.float32)
                for d in range(DIM):
                    dvec = (lanes + d) & (DIM - 1)
                    acc = acc + (plsc.load_gather(rows, [cand, dvec]) *
                                 plsc.load_gather(hid, [el, dvec]))
                scores[pl.ds(g * 16, 16)] = acc
                return carry

            lax.fori_loop(0, GROUPS, group_body, jnp.int32(0))

        def halfstep(m, c, rows, hid, scores, sem, ssem, pf_c, pf_rows,
                     pf_hid, pf_sem):
            drain(tab_hbm, my_hid, rows, hid, sem)
            @pl.when(pf_c < CHUNKS)
            def _():
                row_gathers(tab_hbm, idx_buf, pf_c, pf_rows, pf_hid,
                            my_hid, pf_sem)
            @pl.when(m > 0)
            def _():
                _drain_scores(scores, ssem)
            compute(rows, hid, scores)
            pltpu.async_copy(scores, my_out.at[c], ssem)

        def _drain_scores(scores, ssem):
            pltpu.make_async_copy(my_out.at[0], scores, ssem).wait()

        row_gathers(tab_hbm, idx_buf, 0, rows0, hidb0, my_hid, sem0)

        def pair_body(m, carry):
            halfstep(m, 2 * m, rows0, hidb0, sb0, sem0, ssem0,
                     2 * m + 1, rows1, hidb1, sem1)
            halfstep(m, 2 * m + 1, rows1, hidb1, sb1, sem1, ssem1,
                     2 * m + 2, rows0, hidb0, sem0)
            return carry

        lax.fori_loop(0, CHUNKS // 2, pair_body, jnp.int32(0))

        _drain_scores(sb0, ssem0)
        _drain_scores(sb1, ssem1)

    return body(hidden_state, idx_all, out_table)


def _tc_loss(scores):
    def tc_body(s_ref, out_ref):
        x = s_ref[...]
        col = lax.broadcasted_iota(jnp.int32, x.shape, 1)
        is_pos = col < E
        m = jnp.where(is_pos, jnp.minimum(x, 0.0), -jnp.maximum(x, 0.0))
        t = m - jnp.log1p(jnp.exp(-jnp.abs(x)))
        w = jnp.where(is_pos, 1.0, 1.0 / NEG)
        out_ref[...] = jnp.broadcast_to(-jnp.sum(w * t), (1, 1))

    return pl.pallas_call(
        tc_body,
        out_shape=jax.ShapeDtypeStruct((1, 1), jnp.float32),
    )(scores)


def kernel(hidden_state, label_idxes, neg_idxes, out_table):
    lab = label_idxes.astype(jnp.int32).reshape(NCHUNKS_TOT, E)
    neg = neg_idxes.astype(jnp.int32).reshape(NCHUNKS_TOT, E * NEG)
    idx_all = jnp.concatenate([lab, neg], axis=1)
    scores = _sc_scores(hidden_state, idx_all, out_table)
    return _tc_loss(scores)[0, 0]

# --- scband reference (transcript-rebuilt; emitter-appended) ---
"""Pipeline reference for scband-binary-log-loss-66932770341407 (READ-ONLY COPY).

The authoritative reference and input builder live on the scoring server;
editing this copy changes nothing except your own understanding.
"""

import jax, jax.numpy as jnp
import numpy as np

VOCAB = 1000000
DIM = 64
B = 16384
NEG = 20

def setup_inputs(seed: int = 0) -> dict:
    key = jax.random.key(seed)
    k1, k2, k3, k4 = jax.random.split(key, 4)
    hidden_state = jax.random.normal(k1, (B, DIM), dtype=jnp.float32)
    label_idxes = jax.random.randint(k2, (B,), 0, VOCAB)
    neg_idxes = jax.random.randint(k3, (B * NEG,), 0, VOCAB)
    out_table = jax.random.normal(k4, (VOCAB, DIM), dtype=jnp.float32) * 0.01
    return {"hidden_state": hidden_state, "label_idxes": label_idxes, "neg_idxes": neg_idxes, "out_table": out_table}

def reference(hidden_state, label_idxes, neg_idxes, out_table):
    # positive term: gather output embeddings for true labels
    out_embeds = jnp.take(out_table, label_idxes, axis=0)          # [N, D]
    scores = (hidden_state * out_embeds).sum(axis=1)               # [N]
    sig_scores = jax.nn.log_sigmoid(scores)
    total_score = sig_scores.sum()
    N = hidden_state.shape[0]
    # negative term: gather NEG sampled embeddings per example
    neg_embeds = jnp.take(out_table, neg_idxes, axis=0)            # [N*NEG, D]
    neg_embeds_expand = neg_embeds.reshape(N, NEG, -1)             # [N, NEG, D]
    hidden_state_expand = hidden_state.reshape(N, 1, -1)           # [N, 1, D]
    sample_scores = (neg_embeds_expand * hidden_state_expand).sum(axis=2)  # [N, NEG]
    neg_scores = -sample_scores
    neg_sig_scores = jax.nn.log_sigmoid(neg_scores).mean(axis=1)   # [N]
    total_score = total_score + neg_sig_scores.sum()
    loss = -total_score
    return loss

if __name__ == "__main__":
    import jax
    _d = setup_inputs()
    print(jax.jit(kernel)(*tuple(_d.values())))

</pallas_src>

<mosaic_0001>
#map = affine_map<(d0, d1) -> (0, 0)>
module attributes {stable_mosaic.version = 14 : i64} {
  func.func @body(%arg0: i32, %arg1: i32, %arg2: memref<16384x64xf32, #tpu.memory_space<hbm>>, %arg3: memref<512x672xi32, #tpu.memory_space<hbm>>, %arg4: memref<1000000x64xf32, #tpu.memory_space<hbm>>, %arg5: memref<512x672xf32, #tpu.memory_space<hbm>>, %arg6: memref<16x672xi32, #tpu.memory_space<vmem>>, %arg7: memref<672x64xf32, #tpu.memory_space<vmem>>, %arg8: memref<672x64xf32, #tpu.memory_space<vmem>>, %arg9: memref<32x64xf32, #tpu.memory_space<vmem>>, %arg10: memref<32x64xf32, #tpu.memory_space<vmem>>, %arg11: memref<672xf32, #tpu.memory_space<vmem>>, %arg12: memref<672xf32, #tpu.memory_space<vmem>>, %arg13: memref<!tpu.dma_semaphore, #tpu.memory_space<semaphore_mem>>, %arg14: memref<!tpu.dma_semaphore, #tpu.memory_space<semaphore_mem>>, %arg15: memref<!tpu.dma_semaphore, #tpu.memory_space<semaphore_mem>>, %arg16: memref<!tpu.dma_semaphore, #tpu.memory_space<semaphore_mem>>) attributes {dimension_semantics = [#tpu.dimension_semantics<core_parallel>, #tpu.dimension_semantics<subcore_parallel>], iteration_bounds = array<i64: 2, 16>, scalar_prefetch = 0 : i64, scratch_operands = 11 : i64, tpu.core_type = #tpu.core_type<sc_vector_subcore>, window_params = [{transform_indices = #map}, {transform_indices = #map}, {transform_indices = #map}, {transform_indices = #map}]} {
    %mul3A = arith.constant 2 : i32
    %mul3A_0 = arith.muli %arg1, %mul3A : i32
    %add3A = arith.addi %mul3A_0, %arg0 : i32
    %iota3A = tpu.iota {dimensions = array<i32: 0>} : vector<16xi32>
    %mul3A_1 = arith.constant 512 : i32
    %mul3A_2 = arith.muli %add3A, %mul3A_1 : i32
    %mul3A_3 = arith.constant 16 : i32
    %mul3A_4 = arith.muli %add3A, %mul3A_3 : i32
    %mul3A_5 = arith.constant 16 : i32
    %mul3A_6 = arith.muli %add3A, %mul3A_5 : i32
    "tpu.region"() ({
      %run_scoped3A = tpu.sem_alloc : memref<!tpu.dma_semaphore, #tpu.memory_space<semaphore_mem>>
      %dma_start3A_102 = arith.constant 0 : i32
      %dma_start3A_103 = tpu.memref_slice %arg3[%mul3A_6, %dma_start3A_102] : memref<512x672xi32, #tpu.memory_space<hbm>> -> memref<16x672xi32, #tpu.memory_space<hbm>>
      %dma_start3A_104 = arith.constant 0 : i32
      %dma_start3A_105 = tpu.memref_slice %arg3[%mul3A_6, %dma_start3A_104] : memref<512x672xi32, #tpu.memory_space<hbm>> -> memref<16x672xi32, #tpu.memory_space<hbm>>
      tpu.enqueue_dma source(%dma_start3A_105 : memref<16x672xi32, #tpu.memory_space<hbm>>) target(%arg6 : memref<16x672xi32, #tpu.memory_space<vmem>>) target_semaphore(%run_scoped3A : memref<!tpu.dma_semaphore, #tpu.memory_space<semaphore_mem>>)
      %dma_wait3A_106 = arith.constant 0 : i32
      %dma_wait3A_107 = tpu.memref_slice %arg3[%mul3A_6, %dma_wait3A_106] : memref<512x672xi32, #tpu.memory_space<hbm>> -> memref<16x672xi32, #tpu.memory_space<hbm>>
      %dma_wait3A_108 = arith.constant 0 : i32
      %dma_wait3A_109 = tpu.memref_slice %arg3[%mul3A_6, %dma_wait3A_108] : memref<512x672xi32, #tpu.memory_space<hbm>> -> memref<16x672xi32, #tpu.memory_space<hbm>>
      tpu.wait_dma2 semaphore(%run_scoped3A : memref<!tpu.dma_semaphore, #tpu.memory_space<semaphore_mem>>) src(%dma_wait3A_109 : memref<16x672xi32, #tpu.memory_space<hbm>>) dst(%arg6 : memref<16x672xi32, #tpu.memory_space<vmem>>)
      tpu.yield
    }) : () -> ()
    %dma_start3A = arith.constant 0 : i32
    %dma_start3A_7 = arith.constant 0 : i32
    %dma_start3A_8 = arith.constant 0 : i32
    %dma_start3A_9 = tpu.memref_slice %arg7[%dma_start3A_7, %dma_start3A_8] : memref<672x64xf32, #tpu.memory_space<vmem>> -> memref<128x64xf32, #tpu.memory_space<vmem>>
    %dma_start3A_10 = arith.constant 0 : i32
    %dma_start3A_11 = tpu.memref_slice %arg6[%dma_start3A, %dma_start3A_10] : memref<16x672xi32, #tpu.memory_space<vmem>> -> memref<1x128xi32, #tpu.memory_space<vmem>>
    %dma_start3A_12 = tpu.memref_squeeze %dma_start3A_11 : memref<1x128xi32, #tpu.memory_space<vmem>> -> memref<128xi32, #tpu.memory_space<vmem>>
    %dma_start3A_13 = arith.constant 0 : i32
    %dma_start3A_14 = arith.constant 0 : i32
    %dma_start3A_15 = tpu.memref_slice %arg4[%dma_start3A_13, %dma_start3A_14] : memref<1000000x64xf32, #tpu.memory_space<hbm>> -> memref<1000000x64xf32, #tpu.memory_space<hbm>>
    tpu.enqueue_indirect_dma source(%dma_start3A_15 : memref<1000000x64xf32, #tpu.memory_space<hbm>>) target(%dma_start3A_9 : memref<128x64xf32, #tpu.memory_space<vmem>>) offsets(%dma_start3A_12 : memref<128xi32, #tpu.memory_space<vmem>>) semaphore(%arg13 : memref<!tpu.dma_semaphore, #tpu.memory_space<semaphore_mem>>)
    %dma_start3A_16 = arith.constant 0 : i32
    %dma_start3A_17 = arith.constant 128 : i32
    %dma_start3A_18 = arith.constant 0 : i32
    %dma_start3A_19 = tpu.memref_slice %arg7[%dma_start3A_17, %dma_start3A_18] : memref<672x64xf32, #tpu.memory_space<vmem>> -> memref<128x64xf32, #tpu.memory_space<vmem>>
    %dma_start3A_20 = arith.constant 128 : i32
    %dma_start3A_21 = tpu.memref_slice %arg6[%dma_start3A_16, %dma_start3A_20] : memref<16x672xi32, #tpu.memory_space<vmem>> -> memref<1x128xi32, #tpu.memory_space<vmem>>
    %dma_start3A_22 = tpu.memref_squeeze %dma_start3A_21 : memref<1x128xi32, #tpu.memory_space<vmem>> -> memref<128xi32, #tpu.memory_space<vmem>>
    %dma_start3A_23 = arith.constant 0 : i32
    %dma_start3A_24 = arith.constant 0 : i32
    %dma_start3A_25 = tpu.memref_slice %arg4[%dma_start3A_23, %dma_start3A_24] : memref<1000000x64xf32, #tpu.memory_space<hbm>> -> memref<1000000x64xf32, #tpu.memory_space<hbm>>
    tpu.enqueue_indirect_dma source(%dma_start3A_25 : memref<1000000x64xf32, #tpu.memory_space<hbm>>) target(%dma_start3A_19 : memref<128x64xf32, #tpu.memory_space<vmem>>) offsets(%dma_start3A_22 : memref<128xi32, #tpu.memory_space<vmem>>) semaphore(%arg13 : memref<!tpu.dma_semaphore, #tpu.memory_space<semaphore_mem>>)
    %dma_start3A_26 = arith.constant 0 : i32
    %dma_start3A_27 = arith.constant 256 : i32
    %dma_start3A_28 = arith.constant 0 : i32
    %dma_start3A_29 = tpu.memref_slice %arg7[%dma_start3A_27, %dma_start3A_28] : memref<672x64xf32, #tpu.memory_space<vmem>> -> memref<128x64xf32, #tpu.memory_space<vmem>>
    %dma_start3A_30 = arith.constant 256 : i32
    %dma_start3A_31 = tpu.memref_slice %arg6[%dma_start3A_26, %dma_start3A_30] : memref<16x672xi32, #tpu.memory_space<vmem>> -> memref<1x128xi32, #tpu.memory_space<vmem>>
    %dma_start3A_32 = tpu.memref_squeeze %dma_start3A_31 : memref<1x128xi32, #tpu.memory_space<vmem>> -> memref<128xi32, #tpu.memory_space<vmem>>
    %dma_start3A_33 = arith.constant 0 : i32
    %dma_start3A_34 = arith.constant 0 : i32
    %dma_start3A_35 = tpu.memref_slice %arg4[%dma_start3A_33, %dma_start3A_34] : memref<1000000x64xf32, #tpu.memory_space<hbm>> -> memref<1000000x64xf32, #tpu.memory_space<hbm>>
    tpu.enqueue_indirect_dma source(%dma_start3A_35 : memref<1000000x64xf32, #tpu.memory_space<hbm>>) target(%dma_start3A_29 : memref<128x64xf32, #tpu.memory_space<vmem>>) offsets(%dma_start3A_32 : memref<128xi32, #tpu.memory_space<vmem>>) semaphore(%arg13 : memref<!tpu.dma_semaphore, #tpu.memory_space<semaphore_mem>>)
    %dma_start3A_36 = arith.constant 0 : i32
    %dma_start3A_37 = arith.constant 384 : i32
    %dma_start3A_38 = arith.constant 0 : i32
    %dma_start3A_39 = tpu.memref_slice %arg7[%dma_start3A_37, %dma_start3A_38] : memref<672x64xf32, #tpu.memory_space<vmem>> -> memref<128x64xf32, #tpu.memory_space<vmem>>
    %dma_start3A_40 = arith.constant 384 : i32
    %dma_start3A_41 = tpu.memref_slice %arg6[%dma_start3A_36, %dma_start3A_40] : memref<16x672xi32, #tpu.memory_space<vmem>> -> memref<1x128xi32, #tpu.memory_space<vmem>>
    %dma_start3A_42 = tpu.memref_squeeze %dma_start3A_41 : memref<1x128xi32, #tpu.memory_space<vmem>> -> memref<128xi32, #tpu.memory_space<vmem>>
    %dma_start3A_43 = arith.constant 0 : i32
    %dma_start3A_44 = arith.constant 0 : i32
    %dma_start3A_45 = tpu.memref_slice %arg4[%dma_start3A_43, %dma_start3A_44] : memref<1000000x64xf32, #tpu.memory_space<hbm>> -> memref<1000000x64xf32, #tpu.memory_space<hbm>>
    tpu.enqueue_indirect_dma source(%dma_start3A_45 : memref<1000000x64xf32, #tpu.memory_space<hbm>>) target(%dma_start3A_39 : memref<128x64xf32, #tpu.memory_space<vmem>>) offsets(%dma_start3A_42 : memref<128xi32, #tpu.memory_space<vmem>>) semaphore(%arg13 : memref<!tpu.dma_semaphore, #tpu.memory_space<semaphore_mem>>)
    %dma_start3A_46 = arith.constant 0 : i32
    %dma_start3A_47 = arith.constant 512 : i32
    %dma_start3A_48 = arith.constant 0 : i32
    %dma_start3A_49 = tpu.memref_slice %arg7[%dma_start3A_47, %dma_start3A_48] : memref<672x64xf32, #tpu.memory_space<vmem>> -> memref<128x64xf32, #tpu.memory_space<vmem>>
    %dma_start3A_50 = arith.constant 512 : i32
    %dma_start3A_51 = tpu.memref_slice %arg6[%dma_start3A_46, %dma_start3A_50] : memref<16x672xi32, #tpu.memory_space<vmem>> -> memref<1x128xi32, #tpu.memory_space<vmem>>
    %dma_start3A_52 = tpu.memref_squeeze %dma_start3A_51 : memref<1x128xi32, #tpu.memory_space<vmem>> -> memref<128xi32, #tpu.memory_space<vmem>>
    %dma_start3A_53 = arith.constant 0 : i32
    %dma_start3A_54 = arith.constant 0 : i32
    %dma_start3A_55 = tpu.memref_slice %arg4[%dma_start3A_53, %dma_start3A_54] : memref<1000000x64xf32, #tpu.memory_space<hbm>> -> memref<1000000x64xf32, #tpu.memory_space<hbm>>
    tpu.enqueue_indirect_dma source(%dma_start3A_55 : memref<1000000x64xf32, #tpu.memory_space<hbm>>) target(%dma_start3A_49 : memref<128x64xf32, #tpu.memory_space<vmem>>) offsets(%dma_start3A_52 : memref<128xi32, #tpu.memory_space<vmem>>) semaphore(%arg13 : memref<!tpu.dma_semaphore, #tpu.memory_space<semaphore_mem>>)
    %dma_start3A_56 = arith.constant 0 : i32
    %dma_start3A_57 = arith.constant 640 : i32
    %dma_start3A_58 = arith.constant 0 : i32
    %dma_start3A_59 = tpu.memref_slice %arg7[%dma_start3A_57, %dma_start3A_58] : memref<672x64xf32, #tpu.memory_space<vmem>> -> memref<32x64xf32, #tpu.memory_space<vmem>>
    %dma_start3A_60 = arith.constant 640 : i32
    %dma_start3A_61 = tpu.memref_slice %arg6[%dma_start3A_56, %dma_start3A_60] : memref<16x672xi32, #tpu.memory_space<vmem>> -> memref<1x32xi32, #tpu.memory_space<vmem>>
    %dma_start3A_62 = tpu.memref_squeeze %dma_start3A_61 : memref<1x32xi32, #tpu.memory_space<vmem>> -> memref<32xi32, #tpu.memory_space<vmem>>
    %dma_start3A_63 = arith.constant 0 : i32
    %dma_start3A_64 = arith.constant 0 : i32
    %dma_start3A_65 = tpu.memref_slice %arg4[%dma_start3A_63, %dma_start3A_64] : memref<1000000x64xf32, #tpu.memory_space<hbm>> -> memref<1000000x64xf32, #tpu.memory_space<hbm>>
    tpu.enqueue_indirect_dma source(%dma_start3A_65 : memref<1000000x64xf32, #tpu.memory_space<hbm>>) target(%dma_start3A_59 : memref<32x64xf32, #tpu.memory_space<vmem>>) offsets(%dma_start3A_62 : memref<32xi32, #tpu.memory_space<vmem>>) semaphore(%arg13 : memref<!tpu.dma_semaphore, #tpu.memory_space<semaphore_mem>>)
    %dma_start3A_66 = arith.constant 0 : i32
    %dma_start3A_67 = tpu.memref_slice %arg2[%mul3A_2, %dma_start3A_66] : memref<16384x64xf32, #tpu.memory_space<hbm>> -> memref<512x64xf32, #tpu.memory_space<hbm>>
    %dma_start3A_68 = arith.constant 0 : i32
    %dma_start3A_69 = arith.constant 0 : i32
    %dma_start3A_70 = tpu.memref_slice %dma_start3A_67[%dma_start3A_68, %dma_start3A_69] : memref<512x64xf32, #tpu.memory_space<hbm>> -> memref<32x64xf32, #tpu.memory_space<hbm>>
    %dma_start3A_71 = arith.constant 0 : i32
    %dma_start3A_72 = tpu.memref_slice %arg2[%mul3A_2, %dma_start3A_71] : memref<16384x64xf32, #tpu.memory_space<hbm>> -> memref<512x64xf32, #tpu.memory_space<hbm>>
    %dma_start3A_73 = arith.constant 0 : i32
    %dma_start3A_74 = arith.constant 0 : i32
    %dma_start3A_75 = tpu.memref_slice %dma_start3A_72[%dma_start3A_73, %dma_start3A_74] : memref<512x64xf32, #tpu.memory_space<hbm>> -> memref<32x64xf32, #tpu.memory_space<hbm>>
    tpu.enqueue_dma source(%dma_start3A_75 : memref<32x64xf32, #tpu.memory_space<hbm>>) target(%arg9 : memref<32x64xf32, #tpu.memory_space<vmem>>) target_semaphore(%arg13 : memref<!tpu.dma_semaphore, #tpu.memory_space<semaphore_mem>>)
    %scan3A = arith.constant 0 : i32
    %scan3A_76 = arith.constant 0 : i32
    %scan3A_77 = arith.constant 8 : i32
    %scan3A_78 = arith.addi %scan3A_76, %scan3A_77 : i32
    %scan3A_79 = arith.constant 1 : i32
    scf.for %scan3A_102 = %scan3A_76 to %scan3A_78 step %scan3A_79  : i32 {
      %mul3A_103 = arith.constant 2 : i32
      %mul3A_104 = arith.muli %mul3A_103, %scan3A_102 : i32
      %mul3A_105 = arith.constant 2 : i32
      %mul3A_106 = arith.muli %mul3A_105, %scan3A_102 : i32
      %add3A_107 = arith.constant 1 : i32
      %add3A_108 = arith.addi %mul3A_106, %add3A_107 : i32
      %dma_wait3A_109 = arith.constant 0 : i32
      %dma_wait3A_110 = arith.constant 0 : i32
      %dma_wait3A_111 = tpu.memref_slice %arg4[%dma_wait3A_109, %dma_wait3A_110] : memref<1000000x64xf32, #tpu.memory_space<hbm>> -> memref<672x64xf32, #tpu.memory_space<hbm>>
      %dma_wait3A_112 = arith.constant 0 : i32
      %dma_wait3A_113 = arith.constant 0 : i32
      %dma_wait3A_114 = tpu.memref_slice %arg4[%dma_wait3A_112, %dma_wait3A_113] : memref<1000000x64xf32, #tpu.memory_space<hbm>> -> memref<672x64xf32, #tpu.memory_space<hbm>>
      tpu.wait_dma2 semaphore(%arg13 : memref<!tpu.dma_semaphore, #tpu.memory_space<semaphore_mem>>) src(%dma_wait3A_114 : memref<672x64xf32, #tpu.memory_space<hbm>>) dst(%arg7 : memref<672x64xf32, #tpu.memory_space<vmem>>)
      %dma_wait3A_115 = arith.constant 0 : i32
      %dma_wait3A_116 = tpu.memref_slice %arg2[%mul3A_2, %dma_wait3A_115] : memref<16384x64xf32, #tpu.memory_space<hbm>> -> memref<512x64xf32, #tpu.memory_space<hbm>>
      %dma_wait3A_117 = arith.constant 0 : i32
      %dma_wait3A_118 = arith.constant 0 : i32
      %dma_wait3A_119 = tpu.memref_slice %dma_wait3A_116[%dma_wait3A_117, %dma_wait3A_118] : memref<512x64xf32, #tpu.memory_space<hbm>> -> memref<32x64xf32, #tpu.memory_space<hbm>>
      %dma_wait3A_120 = arith.constant 0 : i32
      %dma_wait3A_121 = tpu.memref_slice %arg2[%mul3A_2, %dma_wait3A_120] : memref<16384x64xf32, #tpu.memory_space<hbm>> -> memref<512x64xf32, #tpu.memory_space<hbm>>
      %dma_wait3A_122 = arith.constant 0 : i32
      %dma_wait3A_123 = arith.constant 0 : i32
      %dma_wait3A_124 = tpu.memref_slice %dma_wait3A_121[%dma_wait3A_122, %dma_wait3A_123] : memref<512x64xf32, #tpu.memory_space<hbm>> -> memref<32x64xf32, #tpu.memory_space<hbm>>
      tpu.wait_dma2 semaphore(%arg13 : memref<!tpu.dma_semaphore, #tpu.memory_space<semaphore_mem>>) src(%dma_wait3A_124 : memref<32x64xf32, #tpu.memory_space<hbm>>) dst(%arg9 : memref<32x64xf32, #tpu.memory_space<vmem>>)
      %lt3A = arith.constant 16 : i32
      %lt3A_125 = arith.cmpi slt, %add3A_108, %lt3A : i32
      %convert_element_type3A = arith.extui %lt3A_125 : i1 to i32
      %cond3A = arith.constant 0 : i32
      %cond3A_126 = arith.cmpi ne, %convert_element_type3A, %cond3A : i32
      scf.if %cond3A_126 {
        %dma_start3A_197 = arith.constant 0 : i32
        %dma_start3A_198 = arith.constant 0 : i32
        %dma_start3A_199 = tpu.memref_slice %arg8[%dma_start3A_197, %dma_start3A_198] : memref<672x64xf32, #tpu.memory_space<vmem>> -> memref<128x64xf32, #tpu.memory_space<vmem>>
        %dma_start3A_200 = arith.constant 0 : i32
        %dma_start3A_201 = tpu.memref_slice %arg6[%add3A_108, %dma_start3A_200] : memref<16x672xi32, #tpu.memory_space<vmem>> -> memref<1x128xi32, #tpu.memory_space<vmem>>
        %dma_start3A_202 = tpu.memref_squeeze %dma_start3A_201 : memref<1x128xi32, #tpu.memory_space<vmem>> -> memref<128xi32, #tpu.memory_space<vmem>>
        %dma_start3A_203 = arith.constant 0 : i32
        %dma_start3A_204 = arith.constant 0 : i32
        %dma_start3A_205 = tpu.memref_slice %arg4[%dma_start3A_203, %dma_start3A_204] : memref<1000000x64xf32, #tpu.memory_space<hbm>> -> memref<1000000x64xf32, #tpu.memory_space<hbm>>
        tpu.enqueue_indirect_dma source(%dma_start3A_205 : memref<1000000x64xf32, #tpu.memory_space<hbm>>) target(%dma_start3A_199 : memref<128x64xf32, #tpu.memory_space<vmem>>) offsets(%dma_start3A_202 : memref<128xi32, #tpu.memory_space<vmem>>) semaphore(%arg14 : memref<!tpu.dma_semaphore, #tpu.memory_space<semaphore_mem>>)
        %dma_start3A_206 = arith.constant 128 : i32
        %dma_start3A_207 = arith.constant 0 : i32
        %dma_start3A_208 = tpu.memref_slice %arg8[%dma_start3A_206, %dma_start3A_207] : memref<672x64xf32, #tpu.memory_space<vmem>> -> memref<128x64xf32, #tpu.memory_space<vmem>>
        %dma_start3A_209 = arith.constant 128 : i32
        %dma_start3A_210 = tpu.memref_slice %arg6[%add3A_108, %dma_start3A_209] : memref<16x672xi32, #tpu.memory_space<vmem>> -> memref<1x128xi32, #tpu.memory_space<vmem>>
        %dma_start3A_211 = tpu.memref_squeeze %dma_start3A_210 : memref<1x128xi32, #tpu.memory_space<vmem>> -> memref<128xi32, #tpu.memory_space<vmem>>
        %dma_start3A_212 = arith.constant 0 : i32
        %dma_start3A_213 = arith.constant 0 : i32
        %dma_start3A_214 = tpu.memref_slice %arg4[%dma_start3A_212, %dma_start3A_213] : memref<1000000x64xf32, #tpu.memory_space<hbm>> -> memref<1000000x64xf32, #tpu.memory_space<hbm>>
        tpu.enqueue_indirect_dma source(%dma_start3A_214 : memref<1000000x64xf32, #tpu.memory_space<hbm>>) target(%dma_start3A_208 : memref<128x64xf32, #tpu.memory_space<vmem>>) offsets(%dma_start3A_211 : memref<128xi32, #tpu.memory_space<vmem>>) semaphore(%arg14 : memref<!tpu.dma_semaphore, #tpu.memory_space<semaphore_mem>>)
        %dma_start3A_215 = arith.constant 256 : i32
        %dma_start3A_216 = arith.constant 0 : i32
        %dma_start3A_217 = tpu.memref_slice %arg8[%dma_start3A_215, %dma_start3A_216] : memref<672x64xf32, #tpu.memory_space<vmem>> -> memref<128x64xf32, #tpu.memory_space<vmem>>
        %dma_start3A_218 = arith.constant 256 : i32
        %dma_start3A_219 = tpu.memref_slice %arg6[%add3A_108, %dma_start3A_218] : memref<16x672xi32, #tpu.memory_space<vmem>> -> memref<1x128xi32, #tpu.memory_space<vmem>>
        %dma_start3A_220 = tpu.memref_squeeze %dma_start3A_219 : memref<1x128xi32, #tpu.memory_space<vmem>> -> memref<128xi32, #tpu.memory_space<vmem>>
        %dma_start3A_221 = arith.constant 0 : i32
        %dma_start3A_222 = arith.constant 0 : i32
        %dma_start3A_223 = tpu.memref_slice %arg4[%dma_start3A_221, %dma_start3A_222] : memref<1000000x64xf32, #tpu.memory_space<hbm>> -> memref<1000000x64xf32, #tpu.memory_space<hbm>>
        tpu.enqueue_indirect_dma source(%dma_start3A_223 : memref<1000000x64xf32, #tpu.memory_space<hbm>>) target(%dma_start3A_217 : memref<128x64xf32, #tpu.memory_space<vmem>>) offsets(%dma_start3A_220 : memref<128xi32, #tpu.memory_space<vmem>>) semaphore(%arg14 : memref<!tpu.dma_semaphore, #tpu.memory_space<semaphore_mem>>)
        %dma_start3A_224 = arith.constant 384 : i32
        %dma_start3A_225 = arith.constant 0 : i32
        %dma_start3A_226 = tpu.memref_slice %arg8[%dma_start3A_224, %dma_start3A_225] : memref<672x64xf32, #tpu.memory_space<vmem>> -> memref<128x64xf32, #tpu.memory_space<vmem>>
        %dma_start3A_227 = arith.constant 384 : i32
        %dma_start3A_228 = tpu.memref_slice %arg6[%add3A_108, %dma_start3A_227] : memref<16x672xi32, #tpu.memory_space<vmem>> -> memref<1x128xi32, #tpu.memory_space<vmem>>
        %dma_start3A_229 = tpu.memref_squeeze %dma_start3A_228 : memref<1x128xi32, #tpu.memory_space<vmem>> -> memref<128xi32, #tpu.memory_space<vmem>>
        %dma_start3A_230 = arith.constant 0 : i32
        %dma_start3A_231 = arith.constant 0 : i32
        %dma_start3A_232 = tpu.memref_slice %arg4[%dma_start3A_230, %dma_start3A_231] : memref<1000000x64xf32, #tpu.memory_space<hbm>> -> memref<1000000x64xf32, #tpu.memory_space<hbm>>
        tpu.enqueue_indirect_dma source(%dma_start3A_232 : memref<1000000x64xf32, #tpu.memory_space<hbm>>) target(%dma_start3A_226 : memref<128x64xf32, #tpu.memory_space<vmem>>) offsets(%dma_start3A_229 : memref<128xi32, #tpu.memory_space<vmem>>) semaphore(%arg14 : memref<!tpu.dma_semaphore, #tpu.memory_space<semaphore_mem>>)
        %dma_start3A_233 = arith.constant 512 : i32
        %dma_start3A_234 = arith.constant 0 : i32
        %dma_start3A_235 = tpu.memref_slice %arg8[%dma_start3A_233, %dma_start3A_234] : memref<672x64xf32, #tpu.memory_space<vmem>> -> memref<128x64xf32, #tpu.memory_space<vmem>>
        %dma_start3A_236 = arith.constant 512 : i32
        %dma_start3A_237 = tpu.memref_slice %arg6[%add3A_108, %dma_start3A_236] : memref<16x672xi32, #tpu.memory_space<vmem>> -> memref<1x128xi32, #tpu.memory_space<vmem>>
        %dma_start3A_238 = tpu.memref_squeeze %dma_start3A_237 : memref<1x128xi32, #tpu.memory_space<vmem>> -> memref<128xi32, #tpu.memory_space<vmem>>
        %dma_start3A_239 = arith.constant 0 : i32
        %dma_start3A_240 = arith.constant 0 : i32
        %dma_start3A_241 = tpu.memref_slice %arg4[%dma_start3A_239, %dma_start3A_240] : memref<1000000x64xf32, #tpu.memory_space<hbm>> -> memref<1000000x64xf32, #tpu.memory_space<hbm>>
        tpu.enqueue_indirect_dma source(%dma_start3A_241 : memref<1000000x64xf32, #tpu.memory_space<hbm>>) target(%dma_start3A_235 : memref<128x64xf32, #tpu.memory_space<vmem>>) offsets(%dma_start3A_238 : memref<128xi32, #tpu.memory_space<vmem>>) semaphore(%arg14 : memref<!tpu.dma_semaphore, #tpu.memory_space<semaphore_mem>>)
        %dma_start3A_242 = arith.constant 640 : i32
        %dma_start3A_243 = arith.constant 0 : i32
        %dma_start3A_244 = tpu.memref_slice %arg8[%dma_start3A_242, %dma_start3A_243] : memref<672x64xf32, #tpu.memory_space<vmem>> -> memref<32x64xf32, #tpu.memory_space<vmem>>
        %dma_start3A_245 = arith.constant 640 : i32
        %dma_start3A_246 = tpu.memref_slice %arg6[%add3A_108, %dma_start3A_245] : memref<16x672xi32, #tpu.memory_space<vmem>> -> memref<1x32xi32, #tpu.memory_space<vmem>>
        %dma_start3A_247 = tpu.memref_squeeze %dma_start3A_246 : memref<1x32xi32, #tpu.memory_space<vmem>> -> memref<32xi32, #tpu.memory_space<vmem>>
        %dma_start3A_248 = arith.constant 0 : i32
        %dma_start3A_249 = arith.constant 0 : i32
        %dma_start3A_250 = tpu.memref_slice %arg4[%dma_start3A_248, %dma_start3A_249] : memref<1000000x64xf32, #tpu.memory_space<hbm>> -> memref<1000000x64xf32, #tpu.memory_space<hbm>>
        tpu.enqueue_indirect_dma source(%dma_start3A_250 : memref<1000000x64xf32, #tpu.memory_space<hbm>>) target(%dma_start3A_244 : memref<32x64xf32, #tpu.memory_space<vmem>>) offsets(%dma_start3A_247 : memref<32xi32, #tpu.memory_space<vmem>>) semaphore(%arg14 : memref<!tpu.dma_semaphore, #tpu.memory_space<semaphore_mem>>)
        %mul3A_251 = arith.constant 32 : i32
        %mul3A_252 = arith.muli %add3A_108, %mul3A_251 : i32
        %dma_start3A_253 = arith.constant 0 : i32
        %dma_start3A_254 = tpu.memref_slice %arg2[%mul3A_2, %dma_start3A_253] : memref<16384x64xf32, #tpu.memory_space<hbm>> -> memref<512x64xf32, #tpu.memory_space<hbm>>
        %dma_start3A_255 = arith.constant 0 : i32
        %dma_start3A_256 = tpu.memref_slice %dma_start3A_254[%mul3A_252, %dma_start3A_255] : memref<512x64xf32, #tpu.memory_space<hbm>> -> memref<32x64xf32, #tpu.memory_space<hbm>>
        %dma_start3A_257 = arith.constant 0 : i32
        %dma_start3A_258 = tpu.memref_slice %arg2[%mul3A_2, %dma_start3A_257] : memref<16384x64xf32, #tpu.memory_space<hbm>> -> memref<512x64xf32, #tpu.memory_space<hbm>>
        %dma_start3A_259 = arith.constant 0 : i32
        %dma_start3A_260 = tpu.memref_slice %dma_start3A_258[%mul3A_252, %dma_start3A_259] : memref<512x64xf32, #tpu.memory_space<hbm>> -> memref<32x64xf32, #tpu.memory_space<hbm>>
        tpu.enqueue_dma source(%dma_start3A_260 : memref<32x64xf32, #tpu.memory_space<hbm>>) target(%arg10 : memref<32x64xf32, #tpu.memory_space<vmem>>) target_semaphore(%arg14 : memref<!tpu.dma_semaphore, #tpu.memory_space<semaphore_mem>>)
      } else {
      }
      %gt3A = arith.constant 0 : i32
      %gt3A_127 = arith.cmpi sgt, %scan3A_102, %gt3A : i32
      %convert_element_type3A_128 = arith.extui %gt3A_127 : i1 to i32
      %cond3A_129 = arith.constant 0 : i32
      %cond3A_130 = arith.cmpi ne, %convert_element_type3A_128, %cond3A_129 : i32
      scf.if %cond3A_130 {
        %dma_wait3A_197 = arith.constant 0 : i32
        %dma_wait3A_198 = arith.constant 0 : i32
        %dma_wait3A_199 = tpu.memref_slice %arg5[%mul3A_4, %dma_wait3A_198] : memref<512x672xf32, #tpu.memory_space<hbm>> -> memref<16x672xf32, #tpu.memory_space<hbm>>
        %dma_wait3A_200 = arith.constant 0 : i32
        %dma_wait3A_201 = tpu.memref_slice %dma_wait3A_199[%dma_wait3A_197, %dma_wait3A_200] : memref<16x672xf32, #tpu.memory_space<hbm>> -> memref<1x672xf32, #tpu.memory_space<hbm>>
        %dma_wait3A_202 = tpu.memref_squeeze %dma_wait3A_201 : memref<1x672xf32, #tpu.memory_space<hbm>> -> memref<672xf32, #tpu.memory_space<hbm>>
        %dma_wait3A_203 = arith.constant 0 : i32
        %dma_wait3A_204 = tpu.memref_slice %arg5[%mul3A_4, %dma_wait3A_203] : memref<512x672xf32, #tpu.memory_space<hbm>> -> memref<16x672xf32, #tpu.memory_space<hbm>>
        %dma_wait3A_205 = arith.constant 0 : i32
        %dma_wait3A_206 = tpu.memref_slice %dma_wait3A_204[%dma_wait3A_197, %dma_wait3A_205] : memref<16x672xf32, #tpu.memory_space<hbm>> -> memref<1x672xf32, #tpu.memory_space<hbm>>
        %dma_wait3A_207 = tpu.memref_squeeze %dma_wait3A_206 : memref<1x672xf32, #tpu.memory_space<hbm>> -> memref<672xf32, #tpu.memory_space<hbm>>
        tpu.wait_dma2 semaphore(%arg15 : memref<!tpu.dma_semaphore, #tpu.memory_space<semaphore_mem>>) src(%dma_wait3A_207 : memref<672xf32, #tpu.memory_space<hbm>>) dst(%arg11 : memref<672xf32, #tpu.memory_space<vmem>>)
      } else {
      }
      %scan3A_131 = arith.constant 0 : i32
      %scan3A_132 = arith.constant 0 : i32
      %scan3A_133 = arith.constant 42 : i32
      %scan3A_134 = arith.addi %scan3A_132, %scan3A_133 : i32
      %scan3A_135 = arith.constant 1 : i32
      scf.for %scan3A_197 = %scan3A_132 to %scan3A_134 step %scan3A_135  : i32 {
        %mul3A_198 = arith.constant 16 : i32
        %mul3A_199 = arith.muli %scan3A_197, %mul3A_198 : i32
        %add3A_200 = vector.broadcast %mul3A_199 : i32 to vector<16xi32>
        %add3A_201 = arith.addi %add3A_200, %iota3A : vector<16xi32>
        %lt3A_202 = arith.constant 32 : i32
        %lt3A_203 = vector.broadcast %lt3A_202 : i32 to vector<16xi32>
        %lt3A_204 = arith.cmpi slt, %add3A_201, %lt3A_203 : vector<16xi32>
        %sub3A = arith.constant 32 : i32
        %sub3A_205 = vector.broadcast %sub3A : i32 to vector<16xi32>
        %sub3A_206 = arith.subi %add3A_201, %sub3A_205 : vector<16xi32>
        %jit3A = arith.constant 20 : i32
        %div3A = vector.broadcast %jit3A : i32 to vector<16xi32>
        %div3A_207 = arith.divsi %sub3A_206, %div3A : vector<16xi32>
        %sign3A = arith.constant 0 : i32
        %sign3A_208 = vector.broadcast %sign3A : i32 to vector<16xi32>
        %sign3A_209 = arith.cmpi sgt, %sub3A_206, %sign3A_208 : vector<16xi32>
        %sign3A_210 = arith.extui %sign3A_209 : vector<16xi1> to vector<16xi32>
        %sign3A_211 = arith.constant 0 : i32
        %sign3A_212 = vector.broadcast %sign3A_211 : i32 to vector<16xi32>
        %sign3A_213 = arith.cmpi slt, %sub3A_206, %sign3A_212 : vector<16xi32>
        %sign3A_214 = arith.extui %sign3A_213 : vector<16xi1> to vector<16xi32>
        %sign3A_215 = arith.subi %sign3A_210, %sign3A_214 : vector<16xi32>
        %sign3A_216 = arith.constant 0 : i32
        %sign3A_217 = arith.cmpi sgt, %jit3A, %sign3A_216 : i32
        %sign3A_218 = arith.extui %sign3A_217 : i1 to i32
        %sign3A_219 = arith.constant 0 : i32
        %sign3A_220 = arith.cmpi slt, %jit3A, %sign3A_219 : i32
        %sign3A_221 = arith.extui %sign3A_220 : i1 to i32
        %sign3A_222 = arith.subi %sign3A_218, %sign3A_221 : i32
        %ne3A = vector.broadcast %sign3A_222 : i32 to vector<16xi32>
        %ne3A_223 = arith.cmpi ne, %sign3A_215, %ne3A : vector<16xi32>
        %rem3A = vector.broadcast %jit3A : i32 to vector<16xi32>
        %rem3A_224 = arith.remsi %sub3A_206, %rem3A : vector<16xi32>
        %ne3A_225 = arith.constant 0 : i32
        %ne3A_226 = vector.broadcast %ne3A_225 : i32 to vector<16xi32>
        %ne3A_227 = arith.cmpi ne, %rem3A_224, %ne3A_226 : vector<16xi32>
        %and3A = arith.andi %ne3A_223, %ne3A_227 : vector<16xi1>
        %sub3A_228 = arith.constant 1 : i32
        %sub3A_229 = vector.broadcast %sub3A_228 : i32 to vector<16xi32>
        %sub3A_230 = arith.subi %div3A_207, %sub3A_229 : vector<16xi32>
        %select_n3A = arith.select %and3A, %sub3A_230, %div3A_207 : vector<16xi1>, vector<16xi32>
        %select_n3A_231 = arith.select %lt3A_204, %add3A_201, %select_n3A : vector<16xi1>, vector<16xi32>
        %broadcast_in_dim3A = arith.constant 0.000000e+00 : f32
        %broadcast_in_dim3A_232 = vector.broadcast %broadcast_in_dim3A : f32 to vector<16xf32>
        %add3A_233 = arith.constant 0 : i32
        %add3A_234 = vector.broadcast %add3A_233 : i32 to vector<16xi32>
        %add3A_235 = arith.addi %iota3A, %add3A_234 : vector<16xi32>
        %and3A_236 = arith.constant 63 : i32
        %and3A_237 = vector.broadcast %and3A_236 : i32 to vector<16xi32>
        %and3A_238 = arith.andi %add3A_235, %and3A_237 : vector<16xi32>
        %gather3A = tpu.vector_load_idx %arg7[%add3A_201, %and3A_238] : memref<672x64xf32, #tpu.memory_space<vmem>>[vector<16xi32>, vector<16xi32>], vector<16xf32>,
        %gather3A_239 = tpu.vector_load_idx %arg9[%select_n3A_231, %and3A_238] : memref<32x64xf32, #tpu.memory_space<vmem>>[vector<16xi32>, vector<16xi32>], vector<16xf32>,
        %mul3A_240 = arith.mulf %gather3A, %gather3A_239 : vector<16xf32>
        %add3A_241 = arith.addf %broadcast_in_dim3A_232, %mul3A_240 : vector<16xf32>
        %add3A_242 = arith.constant 1 : i32
        %add3A_243 = vector.broadcast %add3A_242 : i32 to vector<16xi32>
        %add3A_244 = arith.addi %iota3A, %add3A_243 : vector<16xi32>
        %and3A_245 = arith.constant 63 : i32
        %and3A_246 = vector.broadcast %and3A_245 : i32 to vector<16xi32>
        %and3A_247 = arith.andi %add3A_244, %and3A_246 : vector<16xi32>
        %gather3A_248 = tpu.vector_load_idx %arg7[%add3A_201, %and3A_247] : memref<672x64xf32, #tpu.memory_space<vmem>>[vector<16xi32>, vector<16xi32>], vector<16xf32>,
        %gather3A_249 = tpu.vector_load_idx %arg9[%select_n3A_231, %and3A_247] : memref<32x64xf32, #tpu.memory_space<vmem>>[vector<16xi32>, vector<16xi32>], vector<16xf32>,
        %mul3A_250 = arith.mulf %gather3A_248, %gather3A_249 : vector<16xf32>
        %add3A_251 = arith.addf %add3A_241, %mul3A_250 : vector<16xf32>
        %add3A_252 = arith.constant 2 : i32
        %add3A_253 = vector.broadcast %add3A_252 : i32 to vector<16xi32>
        %add3A_254 = arith.addi %iota3A, %add3A_253 : vector<16xi32>
        %and3A_255 = arith.constant 63 : i32
        %and3A_256 = vector.broadcast %and3A_255 : i32 to vector<16xi32>
        %and3A_257 = arith.andi %add3A_254, %and3A_256 : vector<16xi32>
        %gather3A_258 = tpu.vector_load_idx %arg7[%add3A_201, %and3A_257] : memref<672x64xf32, #tpu.memory_space<vmem>>[vector<16xi32>, vector<16xi32>], vector<16xf32>,
        %gather3A_259 = tpu.vector_load_idx %arg9[%select_n3A_231, %and3A_257] : memref<32x64xf32, #tpu.memory_space<vmem>>[vector<16xi32>, vector<16xi32>], vector<16xf32>,
        %mul3A_260 = arith.mulf %gather3A_258, %gather3A_259 : vector<16xf32>
        %add3A_261 = arith.addf %add3A_251, %mul3A_260 : vector<16xf32>
        %add3A_262 = arith.constant 3 : i32
        %add3A_263 = vector.broadcast %add3A_262 : i32 to vector<16xi32>
        %add3A_264 = arith.addi %iota3A, %add3A_263 : vector<16xi32>
        %and3A_265 = arith.constant 63 : i32
        %and3A_266 = vector.broadcast %and3A_265 : i32 to vector<16xi32>
        %and3A_267 = arith.andi %add3A_264, %and3A_266 : vector<16xi32>
        %gather3A_268 = tpu.vector_load_idx %arg7[%add3A_201, %and3A_267] : memref<672x64xf32, #tpu.memory_space<vmem>>[vector<16xi32>, vector<16xi32>], vector<16xf32>,
        %gather3A_269 = tpu.vector_load_idx %arg9[%select_n3A_231, %and3A_267] : memref<32x64xf32, #tpu.memory_space<vmem>>[vector<16xi32>, vector<16xi32>], vector<16xf32>,
        %mul3A_270 = arith.mulf %gather3A_268, %gather3A_269 : vector<16xf32>
        %add3A_271 = arith.addf %add3A_261, %mul3A_270 : vector<16xf32>
        %add3A_272 = arith.constant 4 : i32
        %add3A_273 = vector.broadcast %add3A_272 : i32 to vector<16xi32>
        %add3A_274 = arith.addi %iota3A, %add3A_273 : vector<16xi32>
        %and3A_275 = arith.constant 63 : i32
        %and3A_276 = vector.broadcast %and3A_275 : i32 to vector<16xi32>
        %and3A_277 = arith.andi %add3A_274, %and3A_276 : vector<16xi32>
        %gather3A_278 = tpu.vector_load_idx %arg7[%add3A_201, %and3A_277] : memref<672x64xf32, #tpu.memory_space<vmem>>[vector<16xi32>, vector<16xi32>], vector<16xf32>,
        %gather3A_279 = tpu.vector_load_idx %arg9[%select_n3A_231, %and3A_277] : memref<32x64xf32, #tpu.memory_space<vmem>>[vector<16xi32>, vector<16xi32>], vector<16xf32>,
        %mul3A_280 = arith.mulf %gather3A_278, %gather3A_279 : vector<16xf32>
        %add3A_281 = arith.addf %add3A_271, %mul3A_280 : vector<16xf32>
        %add3A_282 = arith.constant 5 : i32
        %add3A_283 = vector.broadcast %add3A_282 : i32 to vector<16xi32>
        %add3A_284 = arith.addi %iota3A, %add3A_283 : vector<16xi32>
        %and3A_285 = arith.constant 63 : i32
        %and3A_286 = vector.broadcast %and3A_285 : i32 to vector<16xi32>
        %and3A_287 = arith.andi %add3A_284, %and3A_286 : vector<16xi32>
        %gather3A_288 = tpu.vector_load_idx %arg7[%add3A_201, %and3A_287] : memref<672x64xf32, #tpu.memory_space<vmem>>[vector<16xi32>, vector<16xi32>], vector<16xf32>,
        %gather3A_289 = tpu.vector_load_idx %arg9[%select_n3A_231, %and3A_287] : memref<32x64xf32, #tpu.memory_space<vmem>>[vector<16xi32>, vector<16xi32>], vector<16xf32>,
        %mul3A_290 = arith.mulf %gather3A_288, %gather3A_289 : vector<16xf32>
        %add3A_291 = arith.addf %add3A_281, %mul3A_290 : vector<16xf32>
        %add3A_292 = arith.constant 6 : i32
        %add3A_293 = vector.broadcast %add3A_292 : i32 to vector<16xi32>
        %add3A_294 = arith.addi %iota3A, %add3A_293 : vector<16xi32>
        %and3A_295 = arith.constant 63 : i32
        %and3A_296 = vector.broadcast %and3A_295 : i32 to vector<16xi32>
        %and3A_297 = arith.andi %add3A_294, %and3A_296 : vector<16xi32>
        %gather3A_298 = tpu.vector_load_idx %arg7[%add3A_201, %and3A_297] : memref<672x64xf32, #tpu.memory_space<vmem>>[vector<16xi32>, vector<16xi32>], vector<16xf32>,
        %gather3A_299 = tpu.vector_load_idx %arg9[%select_n3A_231, %and3A_297] : memref<32x64xf32, #tpu.memory_space<vmem>>[vector<16xi32>, vector<16xi32>], vector<16xf32>,
        %mul3A_300 = arith.mulf %gather3A_298, %gather3A_299 : vector<16xf32>
        %add3A_301 = arith.addf %add3A_291, %mul3A_300 : vector<16xf32>
        %add3A_302 = arith.constant 7 : i32
        %add3A_303 = vector.broadcast %add3A_302 : i32 to vector<16xi32>
        %add3A_304 = arith.addi %iota3A, %add3A_303 : vector<16xi32>
        %and3A_305 = arith.constant 63 : i32
        %and3A_306 = vector.broadcast %and3A_305 : i32 to vector<16xi32>
        %and3A_307 = arith.andi %add3A_304, %and3A_306 : vector<16xi32>
        %gather3A_308 = tpu.vector_load_idx %arg7[%add3A_201, %and3A_307] : memref<672x64xf32, #tpu.memory_space<vmem>>[vector<16xi32>, vector<16xi32>], vector<16xf32>,
        %gather3A_309 = tpu.vector_load_idx %arg9[%select_n3A_231, %and3A_307] : memref<32x64xf32, #tpu.memory_space<vmem>>[vector<16xi32>, vector<16xi32>], vector<16xf32>,
        %mul3A_310 = arith.mulf %gather3A_308, %gather3A_309 : vector<16xf32>
        %add3A_311 = arith.addf %add3A_301, %mul3A_310 : vector<16xf32>
        %add3A_312 = arith.constant 8 : i32
        %add3A_313 = vector.broadcast %add3A_312 : i32 to vector<16xi32>
        %add3A_314 = arith.addi %iota3A, %add3A_313 : vector<16xi32>
        %and3A_315 = arith.constant 63 : i32
        %and3A_316 = vector.broadcast %and3A_315 : i32 to vector<16xi32>
        %and3A_317 = arith.andi %add3A_314, %and3A_316 : vector<16xi32>
        %gather3A_318 = tpu.vector_load_idx %arg7[%add3A_201, %and3A_317] : memref<672x64xf32, #tpu.memory_space<vmem>>[vector<16xi32>, vector<16xi32>], vector<16xf32>,
        %gather3A_319 = tpu.vector_load_idx %arg9[%select_n3A_231, %and3A_317] : memref<32x64xf32, #tpu.memory_space<vmem>>[vector<16xi32>, vector<16xi32>], vector<16xf32>,
        %mul3A_320 = arith.mulf %gather3A_318, %gather3A_319 : vector<16xf32>
        %add3A_321 = arith.addf %add3A_311, %mul3A_320 : vector<16xf32>
        %add3A_322 = arith.constant 9 : i32
        %add3A_323 = vector.broadcast %add3A_322 : i32 to vector<16xi32>
        %add3A_324 = arith.addi %iota3A, %add3A_323 : vector<16xi32>
        %and3A_325 = arith.constant 63 : i32
        %and3A_326 = vector.broadcast %and3A_325 : i32 to vector<16xi32>
        %and3A_327 = arith.andi %add3A_324, %and3A_326 : vector<16xi32>
        %gather3A_328 = tpu.vector_load_idx %arg7[%add3A_201, %and3A_327] : memref<672x64xf32, #tpu.memory_space<vmem>>[vector<16xi32>, vector<16xi32>], vector<16xf32>,
        %gather3A_329 = tpu.vector_load_idx %arg9[%select_n3A_231, %and3A_327] : memref<32x64xf32, #tpu.memory_space<vmem>>[vector<16xi32>, vector<16xi32>], vector<16xf32>,
        %mul3A_330 = arith.mulf %gather3A_328, %gather3A_329 : vector<16xf32>
        %add3A_331 = arith.addf %add3A_321, %mul3A_330 : vector<16xf32>
        %add3A_332 = arith.constant 10 : i32
        %add3A_333 = vector.broadcast %add3A_332 : i32 to vector<16xi32>
        %add3A_334 = arith.addi %iota3A, %add3A_333 : vector<16xi32>
        %and3A_335 = arith.constant 63 : i32
        %and3A_336 = vector.broadcast %and3A_335 : i32 to vector<16xi32>
        %and3A_337 = arith.andi %add3A_334, %and3A_336 : vector<16xi32>
        %gather3A_338 = tpu.vector_load_idx %arg7[%add3A_201, %and3A_337] : memref<672x64xf32, #tpu.memory_space<vmem>>[vector<16xi32>, vector<16xi32>], vector<16xf32>,
        %gather3A_339 = tpu.vector_load_idx %arg9[%select_n3A_231, %and3A_337] : memref<32x64xf32, #tpu.memory_space<vmem>>[vector<16xi32>, vector<16xi32>], vector<16xf32>,
        %mul3A_340 = arith.mulf %gather3A_338, %gather3A_339 : vector<16xf32>
        %add3A_341 = arith.addf %add3A_331, %mul3A_340 : vector<16xf32>
        %add3A_342 = arith.constant 11 : i32
        %add3A_343 = vector.broadcast %add3A_342 : i32 to vector<16xi32>
        %add3A_344 = arith.addi %iota3A, %add3A_343 : vector<16xi32>
        %and3A_345 = arith.constant 63 : i32
        %and3A_346 = vector.broadcast %and3A_345 : i32 to vector<16xi32>
        %and3A_347 = arith.andi %add3A_344, %and3A_346 : vector<16xi32>
        %gather3A_348 = tpu.vector_load_idx %arg7[%add3A_201, %and3A_347] : memref<672x64xf32, #tpu.memory_space<vmem>>[vector<16xi32>, vector<16xi32>], vector<16xf32>,
        %gather3A_349 = tpu.vector_load_idx %arg9[%select_n3A_231, %and3A_347] : memref<32x64xf32, #tpu.memory_space<vmem>>[vector<16xi32>, vector<16xi32>], vector<16xf32>,
        %mul3A_350 = arith.mulf %gather3A_348, %gather3A_349 : vector<16xf32>
        %add3A_351 = arith.addf %add3A_341, %mul3A_350 : vector<16xf32>
        %add3A_352 = arith.constant 12 : i32
        %add3A_353 = vector.broadcast %add3A_352 : i32 to vector<16xi32>
        %add3A_354 = arith.addi %iota3A, %add3A_353 : vector<16xi32>
        %and3A_355 = arith.constant 63 : i32
        %and3A_356 = vector.broadcast %and3A_355 : i32 to vector<16xi32>
        %and3A_357 = arith.andi %add3A_354, %and3A_356 : vector<16xi32>
        %gather3A_358 = tpu.vector_load_idx %arg7[%add3A_201, %and3A_357] : memref<672x64xf32, #tpu.memory_space<vmem>>[vector<16xi32>, vector<16xi32>], vector<16xf32>,
        %gather3A_359 = tpu.vector_load_idx %arg9[%select_n3A_231, %and3A_357] : memref<32x64xf32, #tpu.memory_space<vmem>>[vector<16xi32>, vector<16xi32>], vector<16xf32>,
        %mul3A_360 = arith.mulf %gather3A_358, %gather3A_359 : vector<16xf32>
        %add3A_361 = arith.addf %add3A_351, %mul3A_360 : vector<16xf32>
        %add3A_362 = arith.constant 13 : i32
        %add3A_363 = vector.broadcast %add3A_362 : i32 to vector<16xi32>
        %add3A_364 = arith.addi %iota3A, %add3A_363 : vector<16xi32>
        %and3A_365 = arith.constant 63 : i32
        %and3A_366 = vector.broadcast %and3A_365 : i32 to vector<16xi32>
        %and3A_367 = arith.andi %add3A_364, %and3A_366 : vector<16xi32>
        %gather3A_368 = tpu.vector_load_idx %arg7[%add3A_201, %and3A_367] : memref<672x64xf32, #tpu.memory_space<vmem>>[vector<16xi32>, vector<16xi32>], vector<16xf32>,
        %gather3A_369 = tpu.vector_load_idx %arg9[%select_n3A_231, %and3A_367] : memref<32x64xf32, #tpu.memory_space<vmem>>[vector<16xi32>, vector<16xi32>], vector<16xf32>,
        %mul3A_370 = arith.mulf %gather3A_368, %gather3A_369 : vector<16xf32>
        %add3A_371 = arith.addf %add3A_361, %mul3A_370 : vector<16xf32>
        %add3A_372 = arith.constant 14 : i32
        %add3A_373 = vector.broadcast %add3A_372 : i32 to vector<16xi32>
        %add3A_374 = arith.addi %iota3A, %add3A_373 : vector<16xi32>
        %and3A_375 = arith.constant 63 : i32
        %and3A_376 = vector.broadcast %and3A_375 : i32 to vector<16xi32>
        %and3A_377 = arith.andi %add3A_374, %and3A_376 : vector<16xi32>
        %gather3A_378 = tpu.vector_load_idx %arg7[%add3A_201, %and3A_377] : memref<672x64xf32, #tpu.memory_space<vmem>>[vector<16xi32>, vector<16xi32>], vector<16xf32>,
        %gather3A_379 = tpu.vector_load_idx %arg9[%select_n3A_231, %and3A_377] : memref<32x64xf32, #tpu.memory_space<vmem>>[vector<16xi32>, vector<16xi32>], vector<16xf32>,
        %mul3A_380 = arith.mulf %gather3A_378, %gather3A_379 : vector<16xf32>
        %add3A_381 = arith.addf %add3A_371, %mul3A_380 : vector<16xf32>
        %add3A_382 = arith.constant 15 : i32
        %add3A_383 = vector.broadcast %add3A_382 : i32 to vector<16xi32>
        %add3A_384 = arith.addi %iota3A, %add3A_383 : vector<16xi32>
        %and3A_385 = arith.constant 63 : i32
        %and3A_386 = vector.broadcast %and3A_385 : i32 to vector<16xi32>
        %and3A_387 = arith.andi %add3A_384, %and3A_386 : vector<16xi32>
        %gather3A_388 = tpu.vector_load_idx %arg7[%add3A_201, %and3A_387] : memref<672x64xf32, #tpu.memory_space<vmem>>[vector<16xi32>, vector<16xi32>], vector<16xf32>,
        %gather3A_389 = tpu.vector_load_idx %arg9[%select_n3A_231, %and3A_387] : memref<32x64xf32, #tpu.memory_space<vmem>>[vector<16xi32>, vector<16xi32>], vector<16xf32>,
        %mul3A_390 = arith.mulf %gather3A_388, %gather3A_389 : vector<16xf32>
        %add3A_391 = arith.addf %add3A_381, %mul3A_390 : vector<16xf32>
        %add3A_392 = arith.constant 16 : i32
        %add3A_393 = vector.broadcast %add3A_392 : i32 to vector<16xi32>
        %add3A_394 = arith.addi %iota3A, %add3A_393 : vector<16xi32>
        %and3A_395 = arith.constant 63 : i32
        %and3A_396 = vector.broadcast %and3A_395 : i32 to vector<16xi32>
        %and3A_397 = arith.andi %add3A_394, %and3A_396 : vector<16xi32>
        %gather3A_398 = tpu.vector_load_idx %arg7[%add3A_201, %and3A_397] : memref<672x64xf32, #tpu.memory_space<vmem>>[vector<16xi32>, vector<16xi32>], vector<16xf32>,
        %gather3A_399 = tpu.vector_load_idx %arg9[%select_n3A_231, %and3A_397] : memref<32x64xf32, #tpu.memory_space<vmem>>[vector<16xi32>, vector<16xi32>], vector<16xf32>,
        %mul3A_400 = arith.mulf %gather3A_398, %gather3A_399 : vector<16xf32>
        %add3A_401 = arith.addf %add3A_391, %mul3A_400 : vector<16xf32>
        %add3A_402 = arith.constant 17 : i32
        %add3A_403 = vector.broadcast %add3A_402 : i32 to vector<16xi32>
        %add3A_404 = arith.addi %iota3A, %add3A_403 : vector<16xi32>
        %and3A_405 = arith.constant 63 : i32
        %and3A_406 = vector.broadcast %and3A_405 : i32 to vector<16xi32>
        %and3A_407 = arith.andi %add3A_404, %and3A_406 : vector<16xi32>
        %gather3A_408 = tpu.vector_load_idx %arg7[%add3A_201, %and3A_407] : memref<672x64xf32, #tpu.memory_space<vmem>>[vector<16xi32>, vector<16xi32>], vector<16xf32>,
        %gather3A_409 = tpu.vector_load_idx %arg9[%select_n3A_231, %and3A_407] : memref<32x64xf32, #tpu.memory_space<vmem>>[vector<16xi32>, vector<16xi32>], vector<16xf32>,
        %mul3A_410 = arith.mulf %gather3A_408, %gather3A_409 : vector<16xf32>
        %add3A_411 = arith.addf %add3A_401, %mul3A_410 : vector<16xf32>
        %add3A_412 = arith.constant 18 : i32
        %add3A_413 = vector.broadcast %add3A_412 : i32 to vector<16xi32>
        %add3A_414 = arith.addi %iota3A, %add3A_413 : vector<16xi32>
        %and3A_415 = arith.constant 63 : i32
        %and3A_416 = vector.broadcast %and3A_415 : i32 to vector<16xi32>
        %and3A_417 = arith.andi %add3A_414, %and3A_416 : vector<16xi32>
        %gather3A_418 = tpu.vector_load_idx %arg7[%add3A_201, %and3A_417] : memref<672x64xf32, #tpu.memory_space<vmem>>[vector<16xi32>, vector<16xi32>], vector<16xf32>,
        %gather3A_419 = tpu.vector_load_idx %arg9[%select_n3A_231, %and3A_417] : memref<32x64xf32, #tpu.memory_space<vmem>>[vector<16xi32>, vector<16xi32>], vector<16xf32>,
        %mul3A_420 = arith.mulf %gather3A_418, %gather3A_419 : vector<16xf32>
        %add3A_421 = arith.addf %add3A_411, %mul3A_420 : vector<16xf32>
        %add3A_422 = arith.constant 19 : i32
        %add3A_423 = vector.broadcast %add3A_422 : i32 to vector<16xi32>
        %add3A_424 = arith.addi %iota3A, %add3A_423 : vector<16xi32>
        %and3A_425 = arith.constant 63 : i32
        %and3A_426 = vector.broadcast %and3A_425 : i32 to vector<16xi32>
        %and3A_427 = arith.andi %add3A_424, %and3A_426 : vector<16xi32>
        %gather3A_428 = tpu.vector_load_idx %arg7[%add3A_201, %and3A_427] : memref<672x64xf32, #tpu.memory_space<vmem>>[vector<16xi32>, vector<16xi32>], vector<16xf32>,
        %gather3A_429 = tpu.vector_load_idx %arg9[%select_n3A_231, %and3A_427] : memref<32x64xf32, #tpu.memory_space<vmem>>[vector<16xi32>, vector<16xi32>], vector<16xf32>,
        %mul3A_430 = arith.mulf %gather3A_428, %gather3A_429 : vector<16xf32>
        %add3A_431 = arith.addf %add3A_421, %mul3A_430 : vector<16xf32>
        %add3A_432 = arith.constant 20 : i32
        %add3A_433 = vector.broadcast %add3A_432 : i32 to vector<16xi32>
        %add3A_434 = arith.addi %iota3A, %add3A_433 : vector<16xi32>
        %and3A_435 = arith.constant 63 : i32
        %and3A_436 = vector.broadcast %and3A_435 : i32 to vector<16xi32>
        %and3A_437 = arith.andi %add3A_434, %and3A_436 : vector<16xi32>
        %gather3A_438 = tpu.vector_load_idx %arg7[%add3A_201, %and3A_437] : memref<672x64xf32, #tpu.memory_space<vmem>>[vector<16xi32>, vector<16xi32>], vector<16xf32>,
        %gather3A_439 = tpu.vector_load_idx %arg9[%select_n3A_231, %and3A_437] : memref<32x64xf32, #tpu.memory_space<vmem>>[vector<16xi32>, vector<16xi32>], vector<16xf32>,
        %mul3A_440 = arith.mulf %gather3A_438, %gather3A_439 : vector<16xf32>
        %add3A_441 = arith.addf %add3A_431, %mul3A_440 : vector<16xf32>
        %add3A_442 = arith.constant 21 : i32
        %add3A_443 = vector.broadcast %add3A_442 : i32 to vector<16xi32>
        %add3A_444 = arith.addi %iota3A, %add3A_443 : vector<16xi32>
        %and3A_445 = arith.constant 63 : i32
        %and3A_446 = vector.broadcast %and3A_445 : i32 to vector<16xi32>
        %and3A_447 = arith.andi %add3A_444, %and3A_446 : vector<16xi32>
        %gather3A_448 = tpu.vector_load_idx %arg7[%add3A_201, %and3A_447] : memref<672x64xf32, #tpu.memory_space<vmem>>[vector<16xi32>, vector<16xi32>], vector<16xf32>,
        %gather3A_449 = tpu.vector_load_idx %arg9[%select_n3A_231, %and3A_447] : memref<32x64xf32, #tpu.memory_space<vmem>>[vector<16xi32>, vector<16xi32>], vector<16xf32>,
        %mul3A_450 = arith.mulf %gather3A_448, %gather3A_449 : vector<16xf32>
        %add3A_451 = arith.addf %add3A_441, %mul3A_450 : vector<16xf32>
        %add3A_452 = arith.constant 22 : i32
        %add3A_453 = vector.broadcast %add3A_452 : i32 to vector<16xi32>
        %add3A_454 = arith.addi %iota3A, %add3A_453 : vector<16xi32>
        %and3A_455 = arith.constant 63 : i32
        %and3A_456 = vector.broadcast %and3A_455 : i32 to vector<16xi32>
        %and3A_457 = arith.andi %add3A_454, %and3A_456 : vector<16xi32>
        %gather3A_458 = tpu.vector_load_idx %arg7[%add3A_201, %and3A_457] : memref<672x64xf32, #tpu.memory_space<vmem>>[vector<16xi32>, vector<16xi32>], vector<16xf32>,
        %gather3A_459 = tpu.vector_load_idx %arg9[%select_n3A_231, %and3A_457] : memref<32x64xf32, #tpu.memory_space<vmem>>[vector<16xi32>, vector<16xi32>], vector<16xf32>,
        %mul3A_460 = arith.mulf %gather3A_458, %gather3A_459 : vector<16xf32>
        %add3A_461 = arith.addf %add3A_451, %mul3A_460 : vector<16xf32>
        %add3A_462 = arith.constant 23 : i32
        %add3A_463 = vector.broadcast %add3A_462 : i32 to vector<16xi32>
        %add3A_464 = arith.addi %iota3A, %add3A_463 : vector<16xi32>
        %and3A_465 = arith.constant 63 : i32
        %and3A_466 = vector.broadcast %and3A_465 : i32 to vector<16xi32>
        %and3A_467 = arith.andi %add3A_464, %and3A_466 : vector<16xi32>
        %gather3A_468 = tpu.vector_load_idx %arg7[%add3A_201, %and3A_467] : memref<672x64xf32, #tpu.memory_space<vmem>>[vector<16xi32>, vector<16xi32>], vector<16xf32>,
        %gather3A_469 = tpu.vector_load_idx %arg9[%select_n3A_231, %and3A_467] : memref<32x64xf32, #tpu.memory_space<vmem>>[vector<16xi32>, vector<16xi32>], vector<16xf32>,
        %mul3A_470 = arith.mulf %gather3A_468, %gather3A_469 : vector<16xf32>
        %add3A_471 = arith.addf %add3A_461, %mul3A_470 : vector<16xf32>
        %add3A_472 = arith.constant 24 : i32
        %add3A_473 = vector.broadcast %add3A_472 : i32 to vector<16xi32>
        %add3A_474 = arith.addi %iota3A, %add3A_473 : vector<16xi32>
        %and3A_475 = arith.constant 63 : i32
        %and3A_476 = vector.broadcast %and3A_475 : i32 to vector<16xi32>
        %and3A_477 = arith.andi %add3A_474, %and3A_476 : vector<16xi32>
        %gather3A_478 = tpu.vector_load_idx %arg7[%add3A_201, %and3A_477] : memref<672x64xf32, #tpu.memory_space<vmem>>[vector<16xi32>, vector<16xi32>], vector<16xf32>,
        %gather3A_479 = tpu.vector_load_idx %arg9[%select_n3A_231, %and3A_477] : memref<32x64xf32, #tpu.memory_space<vmem>>[vector<16xi32>, vector<16xi32>], vector<16xf32>,
        %mul3A_480 = arith.mulf %gather3A_478, %gather3A_479 : vector<16xf32>
        %add3A_481 = arith.addf %add3A_471, %mul3A_480 : vector<16xf32>
        %add3A_482 = arith.constant 25 : i32
        %add3A_483 = vector.broadcast %add3A_482 : i32 to vector<16xi32>
        %add3A_484 = arith.addi %iota3A, %add3A_483 : vector<16xi32>
        %and3A_485 = arith.constant 63 : i32
        %and3A_486 = vector.broadcast %and3A_485 : i32 to vector<16xi32>
        %and3A_487 = arith.andi %add3A_484, %and3A_486 : vector<16xi32>
        %gather3A_488 = tpu.vector_load_idx %arg7[%add3A_201, %and3A_487] : memref<672x64xf32, #tpu.memory_space<vmem>>[vector<16xi32>, vector<16xi32>], vector<16xf32>,
        %gather3A_489 = tpu.vector_load_idx %arg9[%select_n3A_231, %and3A_487] : memref<32x64xf32, #tpu.memory_space<vmem>>[vector<16xi32>, vector<16xi32>], vector<16xf32>,
        %mul3A_490 = arith.mulf %gather3A_488, %gather3A_489 : vector<16xf32>
        %add3A_491 = arith.addf %add3A_481, %mul3A_490 : vector<16xf32>
        %add3A_492 = arith.constant 26 : i32
        %add3A_493 = vector.broadcast %add3A_492 : i32 to vector<16xi32>
        %add3A_494 = arith.addi %iota3A, %add3A_493 : vector<16xi32>
        %and3A_495 = arith.constant 63 : i32
        %and3A_496 = vector.broadcast %and3A_495 : i32 to vector<16xi32>
        %and3A_497 = arith.andi %add3A_494, %and3A_496 : vector<16xi32>
        %gather3A_498 = tpu.vector_load_idx %arg7[%add3A_201, %and3A_497] : memref<672x64xf32, #tpu.memory_space<vmem>>[vector<16xi32>, vector<16xi32>], vector<16xf32>,
        %gather3A_499 = tpu.vector_load_idx %arg9[%select_n3A_231, %and3A_497] : memref<32x64xf32, #tpu.memory_space<vmem>>[vector<16xi32>, vector<16xi32>], vector<16xf32>,
        %mul3A_500 = arith.mulf %gather3A_498, %gather3A_499 : vector<16xf32>
        %add3A_501 = arith.addf %add3A_491, %mul3A_500 : vector<16xf32>
        %add3A_502 = arith.constant 27 : i32
        %add3A_503 = vector.broadcast %add3A_502 : i32 to vector<16xi32>
        %add3A_504 = arith.addi %iota3A, %add3A_503 : vector<16xi32>
        %and3A_505 = arith.constant 63 : i32
        %and3A_506 = vector.broadcast %and3A_505 : i32 to vector<16xi32>
        %and3A_507 = arith.andi %add3A_504, %and3A_506 : vector<16xi32>
        %gather3A_508 = tpu.vector_load_idx %arg7[%add3A_201, %and3A_507] : memref<672x64xf32, #tpu.memory_space<vmem>>[vector<16xi32>, vector<16xi32>], vector<16xf32>,
        %gather3A_509 = tpu.vector_load_idx %arg9[%select_n3A_231, %and3A_507] : memref<32x64xf32, #tpu.memory_space<vmem>>[vector<16xi32>, vector<16xi32>], vector<16xf32>,
        %mul3A_510 = arith.mulf %gather3A_508, %gather3A_509 : vector<16xf32>
        %add3A_511 = arith.addf %add3A_501, %mul3A_510 : vector<16xf32>
        %add3A_512 = arith.constant 28 : i32
        %add3A_513 = vector.broadcast %add3A_512 : i32 to vector<16xi32>
        %add3A_514 = arith.addi %iota3A, %add3A_513 : vector<16xi32>
        %and3A_515 = arith.constant 63 : i32
        %and3A_516 = vector.broadcast %and3A_515 : i32 to vector<16xi32>
        %and3A_517 = arith.andi %add3A_514, %and3A_516 : vector<16xi32>
        %gather3A_518 = tpu.vector_load_idx %arg7[%add3A_201, %and3A_517] : memref<672x64xf32, #tpu.memory_space<vmem>>[vector<16xi32>, vector<16xi32>], vector<16xf32>,
        %gather3A_519 = tpu.vector_load_idx %arg9[%select_n3A_231, %and3A_517] : memref<32x64xf32, #tpu.memory_space<vmem>>[vector<16xi32>, vector<16xi32>], vector<16xf32>,
        %mul3A_520 = arith.mulf %gather3A_518, %gather3A_519 : vector<16xf32>
        %add3A_521 = arith.addf %add3A_511, %mul3A_520 : vector<16xf32>
        %add3A_522 = arith.constant 29 : i32
        %add3A_523 = vector.broadcast %add3A_522 : i32 to vector<16xi32>
        %add3A_524 = arith.addi %iota3A, %add3A_523 : vector<16xi32>
        %and3A_525 = arith.constant 63 : i32
        %and3A_526 = vector.broadcast %and3A_525 : i32 to vector<16xi32>
        %and3A_527 = arith.andi %add3A_524, %and3A_526 : vector<16xi32>
        %gather3A_528 = tpu.vector_load_idx %arg7[%add3A_201, %and3A_527] : memref<672x64xf32, #tpu.memory_space<vmem>>[vector<16xi32>, vector<16xi32>], vector<16xf32>,
        %gather3A_529 = tpu.vector_load_idx %arg9[%select_n3A_231, %and3A_527] : memref<32x64xf32, #tpu.memory_space<vmem>>[vector<16xi32>, vector<16xi32>], vector<16xf32>,
        %mul3A_530 = arith.mulf %gather3A_528, %gather3A_529 : vector<16xf32>
        %add3A_531 = arith.addf %add3A_521, %mul3A_530 : vector<16xf32>
        %add3A_532 = arith.constant 30 : i32
        %add3A_533 = vector.broadcast %add3A_532 : i32 to vector<16xi32>
        %add3A_534 = arith.addi %iota3A, %add3A_533 : vector<16xi32>
        %and3A_535 = arith.constant 63 : i32
        %and3A_536 = vector.broadcast %and3A_535 : i32 to vector<16xi32>
        %and3A_537 = arith.andi %add3A_534, %and3A_536 : vector<16xi32>
        %gather3A_538 = tpu.vector_load_idx %arg7[%add3A_201, %and3A_537] : memref<672x64xf32, #tpu.memory_space<vmem>>[vector<16xi32>, vector<16xi32>], vector<16xf32>,
        %gather3A_539 = tpu.vector_load_idx %arg9[%select_n3A_231, %and3A_537] : memref<32x64xf32, #tpu.memory_space<vmem>>[vector<16xi32>, vector<16xi32>], vector<16xf32>,
        %mul3A_540 = arith.mulf %gather3A_538, %gather3A_539 : vector<16xf32>
        %add3A_541 = arith.addf %add3A_531, %mul3A_540 : vector<16xf32>
        %add3A_542 = arith.constant 31 : i32
        %add3A_543 = vector.broadcast %add3A_542 : i32 to vector<16xi32>
        %add3A_544 = arith.addi %iota3A, %add3A_543 : vector<16xi32>
        %and3A_545 = arith.constant 63 : i32
        %and3A_546 = vector.broadcast %and3A_545 : i32 to vector<16xi32>
        %and3A_547 = arith.andi %add3A_544, %and3A_546 : vector<16xi32>
        %gather3A_548 = tpu.vector_load_idx %arg7[%add3A_201, %and3A_547] : memref<672x64xf32, #tpu.memory_space<vmem>>[vector<16xi32>, vector<16xi32>], vector<16xf32>,
        %gather3A_549 = tpu.vector_load_idx %arg9[%select_n3A_231, %and3A_547] : memref<32x64xf32, #tpu.memory_space<vmem>>[vector<16xi32>, vector<16xi32>], vector<16xf32>,
        %mul3A_550 = arith.mulf %gather3A_548, %gather3A_549 : vector<16xf32>
        %add3A_551 = arith.addf %add3A_541, %mul3A_550 : vector<16xf32>
        %add3A_552 = arith.constant 32 : i32
        %add3A_553 = vector.broadcast %add3A_552 : i32 to vector<16xi32>
        %add3A_554 = arith.addi %iota3A, %add3A_553 : vector<16xi32>
        %and3A_555 = arith.constant 63 : i32
        %and3A_556 = vector.broadcast %and3A_555 : i32 to vector<16xi32>
        %and3A_557 = arith.andi %add3A_554, %and3A_556 : vector<16xi32>
        %gather3A_558 = tpu.vector_load_idx %arg7[%add3A_201, %and3A_557] : memref<672x64xf32, #tpu.memory_space<vmem>>[vector<16xi32>, vector<16xi32>], vector<16xf32>,
        %gather3A_559 = tpu.vector_load_idx %arg9[%select_n3A_231, %and3A_557] : memref<32x64xf32, #tpu.memory_space<vmem>>[vector<16xi32>, vector<16xi32>], vector<16xf32>,
        %mul3A_560 = arith.mulf %gather3A_558, %gather3A_559 : vector<16xf32>
        %add3A_561 = arith.addf %add3A_551, %mul3A_560 : vector<16xf32>
        %add3A_562 = arith.constant 33 : i32
        %add3A_563 = vector.broadcast %add3A_562 : i32 to vector<16xi32>
        %add3A_564 = arith.addi %iota3A, %add3A_563 : vector<16xi32>
        %and3A_565 = arith.constant 63 : i32
        %and3A_566 = vector.broadcast %and3A_565 : i32 to vector<16xi32>
        %and3A_567 = arith.andi %add3A_564, %and3A_566 : vector<16xi32>
        %gather3A_568 = tpu.vector_load_idx %arg7[%add3A_201, %and3A_567] : memref<672x64xf32, #tpu.memory_space<vmem>>[vector<16xi32>, vector<16xi32>], vector<16xf32>,
        %gather3A_569 = tpu.vector_load_idx %arg9[%select_n3A_231, %and3A_567] : memref<32x64xf32, #tpu.memory_space<vmem>>[vector<16xi32>, vector<16xi32>], vector<16xf32>,
        %mul3A_570 = arith.mulf %gather3A_568, %gather3A_569 : vector<16xf32>
        %add3A_571 = arith.addf %add3A_561, %mul3A_570 : vector<16xf32>
        %add3A_572 = arith.constant 34 : i32
        %add3A_573 = vector.broadcast %add3A_572 : i32 to vector<16xi32>
        %add3A_574 = arith.addi %iota3A, %add3A_573 : vector<16xi32>
        %and3A_575 = arith.constant 63 : i32
        %and3A_576 = vector.broadcast %and3A_575 : i32 to vector<16xi32>
        %and3A_577 = arith.andi %add3A_574, %and3A_576 : vector<16xi32>
        %gather3A_578 = tpu.vector_load_idx %arg7[%add3A_201, %and3A_577] : memref<672x64xf32, #tpu.memory_space<vmem>>[vector<16xi32>, vector<16xi32>], vector<16xf32>,
        %gather3A_579 = tpu.vector_load_idx %arg9[%select_n3A_231, %and3A_577] : memref<32x64xf32, #tpu.memory_space<vmem>>[vector<16xi32>, vector<16xi32>], vector<16xf32>,
        %mul3A_580 = arith.mulf %gather3A_578, %gather3A_579 : vector<16xf32>
        %add3A_581 = arith.addf %add3A_571, %mul3A_580 : vector<16xf32>
        %add3A_582 = arith.constant 35 : i32
        %add3A_583 = vector.broadcast %add3A_582 : i32 to vector<16xi32>
        %add3A_584 = arith.addi %iota3A, %add3A_583 : vector<16xi32>
        %and3A_585 = arith.constant 63 : i32
        %and3A_586 = vector.broadcast %and3A_585 : i32 to vector<16xi32>
        %and3A_587 = arith.andi %add3A_584, %and3A_586 : vector<16xi32>
        %gather3A_588 = tpu.vector_load_idx %arg7[%add3A_201, %and3A_587] : memref<672x64xf32, #tpu.memory_space<vmem>>[vector<16xi32>, vector<16xi32>], vector<16xf32>,
        %gather3A_589 = tpu.vector_load_idx %arg9[%select_n3A_231, %and3A_587] : memref<32x64xf32, #tpu.memory_space<vmem>>[vector<16xi32>, vector<16xi32>], vector<16xf32>,
        %mul3A_590 = arith.mulf %gather3A_588, %gather3A_589 : vector<16xf32>
        %add3A_591 = arith.addf %add3A_581, %mul3A_590 : vector<16xf32>
        %add3A_592 = arith.constant 36 : i32
        %add3A_593 = vector.broadcast %add3A_592 : i32 to vector<16xi32>
        %add3A_594 = arith.addi %iota3A, %add3A_593 : vector<16xi32>
        %and3A_595 = arith.constant 63 : i32
        %and3A_596 = vector.broadcast %and3A_595 : i32 to vector<16xi32>
        %and3A_597 = arith.andi %add3A_594, %and3A_596 : vector<16xi32>
        %gather3A_598 = tpu.vector_load_idx %arg7[%add3A_201, %and3A_597] : memref<672x64xf32, #tpu.memory_space<vmem>>[vector<16xi32>, vector<16xi32>], vector<16xf32>,
        %gather3A_599 = tpu.vector_load_idx %arg9[%select_n3A_231, %and3A_597] : memref<32x64xf32, #tpu.memory_space<vmem>>[vector<16xi32>, vector<16xi32>], vector<16xf32>,
        %mul3A_600 = arith.mulf %gather3A_598, %gather3A_599 : vector<16xf32>
        %add3A_601 = arith.addf %add3A_591, %mul3A_600 : vector<16xf32>
        %add3A_602 = arith.constant 37 : i32
        %add3A_603 = vector.broadcast %add3A_602 : i32 to vector<16xi32>
        %add3A_604 = arith.addi %iota3A, %add3A_603 : vector<16xi32>
        %and3A_605 = arith.constant 63 : i32
        %and3A_606 = vector.broadcast %and3A_605 : i32 to vector<16xi32>
        %and3A_607 = arith.andi %add3A_604, %and3A_606 : vector<16xi32>
        %gather3A_608 = tpu.vector_load_idx %arg7[%add3A_201, %and3A_607] : memref<672x64xf32, #tpu.memory_space<vmem>>[vector<16xi32>, vector<16xi32>], vector<16xf32>,
        %gather3A_609 = tpu.vector_load_idx %arg9[%select_n3A_231, %and3A_607] : memref<32x64xf32, #tpu.memory_space<vmem>>[vector<16xi32>, vector<16xi32>], vector<16xf32>,
        %mul3A_610 = arith.mulf %gather3A_608, %gather3A_609 : vector<16xf32>
        %add3A_611 = arith.addf %add3A_601, %mul3A_610 : vector<16xf32>
        %add3A_612 = arith.constant 38 : i32
        %add3A_613 = vector.broadcast %add3A_612 : i32 to vector<16xi32>
        %add3A_614 = arith.addi %iota3A, %add3A_613 : vector<16xi32>
        %and3A_615 = arith.constant 63 : i32
        %and3A_616 = vector.broadcast %and3A_615 : i32 to vector<16xi32>
        %and3A_617 = arith.andi %add3A_614, %and3A_616 : vector<16xi32>
        %gather3A_618 = tpu.vector_load_idx %arg7[%add3A_201, %and3A_617] : memref<672x64xf32, #tpu.memory_space<vmem>>[vector<16xi32>, vector<16xi32>], vector<16xf32>,
        %gather3A_619 = tpu.vector_load_idx %arg9[%select_n3A_231, %and3A_617] : memref<32x64xf32, #tpu.memory_space<vmem>>[vector<16xi32>, vector<16xi32>], vector<16xf32>,
        %mul3A_620 = arith.mulf %gather3A_618, %gather3A_619 : vector<16xf32>
        %add3A_621 = arith.addf %add3A_611, %mul3A_620 : vector<16xf32>
        %add3A_622 = arith.constant 39 : i32
        %add3A_623 = vector.broadcast %add3A_622 : i32 to vector<16xi32>
        %add3A_624 = arith.addi %iota3A, %add3A_623 : vector<16xi32>
        %and3A_625 = arith.constant 63 : i32
        %and3A_626 = vector.broadcast %and3A_625 : i32 to vector<16xi32>
        %and3A_627 = arith.andi %add3A_624, %and3A_626 : vector<16xi32>
        %gather3A_628 = tpu.vector_load_idx %arg7[%add3A_201, %and3A_627] : memref<672x64xf32, #tpu.memory_space<vmem>>[vector<16xi32>, vector<16xi32>], vector<16xf32>,
        %gather3A_629 = tpu.vector_load_idx %arg9[%select_n3A_231, %and3A_627] : memref<32x64xf32, #tpu.memory_space<vmem>>[vector<16xi32>, vector<16xi32>], vector<16xf32>,
        %mul3A_630 = arith.mulf %gather3A_628, %gather3A_629 : vector<16xf32>
        %add3A_631 = arith.addf %add3A_621, %mul3A_630 : vector<16xf32>
        %add3A_632 = arith.constant 40 : i32
        %add3A_633 = vector.broadcast %add3A_632 : i32 to vector<16xi32>
        %add3A_634 = arith.addi %iota3A, %add3A_633 : vector<16xi32>
        %and3A_635 = arith.constant 63 : i32
        %and3A_636 = vector.broadcast %and3A_635 : i32 to vector<16xi32>
        %and3A_637 = arith.andi %add3A_634, %and3A_636 : vector<16xi32>
        %gather3A_638 = tpu.vector_load_idx %arg7[%add3A_201, %and3A_637] : memref<672x64xf32, #tpu.memory_space<vmem>>[vector<16xi32>, vector<16xi32>], vector<16xf32>,
        %gather3A_639 = tpu.vector_load_idx %arg9[%select_n3A_231, %and3A_637] : memref<32x64xf32, #tpu.memory_space<vmem>>[vector<16xi32>, vector<16xi32>], vector<16xf32>,
        %mul3A_640 = arith.mulf %gather3A_638, %gather3A_639 : vector<16xf32>
        %add3A_641 = arith.addf %add3A_631, %mul3A_640 : vector<16xf32>
        %add3A_642 = arith.constant 41 : i32
        %add3A_643 = vector.broadcast %add3A_642 : i32 to vector<16xi32>
        %add3A_644 = arith.addi %iota3A, %add3A_643 : vector<16xi32>
        %and3A_645 = arith.constant 63 : i32
        %and3A_646 = vector.broadcast %and3A_645 : i32 to vector<16xi32>
        %and3A_647 = arith.andi %add3A_644, %and3A_646 : vector<16xi32>
        %gather3A_648 = tpu.vector_load_idx %arg7[%add3A_201, %and3A_647] : memref<672x64xf32, #tpu.memory_space<vmem>>[vector<16xi32>, vector<16xi32>], vector<16xf32>,
        %gather3A_649 = tpu.vector_load_idx %arg9[%select_n3A_231, %and3A_647] : memref<32x64xf32, #tpu.memory_space<vmem>>[vector<16xi32>, vector<16xi32>], vector<16xf32>,
        %mul3A_650 = arith.mulf %gather3A_648, %gather3A_649 : vector<16xf32>
        %add3A_651 = arith.addf %add3A_641, %mul3A_650 : vector<16xf32>
        %add3A_652 = arith.constant 42 : i32
        %add3A_653 = vector.broadcast %add3A_652 : i32 to vector<16xi32>
        %add3A_654 = arith.addi %iota3A, %add3A_653 : vector<16xi32>
        %and3A_655 = arith.constant 63 : i32
        %and3A_656 = vector.broadcast %and3A_655 : i32 to vector<16xi32>
        %and3A_657 = arith.andi %add3A_654, %and3A_656 : vector<16xi32>
        %gather3A_658 = tpu.vector_load_idx %arg7[%add3A_201, %and3A_657] : memref<672x64xf32, #tpu.memory_space<vmem>>[vector<16xi32>, vector<16xi32>], vector<16xf32>,
        %gather3A_659 = tpu.vector_load_idx %arg9[%select_n3A_231, %and3A_657] : memref<32x64xf32, #tpu.memory_space<vmem>>[vector<16xi32>, vector<16xi32>], vector<16xf32>,
        %mul3A_660 = arith.mulf %gather3A_658, %gather3A_659 : vector<16xf32>
        %add3A_661 = arith.addf %add3A_651, %mul3A_660 : vector<16xf32>
        %add3A_662 = arith.constant 43 : i32
        %add3A_663 = vector.broadcast %add3A_662 : i32 to vector<16xi32>
        %add3A_664 = arith.addi %iota3A, %add3A_663 : vector<16xi32>
        %and3A_665 = arith.constant 63 : i32
        %and3A_666 = vector.broadcast %and3A_665 : i32 to vector<16xi32>
        %and3A_667 = arith.andi %add3A_664, %and3A_666 : vector<16xi32>
        %gather3A_668 = tpu.vector_load_idx %arg7[%add3A_201, %and3A_667] : memref<672x64xf32, #tpu.memory_space<vmem>>[vector<16xi32>, vector<16xi32>], vector<16xf32>,
        %gather3A_669 = tpu.vector_load_idx %arg9[%select_n3A_231, %and3A_667] : memref<32x64xf32, #tpu.memory_space<vmem>>[vector<16xi32>, vector<16xi32>], vector<16xf32>,
        %mul3A_670 = arith.mulf %gather3A_668, %gather3A_669 : vector<16xf32>
        %add3A_671 = arith.addf %add3A_661, %mul3A_670 : vector<16xf32>
        %add3A_672 = arith.constant 44 : i32
        %add3A_673 = vector.broadcast %add3A_672 : i32 to vector<16xi32>
        %add3A_674 = arith.addi %iota3A, %add3A_673 : vector<16xi32>
        %and3A_675 = arith.constant 63 : i32
        %and3A_676 = vector.broadcast %and3A_675 : i32 to vector<16xi32>
        %and3A_677 = arith.andi %add3A_674, %and3A_676 : vector<16xi32>
        %gather3A_678 = tpu.vector_load_idx %arg7[%add3A_201, %and3A_677] : memref<672x64xf32, #tpu.memory_space<vmem>>[vector<16xi32>, vector<16xi32>], vector<16xf32>,
        %gather3A_679 = tpu.vector_load_idx %arg9[%select_n3A_231, %and3A_677] : memref<32x64xf32, #tpu.memory_space<vmem>>[vector<16xi32>, vector<16xi32>], vector<16xf32>,
        %mul3A_680 = arith.mulf %gather3A_678, %gather3A_679 : vector<16xf32>
        %add3A_681 = arith.addf %add3A_671, %mul3A_680 : vector<16xf32>
        %add3A_682 = arith.constant 45 : i32
        %add3A_683 = vector.broadcast %add3A_682 : i32 to vector<16xi32>
        %add3A_684 = arith.addi %iota3A, %add3A_683 : vector<16xi32>
        %and3A_685 = arith.constant 63 : i32
        %and3A_686 = vector.broadcast %and3A_685 : i32 to vector<16xi32>
        %and3A_687 = arith.andi %add3A_684, %and3A_686 : vector<16xi32>
        %gather3A_688 = tpu.vector_load_idx %arg7[%add3A_201, %and3A_687] : memref<672x64xf32, #tpu.memory_space<vmem>>[vector<16xi32>, vector<16xi32>], vector<16xf32>,
        %gather3A_689 = tpu.vector_load_idx %arg9[%select_n3A_231, %and3A_687] : memref<32x64xf32, #tpu.memory_space<vmem>>[vector<16xi32>, vector<16xi32>], vector<16xf32>,
        %mul3A_690 = arith.mulf %gather3A_688, %gather3A_689 : vector<16xf32>
        %add3A_691 = arith.addf %add3A_681, %mul3A_690 : vector<16xf32>
        %add3A_692 = arith.constant 46 : i32
        %add3A_693 = vector.broadcast %add3A_692 : i32 to vector<16xi32>
        %add3A_694 = arith.addi %iota3A, %add3A_693 : vector<16xi32>
        %and3A_695 = arith.constant 63 : i32
        %and3A_696 = vector.broadcast %and3A_695 : i32 to vector<16xi32>
        %and3A_697 = arith.andi %add3A_694, %and3A_696 : vector<16xi32>
        %gather3A_698 = tpu.vector_load_idx %arg7[%add3A_201, %and3A_697] : memref<672x64xf32, #tpu.memory_space<vmem>>[vector<16xi32>, vector<16xi32>], vector<16xf32>,
        %gather3A_699 = tpu.vector_load_idx %arg9[%select_n3A_231, %and3A_697] : memref<32x64xf32, #tpu.memory_space<vmem>>[vector<16xi32>, vector<16xi32>], vector<16xf32>,
        %mul3A_700 = arith.mulf %gather3A_698, %gather3A_699 : vector<16xf32>
        %add3A_701 = arith.addf %add3A_691, %mul3A_700 : vector<16xf32>
        %add3A_702 = arith.constant 47 : i32
        %add3A_703 = vector.broadcast %add3A_702 : i32 to vector<16xi32>
        %add3A_704 = arith.addi %iota3A, %add3A_703 : vector<16xi32>
        %and3A_705 = arith.constant 63 : i32
        %and3A_706 = vector.broadcast %and3A_705 : i32 to vector<16xi32>
        %and3A_707 = arith.andi %add3A_704, %and3A_706 : vector<16xi32>
        %gather3A_708 = tpu.vector_load_idx %arg7[%add3A_201, %and3A_707] : memref<672x64xf32, #tpu.memory_space<vmem>>[vector<16xi32>, vector<16xi32>], vector<16xf32>,
        %gather3A_709 = tpu.vector_load_idx %arg9[%select_n3A_231, %and3A_707] : memref<32x64xf32, #tpu.memory_space<vmem>>[vector<16xi32>, vector<16xi32>], vector<16xf32>,
        %mul3A_710 = arith.mulf %gather3A_708, %gather3A_709 : vector<16xf32>
        %add3A_711 = arith.addf %add3A_701, %mul3A_710 : vector<16xf32>
        %add3A_712 = arith.constant 48 : i32
        %add3A_713 = vector.broadcast %add3A_712 : i32 to vector<16xi32>
        %add3A_714 = arith.addi %iota3A, %add3A_713 : vector<16xi32>
        %and3A_715 = arith.constant 63 : i32
        %and3A_716 = vector.broadcast %and3A_715 : i32 to vector<16xi32>
        %and3A_717 = arith.andi %add3A_714, %and3A_716 : vector<16xi32>
        %gather3A_718 = tpu.vector_load_idx %arg7[%add3A_201, %and3A_717] : memref<672x64xf32, #tpu.memory_space<vmem>>[vector<16xi32>, vector<16xi32>], vector<16xf32>,
        %gather3A_719 = tpu.vector_load_idx %arg9[%select_n3A_231, %and3A_717] : memref<32x64xf32, #tpu.memory_space<vmem>>[vector<16xi32>, vector<16xi32>], vector<16xf32>,
        %mul3A_720 = arith.mulf %gather3A_718, %gather3A_719 : vector<16xf32>
        %add3A_721 = arith.addf %add3A_711, %mul3A_720 : vector<16xf32>
        %add3A_722 = arith.constant 49 : i32
        %add3A_723 = vector.broadcast %add3A_722 : i32 to vector<16xi32>
        %add3A_724 = arith.addi %iota3A, %add3A_723 : vector<16xi32>
        %and3A_725 = arith.constant 63 : i32
        %and3A_726 = vector.broadcast %and3A_725 : i32 to vector<16xi32>
        %and3A_727 = arith.andi %add3A_724, %and3A_726 : vector<16xi32>
        %gather3A_728 = tpu.vector_load_idx %arg7[%add3A_201, %and3A_727] : memref<672x64xf32, #tpu.memory_space<vmem>>[vector<16xi32>, vector<16xi32>], vector<16xf32>,
        %gather3A_729 = tpu.vector_load_idx %arg9[%select_n3A_231, %and3A_727] : memref<32x64xf32, #tpu.memory_space<vmem>>[vector<16xi32>, vector<16xi32>], vector<16xf32>,
        %mul3A_730 = arith.mulf %gather3A_728, %gather3A_729 : vector<16xf32>
        %add3A_731 = arith.addf %add3A_721, %mul3A_730 : vector<16xf32>
        %add3A_732 = arith.constant 50 : i32
        %add3A_733 = vector.broadcast %add3A_732 : i32 to vector<16xi32>
        %add3A_734 = arith.addi %iota3A, %add3A_733 : vector<16xi32>
        %and3A_735 = arith.constant 63 : i32
        %and3A_736 = vector.broadcast %and3A_735 : i32 to vector<16xi32>
        %and3A_737 = arith.andi %add3A_734, %and3A_736 : vector<16xi32>
        %gather3A_738 = tpu.vector_load_idx %arg7[%add3A_201, %and3A_737] : memref<672x64xf32, #tpu.memory_space<vmem>>[vector<16xi32>, vector<16xi32>], vector<16xf32>,
        %gather3A_739 = tpu.vector_load_idx %arg9[%select_n3A_231, %and3A_737] : memref<32x64xf32, #tpu.memory_space<vmem>>[vector<16xi32>, vector<16xi32>], vector<16xf32>,
        %mul3A_740 = arith.mulf %gather3A_738, %gather3A_739 : vector<16xf32>
        %add3A_741 = arith.addf %add3A_731, %mul3A_740 : vector<16xf32>
        %add3A_742 = arith.constant 51 : i32
        %add3A_743 = vector.broadcast %add3A_742 : i32 to vector<16xi32>
        %add3A_744 = arith.addi %iota3A, %add3A_743 : vector<16xi32>
        %and3A_745 = arith.constant 63 : i32
        %and3A_746 = vector.broadcast %and3A_745 : i32 to vector<16xi32>
        %and3A_747 = arith.andi %add3A_744, %and3A_746 : vector<16xi32>
        %gather3A_748 = tpu.vector_load_idx %arg7[%add3A_201, %and3A_747] : memref<672x64xf32, #tpu.memory_space<vmem>>[vector<16xi32>, vector<16xi32>], vector<16xf32>,
        %gather3A_749 = tpu.vector_load_idx %arg9[%select_n3A_231, %and3A_747] : memref<32x64xf32, #tpu.memory_space<vmem>>[vector<16xi32>, vector<16xi32>], vector<16xf32>,
        %mul3A_750 = arith.mulf %gather3A_748, %gather3A_749 : vector<16xf32>
        %add3A_751 = arith.addf %add3A_741, %mul3A_750 : vector<16xf32>
        %add3A_752 = arith.constant 52 : i32
        %add3A_753 = vector.broadcast %add3A_752 : i32 to vector<16xi32>
        %add3A_754 = arith.addi %iota3A, %add3A_753 : vector<16xi32>
        %and3A_755 = arith.constant 63 : i32
        %and3A_756 = vector.broadcast %and3A_755 : i32 to vector<16xi32>
        %and3A_757 = arith.andi %add3A_754, %and3A_756 : vector<16xi32>
        %gather3A_758 = tpu.vector_load_idx %arg7[%add3A_201, %and3A_757] : memref<672x64xf32, #tpu.memory_space<vmem>>[vector<16xi32>, vector<16xi32>], vector<16xf32>,
        %gather3A_759 = tpu.vector_load_idx %arg9[%select_n3A_231, %and3A_757] : memref<32x64xf32, #tpu.memory_space<vmem>>[vector<16xi32>, vector<16xi32>], vector<16xf32>,
        %mul3A_760 = arith.mulf %gather3A_758, %gather3A_759 : vector<16xf32>
        %add3A_761 = arith.addf %add3A_751, %mul3A_760 : vector<16xf32>
        %add3A_762 = arith.constant 53 : i32
        %add3A_763 = vector.broadcast %add3A_762 : i32 to vector<16xi32>
        %add3A_764 = arith.addi %iota3A, %add3A_763 : vector<16xi32>
        %and3A_765 = arith.constant 63 : i32
        %and3A_766 = vector.broadcast %and3A_765 : i32 to vector<16xi32>
        %and3A_767 = arith.andi %add3A_764, %and3A_766 : vector<16xi32>
        %gather3A_768 = tpu.vector_load_idx %arg7[%add3A_201, %and3A_767] : memref<672x64xf32, #tpu.memory_space<vmem>>[vector<16xi32>, vector<16xi32>], vector<16xf32>,
        %gather3A_769 = tpu.vector_load_idx %arg9[%select_n3A_231, %and3A_767] : memref<32x64xf32, #tpu.memory_space<vmem>>[vector<16xi32>, vector<16xi32>], vector<16xf32>,
        %mul3A_770 = arith.mulf %gather3A_768, %gather3A_769 : vector<16xf32>
        %add3A_771 = arith.addf %add3A_761, %mul3A_770 : vector<16xf32>
        %add3A_772 = arith.constant 54 : i32
        %add3A_773 = vector.broadcast %add3A_772 : i32 to vector<16xi32>
        %add3A_774 = arith.addi %iota3A, %add3A_773 : vector<16xi32>
        %and3A_775 = arith.constant 63 : i32
        %and3A_776 = vector.broadcast %and3A_775 : i32 to vector<16xi32>
        %and3A_777 = arith.andi %add3A_774, %and3A_776 : vector<16xi32>
        %gather3A_778 = tpu.vector_load_idx %arg7[%add3A_201, %and3A_777] : memref<672x64xf32, #tpu.memory_space<vmem>>[vector<16xi32>, vector<16xi32>], vector<16xf32>,
        %gather3A_779 = tpu.vector_load_idx %arg9[%select_n3A_231, %and3A_777] : memref<32x64xf32, #tpu.memory_space<vmem>>[vector<16xi32>, vector<16xi32>], vector<16xf32>,
        %mul3A_780 = arith.mulf %gather3A_778, %gather3A_779 : vector<16xf32>
        %add3A_781 = arith.addf %add3A_771, %mul3A_780 : vector<16xf32>
        %add3A_782 = arith.constant 55 : i32
        %add3A_783 = vector.broadcast %add3A_782 : i32 to vector<16xi32>
        %add3A_784 = arith.addi %iota3A, %add3A_783 : vector<16xi32>
        %and3A_785 = arith.constant 63 : i32
        %and3A_786 = vector.broadcast %and3A_785 : i32 to vector<16xi32>
        %and3A_787 = arith.andi %add3A_784, %and3A_786 : vector<16xi32>
        %gather3A_788 = tpu.vector_load_idx %arg7[%add3A_201, %and3A_787] : memref<672x64xf32, #tpu.memory_space<vmem>>[vector<16xi32>, vector<16xi32>], vector<16xf32>,
        %gather3A_789 = tpu.vector_load_idx %arg9[%select_n3A_231, %and3A_787] : memref<32x64xf32, #tpu.memory_space<vmem>>[vector<16xi32>, vector<16xi32>], vector<16xf32>,
        %mul3A_790 = arith.mulf %gather3A_788, %gather3A_789 : vector<16xf32>
        %add3A_791 = arith.addf %add3A_781, %mul3A_790 : vector<16xf32>
        %add3A_792 = arith.constant 56 : i32
        %add3A_793 = vector.broadcast %add3A_792 : i32 to vector<16xi32>
        %add3A_794 = arith.addi %iota3A, %add3A_793 : vector<16xi32>
        %and3A_795 = arith.constant 63 : i32
        %and3A_796 = vector.broadcast %and3A_795 : i32 to vector<16xi32>
        %and3A_797 = arith.andi %add3A_794, %and3A_796 : vector<16xi32>
        %gather3A_798 = tpu.vector_load_idx %arg7[%add3A_201, %and3A_797] : memref<672x64xf32, #tpu.memory_space<vmem>>[vector<16xi32>, vector<16xi32>], vector<16xf32>,
        %gather3A_799 = tpu.vector_load_idx %arg9[%select_n3A_231, %and3A_797] : memref<32x64xf32, #tpu.memory_space<vmem>>[vector<16xi32>, vector<16xi32>], vector<16xf32>,
        %mul3A_800 = arith.mulf %gather3A_798, %gather3A_799 : vector<16xf32>
        %add3A_801 = arith.addf %add3A_791, %mul3A_800 : vector<16xf32>
        %add3A_802 = arith.constant 57 : i32
        %add3A_803 = vector.broadcast %add3A_802 : i32 to vector<16xi32>
        %add3A_804 = arith.addi %iota3A, %add3A_803 : vector<16xi32>
        %and3A_805 = arith.constant 63 : i32
        %and3A_806 = vector.broadcast %and3A_805 : i32 to vector<16xi32>
        %and3A_807 = arith.andi %add3A_804, %and3A_806 : vector<16xi32>
        %gather3A_808 = tpu.vector_load_idx %arg7[%add3A_201, %and3A_807] : memref<672x64xf32, #tpu.memory_space<vmem>>[vector<16xi32>, vector<16xi32>], vector<16xf32>,
        %gather3A_809 = tpu.vector_load_idx %arg9[%select_n3A_231, %and3A_807] : memref<32x64xf32, #tpu.memory_space<vmem>>[vector<16xi32>, vector<16xi32>], vector<16xf32>,
        %mul3A_810 = arith.mulf %gather3A_808, %gather3A_809 : vector<16xf32>
        %add3A_811 = arith.addf %add3A_801, %mul3A_810 : vector<16xf32>
        %add3A_812 = arith.constant 58 : i32
        %add3A_813 = vector.broadcast %add3A_812 : i32 to vector<16xi32>
        %add3A_814 = arith.addi %iota3A, %add3A_813 : vector<16xi32>
        %and3A_815 = arith.constant 63 : i32
        %and3A_816 = vector.broadcast %and3A_815 : i32 to vector<16xi32>
        %and3A_817 = arith.andi %add3A_814, %and3A_816 : vector<16xi32>
        %gather3A_818 = tpu.vector_load_idx %arg7[%add3A_201, %and3A_817] : memref<672x64xf32, #tpu.memory_space<vmem>>[vector<16xi32>, vector<16xi32>], vector<16xf32>,
        %gather3A_819 = tpu.vector_load_idx %arg9[%select_n3A_231, %and3A_817] : memref<32x64xf32, #tpu.memory_space<vmem>>[vector<16xi32>, vector<16xi32>], vector<16xf32>,
        %mul3A_820 = arith.mulf %gather3A_818, %gather3A_819 : vector<16xf32>
        %add3A_821 = arith.addf %add3A_811, %mul3A_820 : vector<16xf32>
        %add3A_822 = arith.constant 59 : i32
        %add3A_823 = vector.broadcast %add3A_822 : i32 to vector<16xi32>
        %add3A_824 = arith.addi %iota3A, %add3A_823 : vector<16xi32>
        %and3A_825 = arith.constant 63 : i32
        %and3A_826 = vector.broadcast %and3A_825 : i32 to vector<16xi32>
        %and3A_827 = arith.andi %add3A_824, %and3A_826 : vector<16xi32>
        %gather3A_828 = tpu.vector_load_idx %arg7[%add3A_201, %and3A_827] : memref<672x64xf32, #tpu.memory_space<vmem>>[vector<16xi32>, vector<16xi32>], vector<16xf32>,
        %gather3A_829 = tpu.vector_load_idx %arg9[%select_n3A_231, %and3A_827] : memref<32x64xf32, #tpu.memory_space<vmem>>[vector<16xi32>, vector<16xi32>], vector<16xf32>,
        %mul3A_830 = arith.mulf %gather3A_828, %gather3A_829 : vector<16xf32>
        %add3A_831 = arith.addf %add3A_821, %mul3A_830 : vector<16xf32>
        %add3A_832 = arith.constant 60 : i32
        %add3A_833 = vector.broadcast %add3A_832 : i32 to vector<16xi32>
        %add3A_834 = arith.addi %iota3A, %add3A_833 : vector<16xi32>
        %and3A_835 = arith.constant 63 : i32
        %and3A_836 = vector.broadcast %and3A_835 : i32 to vector<16xi32>
        %and3A_837 = arith.andi %add3A_834, %and3A_836 : vector<16xi32>
        %gather3A_838 = tpu.vector_load_idx %arg7[%add3A_201, %and3A_837] : memref<672x64xf32, #tpu.memory_space<vmem>>[vector<16xi32>, vector<16xi32>], vector<16xf32>,
        %gather3A_839 = tpu.vector_load_idx %arg9[%select_n3A_231, %and3A_837] : memref<32x64xf32, #tpu.memory_space<vmem>>[vector<16xi32>, vector<16xi32>], vector<16xf32>,
        %mul3A_840 = arith.mulf %gather3A_838, %gather3A_839 : vector<16xf32>
        %add3A_841 = arith.addf %add3A_831, %mul3A_840 : vector<16xf32>
        %add3A_842 = arith.constant 61 : i32
        %add3A_843 = vector.broadcast %add3A_842 : i32 to vector<16xi32>
        %add3A_844 = arith.addi %iota3A, %add3A_843 : vector<16xi32>
        %and3A_845 = arith.constant 63 : i32
        %and3A_846 = vector.broadcast %and3A_845 : i32 to vector<16xi32>
        %and3A_847 = arith.andi %add3A_844, %and3A_846 : vector<16xi32>
        %gather3A_848 = tpu.vector_load_idx %arg7[%add3A_201, %and3A_847] : memref<672x64xf32, #tpu.memory_space<vmem>>[vector<16xi32>, vector<16xi32>], vector<16xf32>,
        %gather3A_849 = tpu.vector_load_idx %arg9[%select_n3A_231, %and3A_847] : memref<32x64xf32, #tpu.memory_space<vmem>>[vector<16xi32>, vector<16xi32>], vector<16xf32>,
        %mul3A_850 = arith.mulf %gather3A_848, %gather3A_849 : vector<16xf32>
        %add3A_851 = arith.addf %add3A_841, %mul3A_850 : vector<16xf32>
        %add3A_852 = arith.constant 62 : i32
        %add3A_853 = vector.broadcast %add3A_852 : i32 to vector<16xi32>
        %add3A_854 = arith.addi %iota3A, %add3A_853 : vector<16xi32>
        %and3A_855 = arith.constant 63 : i32
        %and3A_856 = vector.broadcast %and3A_855 : i32 to vector<16xi32>
        %and3A_857 = arith.andi %add3A_854, %and3A_856 : vector<16xi32>
        %gather3A_858 = tpu.vector_load_idx %arg7[%add3A_201, %and3A_857] : memref<672x64xf32, #tpu.memory_space<vmem>>[vector<16xi32>, vector<16xi32>], vector<16xf32>,
        %gather3A_859 = tpu.vector_load_idx %arg9[%select_n3A_231, %and3A_857] : memref<32x64xf32, #tpu.memory_space<vmem>>[vector<16xi32>, vector<16xi32>], vector<16xf32>,
        %mul3A_860 = arith.mulf %gather3A_858, %gather3A_859 : vector<16xf32>
        %add3A_861 = arith.addf %add3A_851, %mul3A_860 : vector<16xf32>
        %add3A_862 = arith.constant 63 : i32
        %add3A_863 = vector.broadcast %add3A_862 : i32 to vector<16xi32>
        %add3A_864 = arith.addi %iota3A, %add3A_863 : vector<16xi32>
        %and3A_865 = arith.constant 63 : i32
        %and3A_866 = vector.broadcast %and3A_865 : i32 to vector<16xi32>
        %and3A_867 = arith.andi %add3A_864, %and3A_866 : vector<16xi32>
        %gather3A_868 = tpu.vector_load_idx %arg7[%add3A_201, %and3A_867] : memref<672x64xf32, #tpu.memory_space<vmem>>[vector<16xi32>, vector<16xi32>], vector<16xf32>,
        %gather3A_869 = tpu.vector_load_idx %arg9[%select_n3A_231, %and3A_867] : memref<32x64xf32, #tpu.memory_space<vmem>>[vector<16xi32>, vector<16xi32>], vector<16xf32>,
        %mul3A_870 = arith.mulf %gather3A_868, %gather3A_869 : vector<16xf32>
        %add3A_871 = arith.addf %add3A_861, %mul3A_870 : vector<16xf32>
        %mul3A_872 = arith.constant 16 : i32
        %mul3A_873 = arith.muli %scan3A_197, %mul3A_872 : i32
        %swap3A = arith.index_cast %mul3A_873 : i32 to index
        %swap3A_874 = tpu.vector_load %arg11[%swap3A] {strides = array<i32>} : memref<672xf32, #tpu.memory_space<vmem>>, vector<16xf32>,
        tpu.vector_store %arg11[%swap3A], %add3A_871 {strides = array<i32>} : memref<672xf32, #tpu.memory_space<vmem>>, vector<16xf32>,
      }
      %scan3A_136 = arith.constant 42 : i32
      %dma_start3A_137 = arith.constant 0 : i32
      %dma_start3A_138 = tpu.memref_slice %arg5[%mul3A_4, %dma_start3A_137] : memref<512x672xf32, #tpu.memory_space<hbm>> -> memref<16x672xf32, #tpu.memory_space<hbm>>
      %dma_start3A_139 = arith.constant 0 : i32
      %dma_start3A_140 = tpu.memref_slice %dma_start3A_138[%mul3A_104, %dma_start3A_139] : memref<16x672xf32, #tpu.memory_space<hbm>> -> memref<1x672xf32, #tpu.memory_space<hbm>>
      %dma_start3A_141 = tpu.memref_squeeze %dma_start3A_140 : memref<1x672xf32, #tpu.memory_space<hbm>> -> memref<672xf32, #tpu.memory_space<hbm>>
      %dma_start3A_142 = arith.constant 0 : i32
      %dma_start3A_143 = tpu.memref_slice %arg5[%mul3A_4, %dma_start3A_142] : memref<512x672xf32, #tpu.memory_space<hbm>> -> memref<16x672xf32, #tpu.memory_space<hbm>>
      %dma_start3A_144 = arith.constant 0 : i32
      %dma_start3A_145 = tpu.memref_slice %dma_start3A_143[%mul3A_104, %dma_start3A_144] : memref<16x672xf32, #tpu.memory_space<hbm>> -> memref<1x672xf32, #tpu.memory_space<hbm>>
      %dma_start3A_146 = tpu.memref_squeeze %dma_start3A_145 : memref<1x672xf32, #tpu.memory_space<hbm>> -> memref<672xf32, #tpu.memory_space<hbm>>
      tpu.enqueue_dma source(%arg11 : memref<672xf32, #tpu.memory_space<vmem>>) target(%dma_start3A_146 : memref<672xf32, #tpu.memory_space<hbm>>) target_semaphore(%arg15 : memref<!tpu.dma_semaphore, #tpu.memory_space<semaphore_mem>>)
      %mul3A_147 = arith.constant 2 : i32
      %mul3A_148 = arith.muli %mul3A_147, %scan3A_102 : i32
      %add3A_149 = arith.constant 1 : i32
      %add3A_150 = arith.addi %mul3A_148, %add3A_149 : i32
      %mul3A_151 = arith.constant 2 : i32
      %mul3A_152 = arith.muli %mul3A_151, %scan3A_102 : i32
      %add3A_153 = arith.constant 2 : i32
      %add3A_154 = arith.addi %mul3A_152, %add3A_153 : i32
      %dma_wait3A_155 = arith.constant 0 : i32
      %dma_wait3A_156 = arith.constant 0 : i32
      %dma_wait3A_157 = tpu.memref_slice %arg4[%dma_wait3A_155, %dma_wait3A_156] : memref<1000000x64xf32, #tpu.memory_space<hbm>> -> memref<672x64xf32, #tpu.memory_space<hbm>>
      %dma_wait3A_158 = arith.constant 0 : i32
      %dma_wait3A_159 = arith.constant 0 : i32
      %dma_wait3A_160 = tpu.memref_slice %arg4[%dma_wait3A_158, %dma_wait3A_159] : memref<1000000x64xf32, #tpu.memory_space<hbm>> -> memref<672x64xf32, #tpu.memory_space<hbm>>
      tpu.wait_dma2 semaphore(%arg14 : memref<!tpu.dma_semaphore, #tpu.memory_space<semaphore_mem>>) src(%dma_wait3A_160 : memref<672x64xf32, #tpu.memory_space<hbm>>) dst(%arg8 : memref<672x64xf32, #tpu.memory_space<vmem>>)
      %dma_wait3A_161 = arith.constant 0 : i32
      %dma_wait3A_162 = tpu.memref_slice %arg2[%mul3A_2, %dma_wait3A_161] : memref<16384x64xf32, #tpu.memory_space<hbm>> -> memref<512x64xf32, #tpu.memory_space<hbm>>
      %dma_wait3A_163 = arith.constant 0 : i32
      %dma_wait3A_164 = arith.constant 0 : i32
      %dma_wait3A_165 = tpu.memref_slice %dma_wait3A_162[%dma_wait3A_163, %dma_wait3A_164] : memref<512x64xf32, #tpu.memory_space<hbm>> -> memref<32x64xf32, #tpu.memory_space<hbm>>
      %dma_wait3A_166 = arith.constant 0 : i32
      %dma_wait3A_167 = tpu.memref_slice %arg2[%mul3A_2, %dma_wait3A_166] : memref<16384x64xf32, #tpu.memory_space<hbm>> -> memref<512x64xf32, #tpu.memory_space<hbm>>
      %dma_wait3A_168 = arith.constant 0 : i32
      %dma_wait3A_169 = arith.constant 0 : i32
      %dma_wait3A_170 = tpu.memref_slice %dma_wait3A_167[%dma_wait3A_168, %dma_wait3A_169] : memref<512x64xf32, #tpu.memory_space<hbm>> -> memref<32x64xf32, #tpu.memory_space<hbm>>
      tpu.wait_dma2 semaphore(%arg14 : memref<!tpu.dma_semaphore, #tpu.memory_space<semaphore_mem>>) src(%dma_wait3A_170 : memref<32x64xf32, #tpu.memory_space<hbm>>) dst(%arg10 : memref<32x64xf32, #tpu.memory_space<vmem>>)
      %lt3A_171 = arith.constant 16 : i32
      %lt3A_172 = arith.cmpi slt, %add3A_154, %lt3A_171 : i32
      %convert_element_type3A_173 = arith.extui %lt3A_172 : i1 to i32
      %cond3A_174 = arith.constant 0 : i32
      %cond3A_175 = arith.cmpi ne, %convert_element_type3A_173, %cond3A_174 : i32
      scf.if %cond3A_175 {
        %dma_start3A_197 = arith.constant 0 : i32
        %dma_start3A_198 = arith.constant 0 : i32
        %dma_start3A_199 = tpu.memref_slice %arg7[%dma_start3A_197, %dma_start3A_198] : memref<672x64xf32, #tpu.memory_space<vmem>> -> memref<128x64xf32, #tpu.memory_space<vmem>>
        %dma_start3A_200 = arith.constant 0 : i32
        %dma_start3A_201 = tpu.memref_slice %arg6[%add3A_154, %dma_start3A_200] : memref<16x672xi32, #tpu.memory_space<vmem>> -> memref<1x128xi32, #tpu.memory_space<vmem>>
        %dma_start3A_202 = tpu.memref_squeeze %dma_start3A_201 : memref<1x128xi32, #tpu.memory_space<vmem>> -> memref<128xi32, #tpu.memory_space<vmem>>
        %dma_start3A_203 = arith.constant 0 : i32
        %dma_start3A_204 = arith.constant 0 : i32
        %dma_start3A_205 = tpu.memref_slice %arg4[%dma_start3A_203, %dma_start3A_204] : memref<1000000x64xf32, #tpu.memory_space<hbm>> -> memref<1000000x64xf32, #tpu.memory_space<hbm>>
        tpu.enqueue_indirect_dma source(%dma_start3A_205 : memref<1000000x64xf32, #tpu.memory_space<hbm>>) target(%dma_start3A_199 : memref<128x64xf32, #tpu.memory_space<vmem>>) offsets(%dma_start3A_202 : memref<128xi32, #tpu.memory_space<vmem>>) semaphore(%arg13 : memref<!tpu.dma_semaphore, #tpu.memory_space<semaphore_mem>>)
        %dma_start3A_206 = arith.constant 128 : i32
        %dma_start3A_207 = arith.constant 0 : i32
        %dma_start3A_208 = tpu.memref_slice %arg7[%dma_start3A_206, %dma_start3A_207] : memref<672x64xf32, #tpu.memory_space<vmem>> -> memref<128x64xf32, #tpu.memory_space<vmem>>
        %dma_start3A_209 = arith.constant 128 : i32
        %dma_start3A_210 = tpu.memref_slice %arg6[%add3A_154, %dma_start3A_209] : memref<16x672xi32, #tpu.memory_space<vmem>> -> memref<1x128xi32, #tpu.memory_space<vmem>>
        %dma_start3A_211 = tpu.memref_squeeze %dma_start3A_210 : memref<1x128xi32, #tpu.memory_space<vmem>> -> memref<128xi32, #tpu.memory_space<vmem>>
        %dma_start3A_212 = arith.constant 0 : i32
        %dma_start3A_213 = arith.constant 0 : i32
        %dma_start3A_214 = tpu.memref_slice %arg4[%dma_start3A_212, %dma_start3A_213] : memref<1000000x64xf32, #tpu.memory_space<hbm>> -> memref<1000000x64xf32, #tpu.memory_space<hbm>>
        tpu.enqueue_indirect_dma source(%dma_start3A_214 : memref<1000000x64xf32, #tpu.memory_space<hbm>>) target(%dma_start3A_208 : memref<128x64xf32, #tpu.memory_space<vmem>>) offsets(%dma_start3A_211 : memref<128xi32, #tpu.memory_space<vmem>>) semaphore(%arg13 : memref<!tpu.dma_semaphore, #tpu.memory_space<semaphore_mem>>)
        %dma_start3A_215 = arith.constant 256 : i32
        %dma_start3A_216 = arith.constant 0 : i32
        %dma_start3A_217 = tpu.memref_slice %arg7[%dma_start3A_215, %dma_start3A_216] : memref<672x64xf32, #tpu.memory_space<vmem>> -> memref<128x64xf32, #tpu.memory_space<vmem>>
        %dma_start3A_218 = arith.constant 256 : i32
        %dma_start3A_219 = tpu.memref_slice %arg6[%add3A_154, %dma_start3A_218] : memref<16x672xi32, #tpu.memory_space<vmem>> -> memref<1x128xi32, #tpu.memory_space<vmem>>
        %dma_start3A_220 = tpu.memref_squeeze %dma_start3A_219 : memref<1x128xi32, #tpu.memory_space<vmem>> -> memref<128xi32, #tpu.memory_space<vmem>>
        %dma_start3A_221 = arith.constant 0 : i32
        %dma_start3A_222 = arith.constant 0 : i32
        %dma_start3A_223 = tpu.memref_slice %arg4[%dma_start3A_221, %dma_start3A_222] : memref<1000000x64xf32, #tpu.memory_space<hbm>> -> memref<1000000x64xf32, #tpu.memory_space<hbm>>
        tpu.enqueue_indirect_dma source(%dma_start3A_223 : memref<1000000x64xf32, #tpu.memory_space<hbm>>) target(%dma_start3A_217 : memref<128x64xf32, #tpu.memory_space<vmem>>) offsets(%dma_start3A_220 : memref<128xi32, #tpu.memory_space<vmem>>) semaphore(%arg13 : memref<!tpu.dma_semaphore, #tpu.memory_space<semaphore_mem>>)
        %dma_start3A_224 = arith.constant 384 : i32
        %dma_start3A_225 = arith.constant 0 : i32
        %dma_start3A_226 = tpu.memref_slice %arg7[%dma_start3A_224, %dma_start3A_225] : memref<672x64xf32, #tpu.memory_space<vmem>> -> memref<128x64xf32, #tpu.memory_space<vmem>>
        %dma_start3A_227 = arith.constant 384 : i32
        %dma_start3A_228 = tpu.memref_slice %arg6[%add3A_154, %dma_start3A_227] : memref<16x672xi32, #tpu.memory_space<vmem>> -> memref<1x128xi32, #tpu.memory_space<vmem>>
        %dma_start3A_229 = tpu.memref_squeeze %dma_start3A_228 : memref<1x128xi32, #tpu.memory_space<vmem>> -> memref<128xi32, #tpu.memory_space<vmem>>
        %dma_start3A_230 = arith.constant 0 : i32
        %dma_start3A_231 = arith.constant 0 : i32
        %dma_start3A_232 = tpu.memref_slice %arg4[%dma_start3A_230, %dma_start3A_231] : memref<1000000x64xf32, #tpu.memory_space<hbm>> -> memref<1000000x64xf32, #tpu.memory_space<hbm>>
        tpu.enqueue_indirect_dma source(%dma_start3A_232 : memref<1000000x64xf32, #tpu.memory_space<hbm>>) target(%dma_start3A_226 : memref<128x64xf32, #tpu.memory_space<vmem>>) offsets(%dma_start3A_229 : memref<128xi32, #tpu.memory_space<vmem>>) semaphore(%arg13 : memref<!tpu.dma_semaphore, #tpu.memory_space<semaphore_mem>>)
        %dma_start3A_233 = arith.constant 512 : i32
        %dma_start3A_234 = arith.constant 0 : i32
        %dma_start3A_235 = tpu.memref_slice %arg7[%dma_start3A_233, %dma_start3A_234] : memref<672x64xf32, #tpu.memory_space<vmem>> -> memref<128x64xf32, #tpu.memory_space<vmem>>
        %dma_start3A_236 = arith.constant 512 : i32
        %dma_start3A_237 = tpu.memref_slice %arg6[%add3A_154, %dma_start3A_236] : memref<16x672xi32, #tpu.memory_space<vmem>> -> memref<1x128xi32, #tpu.memory_space<vmem>>
        %dma_start3A_238 = tpu.memref_squeeze %dma_start3A_237 : memref<1x128xi32, #tpu.memory_space<vmem>> -> memref<128xi32, #tpu.memory_space<vmem>>
        %dma_start3A_239 = arith.constant 0 : i32
        %dma_start3A_240 = arith.constant 0 : i32
        %dma_start3A_241 = tpu.memref_slice %arg4[%dma_start3A_239, %dma_start3A_240] : memref<1000000x64xf32, #tpu.memory_space<hbm>> -> memref<1000000x64xf32, #tpu.memory_space<hbm>>
        tpu.enqueue_indirect_dma source(%dma_start3A_241 : memref<1000000x64xf32, #tpu.memory_space<hbm>>) target(%dma_start3A_235 : memref<128x64xf32, #tpu.memory_space<vmem>>) offsets(%dma_start3A_238 : memref<128xi32, #tpu.memory_space<vmem>>) semaphore(%arg13 : memref<!tpu.dma_semaphore, #tpu.memory_space<semaphore_mem>>)
        %dma_start3A_242 = arith.constant 640 : i32
        %dma_start3A_243 = arith.constant 0 : i32
        %dma_start3A_244 = tpu.memref_slice %arg7[%dma_start3A_242, %dma_start3A_243] : memref<672x64xf32, #tpu.memory_space<vmem>> -> memref<32x64xf32, #tpu.memory_space<vmem>>
        %dma_start3A_245 = arith.constant 640 : i32
        %dma_start3A_246 = tpu.memref_slice %arg6[%add3A_154, %dma_start3A_245] : memref<16x672xi32, #tpu.memory_space<vmem>> -> memref<1x32xi32, #tpu.memory_space<vmem>>
        %dma_start3A_247 = tpu.memref_squeeze %dma_start3A_246 : memref<1x32xi32, #tpu.memory_space<vmem>> -> memref<32xi32, #tpu.memory_space<vmem>>
        %dma_start3A_248 = arith.constant 0 : i32
        %dma_start3A_249 = arith.constant 0 : i32
        %dma_start3A_250 = tpu.memref_slice %arg4[%dma_start3A_248, %dma_start3A_249] : memref<1000000x64xf32, #tpu.memory_space<hbm>> -> memref<1000000x64xf32, #tpu.memory_space<hbm>>
        tpu.enqueue_indirect_dma source(%dma_start3A_250 : memref<1000000x64xf32, #tpu.memory_space<hbm>>) target(%dma_start3A_244 : memref<32x64xf32, #tpu.memory_space<vmem>>) offsets(%dma_start3A_247 : memref<32xi32, #tpu.memory_space<vmem>>) semaphore(%arg13 : memref<!tpu.dma_semaphore, #tpu.memory_space<semaphore_mem>>)
        %mul3A_251 = arith.constant 32 : i32
        %mul3A_252 = arith.muli %add3A_154, %mul3A_251 : i32
        %dma_start3A_253 = arith.constant 0 : i32
        %dma_start3A_254 = tpu.memref_slice %arg2[%mul3A_2, %dma_start3A_253] : memref<16384x64xf32, #tpu.memory_space<hbm>> -> memref<512x64xf32, #tpu.memory_space<hbm>>
        %dma_start3A_255 = arith.constant 0 : i32
        %dma_start3A_256 = tpu.memref_slice %dma_start3A_254[%mul3A_252, %dma_start3A_255] : memref<512x64xf32, #tpu.memory_space<hbm>> -> memref<32x64xf32, #tpu.memory_space<hbm>>
        %dma_start3A_257 = arith.constant 0 : i32
        %dma_start3A_258 = tpu.memref_slice %arg2[%mul3A_2, %dma_start3A_257] : memref<16384x64xf32, #tpu.memory_space<hbm>> -> memref<512x64xf32, #tpu.memory_space<hbm>>
        %dma_start3A_259 = arith.constant 0 : i32
        %dma_start3A_260 = tpu.memref_slice %dma_start3A_258[%mul3A_252, %dma_start3A_259] : memref<512x64xf32, #tpu.memory_space<hbm>> -> memref<32x64xf32, #tpu.memory_space<hbm>>
        tpu.enqueue_dma source(%dma_start3A_260 : memref<32x64xf32, #tpu.memory_space<hbm>>) target(%arg9 : memref<32x64xf32, #tpu.memory_space<vmem>>) target_semaphore(%arg13 : memref<!tpu.dma_semaphore, #tpu.memory_space<semaphore_mem>>)
      } else {
      }
      %gt3A_176 = arith.constant 0 : i32
      %gt3A_177 = arith.cmpi sgt, %scan3A_102, %gt3A_176 : i32
      %convert_element_type3A_178 = arith.extui %gt3A_177 : i1 to i32
      %cond3A_179 = arith.constant 0 : i32
      %cond3A_180 = arith.cmpi ne, %convert_element_type3A_178, %cond3A_179 : i32
      scf.if %cond3A_180 {
        %dma_wait3A_197 = arith.constant 0 : i32
        %dma_wait3A_198 = arith.constant 0 : i32
        %dma_wait3A_199 = tpu.memref_slice %arg5[%mul3A_4, %dma_wait3A_198] : memref<512x672xf32, #tpu.memory_space<hbm>> -> memref<16x672xf32, #tpu.memory_space<hbm>>
        %dma_wait3A_200 = arith.constant 0 : i32
        %dma_wait3A_201 = tpu.memref_slice %dma_wait3A_199[%dma_wait3A_197, %dma_wait3A_200] : memref<16x672xf32, #tpu.memory_space<hbm>> -> memref<1x672xf32, #tpu.memory_space<hbm>>
        %dma_wait3A_202 = tpu.memref_squeeze %dma_wait3A_201 : memref<1x672xf32, #tpu.memory_space<hbm>> -> memref<672xf32, #tpu.memory_space<hbm>>
        %dma_wait3A_203 = arith.constant 0 : i32
        %dma_wait3A_204 = tpu.memref_slice %arg5[%mul3A_4, %dma_wait3A_203] : memref<512x672xf32, #tpu.memory_space<hbm>> -> memref<16x672xf32, #tpu.memory_space<hbm>>
        %dma_wait3A_205 = arith.constant 0 : i32
        %dma_wait3A_206 = tpu.memref_slice %dma_wait3A_204[%dma_wait3A_197, %dma_wait3A_205] : memref<16x672xf32, #tpu.memory_space<hbm>> -> memref<1x672xf32, #tpu.memory_space<hbm>>
        %dma_wait3A_207 = tpu.memref_squeeze %dma_wait3A_206 : memref<1x672xf32, #tpu.memory_space<hbm>> -> memref<672xf32, #tpu.memory_space<hbm>>
        tpu.wait_dma2 semaphore(%arg16 : memref<!tpu.dma_semaphore, #tpu.memory_space<semaphore_mem>>) src(%dma_wait3A_207 : memref<672xf32, #tpu.memory_space<hbm>>) dst(%arg12 : memref<672xf32, #tpu.memory_space<vmem>>)
      } else {
      }
      %scan3A_181 = arith.constant 0 : i32
      %scan3A_182 = arith.constant 0 : i32
      %scan3A_183 = arith.constant 42 : i32
      %scan3A_184 = arith.addi %scan3A_182, %scan3A_183 : i32
      %scan3A_185 = arith.constant 1 : i32
      scf.for %scan3A_197 = %scan3A_182 to %scan3A_184 step %scan3A_185  : i32 {
        %mul3A_198 = arith.constant 16 : i32
        %mul3A_199 = arith.muli %scan3A_197, %mul3A_198 : i32
        %add3A_200 = vector.broadcast %mul3A_199 : i32 to vector<16xi32>
        %add3A_201 = arith.addi %add3A_200, %iota3A : vector<16xi32>
        %lt3A_202 = arith.constant 32 : i32
        %lt3A_203 = vector.broadcast %lt3A_202 : i32 to vector<16xi32>
        %lt3A_204 = arith.cmpi slt, %add3A_201, %lt3A_203 : vector<16xi32>
        %sub3A = arith.constant 32 : i32
        %sub3A_205 = vector.broadcast %sub3A : i32 to vector<16xi32>
        %sub3A_206 = arith.subi %add3A_201, %sub3A_205 : vector<16xi32>
        %jit3A = arith.constant 20 : i32
        %div3A = vector.broadcast %jit3A : i32 to vector<16xi32>
        %div3A_207 = arith.divsi %sub3A_206, %div3A : vector<16xi32>
        %sign3A = arith.constant 0 : i32
        %sign3A_208 = vector.broadcast %sign3A : i32 to vector<16xi32>
        %sign3A_209 = arith.cmpi sgt, %sub3A_206, %sign3A_208 : vector<16xi32>
        %sign3A_210 = arith.extui %sign3A_209 : vector<16xi1> to vector<16xi32>
        %sign3A_211 = arith.constant 0 : i32
        %sign3A_212 = vector.broadcast %sign3A_211 : i32 to vector<16xi32>
        %sign3A_213 = arith.cmpi slt, %sub3A_206, %sign3A_212 : vector<16xi32>
        %sign3A_214 = arith.extui %sign3A_213 : vector<16xi1> to vector<16xi32>
        %sign3A_215 = arith.subi %sign3A_210, %sign3A_214 : vector<16xi32>
        %sign3A_216 = arith.constant 0 : i32
        %sign3A_217 = arith.cmpi sgt, %jit3A, %sign3A_216 : i32
        %sign3A_218 = arith.extui %sign3A_217 : i1 to i32
        %sign3A_219 = arith.constant 0 : i32
        %sign3A_220 = arith.cmpi slt, %jit3A, %sign3A_219 : i32
        %sign3A_221 = arith.extui %sign3A_220 : i1 to i32
        %sign3A_222 = arith.subi %sign3A_218, %sign3A_221 : i32
        %ne3A = vector.broadcast %sign3A_222 : i32 to vector<16xi32>
        %ne3A_223 = arith.cmpi ne, %sign3A_215, %ne3A : vector<16xi32>
        %rem3A = vector.broadcast %jit3A : i32 to vector<16xi32>
        %rem3A_224 = arith.remsi %sub3A_206, %rem3A : vector<16xi32>
        %ne3A_225 = arith.constant 0 : i32
        %ne3A_226 = vector.broadcast %ne3A_225 : i32 to vector<16xi32>
        %ne3A_227 = arith.cmpi ne, %rem3A_224, %ne3A_226 : vector<16xi32>
        %and3A = arith.andi %ne3A_223, %ne3A_227 : vector<16xi1>
        %sub3A_228 = arith.constant 1 : i32
        %sub3A_229 = vector.broadcast %sub3A_228 : i32 to vector<16xi32>
        %sub3A_230 = arith.subi %div3A_207, %sub3A_229 : vector<16xi32>
        %select_n3A = arith.select %and3A, %sub3A_230, %div3A_207 : vector<16xi1>, vector<16xi32>
        %select_n3A_231 = arith.select %lt3A_204, %add3A_201, %select_n3A : vector<16xi1>, vector<16xi32>
        %broadcast_in_dim3A = arith.constant 0.000000e+00 : f32
        %broadcast_in_dim3A_232 = vector.broadcast %broadcast_in_dim3A : f32 to vector<16xf32>
        %add3A_233 = arith.constant 0 : i32
        %add3A_234 = vector.broadcast %add3A_233 : i32 to vector<16xi32>
        %add3A_235 = arith.addi %iota3A, %add3A_234 : vector<16xi32>
        %and3A_236 = arith.constant 63 : i32
        %and3A_237 = vector.broadcast %and3A_236 : i32 to vector<16xi32>
        %and3A_238 = arith.andi %add3A_235, %and3A_237 : vector<16xi32>
        %gather3A = tpu.vector_load_idx %arg8[%add3A_201, %and3A_238] : memref<672x64xf32, #tpu.memory_space<vmem>>[vector<16xi32>, vector<16xi32>], vector<16xf32>,
        %gather3A_239 = tpu.vector_load_idx %arg10[%select_n3A_231, %and3A_238] : memref<32x64xf32, #tpu.memory_space<vmem>>[vector<16xi32>, vector<16xi32>], vector<16xf32>,
        %mul3A_240 = arith.mulf %gather3A, %gather3A_239 : vector<16xf32>
        %add3A_241 = arith.addf %broadcast_in_dim3A_232, %mul3A_240 : vector<16xf32>
        %add3A_242 = arith.constant 1 : i32
        %add3A_243 = vector.broadcast %add3A_242 : i32 to vector<16xi32>
        %add3A_244 = arith.addi %iota3A, %add3A_243 : vector<16xi32>
        %and3A_245 = arith.constant 63 : i32
        %and3A_246 = vector.broadcast %and3A_245 : i32 to vector<16xi32>
        %and3A_247 = arith.andi %add3A_244, %and3A_246 : vector<16xi32>
        %gather3A_248 = tpu.vector_load_idx %arg8[%add3A_201, %and3A_247] : memref<672x64xf32, #tpu.memory_space<vmem>>[vector<16xi32>, vector<16xi32>], vector<16xf32>,
        %gather3A_249 = tpu.vector_load_idx %arg10[%select_n3A_231, %and3A_247] : memref<32x64xf32, #tpu.memory_space<vmem>>[vector<16xi32>, vector<16xi32>], vector<16xf32>,
        %mul3A_250 = arith.mulf %gather3A_248, %gather3A_249 : vector<16xf32>
        %add3A_251 = arith.addf %add3A_241, %mul3A_250 : vector<16xf32>
        %add3A_252 = arith.constant 2 : i32
        %add3A_253 = vector.broadcast %add3A_252 : i32 to vector<16xi32>
        %add3A_254 = arith.addi %iota3A, %add3A_253 : vector<16xi32>
        %and3A_255 = arith.constant 63 : i32
        %and3A_256 = vector.broadcast %and3A_255 : i32 to vector<16xi32>
        %and3A_257 = arith.andi %add3A_254, %and3A_256 : vector<16xi32>
        %gather3A_258 = tpu.vector_load_idx %arg8[%add3A_201, %and3A_257] : memref<672x64xf32, #tpu.memory_space<vmem>>[vector<16xi32>, vector<16xi32>], vector<16xf32>,
        %gather3A_259 = tpu.vector_load_idx %arg10[%select_n3A_231, %and3A_257] : memref<32x64xf32, #tpu.memory_space<vmem>>[vector<16xi32>, vector<16xi32>], vector<16xf32>,
        %mul3A_260 = arith.mulf %gather3A_258, %gather3A_259 : vector<16xf32>
        %add3A_261 = arith.addf %add3A_251, %mul3A_260 : vector<16xf32>
        %add3A_262 = arith.constant 3 : i32
        %add3A_263 = vector.broadcast %add3A_262 : i32 to vector<16xi32>
        %add3A_264 = arith.addi %iota3A, %add3A_263 : vector<16xi32>
        %and3A_265 = arith.constant 63 : i32
        %and3A_266 = vector.broadcast %and3A_265 : i32 to vector<16xi32>
        %and3A_267 = arith.andi %add3A_264, %and3A_266 : vector<16xi32>
        %gather3A_268 = tpu.vector_load_idx %arg8[%add3A_201, %and3A_267] : memref<672x64xf32, #tpu.memory_space<vmem>>[vector<16xi32>, vector<16xi32>], vector<16xf32>,
        %gather3A_269 = tpu.vector_load_idx %arg10[%select_n3A_231, %and3A_267] : memref<32x64xf32, #tpu.memory_space<vmem>>[vector<16xi32>, vector<16xi32>], vector<16xf32>,
        %mul3A_270 = arith.mulf %gather3A_268, %gather3A_269 : vector<16xf32>
        %add3A_271 = arith.addf %add3A_261, %mul3A_270 : vector<16xf32>
        %add3A_272 = arith.constant 4 : i32
        %add3A_273 = vector.broadcast %add3A_272 : i32 to vector<16xi32>
        %add3A_274 = arith.addi %iota3A, %add3A_273 : vector<16xi32>
        %and3A_275 = arith.constant 63 : i32
        %and3A_276 = vector.broadcast %and3A_275 : i32 to vector<16xi32>
        %and3A_277 = arith.andi %add3A_274, %and3A_276 : vector<16xi32>
        %gather3A_278 = tpu.vector_load_idx %arg8[%add3A_201, %and3A_277] : memref<672x64xf32, #tpu.memory_space<vmem>>[vector<16xi32>, vector<16xi32>], vector<16xf32>,
        %gather3A_279 = tpu.vector_load_idx %arg10[%select_n3A_231, %and3A_277] : memref<32x64xf32, #tpu.memory_space<vmem>>[vector<16xi32>, vector<16xi32>], vector<16xf32>,
        %mul3A_280 = arith.mulf %gather3A_278, %gather3A_279 : vector<16xf32>
        %add3A_281 = arith.addf %add3A_271, %mul3A_280 : vector<16xf32>
        %add3A_282 = arith.constant 5 : i32
        %add3A_283 = vector.broadcast %add3A_282 : i32 to vector<16xi32>
        %add3A_284 = arith.addi %iota3A, %add3A_283 : vector<16xi32>
        %and3A_285 = arith.constant 63 : i32
        %and3A_286 = vector.broadcast %and3A_285 : i32 to vector<16xi32>
        %and3A_287 = arith.andi %add3A_284, %and3A_286 : vector<16xi32>
        %gather3A_288 = tpu.vector_load_idx %arg8[%add3A_201, %and3A_287] : memref<672x64xf32, #tpu.memory_space<vmem>>[vector<16xi32>, vector<16xi32>], vector<16xf32>,
        %gather3A_289 = tpu.vector_load_idx %arg10[%select_n3A_231, %and3A_287] : memref<32x64xf32, #tpu.memory_space<vmem>>[vector<16xi32>, vector<16xi32>], vector<16xf32>,
        %mul3A_290 = arith.mulf %gather3A_288, %gather3A_289 : vector<16xf32>
        %add3A_291 = arith.addf %add3A_281, %mul3A_290 : vector<16xf32>
        %add3A_292 = arith.constant 6 : i32
        %add3A_293 = vector.broadcast %add3A_292 : i32 to vector<16xi32>
        %add3A_294 = arith.addi %iota3A, %add3A_293 : vector<16xi32>
        %and3A_295 = arith.constant 63 : i32
        %and3A_296 = vector.broadcast %and3A_295 : i32 to vector<16xi32>
        %and3A_297 = arith.andi %add3A_294, %and3A_296 : vector<16xi32>
        %gather3A_298 = tpu.vector_load_idx %arg8[%add3A_201, %and3A_297] : memref<672x64xf32, #tpu.memory_space<vmem>>[vector<16xi32>, vector<16xi32>], vector<16xf32>,
        %gather3A_299 = tpu.vector_load_idx %arg10[%select_n3A_231, %and3A_297] : memref<32x64xf32, #tpu.memory_space<vmem>>[vector<16xi32>, vector<16xi32>], vector<16xf32>,
        %mul3A_300 = arith.mulf %gather3A_298, %gather3A_299 : vector<16xf32>
        %add3A_301 = arith.addf %add3A_291, %mul3A_300 : vector<16xf32>
        %add3A_302 = arith.constant 7 : i32
        %add3A_303 = vector.broadcast %add3A_302 : i32 to vector<16xi32>
        %add3A_304 = arith.addi %iota3A, %add3A_303 : vector<16xi32>
        %and3A_305 = arith.constant 63 : i32
        %and3A_306 = vector.broadcast %and3A_305 : i32 to vector<16xi32>
        %and3A_307 = arith.andi %add3A_304, %and3A_306 : vector<16xi32>
        %gather3A_308 = tpu.vector_load_idx %arg8[%add3A_201, %and3A_307] : memref<672x64xf32, #tpu.memory_space<vmem>>[vector<16xi32>, vector<16xi32>], vector<16xf32>,
        %gather3A_309 = tpu.vector_load_idx %arg10[%select_n3A_231, %and3A_307] : memref<32x64xf32, #tpu.memory_space<vmem>>[vector<16xi32>, vector<16xi32>], vector<16xf32>,
        %mul3A_310 = arith.mulf %gather3A_308, %gather3A_309 : vector<16xf32>
        %add3A_311 = arith.addf %add3A_301, %mul3A_310 : vector<16xf32>
        %add3A_312 = arith.constant 8 : i32
        %add3A_313 = vector.broadcast %add3A_312 : i32 to vector<16xi32>
        %add3A_314 = arith.addi %iota3A, %add3A_313 : vector<16xi32>
        %and3A_315 = arith.constant 63 : i32
        %and3A_316 = vector.broadcast %and3A_315 : i32 to vector<16xi32>
        %and3A_317 = arith.andi %add3A_314, %and3A_316 : vector<16xi32>
        %gather3A_318 = tpu.vector_load_idx %arg8[%add3A_201, %and3A_317] : memref<672x64xf32, #tpu.memory_space<vmem>>[vector<16xi32>, vector<16xi32>], vector<16xf32>,
        %gather3A_319 = tpu.vector_load_idx %arg10[%select_n3A_231, %and3A_317] : memref<32x64xf32, #tpu.memory_space<vmem>>[vector<16xi32>, vector<16xi32>], vector<16xf32>,
        %mul3A_320 = arith.mulf %gather3A_318, %gather3A_319 : vector<16xf32>
        %add3A_321 = arith.addf %add3A_311, %mul3A_320 : vector<16xf32>
        %add3A_322 = arith.constant 9 : i32
        %add3A_323 = vector.broadcast %add3A_322 : i32 to vector<16xi32>
        %add3A_324 = arith.addi %iota3A, %add3A_323 : vector<16xi32>
        %and3A_325 = arith.constant 63 : i32
        %and3A_326 = vector.broadcast %and3A_325 : i32 to vector<16xi32>
        %and3A_327 = arith.andi %add3A_324, %and3A_326 : vector<16xi32>
        %gather3A_328 = tpu.vector_load_idx %arg8[%add3A_201, %and3A_327] : memref<672x64xf32, #tpu.memory_space<vmem>>[vector<16xi32>, vector<16xi32>], vector<16xf32>,
        %gather3A_329 = tpu.vector_load_idx %arg10[%select_n3A_231, %and3A_327] : memref<32x64xf32, #tpu.memory_space<vmem>>[vector<16xi32>, vector<16xi32>], vector<16xf32>,
        %mul3A_330 = arith.mulf %gather3A_328, %gather3A_329 : vector<16xf32>
        %add3A_331 = arith.addf %add3A_321, %mul3A_330 : vector<16xf32>
        %add3A_332 = arith.constant 10 : i32
        %add3A_333 = vector.broadcast %add3A_332 : i32 to vector<16xi32>
        %add3A_334 = arith.addi %iota3A, %add3A_333 : vector<16xi32>
        %and3A_335 = arith.constant 63 : i32
        %and3A_336 = vector.broadcast %and3A_335 : i32 to vector<16xi32>
        %and3A_337 = arith.andi %add3A_334, %and3A_336 : vector<16xi32>
        %gather3A_338 = tpu.vector_load_idx %arg8[%add3A_201, %and3A_337] : memref<672x64xf32, #tpu.memory_space<vmem>>[vector<16xi32>, vector<16xi32>], vector<16xf32>,
        %gather3A_339 = tpu.vector_load_idx %arg10[%select_n3A_231, %and3A_337] : memref<32x64xf32, #tpu.memory_space<vmem>>[vector<16xi32>, vector<16xi32>], vector<16xf32>,
        %mul3A_340 = arith.mulf %gather3A_338, %gather3A_339 : vector<16xf32>
        %add3A_341 = arith.addf %add3A_331, %mul3A_340 : vector<16xf32>
        %add3A_342 = arith.constant 11 : i32
        %add3A_343 = vector.broadcast %add3A_342 : i32 to vector<16xi32>
        %add3A_344 = arith.addi %iota3A, %add3A_343 : vector<16xi32>
        %and3A_345 = arith.constant 63 : i32
        %and3A_346 = vector.broadcast %and3A_345 : i32 to vector<16xi32>
        %and3A_347 = arith.andi %add3A_344, %and3A_346 : vector<16xi32>
        %gather3A_348 = tpu.vector_load_idx %arg8[%add3A_201, %and3A_347] : memref<672x64xf32, #tpu.memory_space<vmem>>[vector<16xi32>, vector<16xi32>], vector<16xf32>,
        %gather3A_349 = tpu.vector_load_idx %arg10[%select_n3A_231, %and3A_347] : memref<32x64xf32, #tpu.memory_space<vmem>>[vector<16xi32>, vector<16xi32>], vector<16xf32>,
        %mul3A_350 = arith.mulf %gather3A_348, %gather3A_349 : vector<16xf32>
        %add3A_351 = arith.addf %add3A_341, %mul3A_350 : vector<16xf32>
        %add3A_352 = arith.constant 12 : i32
        %add3A_353 = vector.broadcast %add3A_352 : i32 to vector<16xi32>
        %add3A_354 = arith.addi %iota3A, %add3A_353 : vector<16xi32>
        %and3A_355 = arith.constant 63 : i32
        %and3A_356 = vector.broadcast %and3A_355 : i32 to vector<16xi32>
        %and3A_357 = arith.andi %add3A_354, %and3A_356 : vector<16xi32>
        %gather3A_358 = tpu.vector_load_idx %arg8[%add3A_201, %and3A_357] : memref<672x64xf32, #tpu.memory_space<vmem>>[vector<16xi32>, vector<16xi32>], vector<16xf32>,
        %gather3A_359 = tpu.vector_load_idx %arg10[%select_n3A_231, %and3A_357] : memref<32x64xf32, #tpu.memory_space<vmem>>[vector<16xi32>, vector<16xi32>], vector<16xf32>,
        %mul3A_360 = arith.mulf %gather3A_358, %gather3A_359 : vector<16xf32>
        %add3A_361 = arith.addf %add3A_351, %mul3A_360 : vector<16xf32>
        %add3A_362 = arith.constant 13 : i32
        %add3A_363 = vector.broadcast %add3A_362 : i32 to vector<16xi32>
        %add3A_364 = arith.addi %iota3A, %add3A_363 : vector<16xi32>
        %and3A_365 = arith.constant 63 : i32
        %and3A_366 = vector.broadcast %and3A_365 : i32 to vector<16xi32>
        %and3A_367 = arith.andi %add3A_364, %and3A_366 : vector<16xi32>
        %gather3A_368 = tpu.vector_load_idx %arg8[%add3A_201, %and3A_367] : memref<672x64xf32, #tpu.memory_space<vmem>>[vector<16xi32>, vector<16xi32>], vector<16xf32>,
        %gather3A_369 = tpu.vector_load_idx %arg10[%select_n3A_231, %and3A_367] : memref<32x64xf32, #tpu.memory_space<vmem>>[vector<16xi32>, vector<16xi32>], vector<16xf32>,
        %mul3A_370 = arith.mulf %gather3A_368, %gather3A_369 : vector<16xf32>
        %add3A_371 = arith.addf %add3A_361, %mul3A_370 : vector<16xf32>
        %add3A_372 = arith.constant 14 : i32
        %add3A_373 = vector.broadcast %add3A_372 : i32 to vector<16xi32>
        %add3A_374 = arith.addi %iota3A, %add3A_373 : vector<16xi32>
        %and3A_375 = arith.constant 63 : i32
        %and3A_376 = vector.broadcast %and3A_375 : i32 to vector<16xi32>
        %and3A_377 = arith.andi %add3A_374, %and3A_376 : vector<16xi32>
        %gather3A_378 = tpu.vector_load_idx %arg8[%add3A_201, %and3A_377] : memref<672x64xf32, #tpu.memory_space<vmem>>[vector<16xi32>, vector<16xi32>], vector<16xf32>,
        %gather3A_379 = tpu.vector_load_idx %arg10[%select_n3A_231, %and3A_377] : memref<32x64xf32, #tpu.memory_space<vmem>>[vector<16xi32>, vector<16xi32>], vector<16xf32>,
        %mul3A_380 = arith.mulf %gather3A_378, %gather3A_379 : vector<16xf32>
        %add3A_381 = arith.addf %add3A_371, %mul3A_380 : vector<16xf32>
        %add3A_382 = arith.constant 15 : i32
        %add3A_383 = vector.broadcast %add3A_382 : i32 to vector<16xi32>
        %add3A_384 = arith.addi %iota3A, %add3A_383 : vector<16xi32>
        %and3A_385 = arith.constant 63 : i32
        %and3A_386 = vector.broadcast %and3A_385 : i32 to vector<16xi32>
        %and3A_387 = arith.andi %add3A_384, %and3A_386 : vector<16xi32>
        %gather3A_388 = tpu.vector_load_idx %arg8[%add3A_201, %and3A_387] : memref<672x64xf32, #tpu.memory_space<vmem>>[vector<16xi32>, vector<16xi32>], vector<16xf32>,
        %gather3A_389 = tpu.vector_load_idx %arg10[%select_n3A_231, %and3A_387] : memref<32x64xf32, #tpu.memory_space<vmem>>[vector<16xi32>, vector<16xi32>], vector<16xf32>,
        %mul3A_390 = arith.mulf %gather3A_388, %gather3A_389 : vector<16xf32>
        %add3A_391 = arith.addf %add3A_381, %mul3A_390 : vector<16xf32>
        %add3A_392 = arith.constant 16 : i32
        %add3A_393 = vector.broadcast %add3A_392 : i32 to vector<16xi32>
        %add3A_394 = arith.addi %iota3A, %add3A_393 : vector<16xi32>
        %and3A_395 = arith.constant 63 : i32
        %and3A_396 = vector.broadcast %and3A_395 : i32 to vector<16xi32>
        %and3A_397 = arith.andi %add3A_394, %and3A_396 : vector<16xi32>
        %gather3A_398 = tpu.vector_load_idx %arg8[%add3A_201, %and3A_397] : memref<672x64xf32, #tpu.memory_space<vmem>>[vector<16xi32>, vector<16xi32>], vector<16xf32>,
        %gather3A_399 = tpu.vector_load_idx %arg10[%select_n3A_231, %and3A_397] : memref<32x64xf32, #tpu.memory_space<vmem>>[vector<16xi32>, vector<16xi32>], vector<16xf32>,
        %mul3A_400 = arith.mulf %gather3A_398, %gather3A_399 : vector<16xf32>
        %add3A_401 = arith.addf %add3A_391, %mul3A_400 : vector<16xf32>
        %add3A_402 = arith.constant 17 : i32
        %add3A_403 = vector.broadcast %add3A_402 : i32 to vector<16xi32>
        %add3A_404 = arith.addi %iota3A, %add3A_403 : vector<16xi32>
        %and3A_405 = arith.constant 63 : i32
        %and3A_406 = vector.broadcast %and3A_405 : i32 to vector<16xi32>
        %and3A_407 = arith.andi %add3A_404, %and3A_406 : vector<16xi32>
        %gather3A_408 = tpu.vector_load_idx %arg8[%add3A_201, %and3A_407] : memref<672x64xf32, #tpu.memory_space<vmem>>[vector<16xi32>, vector<16xi32>], vector<16xf32>,
        %gather3A_409 = tpu.vector_load_idx %arg10[%select_n3A_231, %and3A_407] : memref<32x64xf32, #tpu.memory_space<vmem>>[vector<16xi32>, vector<16xi32>], vector<16xf32>,
        %mul3A_410 = arith.mulf %gather3A_408, %gather3A_409 : vector<16xf32>
        %add3A_411 = arith.addf %add3A_401, %mul3A_410 : vector<16xf32>
        %add3A_412 = arith.constant 18 : i32
        %add3A_413 = vector.broadcast %add3A_412 : i32 to vector<16xi32>
        %add3A_414 = arith.addi %iota3A, %add3A_413 : vector<16xi32>
        %and3A_415 = arith.constant 63 : i32
        %and3A_416 = vector.broadcast %and3A_415 : i32 to vector<16xi32>
        %and3A_417 = arith.andi %add3A_414, %and3A_416 : vector<16xi32>
        %gather3A_418 = tpu.vector_load_idx %arg8[%add3A_201, %and3A_417] : memref<672x64xf32, #tpu.memory_space<vmem>>[vector<16xi32>, vector<16xi32>], vector<16xf32>,
        %gather3A_419 = tpu.vector_load_idx %arg10[%select_n3A_231, %and3A_417] : memref<32x64xf32, #tpu.memory_space<vmem>>[vector<16xi32>, vector<16xi32>], vector<16xf32>,
        %mul3A_420 = arith.mulf %gather3A_418, %gather3A_419 : vector<16xf32>
        %add3A_421 = arith.addf %add3A_411, %mul3A_420 : vector<16xf32>
        %add3A_422 = arith.constant 19 : i32
        %add3A_423 = vector.broadcast %add3A_422 : i32 to vector<16xi32>
        %add3A_424 = arith.addi %iota3A, %add3A_423 : vector<16xi32>
        %and3A_425 = arith.constant 63 : i32
        %and3A_426 = vector.broadcast %and3A_425 : i32 to vector<16xi32>
        %and3A_427 = arith.andi %add3A_424, %and3A_426 : vector<16xi32>
        %gather3A_428 = tpu.vector_load_idx %arg8[%add3A_201, %and3A_427] : memref<672x64xf32, #tpu.memory_space<vmem>>[vector<16xi32>, vector<16xi32>], vector<16xf32>,
        %gather3A_429 = tpu.vector_load_idx %arg10[%select_n3A_231, %and3A_427] : memref<32x64xf32, #tpu.memory_space<vmem>>[vector<16xi32>, vector<16xi32>], vector<16xf32>,
        %mul3A_430 = arith.mulf %gather3A_428, %gather3A_429 : vector<16xf32>
        %add3A_431 = arith.addf %add3A_421, %mul3A_430 : vector<16xf32>
        %add3A_432 = arith.constant 20 : i32
        %add3A_433 = vector.broadcast %add3A_432 : i32 to vector<16xi32>
        %add3A_434 = arith.addi %iota3A, %add3A_433 : vector<16xi32>
        %and3A_435 = arith.constant 63 : i32
        %and3A_436 = vector.broadcast %and3A_435 : i32 to vector<16xi32>
        %and3A_437 = arith.andi %add3A_434, %and3A_436 : vector<16xi32>
        %gather3A_438 = tpu.vector_load_idx %arg8[%add3A_201, %and3A_437] : memref<672x64xf32, #tpu.memory_space<vmem>>[vector<16xi32>, vector<16xi32>], vector<16xf32>,
        %gather3A_439 = tpu.vector_load_idx %arg10[%select_n3A_231, %and3A_437] : memref<32x64xf32, #tpu.memory_space<vmem>>[vector<16xi32>, vector<16xi32>], vector<16xf32>,
        %mul3A_440 = arith.mulf %gather3A_438, %gather3A_439 : vector<16xf32>
        %add3A_441 = arith.addf %add3A_431, %mul3A_440 : vector<16xf32>
        %add3A_442 = arith.constant 21 : i32
        %add3A_443 = vector.broadcast %add3A_442 : i32 to vector<16xi32>
        %add3A_444 = arith.addi %iota3A, %add3A_443 : vector<16xi32>
        %and3A_445 = arith.constant 63 : i32
        %and3A_446 = vector.broadcast %and3A_445 : i32 to vector<16xi32>
        %and3A_447 = arith.andi %add3A_444, %and3A_446 : vector<16xi32>
        %gather3A_448 = tpu.vector_load_idx %arg8[%add3A_201, %and3A_447] : memref<672x64xf32, #tpu.memory_space<vmem>>[vector<16xi32>, vector<16xi32>], vector<16xf32>,
        %gather3A_449 = tpu.vector_load_idx %arg10[%select_n3A_231, %and3A_447] : memref<32x64xf32, #tpu.memory_space<vmem>>[vector<16xi32>, vector<16xi32>], vector<16xf32>,
        %mul3A_450 = arith.mulf %gather3A_448, %gather3A_449 : vector<16xf32>
        %add3A_451 = arith.addf %add3A_441, %mul3A_450 : vector<16xf32>
        %add3A_452 = arith.constant 22 : i32
        %add3A_453 = vector.broadcast %add3A_452 : i32 to vector<16xi32>
        %add3A_454 = arith.addi %iota3A, %add3A_453 : vector<16xi32>
        %and3A_455 = arith.constant 63 : i32
        %and3A_456 = vector.broadcast %and3A_455 : i32 to vector<16xi32>
        %and3A_457 = arith.andi %add3A_454, %and3A_456 : vector<16xi32>
        %gather3A_458 = tpu.vector_load_idx %arg8[%add3A_201, %and3A_457] : memref<672x64xf32, #tpu.memory_space<vmem>>[vector<16xi32>, vector<16xi32>], vector<16xf32>,
        %gather3A_459 = tpu.vector_load_idx %arg10[%select_n3A_231, %and3A_457] : memref<32x64xf32, #tpu.memory_space<vmem>>[vector<16xi32>, vector<16xi32>], vector<16xf32>,
        %mul3A_460 = arith.mulf %gather3A_458, %gather3A_459 : vector<16xf32>
        %add3A_461 = arith.addf %add3A_451, %mul3A_460 : vector<16xf32>
        %add3A_462 = arith.constant 23 : i32
        %add3A_463 = vector.broadcast %add3A_462 : i32 to vector<16xi32>
        %add3A_464 = arith.addi %iota3A, %add3A_463 : vector<16xi32>
        %and3A_465 = arith.constant 63 : i32
        %and3A_466 = vector.broadcast %and3A_465 : i32 to vector<16xi32>
        %and3A_467 = arith.andi %add3A_464, %and3A_466 : vector<16xi32>
        %gather3A_468 = tpu.vector_load_idx %arg8[%add3A_201, %and3A_467] : memref<672x64xf32, #tpu.memory_space<vmem>>[vector<16xi32>, vector<16xi32>], vector<16xf32>,
        %gather3A_469 = tpu.vector_load_idx %arg10[%select_n3A_231, %and3A_467] : memref<32x64xf32, #tpu.memory_space<vmem>>[vector<16xi32>, vector<16xi32>], vector<16xf32>,
        %mul3A_470 = arith.mulf %gather3A_468, %gather3A_469 : vector<16xf32>
        %add3A_471 = arith.addf %add3A_461, %mul3A_470 : vector<16xf32>
        %add3A_472 = arith.constant 24 : i32
        %add3A_473 = vector.broadcast %add3A_472 : i32 to vector<16xi32>
        %add3A_474 = arith.addi %iota3A, %add3A_473 : vector<16xi32>
        %and3A_475 = arith.constant 63 : i32
        %and3A_476 = vector.broadcast %and3A_475 : i32 to vector<16xi32>
        %and3A_477 = arith.andi %add3A_474, %and3A_476 : vector<16xi32>
        %gather3A_478 = tpu.vector_load_idx %arg8[%add3A_201, %and3A_477] : memref<672x64xf32, #tpu.memory_space<vmem>>[vector<16xi32>, vector<16xi32>], vector<16xf32>,
        %gather3A_479 = tpu.vector_load_idx %arg10[%select_n3A_231, %and3A_477] : memref<32x64xf32, #tpu.memory_space<vmem>>[vector<16xi32>, vector<16xi32>], vector<16xf32>,
        %mul3A_480 = arith.mulf %gather3A_478, %gather3A_479 : vector<16xf32>
        %add3A_481 = arith.addf %add3A_471, %mul3A_480 : vector<16xf32>
        %add3A_482 = arith.constant 25 : i32
        %add3A_483 = vector.broadcast %add3A_482 : i32 to vector<16xi32>
        %add3A_484 = arith.addi %iota3A, %add3A_483 : vector<16xi32>
        %and3A_485 = arith.constant 63 : i32
        %and3A_486 = vector.broadcast %and3A_485 : i32 to vector<16xi32>
        %and3A_487 = arith.andi %add3A_484, %and3A_486 : vector<16xi32>
        %gather3A_488 = tpu.vector_load_idx %arg8[%add3A_201, %and3A_487] : memref<672x64xf32, #tpu.memory_space<vmem>>[vector<16xi32>, vector<16xi32>], vector<16xf32>,
        %gather3A_489 = tpu.vector_load_idx %arg10[%select_n3A_231, %and3A_487] : memref<32x64xf32, #tpu.memory_space<vmem>>[vector<16xi32>, vector<16xi32>], vector<16xf32>,
        %mul3A_490 = arith.mulf %gather3A_488, %gather3A_489 : vector<16xf32>
        %add3A_491 = arith.addf %add3A_481, %mul3A_490 : vector<16xf32>
        %add3A_492 = arith.constant 26 : i32
        %add3A_493 = vector.broadcast %add3A_492 : i32 to vector<16xi32>
        %add3A_494 = arith.addi %iota3A, %add3A_493 : vector<16xi32>
        %and3A_495 = arith.constant 63 : i32
        %and3A_496 = vector.broadcast %and3A_495 : i32 to vector<16xi32>
        %and3A_497 = arith.andi %add3A_494, %and3A_496 : vector<16xi32>
        %gather3A_498 = tpu.vector_load_idx %arg8[%add3A_201, %and3A_497] : memref<672x64xf32, #tpu.memory_space<vmem>>[vector<16xi32>, vector<16xi32>], vector<16xf32>,
        %gather3A_499 = tpu.vector_load_idx %arg10[%select_n3A_231, %and3A_497] : memref<32x64xf32, #tpu.memory_space<vmem>>[vector<16xi32>, vector<16xi32>], vector<16xf32>,
        %mul3A_500 = arith.mulf %gather3A_498, %gather3A_499 : vector<16xf32>
        %add3A_501 = arith.addf %add3A_491, %mul3A_500 : vector<16xf32>
        %add3A_502 = arith.constant 27 : i32
        %add3A_503 = vector.broadcast %add3A_502 : i32 to vector<16xi32>
        %add3A_504 = arith.addi %iota3A, %add3A_503 : vector<16xi32>
        %and3A_505 = arith.constant 63 : i32
        %and3A_506 = vector.broadcast %and3A_505 : i32 to vector<16xi32>
        %and3A_507 = arith.andi %add3A_504, %and3A_506 : vector<16xi32>
        %gather3A_508 = tpu.vector_load_idx %arg8[%add3A_201, %and3A_507] : memref<672x64xf32, #tpu.memory_space<vmem>>[vector<16xi32>, vector<16xi32>], vector<16xf32>,
        %gather3A_509 = tpu.vector_load_idx %arg10[%select_n3A_231, %and3A_507] : memref<32x64xf32, #tpu.memory_space<vmem>>[vector<16xi32>, vector<16xi32>], vector<16xf32>,
        %mul3A_510 = arith.mulf %gather3A_508, %gather3A_509 : vector<16xf32>
        %add3A_511 = arith.addf %add3A_501, %mul3A_510 : vector<16xf32>
        %add3A_512 = arith.constant 28 : i32
        %add3A_513 = vector.broadcast %add3A_512 : i32 to vector<16xi32>
        %add3A_514 = arith.addi %iota3A, %add3A_513 : vector<16xi32>
        %and3A_515 = arith.constant 63 : i32
        %and3A_516 = vector.broadcast %and3A_515 : i32 to vector<16xi32>
        %and3A_517 = arith.andi %add3A_514, %and3A_516 : vector<16xi32>
        %gather3A_518 = tpu.vector_load_idx %arg8[%add3A_201, %and3A_517] : memref<672x64xf32, #tpu.memory_space<vmem>>[vector<16xi32>, vector<16xi32>], vector<16xf32>,
        %gather3A_519 = tpu.vector_load_idx %arg10[%select_n3A_231, %and3A_517] : memref<32x64xf32, #tpu.memory_space<vmem>>[vector<16xi32>, vector<16xi32>], vector<16xf32>,
        %mul3A_520 = arith.mulf %gather3A_518, %gather3A_519 : vector<16xf32>
        %add3A_521 = arith.addf %add3A_511, %mul3A_520 : vector<16xf32>
        %add3A_522 = arith.constant 29 : i32
        %add3A_523 = vector.broadcast %add3A_522 : i32 to vector<16xi32>
        %add3A_524 = arith.addi %iota3A, %add3A_523 : vector<16xi32>
        %and3A_525 = arith.constant 63 : i32
        %and3A_526 = vector.broadcast %and3A_525 : i32 to vector<16xi32>
        %and3A_527 = arith.andi %add3A_524, %and3A_526 : vector<16xi32>
        %gather3A_528 = tpu.vector_load_idx %arg8[%add3A_201, %and3A_527] : memref<672x64xf32, #tpu.memory_space<vmem>>[vector<16xi32>, vector<16xi32>], vector<16xf32>,
        %gather3A_529 = tpu.vector_load_idx %arg10[%select_n3A_231, %and3A_527] : memref<32x64xf32, #tpu.memory_space<vmem>>[vector<16xi32>, vector<16xi32>], vector<16xf32>,
        %mul3A_530 = arith.mulf %gather3A_528, %gather3A_529 : vector<16xf32>
        %add3A_531 = arith.addf %add3A_521, %mul3A_530 : vector<16xf32>
        %add3A_532 = arith.constant 30 : i32
        %add3A_533 = vector.broadcast %add3A_532 : i32 to vector<16xi32>
        %add3A_534 = arith.addi %iota3A, %add3A_533 : vector<16xi32>
        %and3A_535 = arith.constant 63 : i32
        %and3A_536 = vector.broadcast %and3A_535 : i32 to vector<16xi32>
        %and3A_537 = arith.andi %add3A_534, %and3A_536 : vector<16xi32>
        %gather3A_538 = tpu.vector_load_idx %arg8[%add3A_201, %and3A_537] : memref<672x64xf32, #tpu.memory_space<vmem>>[vector<16xi32>, vector<16xi32>], vector<16xf32>,
        %gather3A_539 = tpu.vector_load_idx %arg10[%select_n3A_231, %and3A_537] : memref<32x64xf32, #tpu.memory_space<vmem>>[vector<16xi32>, vector<16xi32>], vector<16xf32>,
        %mul3A_540 = arith.mulf %gather3A_538, %gather3A_539 : vector<16xf32>
        %add3A_541 = arith.addf %add3A_531, %mul3A_540 : vector<16xf32>
        %add3A_542 = arith.constant 31 : i32
        %add3A_543 = vector.broadcast %add3A_542 : i32 to vector<16xi32>
        %add3A_544 = arith.addi %iota3A, %add3A_543 : vector<16xi32>
        %and3A_545 = arith.constant 63 : i32
        %and3A_546 = vector.broadcast %and3A_545 : i32 to vector<16xi32>
        %and3A_547 = arith.andi %add3A_544, %and3A_546 : vector<16xi32>
        %gather3A_548 = tpu.vector_load_idx %arg8[%add3A_201, %and3A_547] : memref<672x64xf32, #tpu.memory_space<vmem>>[vector<16xi32>, vector<16xi32>], vector<16xf32>,
        %gather3A_549 = tpu.vector_load_idx %arg10[%select_n3A_231, %and3A_547] : memref<32x64xf32, #tpu.memory_space<vmem>>[vector<16xi32>, vector<16xi32>], vector<16xf32>,
        %mul3A_550 = arith.mulf %gather3A_548, %gather3A_549 : vector<16xf32>
        %add3A_551 = arith.addf %add3A_541, %mul3A_550 : vector<16xf32>
        %add3A_552 = arith.constant 32 : i32
        %add3A_553 = vector.broadcast %add3A_552 : i32 to vector<16xi32>
        %add3A_554 = arith.addi %iota3A, %add3A_553 : vector<16xi32>
        %and3A_555 = arith.constant 63 : i32
        %and3A_556 = vector.broadcast %and3A_555 : i32 to vector<16xi32>
        %and3A_557 = arith.andi %add3A_554, %and3A_556 : vector<16xi32>
        %gather3A_558 = tpu.vector_load_idx %arg8[%add3A_201, %and3A_557] : memref<672x64xf32, #tpu.memory_space<vmem>>[vector<16xi32>, vector<16xi32>], vector<16xf32>,
        %gather3A_559 = tpu.vector_load_idx %arg10[%select_n3A_231, %and3A_557] : memref<32x64xf32, #tpu.memory_space<vmem>>[vector<16xi32>, vector<16xi32>], vector<16xf32>,
        %mul3A_560 = arith.mulf %gather3A_558, %gather3A_559 : vector<16xf32>
        %add3A_561 = arith.addf %add3A_551, %mul3A_560 : vector<16xf32>
        %add3A_562 = arith.constant 33 : i32
        %add3A_563 = vector.broadcast %add3A_562 : i32 to vector<16xi32>
        %add3A_564 = arith.addi %iota3A, %add3A_563 : vector<16xi32>
        %and3A_565 = arith.constant 63 : i32
        %and3A_566 = vector.broadcast %and3A_565 : i32 to vector<16xi32>
        %and3A_567 = arith.andi %add3A_564, %and3A_566 : vector<16xi32>
        %gather3A_568 = tpu.vector_load_idx %arg8[%add3A_201, %and3A_567] : memref<672x64xf32, #tpu.memory_space<vmem>>[vector<16xi32>, vector<16xi32>], vector<16xf32>,
        %gather3A_569 = tpu.vector_load_idx %arg10[%select_n3A_231, %and3A_567] : memref<32x64xf32, #tpu.memory_space<vmem>>[vector<16xi32>, vector<16xi32>], vector<16xf32>,
        %mul3A_570 = arith.mulf %gather3A_568, %gather3A_569 : vector<16xf32>
        %add3A_571 = arith.addf %add3A_561, %mul3A_570 : vector<16xf32>
        %add3A_572 = arith.constant 34 : i32
        %add3A_573 = vector.broadcast %add3A_572 : i32 to vector<16xi32>
        %add3A_574 = arith.addi %iota3A, %add3A_573 : vector<16xi32>
        %and3A_575 = arith.constant 63 : i32
        %and3A_576 = vector.broadcast %and3A_575 : i32 to vector<16xi32>
        %and3A_577 = arith.andi %add3A_574, %and3A_576 : vector<16xi32>
        %gather3A_578 = tpu.vector_load_idx %arg8[%add3A_201, %and3A_577] : memref<672x64xf32, #tpu.memory_space<vmem>>[vector<16xi32>, vector<16xi32>], vector<16xf32>,
        %gather3A_579 = tpu.vector_load_idx %arg10[%select_n3A_231, %and3A_577] : memref<32x64xf32, #tpu.memory_space<vmem>>[vector<16xi32>, vector<16xi32>], vector<16xf32>,
        %mul3A_580 = arith.mulf %gather3A_578, %gather3A_579 : vector<16xf32>
        %add3A_581 = arith.addf %add3A_571, %mul3A_580 : vector<16xf32>
        %add3A_582 = arith.constant 35 : i32
        %add3A_583 = vector.broadcast %add3A_582 : i32 to vector<16xi32>
        %add3A_584 = arith.addi %iota3A, %add3A_583 : vector<16xi32>
        %and3A_585 = arith.constant 63 : i32
        %and3A_586 = vector.broadcast %and3A_585 : i32 to vector<16xi32>
        %and3A_587 = arith.andi %add3A_584, %and3A_586 : vector<16xi32>
        %gather3A_588 = tpu.vector_load_idx %arg8[%add3A_201, %and3A_587] : memref<672x64xf32, #tpu.memory_space<vmem>>[vector<16xi32>, vector<16xi32>], vector<16xf32>,
        %gather3A_589 = tpu.vector_load_idx %arg10[%select_n3A_231, %and3A_587] : memref<32x64xf32, #tpu.memory_space<vmem>>[vector<16xi32>, vector<16xi32>], vector<16xf32>,
        %mul3A_590 = arith.mulf %gather3A_588, %gather3A_589 : vector<16xf32>
        %add3A_591 = arith.addf %add3A_581, %mul3A_590 : vector<16xf32>
        %add3A_592 = arith.constant 36 : i32
        %add3A_593 = vector.broadcast %add3A_592 : i32 to vector<16xi32>
        %add3A_594 = arith.addi %iota3A, %add3A_593 : vector<16xi32>
        %and3A_595 = arith.constant 63 : i32
        %and3A_596 = vector.broadcast %and3A_595 : i32 to vector<16xi32>
        %and3A_597 = arith.andi %add3A_594, %and3A_596 : vector<16xi32>
        %gather3A_598 = tpu.vector_load_idx %arg8[%add3A_201, %and3A_597] : memref<672x64xf32, #tpu.memory_space<vmem>>[vector<16xi32>, vector<16xi32>], vector<16xf32>,
        %gather3A_599 = tpu.vector_load_idx %arg10[%select_n3A_231, %and3A_597] : memref<32x64xf32, #tpu.memory_space<vmem>>[vector<16xi32>, vector<16xi32>], vector<16xf32>,
        %mul3A_600 = arith.mulf %gather3A_598, %gather3A_599 : vector<16xf32>
        %add3A_601 = arith.addf %add3A_591, %mul3A_600 : vector<16xf32>
        %add3A_602 = arith.constant 37 : i32
        %add3A_603 = vector.broadcast %add3A_602 : i32 to vector<16xi32>
        %add3A_604 = arith.addi %iota3A, %add3A_603 : vector<16xi32>
        %and3A_605 = arith.constant 63 : i32
        %and3A_606 = vector.broadcast %and3A_605 : i32 to vector<16xi32>
        %and3A_607 = arith.andi %add3A_604, %and3A_606 : vector<16xi32>
        %gather3A_608 = tpu.vector_load_idx %arg8[%add3A_201, %and3A_607] : memref<672x64xf32, #tpu.memory_space<vmem>>[vector<16xi32>, vector<16xi32>], vector<16xf32>,
        %gather3A_609 = tpu.vector_load_idx %arg10[%select_n3A_231, %and3A_607] : memref<32x64xf32, #tpu.memory_space<vmem>>[vector<16xi32>, vector<16xi32>], vector<16xf32>,
        %mul3A_610 = arith.mulf %gather3A_608, %gather3A_609 : vector<16xf32>
        %add3A_611 = arith.addf %add3A_601, %mul3A_610 : vector<16xf32>
        %add3A_612 = arith.constant 38 : i32
        %add3A_613 = vector.broadcast %add3A_612 : i32 to vector<16xi32>
        %add3A_614 = arith.addi %iota3A, %add3A_613 : vector<16xi32>
        %and3A_615 = arith.constant 63 : i32
        %and3A_616 = vector.broadcast %and3A_615 : i32 to vector<16xi32>
        %and3A_617 = arith.andi %add3A_614, %and3A_616 : vector<16xi32>
        %gather3A_618 = tpu.vector_load_idx %arg8[%add3A_201, %and3A_617] : memref<672x64xf32, #tpu.memory_space<vmem>>[vector<16xi32>, vector<16xi32>], vector<16xf32>,
        %gather3A_619 = tpu.vector_load_idx %arg10[%select_n3A_231, %and3A_617] : memref<32x64xf32, #tpu.memory_space<vmem>>[vector<16xi32>, vector<16xi32>], vector<16xf32>,
        %mul3A_620 = arith.mulf %gather3A_618, %gather3A_619 : vector<16xf32>
        %add3A_621 = arith.addf %add3A_611, %mul3A_620 : vector<16xf32>
        %add3A_622 = arith.constant 39 : i32
        %add3A_623 = vector.broadcast %add3A_622 : i32 to vector<16xi32>
        %add3A_624 = arith.addi %iota3A, %add3A_623 : vector<16xi32>
        %and3A_625 = arith.constant 63 : i32
        %and3A_626 = vector.broadcast %and3A_625 : i32 to vector<16xi32>
        %and3A_627 = arith.andi %add3A_624, %and3A_626 : vector<16xi32>
        %gather3A_628 = tpu.vector_load_idx %arg8[%add3A_201, %and3A_627] : memref<672x64xf32, #tpu.memory_space<vmem>>[vector<16xi32>, vector<16xi32>], vector<16xf32>,
        %gather3A_629 = tpu.vector_load_idx %arg10[%select_n3A_231, %and3A_627] : memref<32x64xf32, #tpu.memory_space<vmem>>[vector<16xi32>, vector<16xi32>], vector<16xf32>,
        %mul3A_630 = arith.mulf %gather3A_628, %gather3A_629 : vector<16xf32>
        %add3A_631 = arith.addf %add3A_621, %mul3A_630 : vector<16xf32>
        %add3A_632 = arith.constant 40 : i32
        %add3A_633 = vector.broadcast %add3A_632 : i32 to vector<16xi32>
        %add3A_634 = arith.addi %iota3A, %add3A_633 : vector<16xi32>
        %and3A_635 = arith.constant 63 : i32
        %and3A_636 = vector.broadcast %and3A_635 : i32 to vector<16xi32>
        %and3A_637 = arith.andi %add3A_634, %and3A_636 : vector<16xi32>
        %gather3A_638 = tpu.vector_load_idx %arg8[%add3A_201, %and3A_637] : memref<672x64xf32, #tpu.memory_space<vmem>>[vector<16xi32>, vector<16xi32>], vector<16xf32>,
        %gather3A_639 = tpu.vector_load_idx %arg10[%select_n3A_231, %and3A_637] : memref<32x64xf32, #tpu.memory_space<vmem>>[vector<16xi32>, vector<16xi32>], vector<16xf32>,
        %mul3A_640 = arith.mulf %gather3A_638, %gather3A_639 : vector<16xf32>
        %add3A_641 = arith.addf %add3A_631, %mul3A_640 : vector<16xf32>
        %add3A_642 = arith.constant 41 : i32
        %add3A_643 = vector.broadcast %add3A_642 : i32 to vector<16xi32>
        %add3A_644 = arith.addi %iota3A, %add3A_643 : vector<16xi32>
        %and3A_645 = arith.constant 63 : i32
        %and3A_646 = vector.broadcast %and3A_645 : i32 to vector<16xi32>
        %and3A_647 = arith.andi %add3A_644, %and3A_646 : vector<16xi32>
        %gather3A_648 = tpu.vector_load_idx %arg8[%add3A_201, %and3A_647] : memref<672x64xf32, #tpu.memory_space<vmem>>[vector<16xi32>, vector<16xi32>], vector<16xf32>,
        %gather3A_649 = tpu.vector_load_idx %arg10[%select_n3A_231, %and3A_647] : memref<32x64xf32, #tpu.memory_space<vmem>>[vector<16xi32>, vector<16xi32>], vector<16xf32>,
        %mul3A_650 = arith.mulf %gather3A_648, %gather3A_649 : vector<16xf32>
        %add3A_651 = arith.addf %add3A_641, %mul3A_650 : vector<16xf32>
        %add3A_652 = arith.constant 42 : i32
        %add3A_653 = vector.broadcast %add3A_652 : i32 to vector<16xi32>
        %add3A_654 = arith.addi %iota3A, %add3A_653 : vector<16xi32>
        %and3A_655 = arith.constant 63 : i32
        %and3A_656 = vector.broadcast %and3A_655 : i32 to vector<16xi32>
        %and3A_657 = arith.andi %add3A_654, %and3A_656 : vector<16xi32>
        %gather3A_658 = tpu.vector_load_idx %arg8[%add3A_201, %and3A_657] : memref<672x64xf32, #tpu.memory_space<vmem>>[vector<16xi32>, vector<16xi32>], vector<16xf32>,
        %gather3A_659 = tpu.vector_load_idx %arg10[%select_n3A_231, %and3A_657] : memref<32x64xf32, #tpu.memory_space<vmem>>[vector<16xi32>, vector<16xi32>], vector<16xf32>,
        %mul3A_660 = arith.mulf %gather3A_658, %gather3A_659 : vector<16xf32>
        %add3A_661 = arith.addf %add3A_651, %mul3A_660 : vector<16xf32>
        %add3A_662 = arith.constant 43 : i32
        %add3A_663 = vector.broadcast %add3A_662 : i32 to vector<16xi32>
        %add3A_664 = arith.addi %iota3A, %add3A_663 : vector<16xi32>
        %and3A_665 = arith.constant 63 : i32
        %and3A_666 = vector.broadcast %and3A_665 : i32 to vector<16xi32>
        %and3A_667 = arith.andi %add3A_664, %and3A_666 : vector<16xi32>
        %gather3A_668 = tpu.vector_load_idx %arg8[%add3A_201, %and3A_667] : memref<672x64xf32, #tpu.memory_space<vmem>>[vector<16xi32>, vector<16xi32>], vector<16xf32>,
        %gather3A_669 = tpu.vector_load_idx %arg10[%select_n3A_231, %and3A_667] : memref<32x64xf32, #tpu.memory_space<vmem>>[vector<16xi32>, vector<16xi32>], vector<16xf32>,
        %mul3A_670 = arith.mulf %gather3A_668, %gather3A_669 : vector<16xf32>
        %add3A_671 = arith.addf %add3A_661, %mul3A_670 : vector<16xf32>
        %add3A_672 = arith.constant 44 : i32
        %add3A_673 = vector.broadcast %add3A_672 : i32 to vector<16xi32>
        %add3A_674 = arith.addi %iota3A, %add3A_673 : vector<16xi32>
        %and3A_675 = arith.constant 63 : i32
        %and3A_676 = vector.broadcast %and3A_675 : i32 to vector<16xi32>
        %and3A_677 = arith.andi %add3A_674, %and3A_676 : vector<16xi32>
        %gather3A_678 = tpu.vector_load_idx %arg8[%add3A_201, %and3A_677] : memref<672x64xf32, #tpu.memory_space<vmem>>[vector<16xi32>, vector<16xi32>], vector<16xf32>,
        %gather3A_679 = tpu.vector_load_idx %arg10[%select_n3A_231, %and3A_677] : memref<32x64xf32, #tpu.memory_space<vmem>>[vector<16xi32>, vector<16xi32>], vector<16xf32>,
        %mul3A_680 = arith.mulf %gather3A_678, %gather3A_679 : vector<16xf32>
        %add3A_681 = arith.addf %add3A_671, %mul3A_680 : vector<16xf32>
        %add3A_682 = arith.constant 45 : i32
        %add3A_683 = vector.broadcast %add3A_682 : i32 to vector<16xi32>
        %add3A_684 = arith.addi %iota3A, %add3A_683 : vector<16xi32>
        %and3A_685 = arith.constant 63 : i32
        %and3A_686 = vector.broadcast %and3A_685 : i32 to vector<16xi32>
        %and3A_687 = arith.andi %add3A_684, %and3A_686 : vector<16xi32>
        %gather3A_688 = tpu.vector_load_idx %arg8[%add3A_201, %and3A_687] : memref<672x64xf32, #tpu.memory_space<vmem>>[vector<16xi32>, vector<16xi32>], vector<16xf32>,
        %gather3A_689 = tpu.vector_load_idx %arg10[%select_n3A_231, %and3A_687] : memref<32x64xf32, #tpu.memory_space<vmem>>[vector<16xi32>, vector<16xi32>], vector<16xf32>,
        %mul3A_690 = arith.mulf %gather3A_688, %gather3A_689 : vector<16xf32>
        %add3A_691 = arith.addf %add3A_681, %mul3A_690 : vector<16xf32>
        %add3A_692 = arith.constant 46 : i32
        %add3A_693 = vector.broadcast %add3A_692 : i32 to vector<16xi32>
        %add3A_694 = arith.addi %iota3A, %add3A_693 : vector<16xi32>
        %and3A_695 = arith.constant 63 : i32
        %and3A_696 = vector.broadcast %and3A_695 : i32 to vector<16xi32>
        %and3A_697 = arith.andi %add3A_694, %and3A_696 : vector<16xi32>
        %gather3A_698 = tpu.vector_load_idx %arg8[%add3A_201, %and3A_697] : memref<672x64xf32, #tpu.memory_space<vmem>>[vector<16xi32>, vector<16xi32>], vector<16xf32>,
        %gather3A_699 = tpu.vector_load_idx %arg10[%select_n3A_231, %and3A_697] : memref<32x64xf32, #tpu.memory_space<vmem>>[vector<16xi32>, vector<16xi32>], vector<16xf32>,
        %mul3A_700 = arith.mulf %gather3A_698, %gather3A_699 : vector<16xf32>
        %add3A_701 = arith.addf %add3A_691, %mul3A_700 : vector<16xf32>
        %add3A_702 = arith.constant 47 : i32
        %add3A_703 = vector.broadcast %add3A_702 : i32 to vector<16xi32>
        %add3A_704 = arith.addi %iota3A, %add3A_703 : vector<16xi32>
        %and3A_705 = arith.constant 63 : i32
        %and3A_706 = vector.broadcast %and3A_705 : i32 to vector<16xi32>
        %and3A_707 = arith.andi %add3A_704, %and3A_706 : vector<16xi32>
        %gather3A_708 = tpu.vector_load_idx %arg8[%add3A_201, %and3A_707] : memref<672x64xf32, #tpu.memory_space<vmem>>[vector<16xi32>, vector<16xi32>], vector<16xf32>,
        %gather3A_709 = tpu.vector_load_idx %arg10[%select_n3A_231, %and3A_707] : memref<32x64xf32, #tpu.memory_space<vmem>>[vector<16xi32>, vector<16xi32>], vector<16xf32>,
        %mul3A_710 = arith.mulf %gather3A_708, %gather3A_709 : vector<16xf32>
        %add3A_711 = arith.addf %add3A_701, %mul3A_710 : vector<16xf32>
        %add3A_712 = arith.constant 48 : i32
        %add3A_713 = vector.broadcast %add3A_712 : i32 to vector<16xi32>
        %add3A_714 = arith.addi %iota3A, %add3A_713 : vector<16xi32>
        %and3A_715 = arith.constant 63 : i32
        %and3A_716 = vector.broadcast %and3A_715 : i32 to vector<16xi32>
        %and3A_717 = arith.andi %add3A_714, %and3A_716 : vector<16xi32>
        %gather3A_718 = tpu.vector_load_idx %arg8[%add3A_201, %and3A_717] : memref<672x64xf32, #tpu.memory_space<vmem>>[vector<16xi32>, vector<16xi32>], vector<16xf32>,
        %gather3A_719 = tpu.vector_load_idx %arg10[%select_n3A_231, %and3A_717] : memref<32x64xf32, #tpu.memory_space<vmem>>[vector<16xi32>, vector<16xi32>], vector<16xf32>,
        %mul3A_720 = arith.mulf %gather3A_718, %gather3A_719 : vector<16xf32>
        %add3A_721 = arith.addf %add3A_711, %mul3A_720 : vector<16xf32>
        %add3A_722 = arith.constant 49 : i32
        %add3A_723 = vector.broadcast %add3A_722 : i32 to vector<16xi32>
        %add3A_724 = arith.addi %iota3A, %add3A_723 : vector<16xi32>
        %and3A_725 = arith.constant 63 : i32
        %and3A_726 = vector.broadcast %and3A_725 : i32 to vector<16xi32>
        %and3A_727 = arith.andi %add3A_724, %and3A_726 : vector<16xi32>
        %gather3A_728 = tpu.vector_load_idx %arg8[%add3A_201, %and3A_727] : memref<672x64xf32, #tpu.memory_space<vmem>>[vector<16xi32>, vector<16xi32>], vector<16xf32>,
        %gather3A_729 = tpu.vector_load_idx %arg10[%select_n3A_231, %and3A_727] : memref<32x64xf32, #tpu.memory_space<vmem>>[vector<16xi32>, vector<16xi32>], vector<16xf32>,
        %mul3A_730 = arith.mulf %gather3A_728, %gather3A_729 : vector<16xf32>
        %add3A_731 = arith.addf %add3A_721, %mul3A_730 : vector<16xf32>
        %add3A_732 = arith.constant 50 : i32
        %add3A_733 = vector.broadcast %add3A_732 : i32 to vector<16xi32>
        %add3A_734 = arith.addi %iota3A, %add3A_733 : vector<16xi32>
        %and3A_735 = arith.constant 63 : i32
        %and3A_736 = vector.broadcast %and3A_735 : i32 to vector<16xi32>
        %and3A_737 = arith.andi %add3A_734, %and3A_736 : vector<16xi32>
        %gather3A_738 = tpu.vector_load_idx %arg8[%add3A_201, %and3A_737] : memref<672x64xf32, #tpu.memory_space<vmem>>[vector<16xi32>, vector<16xi32>], vector<16xf32>,
        %gather3A_739 = tpu.vector_load_idx %arg10[%select_n3A_231, %and3A_737] : memref<32x64xf32, #tpu.memory_space<vmem>>[vector<16xi32>, vector<16xi32>], vector<16xf32>,
        %mul3A_740 = arith.mulf %gather3A_738, %gather3A_739 : vector<16xf32>
        %add3A_741 = arith.addf %add3A_731, %mul3A_740 : vector<16xf32>
        %add3A_742 = arith.constant 51 : i32
        %add3A_743 = vector.broadcast %add3A_742 : i32 to vector<16xi32>
        %add3A_744 = arith.addi %iota3A, %add3A_743 : vector<16xi32>
        %and3A_745 = arith.constant 63 : i32
        %and3A_746 = vector.broadcast %and3A_745 : i32 to vector<16xi32>
        %and3A_747 = arith.andi %add3A_744, %and3A_746 : vector<16xi32>
        %gather3A_748 = tpu.vector_load_idx %arg8[%add3A_201, %and3A_747] : memref<672x64xf32, #tpu.memory_space<vmem>>[vector<16xi32>, vector<16xi32>], vector<16xf32>,
        %gather3A_749 = tpu.vector_load_idx %arg10[%select_n3A_231, %and3A_747] : memref<32x64xf32, #tpu.memory_space<vmem>>[vector<16xi32>, vector<16xi32>], vector<16xf32>,
        %mul3A_750 = arith.mulf %gather3A_748, %gather3A_749 : vector<16xf32>
        %add3A_751 = arith.addf %add3A_741, %mul3A_750 : vector<16xf32>
        %add3A_752 = arith.constant 52 : i32
        %add3A_753 = vector.broadcast %add3A_752 : i32 to vector<16xi32>
        %add3A_754 = arith.addi %iota3A, %add3A_753 : vector<16xi32>
        %and3A_755 = arith.constant 63 : i32
        %and3A_756 = vector.broadcast %and3A_755 : i32 to vector<16xi32>
        %and3A_757 = arith.andi %add3A_754, %and3A_756 : vector<16xi32>
        %gather3A_758 = tpu.vector_load_idx %arg8[%add3A_201, %and3A_757] : memref<672x64xf32, #tpu.memory_space<vmem>>[vector<16xi32>, vector<16xi32>], vector<16xf32>,
        %gather3A_759 = tpu.vector_load_idx %arg10[%select_n3A_231, %and3A_757] : memref<32x64xf32, #tpu.memory_space<vmem>>[vector<16xi32>, vector<16xi32>], vector<16xf32>,
        %mul3A_760 = arith.mulf %gather3A_758, %gather3A_759 : vector<16xf32>
        %add3A_761 = arith.addf %add3A_751, %mul3A_760 : vector<16xf32>
        %add3A_762 = arith.constant 53 : i32
        %add3A_763 = vector.broadcast %add3A_762 : i32 to vector<16xi32>
        %add3A_764 = arith.addi %iota3A, %add3A_763 : vector<16xi32>
        %and3A_765 = arith.constant 63 : i32
        %and3A_766 = vector.broadcast %and3A_765 : i32 to vector<16xi32>
        %and3A_767 = arith.andi %add3A_764, %and3A_766 : vector<16xi32>
        %gather3A_768 = tpu.vector_load_idx %arg8[%add3A_201, %and3A_767] : memref<672x64xf32, #tpu.memory_space<vmem>>[vector<16xi32>, vector<16xi32>], vector<16xf32>,
        %gather3A_769 = tpu.vector_load_idx %arg10[%select_n3A_231, %and3A_767] : memref<32x64xf32, #tpu.memory_space<vmem>>[vector<16xi32>, vector<16xi32>], vector<16xf32>,
        %mul3A_770 = arith.mulf %gather3A_768, %gather3A_769 : vector<16xf32>
        %add3A_771 = arith.addf %add3A_761, %mul3A_770 : vector<16xf32>
        %add3A_772 = arith.constant 54 : i32
        %add3A_773 = vector.broadcast %add3A_772 : i32 to vector<16xi32>
        %add3A_774 = arith.addi %iota3A, %add3A_773 : vector<16xi32>
        %and3A_775 = arith.constant 63 : i32
        %and3A_776 = vector.broadcast %and3A_775 : i32 to vector<16xi32>
        %and3A_777 = arith.andi %add3A_774, %and3A_776 : vector<16xi32>
        %gather3A_778 = tpu.vector_load_idx %arg8[%add3A_201, %and3A_777] : memref<672x64xf32, #tpu.memory_space<vmem>>[vector<16xi32>, vector<16xi32>], vector<16xf32>,
        %gather3A_779 = tpu.vector_load_idx %arg10[%select_n3A_231, %and3A_777] : memref<32x64xf32, #tpu.memory_space<vmem>>[vector<16xi32>, vector<16xi32>], vector<16xf32>,
        %mul3A_780 = arith.mulf %gather3A_778, %gather3A_779 : vector<16xf32>
        %add3A_781 = arith.addf %add3A_771, %mul3A_780 : vector<16xf32>
        %add3A_782 = arith.constant 55 : i32
        %add3A_783 = vector.broadcast %add3A_782 : i32 to vector<16xi32>
        %add3A_784 = arith.addi %iota3A, %add3A_783 : vector<16xi32>
        %and3A_785 = arith.constant 63 : i32
        %and3A_786 = vector.broadcast %and3A_785 : i32 to vector<16xi32>
        %and3A_787 = arith.andi %add3A_784, %and3A_786 : vector<16xi32>
        %gather3A_788 = tpu.vector_load_idx %arg8[%add3A_201, %and3A_787] : memref<672x64xf32, #tpu.memory_space<vmem>>[vector<16xi32>, vector<16xi32>], vector<16xf32>,
        %gather3A_789 = tpu.vector_load_idx %arg10[%select_n3A_231, %and3A_787] : memref<32x64xf32, #tpu.memory_space<vmem>>[vector<16xi32>, vector<16xi32>], vector<16xf32>,
        %mul3A_790 = arith.mulf %gather3A_788, %gather3A_789 : vector<16xf32>
        %add3A_791 = arith.addf %add3A_781, %mul3A_790 : vector<16xf32>
        %add3A_792 = arith.constant 56 : i32
        %add3A_793 = vector.broadcast %add3A_792 : i32 to vector<16xi32>
        %add3A_794 = arith.addi %iota3A, %add3A_793 : vector<16xi32>
        %and3A_795 = arith.constant 63 : i32
        %and3A_796 = vector.broadcast %and3A_795 : i32 to vector<16xi32>
        %and3A_797 = arith.andi %add3A_794, %and3A_796 : vector<16xi32>
        %gather3A_798 = tpu.vector_load_idx %arg8[%add3A_201, %and3A_797] : memref<672x64xf32, #tpu.memory_space<vmem>>[vector<16xi32>, vector<16xi32>], vector<16xf32>,
        %gather3A_799 = tpu.vector_load_idx %arg10[%select_n3A_231, %and3A_797] : memref<32x64xf32, #tpu.memory_space<vmem>>[vector<16xi32>, vector<16xi32>], vector<16xf32>,
        %mul3A_800 = arith.mulf %gather3A_798, %gather3A_799 : vector<16xf32>
        %add3A_801 = arith.addf %add3A_791, %mul3A_800 : vector<16xf32>
        %add3A_802 = arith.constant 57 : i32
        %add3A_803 = vector.broadcast %add3A_802 : i32 to vector<16xi32>
        %add3A_804 = arith.addi %iota3A, %add3A_803 : vector<16xi32>
        %and3A_805 = arith.constant 63 : i32
        %and3A_806 = vector.broadcast %and3A_805 : i32 to vector<16xi32>
        %and3A_807 = arith.andi %add3A_804, %and3A_806 : vector<16xi32>
        %gather3A_808 = tpu.vector_load_idx %arg8[%add3A_201, %and3A_807] : memref<672x64xf32, #tpu.memory_space<vmem>>[vector<16xi32>, vector<16xi32>], vector<16xf32>,
        %gather3A_809 = tpu.vector_load_idx %arg10[%select_n3A_231, %and3A_807] : memref<32x64xf32, #tpu.memory_space<vmem>>[vector<16xi32>, vector<16xi32>], vector<16xf32>,
        %mul3A_810 = arith.mulf %gather3A_808, %gather3A_809 : vector<16xf32>
        %add3A_811 = arith.addf %add3A_801, %mul3A_810 : vector<16xf32>
        %add3A_812 = arith.constant 58 : i32
        %add3A_813 = vector.broadcast %add3A_812 : i32 to vector<16xi32>
        %add3A_814 = arith.addi %iota3A, %add3A_813 : vector<16xi32>
        %and3A_815 = arith.constant 63 : i32
        %and3A_816 = vector.broadcast %and3A_815 : i32 to vector<16xi32>
        %and3A_817 = arith.andi %add3A_814, %and3A_816 : vector<16xi32>
        %gather3A_818 = tpu.vector_load_idx %arg8[%add3A_201, %and3A_817] : memref<672x64xf32, #tpu.memory_space<vmem>>[vector<16xi32>, vector<16xi32>], vector<16xf32>,
        %gather3A_819 = tpu.vector_load_idx %arg10[%select_n3A_231, %and3A_817] : memref<32x64xf32, #tpu.memory_space<vmem>>[vector<16xi32>, vector<16xi32>], vector<16xf32>,
        %mul3A_820 = arith.mulf %gather3A_818, %gather3A_819 : vector<16xf32>
        %add3A_821 = arith.addf %add3A_811, %mul3A_820 : vector<16xf32>
        %add3A_822 = arith.constant 59 : i32
        %add3A_823 = vector.broadcast %add3A_822 : i32 to vector<16xi32>
        %add3A_824 = arith.addi %iota3A, %add3A_823 : vector<16xi32>
        %and3A_825 = arith.constant 63 : i32
        %and3A_826 = vector.broadcast %and3A_825 : i32 to vector<16xi32>
        %and3A_827 = arith.andi %add3A_824, %and3A_826 : vector<16xi32>
        %gather3A_828 = tpu.vector_load_idx %arg8[%add3A_201, %and3A_827] : memref<672x64xf32, #tpu.memory_space<vmem>>[vector<16xi32>, vector<16xi32>], vector<16xf32>,
        %gather3A_829 = tpu.vector_load_idx %arg10[%select_n3A_231, %and3A_827] : memref<32x64xf32, #tpu.memory_space<vmem>>[vector<16xi32>, vector<16xi32>], vector<16xf32>,
        %mul3A_830 = arith.mulf %gather3A_828, %gather3A_829 : vector<16xf32>
        %add3A_831 = arith.addf %add3A_821, %mul3A_830 : vector<16xf32>
        %add3A_832 = arith.constant 60 : i32
        %add3A_833 = vector.broadcast %add3A_832 : i32 to vector<16xi32>
        %add3A_834 = arith.addi %iota3A, %add3A_833 : vector<16xi32>
        %and3A_835 = arith.constant 63 : i32
        %and3A_836 = vector.broadcast %and3A_835 : i32 to vector<16xi32>
        %and3A_837 = arith.andi %add3A_834, %and3A_836 : vector<16xi32>
        %gather3A_838 = tpu.vector_load_idx %arg8[%add3A_201, %and3A_837] : memref<672x64xf32, #tpu.memory_space<vmem>>[vector<16xi32>, vector<16xi32>], vector<16xf32>,
        %gather3A_839 = tpu.vector_load_idx %arg10[%select_n3A_231, %and3A_837] : memref<32x64xf32, #tpu.memory_space<vmem>>[vector<16xi32>, vector<16xi32>], vector<16xf32>,
        %mul3A_840 = arith.mulf %gather3A_838, %gather3A_839 : vector<16xf32>
        %add3A_841 = arith.addf %add3A_831, %mul3A_840 : vector<16xf32>
        %add3A_842 = arith.constant 61 : i32
        %add3A_843 = vector.broadcast %add3A_842 : i32 to vector<16xi32>
        %add3A_844 = arith.addi %iota3A, %add3A_843 : vector<16xi32>
        %and3A_845 = arith.constant 63 : i32
        %and3A_846 = vector.broadcast %and3A_845 : i32 to vector<16xi32>
        %and3A_847 = arith.andi %add3A_844, %and3A_846 : vector<16xi32>
        %gather3A_848 = tpu.vector_load_idx %arg8[%add3A_201, %and3A_847] : memref<672x64xf32, #tpu.memory_space<vmem>>[vector<16xi32>, vector<16xi32>], vector<16xf32>,
        %gather3A_849 = tpu.vector_load_idx %arg10[%select_n3A_231, %and3A_847] : memref<32x64xf32, #tpu.memory_space<vmem>>[vector<16xi32>, vector<16xi32>], vector<16xf32>,
        %mul3A_850 = arith.mulf %gather3A_848, %gather3A_849 : vector<16xf32>
        %add3A_851 = arith.addf %add3A_841, %mul3A_850 : vector<16xf32>
        %add3A_852 = arith.constant 62 : i32
        %add3A_853 = vector.broadcast %add3A_852 : i32 to vector<16xi32>
        %add3A_854 = arith.addi %iota3A, %add3A_853 : vector<16xi32>
        %and3A_855 = arith.constant 63 : i32
        %and3A_856 = vector.broadcast %and3A_855 : i32 to vector<16xi32>
        %and3A_857 = arith.andi %add3A_854, %and3A_856 : vector<16xi32>
        %gather3A_858 = tpu.vector_load_idx %arg8[%add3A_201, %and3A_857] : memref<672x64xf32, #tpu.memory_space<vmem>>[vector<16xi32>, vector<16xi32>], vector<16xf32>,
        %gather3A_859 = tpu.vector_load_idx %arg10[%select_n3A_231, %and3A_857] : memref<32x64xf32, #tpu.memory_space<vmem>>[vector<16xi32>, vector<16xi32>], vector<16xf32>,
        %mul3A_860 = arith.mulf %gather3A_858, %gather3A_859 : vector<16xf32>
        %add3A_861 = arith.addf %add3A_851, %mul3A_860 : vector<16xf32>
        %add3A_862 = arith.constant 63 : i32
        %add3A_863 = vector.broadcast %add3A_862 : i32 to vector<16xi32>
        %add3A_864 = arith.addi %iota3A, %add3A_863 : vector<16xi32>
        %and3A_865 = arith.constant 63 : i32
        %and3A_866 = vector.broadcast %and3A_865 : i32 to vector<16xi32>
        %and3A_867 = arith.andi %add3A_864, %and3A_866 : vector<16xi32>
        %gather3A_868 = tpu.vector_load_idx %arg8[%add3A_201, %and3A_867] : memref<672x64xf32, #tpu.memory_space<vmem>>[vector<16xi32>, vector<16xi32>], vector<16xf32>,
        %gather3A_869 = tpu.vector_load_idx %arg10[%select_n3A_231, %and3A_867] : memref<32x64xf32, #tpu.memory_space<vmem>>[vector<16xi32>, vector<16xi32>], vector<16xf32>,
        %mul3A_870 = arith.mulf %gather3A_868, %gather3A_869 : vector<16xf32>
        %add3A_871 = arith.addf %add3A_861, %mul3A_870 : vector<16xf32>
        %mul3A_872 = arith.constant 16 : i32
        %mul3A_873 = arith.muli %scan3A_197, %mul3A_872 : i32
        %swap3A = arith.index_cast %mul3A_873 : i32 to index
        %swap3A_874 = tpu.vector_load %arg12[%swap3A] {strides = array<i32>} : memref<672xf32, #tpu.memory_space<vmem>>, vector<16xf32>,
        tpu.vector_store %arg12[%swap3A], %add3A_871 {strides = array<i32>} : memref<672xf32, #tpu.memory_space<vmem>>, vector<16xf32>,
      }
      %scan3A_186 = arith.constant 42 : i32
      %dma_start3A_187 = arith.constant 0 : i32
      %dma_start3A_188 = tpu.memref_slice %arg5[%mul3A_4, %dma_start3A_187] : memref<512x672xf32, #tpu.memory_space<hbm>> -> memref<16x672xf32, #tpu.memory_space<hbm>>
      %dma_start3A_189 = arith.constant 0 : i32
      %dma_start3A_190 = tpu.memref_slice %dma_start3A_188[%add3A_150, %dma_start3A_189] : memref<16x672xf32, #tpu.memory_space<hbm>> -> memref<1x672xf32, #tpu.memory_space<hbm>>
      %dma_start3A_191 = tpu.memref_squeeze %dma_start3A_190 : memref<1x672xf32, #tpu.memory_space<hbm>> -> memref<672xf32, #tpu.memory_space<hbm>>
      %dma_start3A_192 = arith.constant 0 : i32
      %dma_start3A_193 = tpu.memref_slice %arg5[%mul3A_4, %dma_start3A_192] : memref<512x672xf32, #tpu.memory_space<hbm>> -> memref<16x672xf32, #tpu.memory_space<hbm>>
      %dma_start3A_194 = arith.constant 0 : i32
      %dma_start3A_195 = tpu.memref_slice %dma_start3A_193[%add3A_150, %dma_start3A_194] : memref<16x672xf32, #tpu.memory_space<hbm>> -> memref<1x672xf32, #tpu.memory_space<hbm>>
      %dma_start3A_196 = tpu.memref_squeeze %dma_start3A_195 : memref<1x672xf32, #tpu.memory_space<hbm>> -> memref<672xf32, #tpu.memory_space<hbm>>
      tpu.enqueue_dma source(%arg12 : memref<672xf32, #tpu.memory_space<vmem>>) target(%dma_start3A_196 : memref<672xf32, #tpu.memory_space<hbm>>) target_semaphore(%arg16 : memref<!tpu.dma_semaphore, #tpu.memory_space<semaphore_mem>>)
    }
    %scan3A_80 = arith.constant 8 : i32
    %dma_wait3A = arith.constant 0 : i32
    %dma_wait3A_81 = arith.constant 0 : i32
    %dma_wait3A_82 = tpu.memref_slice %arg5[%mul3A_4, %dma_wait3A_81] : memref<512x672xf32, #tpu.memory_space<hbm>> -> memref<16x672xf32, #tpu.memory_space<hbm>>
    %dma_wait3A_83 = arith.constant 0 : i32
    %dma_wait3A_84 = tpu.memref_slice %dma_wait3A_82[%dma_wait3A, %dma_wait3A_83] : memref<16x672xf32, #tpu.memory_space<hbm>> -> memref<1x672xf32, #tpu.memory_space<hbm>>
    %dma_wait3A_85 = tpu.memref_squeeze %dma_wait3A_84 : memref<1x672xf32, #tpu.memory_space<hbm>> -> memref<672xf32, #tpu.memory_space<hbm>>
    %dma_wait3A_86 = arith.constant 0 : i32
    %dma_wait3A_87 = tpu.memref_slice %arg5[%mul3A_4, %dma_wait3A_86] : memref<512x672xf32, #tpu.memory_space<hbm>> -> memref<16x672xf32, #tpu.memory_space<hbm>>
    %dma_wait3A_88 = arith.constant 0 : i32
    %dma_wait3A_89 = tpu.memref_slice %dma_wait3A_87[%dma_wait3A, %dma_wait3A_88] : memref<16x672xf32, #tpu.memory_space<hbm>> -> memref<1x672xf32, #tpu.memory_space<hbm>>
    %dma_wait3A_90 = tpu.memref_squeeze %dma_wait3A_89 : memref<1x672xf32, #tpu.memory_space<hbm>> -> memref<672xf32, #tpu.memory_space<hbm>>
    tpu.wait_dma2 semaphore(%arg15 : memref<!tpu.dma_semaphore, #tpu.memory_space<semaphore_mem>>) src(%dma_wait3A_90 : memref<672xf32, #tpu.memory_space<hbm>>) dst(%arg11 : memref<672xf32, #tpu.memory_space<vmem>>)
    %dma_wait3A_91 = arith.constant 0 : i32
    %dma_wait3A_92 = arith.constant 0 : i32
    %dma_wait3A_93 = tpu.memref_slice %arg5[%mul3A_4, %dma_wait3A_92] : memref<512x672xf32, #tpu.memory_space<hbm>> -> memref<16x672xf32, #tpu.memory_space<hbm>>
    %dma_wait3A_94 = arith.constant 0 : i32
    %dma_wait3A_95 = tpu.memref_slice %dma_wait3A_93[%dma_wait3A_91, %dma_wait3A_94] : memref<16x672xf32, #tpu.memory_space<hbm>> -> memref<1x672xf32, #tpu.memory_space<hbm>>
    %dma_wait3A_96 = tpu.memref_squeeze %dma_wait3A_95 : memref<1x672xf32, #tpu.memory_space<hbm>> -> memref<672xf32, #tpu.memory_space<hbm>>
    %dma_wait3A_97 = arith.constant 0 : i32
    %dma_wait3A_98 = tpu.memref_slice %arg5[%mul3A_4, %dma_wait3A_97] : memref<512x672xf32, #tpu.memory_space<hbm>> -> memref<16x672xf32, #tpu.memory_space<hbm>>
    %dma_wait3A_99 = arith.constant 0 : i32
    %dma_wait3A_100 = tpu.memref_slice %dma_wait3A_98[%dma_wait3A_91, %dma_wait3A_99] : memref<16x672xf32, #tpu.memory_space<hbm>> -> memref<1x672xf32, #tpu.memory_space<hbm>>
    %dma_wait3A_101 = tpu.memref_squeeze %dma_wait3A_100 : memref<1x672xf32, #tpu.memory_space<hbm>> -> memref<672xf32, #tpu.memory_space<hbm>>
    tpu.wait_dma2 semaphore(%arg16 : memref<!tpu.dma_semaphore, #tpu.memory_space<semaphore_mem>>) src(%dma_wait3A_101 : memref<672xf32, #tpu.memory_space<hbm>>) dst(%arg12 : memref<672xf32, #tpu.memory_space<vmem>>)
    return
  }
}

module attributes {stable_mosaic.version = 14 : i64} {
  func.func @tc_body(%arg0: memref<512x672xf32, #tpu.memory_space<vmem>>, %arg1: memref<1x1xf32, #tpu.memory_space<vmem>>) attributes {dimension_semantics = [], scalar_prefetch = 0 : i64, scratch_operands = 0 : i64, tpu.core_type = #tpu.core_type<tc>} {
    %get3A = arith.constant 0 : index
    %get3A_0 = arith.constant 0 : index
    %get3A_1 = vector.load %arg0[%get3A, %get3A_0] : memref<512x672xf32, #tpu.memory_space<vmem>>, vector<512x672xf32>
    %iota3A = tpu.iota {dimensions = array<i32: 1>} : vector<512x672xi32>
    %lt3A = arith.constant 32 : i32
    %lt3A_2 = vector.broadcast %lt3A : i32 to vector<512x672xi32>
    %lt3A_3 = arith.cmpi slt, %iota3A, %lt3A_2 : vector<512x672xi32>
    %min3A = arith.constant 0.000000e+00 : f32
    %min3A_4 = vector.broadcast %min3A : f32 to vector<512x672xf32>
    %min3A_5 = arith.minimumf %get3A_1, %min3A_4 : vector<512x672xf32>
    %max3A = arith.constant 0.000000e+00 : f32
    %max3A_6 = vector.broadcast %max3A : f32 to vector<512x672xf32>
    %max3A_7 = arith.maximumf %get3A_1, %max3A_6 : vector<512x672xf32>
    %neg3A = arith.constant 0.000000e+00 : f32
    %neg3A_8 = vector.broadcast %neg3A : f32 to vector<512x672xf32>
    %neg3A_9 = arith.subf %neg3A_8, %max3A_7 : vector<512x672xf32>
    %select_n3A = arith.select %lt3A_3, %min3A_5, %neg3A_9 : vector<512x672xi1>, vector<512x672xf32>
    %abs3A = math.absf %get3A_1 : vector<512x672xf32>
    %neg3A_10 = arith.constant 0.000000e+00 : f32
    %neg3A_11 = vector.broadcast %neg3A_10 : f32 to vector<512x672xf32>
    %neg3A_12 = arith.subf %neg3A_11, %abs3A : vector<512x672xf32>
    %exp3A = math.exp %neg3A_12 : vector<512x672xf32>
    %log1p3A = math.log1p %exp3A : vector<512x672xf32>
    %sub3A = arith.subf %select_n3A, %log1p3A : vector<512x672xf32>
    %jit3A = arith.constant 1.000000e+00 : f32
    %jit3A_13 = arith.constant 5.000000e-02 : f32
    %broadcast_in_dim3A = vector.broadcast %jit3A : f32 to vector<512x672xf32>
    %broadcast_in_dim3A_14 = vector.broadcast %jit3A_13 : f32 to vector<512x672xf32>
    %select_n3A_15 = arith.select %lt3A_3, %broadcast_in_dim3A, %broadcast_in_dim3A_14 : vector<512x672xi1>, vector<512x672xf32>
    %mul3A = arith.mulf %select_n3A_15, %sub3A : vector<512x672xf32>
    %reduce_sum3A = vector.shape_cast %mul3A : vector<512x672xf32> to vector<1x512x672xf32>
    %reduce_sum3A_16 = arith.constant dense<0.000000e+00> : vector<1xf32>
    %reduce_sum3A_17 = vector.multi_reduction <add>, %reduce_sum3A, %reduce_sum3A_16 [1, 2] : vector<1x512x672xf32> to vector<1xf32>
    %reduce_sum3A_18 = vector.shape_cast %reduce_sum3A_17 : vector<1xf32> to vector<1x1x1xf32>
    %reduce_sum3A_19 = vector.extract %reduce_sum3A_18[0, 0, 0] : f32 from vector<1x1x1xf32>
    %neg3A_20 = arith.constant 0.000000e+00 : f32
    %neg3A_21 = arith.subf %neg3A_20, %reduce_sum3A_19 : f32
    %broadcast_in_dim3A_22 = vector.broadcast %neg3A_21 : f32 to vector<1x1xf32>
    %swap3A = arith.constant 0 : index
    %swap3A_23 = arith.constant 0 : index
    %swap3A_24 = vector.load %arg1[%swap3A, %swap3A_23] : memref<1x1xf32, #tpu.memory_space<vmem>>, vector<1x1xf32>
    tpu.vector_store %arg1[%swap3A, %swap3A_23], %broadcast_in_dim3A_22 {strides = array<i32>} : memref<1x1xf32, #tpu.memory_space<vmem>>, vector<1x1xf32>,
    return
  }
}

</mosaic_0001>

<sc_bundles>
// kernel: kernel.4.cloned.1.call-start
scs
__scs_entry_jumppad:
0x0: {  	(pc) =	sbr.rel $0x88, $3  }
0x1: {  	(tag) =	ssettag $0x0;
	lr =	simm.s32 $0x1  }
0x2: {  	[smem:$0x3F9D] =	sst lr;
	_ =	strace $0xD0000000  }
0x3: {  	_ = 	snop  }
0x4: {  	_ = 	snop  }
0x5: {  	_ = 	snop  }
0x6: {  	_ = 	snop  }
0x7: {  	_ = 	snop  }
__scs_overlays_trampoline_lowered:
0x8: {  	[smem:$0x3FAC] =	sst s0  }
0x9: {  	[smem:$0x3FAD] =	sst s1  }
0xa: {  	[smem:$0x3FAE] =	sst s2  }
0xb: {  	[smem:$0x3FAF] =	sst s3  }
0xc: {  	[smem:$0x3FB0] =	sst s4  }
0xd: {  	[smem:$0x3FB1] =	sst s5  }
0xe: {  	[smem:$0x3FB2] =	sst s6  }
0xf: {  	[smem:$0x3FB3] =	sst s7  }
0x10: {  	[smem:$0x3FB4] =	sst s8  }
0x11: {  	[smem:$0x3FB5] =	sst s9;
	s0 =	simm.s32 @!p0 $0x0  }
0x12: {  	s1 =	sld [smem:$0x3F9B];
	s0 =	simm.s32 @p0 $0x1  }
0x13: {  	[smem:$0x3FB6] =	sst s0;
	s0 =	simm.s32 @!p1 $0x0  }
0x14: {  	s2 =	sld [smem:$0x3F9A];
	s0 =	simm.s32 @p1 $0x1  }
0x15: {  	[smem:$0x3FB7] =	sst s0;
	s0 =	simm.s32 @!p2 $0x0  }
0x16: {  	s3 =	sld [smem:$0x3FDB];
	s0 =	simm.s32 @p2 $0x1  }
0x17: {  	s4 =	simm.s32 $0x1BF5;
	[smem:$0x3FB9] =	sst s0  }
0x18: {  	s0 =	sld [smem:$0x3F9C];
	_ =	swait.ge [sflag:s4], $0x0  }
0x19: {  	s7 =	sld [smem:$0x3F9D]  }
0x1a: {  	s8 =	sadd.s32 $0xFFFFE003, lr  }
0x1b: {  	s9 =	sadd.s32 $0xFFFFFEF7, lr;
	s5 =	simm.s32 $0xFFFFFFFF;
	p2 =	slt.u32 s8, $0xFFFFF086  }
0x1c: {  	p1 =	slt.u32 s9, $0xF7A;
	s5 =	simm.s32 @!p2 $0x0  }
0x1d: {  	s5 =	simm.s32 @p1 $0x1;
	p0 =	seq.s32 s7, s2  }
0x1e: {  	s7 =	smul.u32 @!p0 $0xF7A, s2;
	p2 =	seq.s32 @!p0 s5, $0x0  }
0x1f: {  	s9 =	smul.u32 $0xF7A, s1;
	s8 =	simm.s32 @!p0 $0x1BF5;
	p2 =	por !p2, p0  }
0x20: {  	[sflag:s8] =	ssyncset.s32 @!p0 $0xFFFFF086;
	s6 =	sadd.s32 @!p0 s3, s7;
	s7 =	simm.s32 @!p0 $0x108  }
0x21: {  	s3 =	sadd.s32 s3, s9;
	s6 =	sadd.s32 @!p0 $0x88, s6;
	s7 =	simm.s32 @p2 $0x1082  }
0x22: {  	[simem:s7], [sflag:s8] =	dma.local @!p0 [hbm:s6], $0xF7A  }
0x23: {  	s9 =	sor.u32 $0xD0000000, s2;
	s6 =	simm.s32 $0x108;
	_ =	swait.ge @!p0 [sflag:s8], $0x0  }
0x24: {  	s3 =	sadd.s32 $0x88, s3;
	s6 =	simm.s32 @!p1 $0x1082;
	[sflag:s4] =	ssyncset.s32 $0xFFFFF086  }
0x25: {  	[simem:s6], [sflag:s4] =	dma.local [hbm:s3], $0xF7A  }
0x26: {  	[smem:$0x3F9D] =	sst s1;
	(tag) =	ssettag s2;
	_ =	strace s9  }
0x27: {  	s1 =	sld [smem:$0x3FAD]  }
0x28: {  	s2 =	sld [smem:$0x3FAE]  }
0x29: {  	s4 =	sld [smem:$0x3FB0]  }
0x2a: {  	p0 =	seq.s32 s5, $0x0;
	s5 =	sld [smem:$0x3FB1]  }
0x2b: {  	s6 =	sld [smem:$0x3FB2]  }
0x2c: {  	s7 =	sld [smem:$0x3FB3]  }
0x2d: {  	s3 =	simm.s32 $0x108;
	s8 =	sld [smem:$0x3FB4]  }
0x2e: {  	s3 =	simm.s32 @!p0 $0x1082;
	s9 =	sld [smem:$0x3FB5]  }
0x2f: {  	lr =	sadd.s32 s0, s3;
	s0 =	sld [smem:$0x3FAC]  }
0x30: {  	s3 =	sld [smem:$0x3FAF]  }
0x31: {  	[smem:$0x3FB8] =	sst s10  }
0x32: {  	s10 =	sld [smem:$0x3FB6];
	_ =	sdelay $0x3  }
0x33: {  	p0 =	seq.s32 s10, $0x1;
	s10 =	sld [smem:$0x3FB8];
	_ =	sdelay $0x3  }
0x34: {  	[smem:$0x3FB8] =	sst s10  }
0x35: {  	s10 =	sld [smem:$0x3FB7];
	_ =	sdelay $0x3  }
0x36: {  	p1 =	seq.s32 s10, $0x1;
	s10 =	sld [smem:$0x3FB8];
	_ =	sdelay $0x3  }
0x37: {  	[smem:$0x3FB8] =	sst s10  }
0x38: {  	s10 =	sld [smem:$0x3FB9]  }
0x39: {  	_ = 	snop;
	(pc) =	sbr.ind lr, $3  }
0x3a: {  	_ = 	snop  }
0x3b: {  	_ = 	snop  }
0x3c: {  	p2 =	seq.s32 s10, $0x1;
	s10 =	sld [smem:$0x3FB8]  }
0x3d: {  	_ =	shalt  }
0x3e: {  	_ =	shalt  }
0x3f: {  	_ =	shalt  }
0x40: {  	_ =	shalt  }
0x41: {  	_ =	shalt  }
0x42: {  	_ =	shalt  }
0x43: {  	_ =	shalt  }
0x44: {  	_ =	shalt  }
0x45: {  	_ =	shalt  }
0x46: {  	_ =	shalt  }
0x47: {  	_ =	shalt  }
0x48: {  	_ =	shalt  }
0x49: {  	_ =	shalt  }
0x4a: {  	_ =	shalt  }
0x4b: {  	_ =	shalt  }
0x4c: {  	_ =	shalt  }
0x4d: {  	_ =	shalt  }
0x4e: {  	_ =	shalt  }
0x4f: {  	_ =	shalt  }
0x50: {  	_ =	shalt  }
0x51: {  	_ =	shalt  }
0x52: {  	_ =	shalt  }
0x53: {  	_ =	shalt  }
0x54: {  	_ =	shalt  }
0x55: {  	_ =	shalt  }
0x56: {  	_ =	shalt  }
0x57: {  	_ =	shalt  }
0x58: {  	_ =	shalt  }
0x59: {  	_ =	shalt  }
0x5a: {  	_ =	shalt  }
0x5b: {  	_ =	shalt  }
0x5c: {  	_ =	shalt  }
0x5d: {  	_ =	shalt  }
0x5e: {  	_ =	shalt  }
0x5f: {  	_ =	shalt  }
0x60: {  	_ =	shalt  }
0x61: {  	_ =	shalt  }
0x62: {  	_ =	shalt  }
0x63: {  	_ =	shalt  }
0x64: {  	_ =	shalt  }
0x65: {  	_ =	shalt  }
0x66: {  	_ =	shalt  }
0x67: {  	_ =	shalt  }
0x68: {  	_ =	shalt  }
0x69: {  	_ =	shalt  }
0x6a: {  	_ =	shalt  }
0x6b: {  	_ =	shalt  }
0x6c: {  	_ =	shalt  }
0x6d: {  	_ =	shalt  }
0x6e: {  	_ =	shalt  }
0x6f: {  	_ =	shalt  }
0x70: {  	_ =	shalt  }
0x71: {  	_ =	shalt  }
0x72: {  	_ =	shalt  }
0x73: {  	_ =	shalt  }
0x74: {  	_ =	shalt  }
0x75: {  	_ =	shalt  }
0x76: {  	_ =	shalt  }
0x77: {  	_ =	shalt  }
0x78: {  	_ =	shalt  }
0x79: {  	_ =	shalt  }
0x7a: {  	_ =	shalt  }
0x7b: {  	_ =	shalt  }
0x7c: {  	_ =	shalt  }
0x7d: {  	_ =	shalt  }
0x7e: {  	_ =	shalt  }
0x7f: {  	_ =	shalt  }
0x80: {  	_ =	shalt  }
0x81: {  	_ =	shalt  }
0x82: {  	_ =	shalt  }
0x83: {  	_ =	shalt  }
0x84: {  	_ =	shalt  }
0x85: {  	_ =	shalt  }
0x86: {  	_ =	shalt  }
0x87: {  	_ =	shalt  }
.Lfunc_end0:
.L_simem_size_0:
called_computation_lowered:
.L_overlay_start_0:
0x88: {  	s2 =	sld [smem:$0x3FD9]  }
0x89: {  	s3 =	sld [smem:$0x3FFE];
	_ =	sdelay $0x1  }
0x8a: {  	s1 =	srdreg.scid  }
0x8b: {  	s0 =	sand.u32 $0x1, s1  }
0x8c: {  	s16 =	sshll.u32 s0, $0xA;
	s2 =	sadd.s32 s3, s2  }
0x8d: {  	s2 =	sadd.s32 s2, s16  }
0x8e: {  	[smem:$0x3FC4] =	sst s2  }
0x8f: {  	_ = 	snop  }
0x90: {  	(tm) =	ssettm $0x1  }
0x91: {  	s17 =	sld [smem:$0x3FFB];
	_ =	sdelay $0x3  }
0x92: {  	_ =	strace s17  }
0x93: {  	s2 =	sld [smem:$0x3FFC];
	_ =	sdelay $0x3  }
0x94: {  	_ =	strace s2  }
0x95: {  	s2 =	sld [smem:$0x3FFD];
	_ =	sdelay $0x3  }
0x96: {  	_ =	strace s2  }
0x97: {  	_ =	strace $0x8FFFFFFF  }
0x98: {  	s18 =	sld [smem:$0x3FDB];
	_ =	sdelay $0x1  }
0x99: {  	s19 =	simm.s32 $_scs_section_size  }
0x9a: {  	s4 =	simm.s32 $_size__tile_overlayer_lowered;
	s5 =	simm.s32 $_tile_overlayer_lowered  }
0x9b: {  	s22 =	simm.s32 $0x1BFF;
	s21 =	sshll.u32 s5, $0x1;
	s2 =	sadd.s32 s19, s18  }
0x9c: {  	s6 =	simm.s32 $0x0;
	s20 =	sshll.u32 s4, $0x1;
	s4 =	sadd.s32 s21, s2  }
0x9d: {  	[timem:s6], [sflag:s22] =	dma.local [hbm:s4], s20  }
0x9e: {  	_ =	swait.ge [sflag:s22], s20  }
0x9f: {  	s3 =	ssub.s32 $0x0, s20;
	[sflag:s22] =	ssyncset.done $0x0  }
0xa0: {  	[sflag:s22] =	ssyncadd.s32 s3;
	_ =	sdelay $0x1  }
0xa1: {  	s23 =	simm.s32 $0x1B8B  }
0xa2: {  	_ =	swait.ge [sflag:s23], $0x1  }
0xa3: {  	[sflag:s23] =	ssyncset.done $0x0  }
0xa4: {  	s25 =	simm.s32 $0x1B8E;
	s24 =	sld [smem:$0x3FFE];
	[sflag:s23] =	ssyncadd.s32 $0xFFFFFFFF  }
0xa5: {  	s26 =	simm.s32 $execute0_lowered;
	[smem:$0x3FD2] =	sst s25  }
0xa6: {  	s4 =	sshll.u32 s26, $0x1;
	_ =	strace $0x80000046;
	[dreg:$0x1] =	wrdreg $0xFFFFFFFF  }
0xa7: {  	s28 =	simm.s32 $_size_execute0_lowered;
	s2 =	sadd.s32 s2, s4;
	[dreg:$0x0] =	wrdreg $0x0  }
0xa8: {  	s4 =	sshll.u32 s28, $0x1;
	[dreg:$0x2] =	wrdreg s2  }
0xa9: {  	[dreg:$0x3] =	wrdreg s4  }
0xaa: {  	[dreg:$0x4] =	wrdreg $0xC0  }
0xab: {  	_ =	task [dreg:s6], $0x5FFFF  }
0xac: {  	[dreg:$0x1] =	wrdreg $0xFFFFFFFF  }
0xad: {  	[dreg:$0x0] =	wrdreg $0x60  }
0xae: {  	[dreg:$0x2] =	wrdreg s24  }
0xaf: {  	[dreg:$0x3] =	wrdreg $0x9  }
0xb0: {  	_ =	task.clear_ibuf [dreg:s6], $0x4FFFF;
	_ =	strace $0x90000046  }
0xb1: {  	s29 =	simm.s32 $0x9;
	_ =	strace $0x80000048  }
0xb2: {  	_ =	swait.ge [sflag:s29], $0x1  }
0xb3: {  	[sflag:s29] =	ssyncadd.s32 $0xFFFFFFFF  }
0xb4: {  	_ =	strace $0x90000048  }
0xb5: {  	_ =	sfence  }
0xb6: {  	s30 =	sld [smem:$0x0];
	_ =	sdelay $0x2  }
0xb7: {  	s31 =	sshll.u32 s1, $0xD;
	s1 =	sshrl.u32 s1, $0x2  }
0xb8: {  	s3 =	sand.u32 $0x4000, s31;
	s1 =	sadd.s32 s1, s30  }
0xb9: {  	s0 =	sor.u32 s3, s0;
	s1 =	sshll.u32 s1, $0x11  }
0xba: {  	s0 =	sor.u32 s1, s0  }
0xbb: {  	s0 =	sadd.s32 $0x8F2B, s0  }
0xbc: {  	[sflag:s0] =	ssyncadd.remote.s32 $0x1  }
0xbd: {  	_ =	sfence.sel $0xFFFF  }
0xbe: {  	[dreg:$0x0] =	wrdreg $0xFFFFFFFF;
	(pc) =	sbr.abs _section_cstart, $3  }
0xbf: {  	[dreg:$0x1] =	wrdreg $0xFFFFFFFF  }
0xc0: {  	_ =	task.clear_ibuf [dreg:s6], $0x2FFFF;
	_ =	strace $0x9FFFFFFF  }
0xc1: {  	(tm) =	ssettm $0x7FFFFFFF  }
tec
execute0_lowered:
.L_overlay_start_1:
0x0: {  	(tag) =	ssettag $0x1  }
0x1: {  	v0 =	vimm.s32 $0xECA86420;
	v36 =	vlaneseq.u32;
	v33 =	vimm.s32 $0x34333231  }
0x2: {  	v1 =	vimm.s32 $0x3F3E3D;
	v2 =	vimm.s32 $0x32107654;
	v3 =	vimm.s32 $0x1003F3E  }
0x3: {  	v4 =	vimm.s32 $0x201003F;
	v42 =	vimm.s32 $0x3F3E3D3C;
	v5 =	vimm.s32 $0x43218765  }
0x4: {  	v6 =	vimm.s32 $0x54329876;
	v7 =	vimm.s32 $0x6543A987;
	vm12 =	vcmask $0x2F10  }
0x5: {  	v51 =	vimm.s32 $0xB0A0908;
	v0 =	vunpack.c.l.s4.s8 v0;
	v8 =	vmul.u32 $0xFFFFFFFF, v36  }
0x6: {  	v9 =	vadd.s32 $0x16, v36;
	v10 =	vadd.s32 $0x17, v36;
	v11 =	vadd.s32 $0x19, v36  }
0x7: {  	v32 =	vadd.s32 $0x1B, v36;
	v2 =	vunpack.c.l.s4.s8 v2;
	v1 =	vunpack.c.0.s8.s32 v1  }
0x8: {  	v3 =	vunpack.c.0.s8.s32 v3;
	v12 =	vunpack.c.0.s8.s32 v4;
	v5 =	vunpack.c.l.s4.s8 v5  }
0x9: {  	v13 =	vunpack.c.0.s8.s32 v42;
	v43 =	vunpack.c.l.s4.s8 v6;
	v49 =	vunpack.c.l.s4.s8 v7;
	[tilespmem:$0x1FC90] =	vst v9  }
0xa: {  	v7 =	vunpack.c.0.s8.s32 v51;
	[tilespmem:$0x1FCA0] =	vst v10;
	v9 =	vimm.s32 $0xD0C0B0A;
	v10 =	vimm.s32 $0xE0D0C0B  }
0xb: {  	[tilespmem:$0x1FCB0] =	vst v11;
	v11 =	vimm.s32 $0x38373635;
	v40 =	vunpack.c.0.s8.s32 v0;
	v48 =	vadd.s32 $0x20, v8  }
0xc: {  	v2 =	vunpack.c.0.s8.s32 v2;
	v5 =	vunpack.c.0.s8.s32 v5;
	v4 =	vunpack.c.0.s8.s32 v43  }
0xd: {  	v6 =	vunpack.c.0.s8.s32 v49;
	v8 =	vimm.s32 $0xC0B0A09;
	v9 =	vunpack.c.0.s8.s32 v9  }
0xe: {  	[tilespmem:$0x1FCC0] =	vst v32;
	v10 =	vunpack.c.0.s8.s32 v10;
	v0 =	vunpack.c.0.s8.s32 v33;
	v32 =	vunpack.c.0.s8.s32 v11  }
0xf: {  	v49 =	vimm.s32 $0x3C3B3A39;
	v33 =	vimm.s32 $0x3D3C3B3A;
	v8 =	vunpack.c.0.s8.s32 v8  }
0x10: {  	v2 =	vand.u32 $0xF, v2;
	v5 =	vand.u32 $0xF, v5;
	v4 =	vand.u32 $0xF, v4  }
0x11: {  	v6 =	vand.u32 $0xF, v6;
	v2 =	vsel vm12, v2, v13;
	v5 =	vsel vm12, v5, v1  }
0x12: {  	v4 =	vsel vm12, v4, v3;
	v6 =	vsel vm12, v6, v12;
	vm12 =	vcmask $0x3F30  }
0x13: {  	[tilespmem:$0x1FD30] =	vst v13;
	v51 =	vunpack.c.0.s8.s32 v49;
	v29 =	vsel vm12, v7, v2;
	v8 =	vsel vm12, v8, v5  }
0x14: {  	[tilespmem:$0x1FCE0] =	vst v32;
	v42 =	vsel vm12, v9, v4;
	v43 =	vsel vm12, v10, v6;
	vm12 =	vcmask $0x1F10  }
0x15: {  	[tilespmem:$0x1FCF0] =	vst v51;
	v9 =	vimm.s32 $0x35343332;
	v10 =	vimm.s32 $0x39383736;
	v4 =	vunpack.c.0.s8.s32 v33  }
0x16: {  	v33 =	vimm.s32 $0x3B3A3938;
	[tilespmem:$0x1FCD0] =	vst v8;
	v2 =	vunpack.c.0.s8.s32 v9;
	v11 =	vunpack.c.0.s8.s32 v10  }
0x17: {  	v0 =	vsel vm12, v32, v0;
	v5 =	vsel vm12, v1, v51;
	v9 =	vunpack.c.0.s8.s32 v33;
	[tilespmem:$0x1FD20] =	vst v4  }
0x18: {  	v0 =	vcombine.low v0, v5;
	[tilespmem:$0x1FD10] =	vst v11  }
0x19: {  	s4 =	simm.s32 $0x0;
	[tilespmem:$0x1FD40] =	vst v9  }
0x1a: {  	[smem:$0x7FF] =	sst s4;
	[tilespmem:$0x1FD00] =	vst v0  }
0x1b: {  	s1 =	rddreg [dreg:$0x0];
	_ =	strace $0x80000047;
	[tilespmem:$0x1FDA0] =	vst v12  }
0x1c: {  	v20 =	vadd.s32 $0x23, v36;
	[tilespmem:$0x1FE90] =	vst v43  }
0x1d: {  	v25 =	vadd.s32 $0x24, v36;
	[tilespmem:$0x1FEE0] =	vst v20  }
0x1e: {  	v18 =	vadd.s32 $0x22, v36;
	[tilespmem:$0x1FEF0] =	vst v25  }
0x1f: {  	v21 =	vadd.s32 $0x18, v36;
	[tilespmem:$0x1FF10] =	vst v18  }
0x20: {  	v17 =	vadd.s32 $0x1E, v36;
	[tilespmem:$0x1FF20] =	vst v21  }
0x21: {  	v24 =	vadd.s32 $0x1D, v36;
	[tilespmem:$0x1FF30] =	vst v17  }
0x22: {  	v22 =	vadd.s32 $0x1A, v36;
	[tilespmem:$0x1FF40] =	vst v24  }
0x23: {  	v23 =	vadd.s32 $0x1C, v36;
	[tilespmem:$0x1FF50] =	vst v22  }
0x24: {  	v26 =	vadd.s32 $0x1F, v36;
	[tilespmem:$0x1FF60] =	vst v23  }
0x25: {  	v27 =	vor.u32 $0x20, v36;
	[tilespmem:$0x1FF70] =	vst v26  }
0x26: {  	vm0 =	vcmask $0xB08;
	vm1 =	vcmask $0x1310;
	vm2 =	vcmask $0x1B18;
	[tilespmem:$0x1FF80] =	vst v27  }
0x27: {  	vm4 =	vcmask $0x300;
	vm5 =	vcmask $0x2320;
	v37 =	vor.u32 $0xFFFFFFE0, v36;
	[tilespmem:$0x1FF90] =	vst v29  }
0x28: {  	vm6 =	vcmask $0x2B28;
	v41 =	vmul.u32 $0x2, v36;
	v49 =	vimm.s32 $0x3A393837;
	[tilespmem:$0x1FFA0] =	vst v37  }
0x29: {  	v30 =	vadd.s32 $0x21, v36;
	v51 =	vimm.s32 $0x3020100;
	v32 =	vimm.s32 $0x37363534;
	[tilespmem:$0x1FFB0] =	vst v42  }
0x2a: {  	v7 =	vunpack.c.0.s8.s32 v51;
	v8 =	vunpack.c.0.s8.s32 v32;
	v51 =	vimm.s32 $0x5040302;
	[tilespmem:$0x1FFC0] =	vst v30  }
0x2b: {  	v0 =	vsel vm12, v11, v2;
	v2 =	vsel vm12, v3, v4;
	v4 =	vimm.s32 $0x36353433;
	[tilespmem:$0x1FFD0] =	vst v40  }
0x2c: {  	v11 =	vunpack.c.0.s8.s32 v49;
	v6 =	vsel vm12, v9, v8;
	v8 =	vunpack.c.0.s8.s32 v51;
	[tilespmem:$0x1FFE0] =	vst v41  }
0x2d: {  	v49 =	vimm.s32 $0x4030201;
	v15 =	vcombine.low v0, v2;
	v0 =	vunpack.c.0.s8.s32 v4;
	[tilespmem:$0x1FFF0] =	vst v48  }
0x2e: {  	v4 =	vsel vm12, v7, v13;
	v7 =	vunpack.c.0.s8.s32 v49;
	v8 =	vsel vm12, v8, v3;
	[tilespmem:$0x1FD70] =	vst v11  }
0x2f: {  	vm7 =	vcmask $0x3330;
	vm15 =	vcmask $0x3B38;
	v33 =	vimm.s32 $0x98765432;
	[tilespmem:$0x1FD60] =	vst v8  }
0x30: {  	v10 =	vimm.s32 $0x6050403;
	v32 =	vimm.s32 $0x87654321;
	v1 =	vsel vm12, v7, v1;
	[tilespmem:$0x1FEA0] =	vst v15  }
0x31: {  	v9 =	vunpack.c.l.s4.s8 v32;
	v32 =	vimm.s32 $0xA9876543;
	v0 =	vsel vm12, v11, v0;
	[tilespmem:$0x1FD50] =	vst v1  }
0x32: {  	v49 =	vunpack.c.l.s4.s8 v33;
	v51 =	vcombine.low v6, v4;
	v11 =	vadd.s32 $0x26, v36;
	[tilespmem:$0x1FD80] =	vst v0  }
0x33: {  	v3 =	vunpack.c.0.s8.s32 v10;
	v7 =	vunpack.c.l.s4.s8 v32;
	v32 =	vadd.s32 $0x27, v36;
	[tilespmem:$0x1FDE0] =	vst v11  }
0x34: {  	vm8 =	vmmov $0xff;
	vm10 =	vcmask $0x704;
	vm9 =	vcmask $0xF0C;
	[tilespmem:$0x1FDF0] =	vst v32  }
0x35: {  	v9 =	vunpack.c.0.s8.s32 v9;
	v6 =	vunpack.c.0.s8.s32 v49;
	v8 =	vsel vm12, v3, v12;
	[tilespmem:$0x1FEB0] =	vst v51  }
0x36: {  	vm13 =	vcmask $0x1714;
	v4 =	vimm.s32 $0x3E3D3C3B;
	v11 =	vadd.s32 $0x2F, v36;
	[tilespmem:$0x1FDB0] =	vst v8  }
0x37: {  	v1 =	vand.u32 $0xF, v9;
	v32 =	vor.u32 $0x30, v36;
	v49 =	vand.u32 $0xF, v6;
	[tilespmem:$0x1FE70] =	vst v11  }
0x38: {  	v6 =	vunpack.c.0.s8.s32 v7;
	v7 =	vunpack.c.0.s8.s32 v4;
	v4 =	vadd.s32 $0x28, v36;
	[tilespmem:$0x1FE80] =	vst v32  }
0x39: {  	vm14 =	vcmask $0x1F1C;
	v28 =	vcombine.low v5, v1;
	v5 =	vadd.s32 $0x29, v36;
	[tilespmem:$0x1FE00] =	vst v4  }
0x3a: {  	vm11 =	vcmask $0x2724;
	v33 =	vimm.s32 $0x76543210;
	v8 =	vadd.s32 $0x2C, v36;
	[tilespmem:$0x1FE10] =	vst v5  }
0x3b: {  	vm3 =	vcmask $0x2F2C;
	s0 =	srdreg.scid;
	s2 =	stileid.u32;
	v1 =	vunpack.c.l.s4.s8 v33;
	v33 =	vadd.s32 $0x25, v36;
	[tilespmem:$0x1FE40] =	vst v8  }
0x3c: {  	v16 =	vimm.s32 $0x0;
	v34 =	vadd.s32 $0x1, v36;
	v35 =	vadd.s32 $0x2, v36;
	s0 =	sand.u32 $0x1, s0;
	s2 =	sshll.u32 s2, $0x1;
	[tilespmem:$0x1FF00] =	vst v33  }
0x3d: {  	v53 =	vadd.s32 $0x3, v36;
	v56 =	vadd.s32 $0x4, v36;
	v57 =	vadd.s32 $0x5, v36;
	s2 =	sor.u32 s0, s2;
	[tilespmem:$0x1FD90] =	vst v7  }
0x3e: {  	v38 =	vadd.s32 $0x6, v36;
	v39 =	vadd.s32 $0x7, v36;
	s3 =	sshll.u32 s2, $0xC;
	s2 =	smul.u32 $0x540, s2;
	v10 =	vand.u32 $0xF, v6;
	[tilespmem:$0x1FEC0] =	vst v28  }
0x3f: {  	s6 =	simm.s32 $0xD200;
	s7 =	simm.s32 $0x18200;
	v44 =	vadd.s32 $0x8, v36;
	v45 =	vadd.s32 $0x9, v36;
	v6 =	vadd.s32 $0x2A, v36;
	[tilespmem:$0x1FDD0] =	vst v10  }
0x40: {  	v46 =	vadd.s32 $0xA, v36;
	s5 =	sadd.s32 $0xF42C00, s1;
	s3 =	sadd.s32 s3, s1;
	s1 =	sadd.s32 s2, s1;
	v49 =	vcombine.low v2, v49;
	v7 =	vadd.s32 $0x2B, v36;
	[tilespmem:$0x1FE20] =	vst v6  }
0x41: {  	v47 =	vadd.s32 $0xB, v36;
	v50 =	vadd.s32 $0xC, v36;
	s0 =	ssub.s32 $0x2, s0;
	s30 =	sadd.s32 $0x20800, s1;
	[dreg:$0xa] =	wrdreg s5;
	v9 =	vunpack.c.0.s8.s32 v1;
	[tilespmem:$0x1FE30] =	vst v7  }
0x42: {  	v52 =	vadd.s32 $0xD, v36;
	v54 =	vadd.s32 $0xE, v36;
	v55 =	vadd.s32 $0xF, v36;
	s29 =	sshrl.u32 s0, $0x1;
	s31 =	sadd.s32 $0x800, s3;
	[dreg:$0xb] =	wrdreg s30;
	[tilespmem:$0x1FED0] =	vst v49  }
0x43: {  	v58 =	vor.u32 $0x10, v36;
	v59 =	vadd.s32 $0x11, v36;
	s0 =	ssub.s32 s0, s29;
	s1 =	sadd.s32 $0x2B000, s1;
	[dreg:$0xc] =	wrdreg s31;
	v10 =	vadd.s32 $0x2E, v36;
	[tilespmem:$0x1FDC0] =	vst v9  }
0x44: {  	v61 =	vadd.s32 $0x12, v36;
	v62 =	vadd.s32 $0x13, v36;
	s0 =	smax.u32 s0, $0x1;
	s2 =	simm.s32 $0x2A00;
	[dreg:$0xd] =	wrdreg s1;
	v9 =	vadd.s32 $0x2D, v36;
	[tilespmem:$0x1FE60] =	vst v10  }
0x45: {  	v60 =	vadd.s32 $0x14, v36;
	v63 =	vadd.s32 $0x15, v36;
	s3 =	simm.s32 $0x0;
	[dreg:$0xe] =	wrdreg s0;
	s5 =	simm.s32 $0x17A00;
	vm12 =	vcmask $0x3734;
	[tilespmem:$0x1FE50] =	vst v9  }
.LBB2_1:
0x46: {  	[dreg:$0xf] =	wrdreg s3  }
0x47: {  	s0 =	rddreg [dreg:$0xb];
	s18 =	simm.s32 $0x5  }
0x48: {  	[tilespmem:s4], [sflag:$0x5] =	stream.linear.gather [hbm4b:s0+s4], $0x2A00, $0x38;
	[tilespmem:$0x18F40] =	vst v63  }
0x49: {  	_ =	swait.ge [sflag:s18], $0x2A00  }
0x4a: {  	[sflag:s18] =	ssyncset.done $0x0  }
0x4b: {  	s1 =	simm.s32 $0x80;
	s19 =	rddreg [dreg:$0xa];
	[sflag:s18] =	ssyncadd.s32 $0xFFFFD600  }
0x4c: {  	[tilespmem:s2], [sflag:$0x1] =	stream.indirect.gather [hbm4b:s19+s1], $0x40, s4, s1, $0xb8;
	[tilespmem:$0x18F40] =	vst v63  }
0x4d: {  	s20 =	simm.s32 $0x4A00  }
0x4e: {  	[tilespmem:s20], [sflag:$0x1] =	stream.indirect.gather [hbm4b:s19+s1], $0x40, s1, s1, $0xb8;
	[tilespmem:$0x18F40] =	vst v63  }
0x4f: {  	s21 =	simm.s32 $0x100;
	s22 =	simm.s32 $0x6A00  }
0x50: {  	[tilespmem:s22], [sflag:$0x1] =	stream.indirect.gather [hbm4b:s19+s1], $0x40, s21, s1, $0xb8;
	[tilespmem:$0x18F40] =	vst v63  }
0x51: {  	s23 =	simm.s32 $0x180;
	s24 =	simm.s32 $0x8A00  }
0x52: {  	[tilespmem:s24], [sflag:$0x1] =	stream.indirect.gather [hbm4b:s19+s1], $0x40, s23, s1, $0xb8;
	[tilespmem:$0x18F40] =	vst v63  }
0x53: {  	s25 =	simm.s32 $0x200;
	s26 =	simm.s32 $0xAA00  }
0x54: {  	[tilespmem:s26], [sflag:$0x1] =	stream.indirect.gather [hbm4b:s19+s1], $0x40, s25, s1, $0xb8;
	[tilespmem:$0x18F40] =	vst v63  }
0x55: {  	s28 =	simm.s32 $0x20;
	s29 =	simm.s32 $0x280;
	s30 =	simm.s32 $0xCA00  }
0x56: {  	[tilespmem:s30], [sflag:$0x1] =	stream.indirect.gather [hbm4b:s19+s28], $0x40, s29, s28, $0xb8;
	[tilespmem:$0x18F40] =	vst v63  }
0x57: {  	s8 =	simm.s32 $0x0;
	s31 =	rddreg [dreg:$0xc]  }
0x58: {  	[tilespmem:s5], [sflag:$0x1] =	stream.linear.gather [hbm4b:s31+s4], $0x800, $0x38;
	[tilespmem:$0x18F40] =	vst v63  }
.LBB2_2:
0x59: {  	[dreg:$0x10] =	wrdreg s8;
	s1 =	simm.s32 $0x1  }
0x5a: {  	_ =	swait.ge [sflag:s1], $0xA800  }
0x5b: {  	[sflag:s1] =	ssyncset.done $0x0  }
0x5c: {  	s9 =	sshllo.u32 s8, $0x1;
	[sflag:s1] =	ssyncadd.s32 $0xFFFF5800  }
0x5d: {  	s0 =	smul.u32 $0xA80, s9;
	_ =	swait.ge [sflag:s1], $0x800  }
0x5e: {  	s3 =	simm.s32 $0x80;
	[sflag:s1] =	ssyncset.done $0x0  }
0x5f: {  	s0 =	sshra.s32 s0, $0x2;
	s2 =	rddreg [dreg:$0xa];
	[sflag:s1] =	ssyncadd.s32 $0xFFFFF800  }
0x60: {  	[tilespmem:s6], [sflag:$0x2] =	stream.indirect.gather [hbm4b:s2+s3], $0x40, s0, s3, $0xb8;
	[tilespmem:$0x18F40] =	vst v63  }
0x61: {  	s5 =	simm.s32 $0xF200;
	s15 =	sadd.s32 $0x80, s0  }
0x62: {  	[tilespmem:s5], [sflag:$0x2] =	stream.indirect.gather [hbm4b:s2+s3], $0x40, s15, s3, $0xb8;
	[tilespmem:$0x18F40] =	vst v63  }
0x63: {  	s17 =	simm.s32 $0x11200;
	s16 =	sadd.s32 $0x100, s0  }
0x64: {  	[tilespmem:s17], [sflag:$0x2] =	stream.indirect.gather [hbm4b:s2+s3], $0x40, s16, s3, $0xb8;
	[tilespmem:$0x18F40] =	vst v63  }
0x65: {  	s19 =	simm.s32 $0x13200;
	s21 =	simm.s32 $0x15200;
	s18 =	sadd.s32 $0x180, s0  }
0x66: {  	[tilespmem:s19], [sflag:$0x2] =	stream.indirect.gather [hbm4b:s2+s3], $0x40, s18, s3, $0xb8;
	[tilespmem:$0x18F40] =	vst v63  }
0x67: {  	s22 =	simm.s32 $0x20;
	s23 =	simm.s32 $0x17200;
	s20 =	sadd.s32 $0x200, s0  }
0x68: {  	[tilespmem:s21], [sflag:$0x2] =	stream.indirect.gather [hbm4b:s2+s3], $0x40, s20, s3, $0xb8;
	[tilespmem:$0x18F40] =	vst v63  }
0x69: {  	s24 =	sshll.u32 s9, $0x8;
	s25 =	rddreg [dreg:$0xc];
	s0 =	sadd.s32 $0x280, s0  }
0x6a: {  	[tilespmem:s23], [sflag:$0x2] =	stream.indirect.gather [hbm4b:s2+s22], $0x40, s0, s22, $0xb8;
	[tilespmem:$0x18F40] =	vst v63  }
0x6b: {  	p0 =	seq.s32 s8, $0x0;
	s0 =	sadd.s32 s25, s24  }
0x6c: {  	[tilespmem:s7], [sflag:$0x2] =	stream.linear.gather [hbm4b:s0+s4], $0x800, $0x38;
	[tilespmem:$0x18F40] =	vst v63  }
0x6d: {  	[dreg:$0x11] =	wrdreg s9;
	s1 =	simm.s32 $0x0;
	s0 =	simm.s32 @!p0 $0x3  }
0x6e: {  	v0 =	vadd.s32 s1, v37;
	_ =	swait.ge @!p0 [sflag:s0], $0x2A0  }
0x6f: {  	(v2sf) =	vpush v0, $0xF  }
0x70: {  	(v2sf) =	vpush v0, $0xB  }
0x71: {  	(v2sf) =	vpush v0, $0x6  }
0x72: {  	(v2sf) =	vpush v0, $0xE  }
0x73: {  	(v2sf) =	vpush v0, $0xA  }
0x74: {  	(v2sf) =	vpush v0, $0xD  }
0x75: {  	(v2sf) =	vpush v0, $0x9  }
0x76: {  	(v2sf) =	vpush v0, $0x5  }
0x77: {  	(v2sf) =	vpush v0, $0xC  }
0x78: {  	(v2sf) =	vpush v0, $0x8;
	_ =	sdelay $0x1  }
0x79: {  	(v2sf) =	vpush v0, $0x4  }
0x7a: {  	(v2sf) =	vpush v0, $0x2  }
0x7b: {  	(v2sf) =	vpush v0, $0x1;
	_ =	sdelay $0x1  }
0x7c: {  	s26 =	spop (v2sf)  }
0x7d: {  	(v2sf) =	vpush v0, $0x0;
	s6 =	spop (v2sf);
	s12 =	smulhi.u32 $0x66666667, s26  }
0x7e: {  	s3 =	sshra.s32 s26, $0x1F;
	s2 =	spop (v2sf);
	s14 =	smulhi.u32 $0x66666667, s6  }
0x7f: {  	s25 =	smul.u32 $0x66666667, s3;
	s6 =	sshra.s32 s6, $0x1F;
	s7 =	spop (v2sf)  }
0x80: {  	(v2sf) =	vpush v0, $0x7;
	s6 =	smul.u32 $0x66666667, s6;
	s8 =	spop (v2sf)  }
0x81: {  	s15 =	smulhi.u32 $0x66666667, s7;
	s7 =	sshra.s32 s7, $0x1F;
	s30 =	spop (v2sf)  }
0x82: {  	s7 =	smul.u32 $0x66666667, s7;
	s10 =	spop (v2sf)  }
0x83: {  	s16 =	smulhi.u32 $0x66666667, s30;
	s9 =	sshra.s32 s30, $0x1F;
	s4 =	spop (v2sf)  }
0x84: {  	s3 =	smul.u32 $0x66666667, s9;
	s11 =	spop (v2sf)  }
0x85: {  	s13 =	spop (v2sf);
	s18 =	smulhi.u32 $0x66666667, s11  }
0x86: {  	s11 =	sshra.s32 s11, $0x1F;
	s20 =	smulhi.u32 $0x66666667, s13  }
0x87: {  	s5 =	spop (v2sf);
	s9 =	smul.u32 $0x66666667, s11;
	s13 =	sshra.s32 s13, $0x1F  }
0x88: {  	s17 =	spop (v2sf);
	s11 =	smul.u32 $0x66666667, s13  }
0x89: {  	s19 =	spop (v2sf);
	s9 =	sadd.s32 s9, s18;
	s18 =	smulhi.u32 $0x66666667, s17  }
0x8a: {  	s17 =	sshra.s32 s17, $0x1F;
	s30 =	smulhi.u32 $0x66666667, s19  }
0x8b: {  	s17 =	smul.u32 $0x66666667, s17  }
0x8c: {  	s21 =	spop (v2sf);
	s11 =	sadd.s32 s11, s20;
	s20 =	smulhi.u32 $0x66666667, s5  }
0x8d: {  	(v2sf) =	vpush v0, $0x3;
	s19 =	sshra.s32 s19, $0x1F;
	s23 =	smulhi.u32 $0x66666667, s21  }
0x8e: {  	s12 =	sadd.s32 s25, s12;
	s5 =	sshra.s32 s5, $0x1F;
	s19 =	smul.u32 $0x66666667, s19  }
0x8f: {  	s6 =	sadd.s32 s6, s14;
	s22 =	spop (v2sf);
	s5 =	smul.u32 $0x66666667, s5  }
0x90: {  	s7 =	sadd.s32 s7, s15;
	s21 =	sshra.s32 s21, $0x1F;
	s24 =	smulhi.u32 $0x66666667, s22  }
0x91: {  	s25 =	sshrl.u32 s12, $0x1F;
	s14 =	sshrl.u32 s7, $0x1F;
	s13 =	smul.u32 $0x66666667, s21  }
0x92: {  	s7 =	sshra.s32 s7, $0x3;
	s26 =	sshra.s32 s22, $0x1F;
	s22 =	smulhi.u32 $0x66666667, s8  }
0x93: {  	s16 =	sadd.s32 s3, s16;
	s8 =	sshra.s32 s8, $0x1F;
	s21 =	smul.u32 $0x66666667, s26  }
0x94: {  	s17 =	sadd.s32 s17, s18;
	s26 =	smulhi.u32 $0x66666667, s10;
	s10 =	sshra.s32 s10, $0x1F  }
0x95: {  	s8 =	smul.u32 $0x66666667, s8;
	s19 =	sadd.s32 s19, s30;
	s5 =	sadd.s32 s5, s20  }
0x96: {  	s13 =	sadd.s32 s13, s23;
	s10 =	smul.u32 $0x66666667, s10;
	s23 =	sshrl.u32 s11, $0x1F  }
0x97: {  	s11 =	sshra.s32 s11, $0x3;
	s3 =	sadd.s32 s21, s24;
	s21 =	sshrl.u32 s9, $0x1F  }
0x98: {  	s9 =	sshra.s32 s9, $0x3;
	s15 =	sshrl.u32 s13, $0x1F;
	s8 =	sadd.s32 s8, s22  }
0x99: {  	s22 =	sshrl.u32 s16, $0x1F;
	s16 =	sshra.s32 s16, $0x3;
	v5 =	vmov s11;
	s11 =	sshra.s32 s12, $0x3  }
0x9a: {  	s10 =	sadd.s32 s10, s26;
	s30 =	sshra.s32 s3, $0x1F;
	s18 =	sshrl.u32 s8, $0x1F  }
0x9b: {  	v3 =	vmov s23;
	s8 =	sshra.s32 s8, $0x3;
	s26 =	sshra.s32 s13, $0x3;
	s13 =	sshra.s32 s13, $0x1F;
	v1 =	vmov s30  }
0x9c: {  	v2 =	vmov s21;
	s21 =	sshrl.u32 s19, $0x1F;
	v4 =	vmov s9;
	s24 =	sshrl.u32 s10, $0x1F;
	v1 =	vsel vm4, s26, v1;
	s30 =	spop (v2sf)  }
0x9d: {  	v6 =	vmov s15;
	v2 =	vsel vm0, s22, v2;
	s26 =	sshra.s32 s19, $0x3;
	v1 =	vsel vm10, s13, v1;
	s28 =	smulhi.u32 $0x66666667, s30;
	s23 =	sshra.s32 s30, $0x1F  }
0x9e: {  	s10 =	sshra.s32 s10, $0x3;
	v4 =	vsel vm0, s16, v4;
	v6 =	vnsel vm4, $0x0, v6;
	v1 =	vsel vm0, s26, v1;
	s30 =	sshra.s32 s19, $0x1F;
	s9 =	smul.u32 $0x66666667, s23  }
0x9f: {  	s15 =	sshrl.u32 s17, $0x1F;
	s22 =	sshra.s32 s17, $0x1F;
	v3 =	vsel vm0, s24, v3;
	v5 =	vsel vm0, s10, v5;
	s19 =	sshra.s32 s17, $0x3;
	v1 =	vsel vm9, s30, v1  }
0xa0: {  	v2 =	vsel vm1, s14, v2;
	v4 =	vsel vm1, s7, v4;
	s10 =	sshra.s32 s5, $0x3;
	s13 =	sshrl.u32 s6, $0x1F;
	v1 =	vsel vm1, s19, v1;
	s9 =	sadd.s32 s9, s28  }
0xa1: {  	v6 =	vsel vm0, s21, v6;
	v3 =	vsel vm1, s18, v3;
	s23 =	smulhi.u32 $0x66666667, s4;
	s4 =	sshra.s32 s4, $0x1F;
	v1 =	vsel vm13, s22, v1;
	s24 =	sshra.s32 s9, $0x3  }
0xa2: {  	v5 =	vsel vm1, s8, v5;
	v2 =	vsel vm2, s25, v2;
	s6 =	sshra.s32 s6, $0x3;
	s4 =	smul.u32 $0x66666667, s4;
	s26 =	sshra.s32 s9, $0x1F;
	v1 =	vsel vm2, s24, v1  }
0xa3: {  	v4 =	vsel vm2, s11, v4;
	v3 =	vsel vm2, s13, v3;
	s13 =	sshra.s32 s5, $0x1F;
	s30 =	smulhi.u32 $0x66666667, s2;
	s2 =	sshra.s32 s2, $0x1F;
	v1 =	vsel vm14, s26, v1  }
0xa4: {  	v6 =	vsel vm1, s15, v6;
	v5 =	vsel vm2, s6, v5;
	s2 =	smul.u32 $0x66666667, s2;
	s4 =	sadd.s32 s4, s23;
	s9 =	sshrl.u32 s9, $0x1F;
	v1 =	vsel vm5, s10, v1  }
0xa5: {  	s5 =	sshrl.u32 s5, $0x1F;
	v2 =	vcombine.low v3, v2;
	s14 =	sshra.s32 s4, $0x3;
	v6 =	vsel vm2, s9, v6;
	v1 =	vsel vm11, s13, v1  }
0xa6: {  	v4 =	vcombine.low v5, v4;
	s2 =	sadd.s32 s2, s30;
	s15 =	sshra.s32 s4, $0x1F;
	s4 =	sshrl.u32 s4, $0x1F;
	v3 =	vsel vm5, s5, v6;
	v1 =	vsel vm6, s14, v1  }
0xa7: {  	v2 =	vperm.xlane v2, v40;
	s16 =	sshra.s32 s2, $0x3;
	s17 =	sshrl.u32 s2, $0x1F;
	v3 =	vsel vm6, s4, v3;
	v1 =	vsel vm3, s15, v1  }
0xa8: {  	v4 =	vperm.xlane v4, v40;
	s2 =	sshra.s32 s2, $0x1F;
	v3 =	vsel vm7, s17, v3;
	v1 =	vsel vm7, s16, v1  }
0xa9: {  	s18 =	sshrl.u32 s3, $0x1F;
	s19 =	sshra.s32 s3, $0x3;
	vm11 =	vlt.s32 v0, $0x1;
	v0 =	vimm.s32 $0x0;
	v1 =	vsel vm12, s2, v1  }
0xaa: {  	v3 =	vsel vm15, s18, v3;
	v0 =	vsel vm11, $0xFFFFFFFF, v0;
	v1 =	vsel vm15, s19, v1  }
0xab: {  	v3 =	vperm.xlane v3, v41;
	[tilespmem:$0x1FBE0] =	vst v0;
	v1 =	vperm.xlane v1, v41  }
0xac: {  	v0 =	vld [tilespmem:$0x1FBE0]  }
0xad: {  	v2 =	vsel vm8, v3, v2;
	v1 =	vsel vm8, v1, v4  }
0xae: {  	v1 =	vadd.s32 v2, v1  }
0xaf: {  	v2 =	vmov s1;
	v3 =	vmul.u32 $0xFFFFFFEC, v1  }
0xb0: {  	vm11 =	vmmov vm3;
	vm3 =	vmmov vm15;
	v4 =	vsub.s32 v48, v2  }
0xb1: {  	vm12 =	vmmov vm9;
	vm15 =	vnez.u8 v0;
	vm9 =	vne.s32 v3, v4  }
0xb2: {  	vm9 =	vmand vm15, vm9  }
0xb3: {  	v0 =	vsel vm9, $0xFFFFFFFF, v16  }
0xb4: {  	v4 =	vor.u32 s1, v36;
	vm9 =	vlt.u32 v2, $0x20;
	v0 =	vadd.s32 v0, v1  }
0xb5: {  	v6 =	vshll.u32 v4, $0x6;
	v0 =	vsel vm9, v4, v0  }
0xb6: {  	v1 =	vor.u32 v36, v6;
	v3 =	vshll.u32 v0, $0x6  }
0xb7: {  	v0 =	vor.u32 v36, v3  }
0xb8: {  	v2 =	vor.u32 v34, v6  }
0xb9: {  	[sflag:s0] =	ssyncset.done @!p0 $0x0;
	v4 =	vor.u32 v34, v3  }
0xba: {  	[sflag:s0] =	ssyncadd.s32 @!p0 $0xFFFFFD60;
	s13 =	simm.s32 $0x2A00;
	v5 =	vor.u32 v35, v6  }
0xbb: {  	s24 =	simm.s32 $0x17A00;
	v7 =	vor.u32 v35, v3;
	v1 =	vld.idx.msk [tilespmem:v1+s13+$0x0], $0xffff  }
0xbc: {  	v8 =	vor.u32 v53, v6;
	v0 =	vld.idx.msk [tilespmem:v0+s24+$0x0], $0xffff  }
0xbd: {  	v9 =	vor.u32 v53, v3;
	v2 =	vld.idx.msk [tilespmem:v2+s13+$0x0], $0xffff  }
0xbe: {  	v10 =	vor.u32 v56, v6;
	v4 =	vld.idx.msk [tilespmem:v4+s24+$0x0], $0xffff  }
0xbf: {  	v11 =	vor.u32 v56, v3;
	v5 =	vld.idx.msk [tilespmem:v5+s13+$0x0], $0xffff  }
0xc0: {  	v12 =	vor.u32 v57, v6;
	v7 =	vld.idx.msk [tilespmem:v7+s24+$0x0], $0xffff  }
0xc1: {  	v13 =	vor.u32 v57, v3;
	v8 =	vld.idx.msk [tilespmem:v8+s13+$0x0], $0xffff;
	v0 =	vmul.f32 v0, v1  }
0xc2: {  	v1 =	vld.idx.msk [tilespmem:v9+s24+$0x0], $0xffff;
	v9 =	vor.u32 v38, v6  }
0xc3: {  	v14 =	vor.u32 v38, v3;
	v10 =	vld.idx.msk [tilespmem:v10+s13+$0x0], $0xffff;
	v2 =	vmul.f32 v4, v2;
	v0 =	vadd.f32 $0.0e+00, v0  }
0xc4: {  	v31 =	vmov v15;
	v4 =	vld.idx.msk [tilespmem:v11+s24+$0x0], $0xffff;
	v11 =	vor.u32 v39, v6  }
0xc5: {  	v15 =	vor.u32 v39, v3;
	v12 =	vld.idx.msk [tilespmem:v12+s13+$0x0], $0xffff;
	v0 =	vadd.f32 v2, v0;
	v2 =	vmul.f32 v7, v5  }
0xc6: {  	v5 =	vld.idx.msk [tilespmem:v13+s24+$0x0], $0xffff;
	v7 =	vor.u32 v44, v6  }
0xc7: {  	v13 =	vor.u32 v44, v3;
	v9 =	vld.idx.msk [tilespmem:v9+s13+$0x0], $0xffff;
	v1 =	vmul.f32 v1, v8;
	v0 =	vadd.f32 v2, v0  }
0xc8: {  	v8 =	vor.u32 v45, v6;
	v2 =	vld.idx.msk [tilespmem:v14+s24+$0x0], $0xffff  }
0xc9: {  	v11 =	vld.idx.msk [tilespmem:v11+s13+$0x0], $0xffff;
	v14 =	vor.u32 v45, v3;
	v0 =	vadd.f32 v1, v0;
	v1 =	vmul.f32 v4, v10  }
0xca: {  	v4 =	vld.idx.msk [tilespmem:v15+s24+$0x0], $0xffff;
	v10 =	vor.u32 v46, v6  }
0xcb: {  	v15 =	vor.u32 v46, v3;
	v7 =	vld.idx.msk [tilespmem:v7+s13+$0x0], $0xffff;
	v0 =	vadd.f32 v1, v0;
	v1 =	vmul.f32 v5, v12  }
0xcc: {  	v5 =	vld.idx.msk [tilespmem:v13+s24+$0x0], $0xffff;
	v12 =	vor.u32 v47, v6  }
0xcd: {  	v8 =	vld.idx.msk [tilespmem:v8+s13+$0x0], $0xffff;
	v13 =	vor.u32 v47, v3;
	v0 =	vadd.f32 v1, v0;
	v1 =	vmul.f32 v2, v9  }
0xce: {  	v2 =	vld.idx.msk [tilespmem:v14+s24+$0x0], $0xffff;
	v9 =	vor.u32 v50, v6  }
0xcf: {  	v14 =	vor.u32 v50, v3;
	v10 =	vld.idx.msk [tilespmem:v10+s13+$0x0], $0xffff;
	v0 =	vadd.f32 v1, v0;
	v1 =	vmul.f32 v4, v11  }
0xd0: {  	v4 =	vld.idx.msk [tilespmem:v15+s24+$0x0], $0xffff;
	v11 =	vor.u32 v52, v6  }
0xd1: {  	v15 =	vor.u32 v52, v3;
	v12 =	vld.idx.msk [tilespmem:v12+s13+$0x0], $0xffff;
	v0 =	vadd.f32 v1, v0;
	v1 =	vmul.f32 v5, v7  }
0xd2: {  	v5 =	vld.idx.msk [tilespmem:v13+s24+$0x0], $0xffff;
	v7 =	vor.u32 v54, v6  }
0xd3: {  	v13 =	vor.u32 v54, v3;
	v9 =	vld.idx.msk [tilespmem:v9+s13+$0x0], $0xffff;
	v0 =	vadd.f32 v1, v0;
	v1 =	vmul.f32 v2, v8  }
0xd4: {  	v2 =	vld.idx.msk [tilespmem:v14+s24+$0x0], $0xffff;
	v8 =	vor.u32 v55, v6  }
0xd5: {  	v14 =	vor.u32 v55, v3;
	v11 =	vld.idx.msk [tilespmem:v11+s13+$0x0], $0xffff;
	v0 =	vadd.f32 v1, v0;
	v1 =	vmul.f32 v4, v10  }
0xd6: {  	v4 =	vld.idx.msk [tilespmem:v15+s24+$0x0], $0xffff;
	v10 =	vor.u32 v58, v6  }
0xd7: {  	v15 =	vor.u32 v58, v3;
	v7 =	vld.idx.msk [tilespmem:v7+s13+$0x0], $0xffff;
	v0 =	vadd.f32 v1, v0;
	v1 =	vmul.f32 v5, v12  }
0xd8: {  	v5 =	vld.idx.msk [tilespmem:v13+s24+$0x0], $0xffff  }
0xd9: {  	v8 =	vld.idx.msk [tilespmem:v8+s13+$0x0], $0xffff;
	v0 =	vadd.f32 v1, v0;
	v1 =	vmul.f32 v2, v9  }
0xda: {  	v2 =	vld.idx.msk [tilespmem:v14+s24+$0x0], $0xffff  }
0xdb: {  	v13 =	vor.u32 v59, v3;
	v10 =	vld.idx.msk [tilespmem:v10+s13+$0x0], $0xffff;
	v0 =	vadd.f32 v1, v0;
	v1 =	vmul.f32 v4, v11  }
0xdc: {  	v4 =	vld.idx.msk [tilespmem:v15+s24+$0x0], $0xffff;
	v15 =	vor.u32 v62, v3  }
0xdd: {  	v0 =	vadd.f32 v1, v0;
	v1 =	vmul.f32 v5, v7  }
0xde: {  	v12 =	vor.u32 v59, v6  }
0xdf: {  	v9 =	vor.u32 v61, v6;
	v0 =	vadd.f32 v1, v0;
	v1 =	vmul.f32 v2, v8  }
0xe0: {  	v14 =	vor.u32 v61, v3;
	v5 =	vld.idx.msk [tilespmem:v13+s24+$0x0], $0xffff  }
0xe1: {  	v11 =	vor.u32 v62, v6;
	v0 =	vadd.f32 v1, v0;
	v1 =	vmul.f32 v4, v10;
	v4 =	vld.idx.msk [tilespmem:v15+s24+$0x0], $0xffff  }
0xe2: {  	v13 =	vor.u32 v60, v6;
	v15 =	vld [tilespmem:$0x1FC90]  }
0xe3: {  	v16 =	vor.u32 v60, v3;
	v12 =	vld.idx.msk [tilespmem:v12+s13+$0x0], $0xffff  }
0xe4: {  	v9 =	vld.idx.msk [tilespmem:v9+s13+$0x0], $0xffff  }
0xe5: {  	v2 =	vld.idx.msk [tilespmem:v14+s24+$0x0], $0xffff;
	v8 =	vor.u32 v63, v6  }
0xe6: {  	v14 =	vor.u32 v63, v3;
	v11 =	vld.idx.msk [tilespmem:v11+s13+$0x0], $0xffff  }
0xe7: {  	v13 =	vld.idx.msk [tilespmem:v13+s13+$0x0], $0xffff;
	v10 =	vor.u32 v15, v6;
	v15 =	vor.u32 v15, v3  }
0xe8: {  	v0 =	vadd.f32 v1, v0;
	v1 =	vmul.f32 v5, v12;
	v5 =	vld.idx.msk [tilespmem:v16+s24+$0x0], $0xffff  }
0xe9: {  	v16 =	vld [tilespmem:$0x1FCA0]  }
0xea: {  	v8 =	vld.idx.msk [tilespmem:v8+s13+$0x0], $0xffff;
	v0 =	vadd.f32 v1, v0;
	v1 =	vmul.f32 v2, v9  }
0xeb: {  	v2 =	vld.idx.msk [tilespmem:v14+s24+$0x0], $0xffff;
	v14 =	vor.u32 v21, v3  }
0xec: {  	v0 =	vadd.f32 v1, v0;
	v1 =	vmul.f32 v4, v11;
	v4 =	vld.idx.msk [tilespmem:v15+s24+$0x0], $0xffff  }
0xed: {  	v15 =	vld [tilespmem:$0x1FCB0]  }
0xee: {  	v12 =	vor.u32 v16, v6;
	v0 =	vadd.f32 v1, v0;
	v1 =	vmul.f32 v5, v13  }
0xef: {  	v16 =	vor.u32 v16, v3  }
0xf0: {  	v0 =	vadd.f32 v1, v0;
	v1 =	vmul.f32 v2, v8;
	v2 =	vld.idx.msk [tilespmem:v14+s24+$0x0], $0xffff  }
0xf1: {  	v9 =	vor.u32 v21, v6;
	v14 =	vld [tilespmem:$0x1FCC0]  }
0xf2: {  	v10 =	vld.idx.msk [tilespmem:v10+s13+$0x0], $0xffff;
	v11 =	vor.u32 v15, v6  }
0xf3: {  	v12 =	vld.idx.msk [tilespmem:v12+s13+$0x0], $0xffff;
	v15 =	vor.u32 v15, v3  }
0xf4: {  	v13 =	vor.u32 v22, v6;
	v5 =	vld.idx.msk [tilespmem:v16+s24+$0x0], $0xffff  }
0xf5: {  	v16 =	vor.u32 v22, v3  }
0xf6: {  	v9 =	vld.idx.msk [tilespmem:v9+s13+$0x0], $0xffff;
	v8 =	vor.u32 v14, v6  }
0xf7: {  	v0 =	vadd.f32 v1, v0;
	v14 =	vor.u32 v14, v3;
	v1 =	vmul.f32 v4, v10;
	v11 =	vld.idx.msk [tilespmem:v11+s13+$0x0], $0xffff  }
0xf8: {  	v10 =	vor.u32 v23, v6;
	v4 =	vld.idx.msk [tilespmem:v15+s24+$0x0], $0xffff  }
0xf9: {  	v13 =	vld.idx.msk [tilespmem:v13+s13+$0x0], $0xffff;
	v0 =	vadd.f32 v1, v0;
	v1 =	vmul.f32 v5, v12;
	v15 =	vor.u32 v23, v3  }
0xfa: {  	v5 =	vld.idx.msk [tilespmem:v16+s24+$0x0], $0xffff;
	v12 =	vor.u32 v24, v6  }
0xfb: {  	v16 =	vor.u32 v24, v3;
	v0 =	vadd.f32 v1, v0;
	v1 =	vmul.f32 v2, v9;
	v8 =	vld.idx.msk [tilespmem:v8+s13+$0x0], $0xffff  }
0xfc: {  	v9 =	vor.u32 v17, v6;
	v2 =	vld.idx.msk [tilespmem:v14+s24+$0x0], $0xffff  }
0xfd: {  	v10 =	vld.idx.msk [tilespmem:v10+s13+$0x0], $0xffff;
	v14 =	vor.u32 v17, v3;
	v0 =	vadd.f32 v1, v0;
	v1 =	vmul.f32 v4, v11  }
0xfe: {  	v4 =	vld.idx.msk [tilespmem:v15+s24+$0x0], $0xffff;
	v11 =	vor.u32 v26, v6  }
0xff: {  	v12 =	vld.idx.msk [tilespmem:v12+s13+$0x0], $0xffff;
	v15 =	vor.u32 v26, v3;
	v0 =	vadd.f32 v1, v0;
	v1 =	vmul.f32 v5, v13  }
0x100: {  	v5 =	vld.idx.msk [tilespmem:v16+s24+$0x0], $0xffff;
	v13 =	vor.u32 v27, v6  }
0x101: {  	v9 =	vld.idx.msk [tilespmem:v9+s13+$0x0], $0xffff;
	v16 =	vor.u32 v27, v3;
	v0 =	vadd.f32 v1, v0;
	v1 =	vmul.f32 v2, v8  }
0x102: {  	v2 =	vld.idx.msk [tilespmem:v14+s24+$0x0], $0xffff;
	v8 =	vor.u32 v30, v6  }
0x103: {  	v14 =	vor.u32 v30, v3;
	v11 =	vld.idx.msk [tilespmem:v11+s13+$0x0], $0xffff;
	v0 =	vadd.f32 v1, v0;
	v1 =	vmul.f32 v4, v10  }
0x104: {  	v4 =	vld.idx.msk [tilespmem:v15+s24+$0x0], $0xffff;
	v10 =	vor.u32 v18, v6  }
0x105: {  	v15 =	vor.u32 v18, v3;
	v13 =	vld.idx.msk [tilespmem:v13+s13+$0x0], $0xffff;
	v0 =	vadd.f32 v1, v0;
	v1 =	vmul.f32 v5, v12  }
0x106: {  	v5 =	vld.idx.msk [tilespmem:v16+s24+$0x0], $0xffff;
	v12 =	vor.u32 v20, v6  }
0x107: {  	v16 =	vor.u32 v20, v3;
	v8 =	vld.idx.msk [tilespmem:v8+s13+$0x0], $0xffff;
	v0 =	vadd.f32 v1, v0;
	v1 =	vmul.f32 v2, v9  }
0x108: {  	v2 =	vld.idx.msk [tilespmem:v14+s24+$0x0], $0xffff;
	v9 =	vor.u32 v25, v6  }
0x109: {  	v14 =	vor.u32 v25, v3;
	v10 =	vld.idx.msk [tilespmem:v10+s13+$0x0], $0xffff;
	v0 =	vadd.f32 v1, v0;
	v1 =	vmul.f32 v4, v11  }
0x10a: {  	v4 =	vld.idx.msk [tilespmem:v15+s24+$0x0], $0xffff  }
0x10b: {  	v12 =	vld.idx.msk [tilespmem:v12+s13+$0x0], $0xffff;
	v0 =	vadd.f32 v1, v0;
	v1 =	vmul.f32 v5, v13  }
0x10c: {  	v5 =	vld.idx.msk [tilespmem:v16+s24+$0x0], $0xffff  }
0x10d: {  	v9 =	vld.idx.msk [tilespmem:v9+s13+$0x0], $0xffff;
	v0 =	vadd.f32 v1, v0;
	v1 =	vmul.f32 v2, v8  }
0x10e: {  	v2 =	vld.idx.msk [tilespmem:v14+s24+$0x0], $0xffff  }
0x10f: {  	v0 =	vadd.f32 v1, v0;
	v1 =	vmul.f32 v4, v10;
	_ =	sdelay $0x1  }
0x110: {  	v16 =	vld [tilespmem:$0x1FDE0];
	v0 =	vadd.f32 v1, v0;
	v1 =	vmul.f32 v5, v12  }
0x111: {  	v11 =	vor.u32 v33, v6;
	v14 =	vld [tilespmem:$0x1FDF0]  }
0x112: {  	v15 =	vor.u32 v33, v3;
	v0 =	vadd.f32 v1, v0;
	v1 =	vmul.f32 v2, v9;
	v2 =	vld [tilespmem:$0x1FD30]  }
0x113: {  	v9 =	vld [tilespmem:$0x1FD40];
	_ =	sdelay $0x1  }
0x114: {  	v43 =	vld [tilespmem:$0x1FD90];
	v13 =	vor.u32 v16, v6  }
0x115: {  	v11 =	vld.idx.msk [tilespmem:v11+s13+$0x0], $0xffff;
	v16 =	vor.u32 v16, v3  }
0x116: {  	vm9 =	vcmask $0x1F10;
	v4 =	vld.idx.msk [tilespmem:v15+s24+$0x0], $0xffff;
	v8 =	vor.u32 v14, v6;
	v14 =	vor.u32 v14, v3  }
0x117: {  	v25 =	vsel vm9, v2, v9;
	v2 =	vld [tilespmem:$0x1FE20]  }
0x118: {  	v15 =	vld [tilespmem:$0x1FE00]  }
0x119: {  	v13 =	vld.idx.msk [tilespmem:v13+s13+$0x0], $0xffff  }
0x11a: {  	v5 =	vld.idx.msk [tilespmem:v16+s24+$0x0], $0xffff  }
0x11b: {  	v9 =	vld.idx.msk [tilespmem:v14+s24+$0x0], $0xffff  }
0x11c: {  	v14 =	vor.u32 v2, v6;
	v17 =	vor.u32 v2, v3;
	v2 =	vld [tilespmem:$0x1FD70];
	_ =	sdelay $0x2  }
0x11d: {  	v0 =	vadd.f32 v1, v0;
	v1 =	vmul.f32 v4, v11  }
0x11e: {  	v10 =	vor.u32 v15, v6;
	v15 =	vor.u32 v15, v3  }
0x11f: {  	v0 =	vadd.f32 v1, v0;
	v5 =	vmul.f32 v5, v13;
	v4 =	vsel vm9, v43, v2;
	v2 =	vld [tilespmem:$0x1FE30]  }
0x120: {  	v8 =	vld.idx.msk [tilespmem:v8+s13+$0x0], $0xffff  }
0x121: {  	v24 =	vadd.f32 v5, v0;
	v0 =	vld [tilespmem:$0x1FDA0]  }
0x122: {  	v1 =	vld [tilespmem:$0x1FD10]  }
0x123: {  	v11 =	vld.idx.msk [tilespmem:v15+s24+$0x0], $0xffff  }
0x124: {  	v15 =	vor.u32 v2, v6;
	v18 =	vor.u32 v2, v3;
	v2 =	vld [tilespmem:$0x1FD20];
	_ =	sdelay $0x1  }
0x125: {  	v5 =	vmul.f32 v9, v8;
	v8 =	vsel vm9, v0, v43;
	v0 =	vld [tilespmem:$0x1FE50];
	_ =	sdelay $0x1  }
0x126: {  	v9 =	vld.idx.msk [tilespmem:v17+s24+$0x0], $0xffff  }
0x127: {  	v13 =	vsel vm9, v2, v1;
	v1 =	vld [tilespmem:$0x1FCE0]  }
0x128: {  	v2 =	vld [tilespmem:$0x1FCF0]  }
0x129: {  	v17 =	vor.u32 v0, v6;
	v23 =	vor.u32 v0, v3;
	v0 =	vld [tilespmem:$0x1FDD0];
	_ =	sdelay $0x3  }
0x12a: {  	v19 =	vsel vm9, v2, v1;
	v1 =	vld [tilespmem:$0x1FE40]  }
0x12b: {  	v43 =	vcombine.low v8, v0;
	v0 =	vld [tilespmem:$0x1FDB0];
	_ =	sdelay $0x2  }
0x12c: {  	v10 =	vld.idx.msk [tilespmem:v10+s13+$0x0], $0xffff  }
0x12d: {  	v20 =	vor.u32 v1, v6  }
0x12e: {  	v33 =	vcombine.low v4, v0;
	v0 =	vld [tilespmem:$0x1FE60];
	_ =	sdelay $0x1  }
0x12f: {  	v16 =	vld [tilespmem:$0x1FE10]  }
0x130: {  	v24 =	vadd.f32 v5, v24;
	v5 =	vmul.f32 v11, v10;
	v11 =	vld.idx.msk [tilespmem:v18+s24+$0x0], $0xffff  }
0x131: {  	v18 =	vld.idx.msk [tilespmem:v20+s13+$0x0], $0xffff  }
0x132: {  	v10 =	vor.u32 v0, v6;
	v20 =	vor.u32 v0, v3;
	v0 =	vld [tilespmem:$0x1FDC0];
	_ =	sdelay $0x2  }
0x133: {  	v12 =	vor.u32 v16, v6  }
0x134: {  	v32 =	vmov v42;
	s4 =	simm.s32 $0x10;
	v16 =	vor.u32 v16, v3  }
0x135: {  	v42 =	vmovc v51;
	v51 =	vmovc v49;
	v49 =	vmov v30;
	v7 =	vadd.s32 s4, v37;
	v30 =	vcombine.low v25, v0;
	v0 =	vld [tilespmem:$0x1FD50]  }
0x136: {  	(v2sf) =	vpush v7, $0xF  }
0x137: {  	(v2sf) =	vpush v7, $0xB  }
0x138: {  	(v2sf) =	vpush v7, $0x6;
	v12 =	vld.idx.msk [tilespmem:v12+s13+$0x0], $0xffff  }
0x139: {  	(v2sf) =	vpush v7, $0xE;
	v16 =	vld.idx.msk [tilespmem:v16+s24+$0x0], $0xffff;
	v21 =	vor.u32 v1, v3  }
0x13a: {  	(v2sf) =	vpush v7, $0xA;
	v2 =	vcombine.low v19, v0;
	v0 =	vld [tilespmem:$0x1FE70]  }
0x13b: {  	(v2sf) =	vpush v7, $0xD  }
0x13c: {  	(v2sf) =	vpush v7, $0x9  }
0x13d: {  	(v2sf) =	vpush v7, $0x5  }
0x13e: {  	(v2sf) =	vpush v7, $0xC;
	v19 =	vld.idx.msk [tilespmem:v21+s24+$0x0], $0xffff  }
0x13f: {  	v12 =	vmul.f32 v16, v12;
	v16 =	vor.u32 v0, v6;
	v21 =	vor.u32 v0, v3;
	v0 =	vld [tilespmem:$0x1FD60]  }
0x140: {  	(v2sf) =	vpush v7, $0x8  }
0x141: {  	(v2sf) =	vpush v7, $0x4  }
0x142: {  	(v2sf) =	vpush v7, $0x2  }
0x143: {  	(v2sf) =	vpush v7, $0x1  }
0x144: {  	(v2sf) =	vpush v7, $0x0;
	v4 =	vadd.f32 v5, v24;
	v5 =	vcombine.low v13, v0;
	v0 =	vld [tilespmem:$0x1FD80];
	_ =	sdelay $0x1  }
0x145: {  	(v2sf) =	vpush v7, $0x7;
	s5 =	spop (v2sf)  }
0x146: {  	s8 =	spop (v2sf)  }
0x147: {  	s0 =	spop (v2sf)  }
0x148: {  	s12 =	spop (v2sf);
	v12 =	vadd.f32 v12, v4;
	v4 =	vcombine.low v0, v8;
	v8 =	vld [tilespmem:$0x1FCD0]  }
0x149: {  	s6 =	smulhi.u32 $0x66666667, s5;
	s14 =	spop (v2sf)  }
0x14a: {  	s1 =	smulhi.u32 $0x66666667, s8;
	s8 =	sshra.s32 s8, $0x1F;
	s25 =	spop (v2sf)  }
0x14b: {  	s8 =	smul.u32 $0x66666667, s8;
	s15 =	spop (v2sf)  }
0x14c: {  	s3 =	smulhi.u32 $0x66666667, s12;
	s2 =	spop (v2sf)  }
0x14d: {  	s9 =	smulhi.u32 $0x66666667, s14;
	s20 =	spop (v2sf);
	v0 =	vor.u32 v8, v6  }
0x14e: {  	s16 =	spop (v2sf);
	s21 =	smulhi.u32 $0x66666667, s20;
	v14 =	vld.idx.msk [tilespmem:v14+s13+$0x0], $0xffff;
	[tilespmem:$0x1FC70] =	vst v0;
	v0 =	vor.u32 v32, v6  }
0x14f: {  	s22 =	sshra.s32 s20, $0x1F;
	s20 =	smulhi.u32 $0x66666667, s25;
	s7 =	spop (v2sf);
	v15 =	vld.idx.msk [tilespmem:v15+s13+$0x0], $0xffff;
	[tilespmem:$0x1FC80] =	vst v0;
	v0 =	vor.u32 v29, v6  }
0x150: {  	s23 =	smul.u32 $0x66666667, s22;
	s11 =	spop (v2sf);
	[tilespmem:$0x1FC60] =	vst v0;
	v0 =	vld [tilespmem:$0x1FE80]  }
0x151: {  	s25 =	sshra.s32 s25, $0x1F;
	s18 =	smulhi.u32 $0x66666667, s16;
	s17 =	spop (v2sf)  }
0x152: {  	s25 =	smul.u32 $0x66666667, s25;
	s19 =	sadd.s32 s23, s21;
	s21 =	spop (v2sf);
	v17 =	vld.idx.msk [tilespmem:v17+s13+$0x0], $0xffff  }
0x153: {  	s16 =	sshra.s32 s16, $0x1F;
	s26 =	sshrl.u32 s19, $0x1F;
	s30 =	smulhi.u32 $0x66666667, s21;
	v14 =	vmul.f32 v9, v14;
	v23 =	vld.idx.msk [tilespmem:v23+s24+$0x0], $0xffff  }
0x154: {  	s23 =	spop (v2sf);
	v22 =	vmov s26;
	s26 =	smul.u32 $0x66666667, s16;
	v13 =	vmul.f32 v11, v15;
	v15 =	vld.idx.msk [tilespmem:v20+s24+$0x0], $0xffff  }
0x155: {  	s21 =	sshra.s32 s21, $0x1F;
	s22 =	smulhi.u32 $0x66666667, s23;
	v12 =	vadd.f32 v14, v12;
	v14 =	vor.u32 v0, v6;
	v20 =	vor.u32 v0, v3;
	v0 =	vld [tilespmem:$0x1FD00]  }
0x156: {  	s5 =	sshra.s32 s5, $0x1F;
	(v2sf) =	vpush v7, $0x3;
	s16 =	sshra.s32 s23, $0x1F;
	s23 =	smul.u32 $0x66666667, s21  }
0x157: {  	s12 =	sshra.s32 s12, $0x1F;
	s19 =	sshra.s32 s19, $0x3;
	s28 =	smul.u32 $0x66666667, s16  }
0x158: {  	s26 =	sadd.s32 s26, s18;
	s18 =	sadd.s32 s23, s30;
	s23 =	sadd.s32 s25, s20;
	v24 =	vld.idx.msk [tilespmem:v10+s13+$0x0], $0xffff  }
0x159: {  	v27 =	vmov s19;
	s20 =	smul.u32 $0x66666667, s5;
	s5 =	sadd.s32 s28, s22;
	s22 =	sshrl.u32 s26, $0x1F;
	v18 =	vmul.f32 v19, v18;
	v16 =	vld.idx.msk [tilespmem:v16+s13+$0x0], $0xffff;
	v12 =	vadd.f32 v13, v12  }
0x15a: {  	s12 =	smul.u32 $0x66666667, s12;
	v26 =	vmov s22;
	v9 =	vmovc v28;
	v17 =	vmul.f32 v23, v17;
	v21 =	vld.idx.msk [tilespmem:v21+s24+$0x0], $0xffff;
	v25 =	vor.u32 v0, v6  }
0x15b: {  	s14 =	sshra.s32 s14, $0x1F;
	s22 =	sshrl.u32 s23, $0x1F;
	s23 =	sshra.s32 s23, $0x3;
	v13 =	vor.u32 v28, v6;
	v18 =	vadd.f32 v18, v12;
	v28 =	vor.u32 v0, v3;
	v14 =	vld.idx.msk [tilespmem:v14+s13+$0x0], $0xffff  }
0x15c: {  	v48 =	vor.u32 v31, v3;
	s3 =	sadd.s32 s12, s3;
	s21 =	smulhi.u32 $0x66666667, s17;
	s17 =	sshra.s32 s17, $0x1F;
	v22 =	vsel vm0, s22, v22;
	v27 =	vsel vm0, s23, v27;
	v20 =	vld.idx.msk [tilespmem:v20+s24+$0x0], $0xffff  }
0x15d: {  	s22 =	smul.u32 $0x66666667, s17;
	s17 =	sshrl.u32 s3, $0x1F;
	s3 =	sshra.s32 s3, $0x3;
	v23 =	vor.u32 v31, v6;
	v15 =	vmul.f32 v15, v24;
	v17 =	vadd.f32 v17, v18  }
0x15e: {  	s10 =	smulhi.u32 $0x66666667, s15;
	s30 =	sshra.s32 s15, $0x1F;
	s6 =	sadd.s32 s20, s6;
	v22 =	vsel vm1, s17, v22;
	v27 =	vsel vm1, s3, v27;
	v19 =	vor.u32 v42, v6  }
0x15f: {  	s25 =	smul.u32 $0x66666667, s30;
	s26 =	sshra.s32 s26, $0x3;
	s23 =	sshrl.u32 s6, $0x1F;
	v1 =	vor.u32 v43, v6;
	v16 =	vmul.f32 v21, v16;
	v15 =	vadd.f32 v15, v17;
	v25 =	vld.idx.msk [tilespmem:v25+s13+$0x0], $0xffff  }
0x160: {  	s14 =	smul.u32 $0x66666667, s14;
	v22 =	vsel vm2, s23, v22;
	[tilespmem:$0x1FC50] =	vst v1;
	v24 =	vmov s26;
	v1 =	vor.u32 v4, v6;
	v28 =	vld.idx.msk [tilespmem:v28+s24+$0x0], $0xffff  }
0x161: {  	s30 =	sshrl.u32 s18, $0x1F;
	s10 =	sadd.s32 s25, s10;
	s26 =	sshra.s32 s5, $0x1F;
	v15 =	vadd.f32 v16, v15;
	v14 =	vmul.f32 v20, v14;
	v20 =	vor.u32 v4, v3  }
0x162: {  	s1 =	sadd.s32 s8, s1;
	s9 =	sadd.s32 s14, s9;
	v23 =	vld.idx.msk [tilespmem:v23+s13+$0x0], $0xffff;
	v10 =	vmovc v29;
	v21 =	vor.u32 v2, v6;
	v16 =	vmov s26;
	v29 =	vmov s30;
	s30 =	sshrl.u32 s10, $0x1F  }
0x163: {  	v19 =	vld.idx.msk [tilespmem:v19+s13+$0x0], $0xffff;
	s26 =	sshra.s32 s18, $0x3;
	s10 =	sshra.s32 s10, $0x3;
	v26 =	vsel vm0, s30, v26;
	s30 =	sshrl.u32 s9, $0x1F;
	v14 =	vadd.f32 v14, v15;
	v15 =	vor.u32 v42, v3  }
0x164: {  	s8 =	sshrl.u32 s1, $0x1F;
	s1 =	sshra.s32 s1, $0x3;
	v16 =	vsel vm4, s26, v16;
	v32 =	vld.idx.msk [tilespmem:v48+s24+$0x0], $0xffff;
	v24 =	vsel vm0, s10, v24;
	v26 =	vsel vm1, s30, v26  }
0x165: {  	s16 =	smulhi.u32 $0x66666667, s11;
	s15 =	spop (v2sf);
	v31 =	vld.idx.msk [tilespmem:v1+s13+$0x0], $0xffff;
	s9 =	sshra.s32 s9, $0x3;
	v26 =	vsel vm2, s8, v26;
	v25 =	vmul.f32 v28, v25;
	v28 =	vor.u32 v2, v3  }
0x166: {  	s11 =	sshra.s32 s11, $0x1F;
	s6 =	sshra.s32 s6, $0x3;
	s26 =	smulhi.u32 $0x66666667, s15;
	v24 =	vsel vm1, s9, v24;
	v22 =	vcombine.low v26, v22;
	v26 =	vor.u32 v5, v3;
	v20 =	vld.idx.msk [tilespmem:v20+s24+$0x0], $0xffff  }
0x167: {  	v27 =	vsel vm2, s6, v27;
	v12 =	vmovc v8;
	v8 =	vor.u32 v5, v6;
	v21 =	vld.idx.msk [tilespmem:v21+s13+$0x0], $0xffff;
	s10 =	smul.u32 $0x66666667, s11;
	s30 =	sshra.s32 s15, $0x1F;
	v24 =	vsel vm2, s1, v24  }
0x168: {  	s22 =	sadd.s32 s22, s21;
	v17 =	vor.u32 v33, v6;
	v29 =	vnsel vm4, $0x0, v29;
	s14 =	smul.u32 $0x66666667, s30;
	v24 =	vcombine.low v24, v27;
	v15 =	vld.idx.msk [tilespmem:v15+s24+$0x0], $0xffff  }
0x169: {  	s12 =	sshrl.u32 s22, $0x1F;
	s10 =	sadd.s32 s10, s16;
	v27 =	vor.u32 v33, v3;
	v23 =	vmul.f32 v32, v23;
	v0 =	vld [tilespmem:$0x1FC50];
	v14 =	vadd.f32 v25, v14  }
0x16a: {  	v29 =	vsel vm0, s12, v29;
	s15 =	sshrl.u32 s10, $0x1F;
	s3 =	sadd.s32 s14, s26;
	v25 =	vld.idx.msk [tilespmem:v28+s24+$0x0], $0xffff  }
0x16b: {  	s25 =	sshra.s32 s18, $0x1F;
	v29 =	vsel vm1, s15, v29;
	s18 =	sshrl.u32 s3, $0x1F;
	v14 =	vadd.f32 v23, v14;
	v23 =	vld.idx.msk [tilespmem:v26+s24+$0x0], $0xffff;
	v20 =	vmul.f32 v20, v31  }
0x16c: {  	s29 =	smulhi.u32 $0x66666667, s7;
	s7 =	sshra.s32 s7, $0x1F;
	[tilespmem:$0x1FC30] =	vst v30;
	v18 =	vor.u32 v30, v6;
	v28 =	vsel vm2, s18, v29;
	v29 =	vor.u32 v30, v3;
	v30 =	vld.idx.msk [tilespmem:v8+s13+$0x0], $0xffff  }
0x16d: {  	v17 =	vld.idx.msk [tilespmem:v17+s13+$0x0], $0xffff;
	s16 =	smul.u32 $0x66666667, s7;
	v14 =	vadd.f32 v20, v14;
	v15 =	vmul.f32 v15, v19  }
0x16e: {  	v19 =	vld.idx.msk [tilespmem:v27+s24+$0x0], $0xffff;
	v20 =	vperm.xlane v24, v40;
	v24 =	vor.u32 v51, v3  }
0x16f: {  	s21 =	smulhi.u32 $0x66666667, s2;
	s2 =	sshra.s32 s2, $0x1F;
	s1 =	sadd.s32 s16, s29;
	v14 =	vadd.f32 v15, v14;
	v15 =	vmul.f32 v25, v21  }
0x170: {  	s2 =	smul.u32 $0x66666667, s2;
	v1 =	vld [tilespmem:$0x1FC70];
	s20 =	sshrl.u32 s1, $0x1F  }
0x171: {  	v28 =	vsel vm5, s20, v28;
	v14 =	vadd.f32 v15, v14;
	v15 =	vmul.f32 v23, v30  }
0x172: {  	s2 =	sadd.s32 s2, s21;
	v18 =	vld.idx.msk [tilespmem:v18+s13+$0x0], $0xffff  }
0x173: {  	s17 =	sshra.s32 s22, $0x3;
	s6 =	sshrl.u32 s2, $0x1F;
	v16 =	vsel vm10, s25, v16;
	v14 =	vadd.f32 v15, v14;
	v15 =	vmul.f32 v19, v17;
	v17 =	vld.idx.msk [tilespmem:v24+s24+$0x0], $0xffff  }
0x174: {  	s19 =	sshra.s32 s22, $0x1F;
	v16 =	vsel vm0, s17, v16;
	v25 =	vsel vm6, s6, v28;
	v28 =	vmovc v12;
	v24 =	vor.u32 v12, v3;
	v12 =	vld.idx.msk [tilespmem:v0+s13+$0x0], $0xffff  }
0x175: {  	v16 =	vsel vm12, s19, v16;
	s22 =	sshra.s32 s10, $0x3;
	v26 =	vor.u32 v9, v3;
	v0 =	vld [tilespmem:$0x1FC60]  }
0x176: {  	s23 =	sshra.s32 s10, $0x1F;
	v16 =	vsel vm1, s22, v16;
	v27 =	vor.u32 v43, v3;
	v21 =	vld.idx.msk [tilespmem:v29+s24+$0x0], $0xffff  }
0x177: {  	v13 =	vld.idx.msk [tilespmem:v13+s13+$0x0], $0xffff;
	v16 =	vsel vm13, s23, v16;
	s26 =	sshra.s32 s3, $0x3  }
0x178: {  	[tilespmem:$0x1FC10] =	vst v5;
	v5 =	vmov v9;
	s3 =	sshra.s32 s3, $0x1F;
	v16 =	vsel vm2, s26, v16;
	v9 =	vld.idx.msk [tilespmem:v1+s13+$0x0], $0xffff  }
0x179: {  	s25 =	smulhi.u32 $0x66666667, s0;
	s0 =	sshra.s32 s0, $0x1F;
	s30 =	sshra.s32 s1, $0x3;
	v16 =	vsel vm14, s3, v16;
	v1 =	vld [tilespmem:$0x1FC80]  }
0x17a: {  	vm15 =	vcmask $0x2724;
	v11 =	vor.u32 v51, v6;
	s0 =	smul.u32 $0x66666667, s0;
	s1 =	sshra.s32 s1, $0x1F;
	v16 =	vsel vm5, s30, v16;
	v23 =	vld.idx.msk [tilespmem:v26+s24+$0x0], $0xffff  }
0x17b: {  	s7 =	sshra.s32 s2, $0x3;
	v16 =	vsel vm15, s1, v16;
	v14 =	vadd.f32 v15, v14;
	v15 =	vmul.f32 v21, v18;
	v18 =	vld.idx.msk [tilespmem:v27+s24+$0x0], $0xffff  }
0x17c: {  	s0 =	sadd.s32 s0, s25;
	s8 =	sshra.s32 s2, $0x1F;
	v16 =	vsel vm6, s7, v16;
	v27 =	vld [tilespmem:$0x1FFB0]  }
0x17d: {  	s10 =	sshra.s32 s0, $0x3;
	v16 =	vsel vm11, s8, v16;
	v29 =	vmov v10;
	v26 =	vor.u32 v10, v3;
	v10 =	vld.idx.msk [tilespmem:v0+s13+$0x0], $0xffff  }
0x17e: {  	vm9 =	vcmask $0x3734;
	v16 =	vsel vm7, s10, v16;
	s6 =	sshrl.u32 s0, $0x1F;
	s0 =	sshra.s32 s0, $0x1F;
	v0 =	vld [tilespmem:$0x1FE90]  }
0x17f: {  	v11 =	vld.idx.msk [tilespmem:v11+s13+$0x0], $0xffff;
	s11 =	sshra.s32 s5, $0x3;
	s9 =	sshrl.u32 s5, $0x1F;
	v25 =	vsel vm7, s6, v25;
	v16 =	vsel vm9, s0, v16  }
0x180: {  	v22 =	vperm.xlane v22, v40;
	v16 =	vsel vm3, s11, v16;
	v19 =	vsel vm3, s9, v25  }
0x181: {  	v8 =	vld.idx.msk [tilespmem:v1+s13+$0x0], $0xffff;
	v16 =	vperm.xlane v16, v41;
	v19 =	vperm.xlane v19, v41  }
0x182: {  	v1 =	vld [tilespmem:$0x1FFF0];
	v13 =	vmul.f32 v23, v13;
	v14 =	vadd.f32 v15, v14;
	v21 =	vor.u32 v27, v3  }
0x183: {  	v16 =	vsel vm8, v16, v20;
	v19 =	vsel vm8, v19, v22;
	v15 =	vld.idx.msk [tilespmem:v26+s24+$0x0], $0xffff;
	v6 =	vor.u32 v0, v6  }
0x184: {  	v11 =	vmul.f32 v17, v11;
	v13 =	vadd.f32 v13, v14;
	v3 =	vor.u32 v0, v3  }
0x185: {  	v16 =	vadd.s32 v19, v16;
	v17 =	vmov s4;
	v14 =	vld.idx.msk [tilespmem:v24+s24+$0x0], $0xffff  }
0x186: {  	v19 =	vmul.u32 $0xFFFFFFEC, v16;
	v12 =	vmul.f32 v18, v12;
	v11 =	vadd.f32 v11, v13  }
0x187: {  	vm11 =	vlt.s32 v7, $0x1;
	v7 =	vsub.s32 v1, v17;
	v13 =	vld.idx.msk [tilespmem:v21+s24+$0x0], $0xffff  }
0x188: {  	vm9 =	vne.s32 v19, v7;
	v7 =	vadd.f32 v12, v11;
	v10 =	vmul.f32 v15, v10;
	v6 =	vld.idx.msk [tilespmem:v6+s13+$0x0], $0xffff  }
0x189: {  	v1 =	vimm.s32 $0x0;
	vm9 =	vmand vm11, vm9;
	v11 =	vld.idx.msk [tilespmem:v3+s24+$0x0], $0xffff  }
0x18a: {  	v9 =	vmul.f32 v14, v9;
	v7 =	vadd.f32 v10, v7;
	v3 =	vsel vm9, $0xFFFFFFFF, v1  }
0x18b: {  	v10 =	vor.u32 s4, v36;
	vm9 =	vlt.u32 v17, $0x20;
	v3 =	vadd.s32 v3, v16  }
0x18c: {  	v9 =	vadd.f32 v9, v7;
	v8 =	vmul.f32 v13, v8;
	v3 =	vsel vm9, v10, v3  }
0x18d: {  	v7 =	vshll.u32 v10, $0x6;
	v3 =	vshll.u32 v3, $0x6  }
0x18e: {  	v8 =	vadd.f32 v8, v9;
	v10 =	vor.u32 v36, v3;
	v6 =	vmul.f32 v11, v6  }
0x18f: {  	v9 =	vor.u32 v36, v7  }
0x190: {  	v11 =	vor.u32 v34, v7;
	v6 =	vadd.f32 v6, v8  }
0x191: {  	s12 =	simm.s32 $0x18A00;
	v8 =	vor.u32 v34, v3  }
0x192: {  	v12 =	vor.u32 v35, v7;
	[tilespmem:s12+$0x0] =	vst v6  }
0x193: {  	v6 =	vld.idx.msk [tilespmem:v10+s24+$0x0], $0xffff;
	v10 =	vor.u32 v35, v3  }
0x194: {  	v13 =	vor.u32 v53, v7;
	v9 =	vld.idx.msk [tilespmem:v9+s13+$0x0], $0xffff  }
0x195: {  	v14 =	vor.u32 v53, v3;
	v11 =	vld.idx.msk [tilespmem:v11+s13+$0x0], $0xffff  }
0x196: {  	v15 =	vor.u32 v56, v7;
	v8 =	vld.idx.msk [tilespmem:v8+s24+$0x0], $0xffff  }
0x197: {  	v16 =	vor.u32 v56, v3;
	v12 =	vld.idx.msk [tilespmem:v12+s13+$0x0], $0xffff  }
0x198: {  	v17 =	vor.u32 v57, v7;
	v10 =	vld.idx.msk [tilespmem:v10+s24+$0x0], $0xffff  }
0x199: {  	v18 =	vor.u32 v57, v3;
	v13 =	vld.idx.msk [tilespmem:v13+s13+$0x0], $0xffff;
	v6 =	vmul.f32 v6, v9  }
0x19a: {  	v9 =	vld.idx.msk [tilespmem:v14+s24+$0x0], $0xffff;
	v14 =	vor.u32 v38, v7  }
0x19b: {  	v19 =	vor.u32 v38, v3;
	v15 =	vld.idx.msk [tilespmem:v15+s13+$0x0], $0xffff;
	v6 =	vadd.f32 $0.0e+00, v6;
	v8 =	vmul.f32 v8, v11  }
0x19c: {  	v11 =	vld.idx.msk [tilespmem:v16+s24+$0x0], $0xffff;
	v16 =	vor.u32 v39, v7  }
0x19d: {  	v20 =	vor.u32 v39, v3;
	v17 =	vld.idx.msk [tilespmem:v17+s13+$0x0], $0xffff;
	v6 =	vadd.f32 v8, v6;
	v8 =	vmul.f32 v10, v12  }
0x19e: {  	v10 =	vld.idx.msk [tilespmem:v18+s24+$0x0], $0xffff;
	v12 =	vor.u32 v44, v7  }
0x19f: {  	v14 =	vld.idx.msk [tilespmem:v14+s13+$0x0], $0xffff;
	v18 =	vor.u32 v44, v3;
	v6 =	vadd.f32 v8, v6;
	v8 =	vmul.f32 v9, v13  }
0x1a0: {  	v9 =	vld.idx.msk [tilespmem:v19+s24+$0x0], $0xffff;
	v13 =	vor.u32 v45, v7  }
0x1a1: {  	v16 =	vld.idx.msk [tilespmem:v16+s13+$0x0], $0xffff;
	v19 =	vor.u32 v45, v3;
	v6 =	vadd.f32 v8, v6;
	v8 =	vmul.f32 v11, v15  }
0x1a2: {  	v11 =	vld.idx.msk [tilespmem:v20+s24+$0x0], $0xffff;
	v15 =	vor.u32 v46, v7  }
0x1a3: {  	v20 =	vor.u32 v46, v3;
	v12 =	vld.idx.msk [tilespmem:v12+s13+$0x0], $0xffff;
	v6 =	vadd.f32 v8, v6;
	v8 =	vmul.f32 v10, v17  }
0x1a4: {  	v10 =	vld.idx.msk [tilespmem:v18+s24+$0x0], $0xffff;
	v17 =	vor.u32 v47, v7  }
0x1a5: {  	v18 =	vor.u32 v47, v3;
	v13 =	vld.idx.msk [tilespmem:v13+s13+$0x0], $0xffff;
	v6 =	vadd.f32 v8, v6;
	v8 =	vmul.f32 v9, v14  }
0x1a6: {  	v9 =	vld.idx.msk [tilespmem:v19+s24+$0x0], $0xffff;
	v14 =	vor.u32 v50, v7  }
0x1a7: {  	v19 =	vor.u32 v50, v3;
	v15 =	vld.idx.msk [tilespmem:v15+s13+$0x0], $0xffff;
	v6 =	vadd.f32 v8, v6;
	v8 =	vmul.f32 v11, v16  }
0x1a8: {  	v11 =	vld.idx.msk [tilespmem:v20+s24+$0x0], $0xffff;
	v16 =	vor.u32 v52, v7  }
0x1a9: {  	v20 =	vor.u32 v52, v3;
	v17 =	vld.idx.msk [tilespmem:v17+s13+$0x0], $0xffff;
	v6 =	vadd.f32 v8, v6;
	v8 =	vmul.f32 v10, v12  }
0x1aa: {  	v10 =	vld.idx.msk [tilespmem:v18+s24+$0x0], $0xffff;
	v12 =	vor.u32 v54, v7  }
0x1ab: {  	v18 =	vor.u32 v54, v3;
	v14 =	vld.idx.msk [tilespmem:v14+s13+$0x0], $0xffff;
	v6 =	vadd.f32 v8, v6;
	v8 =	vmul.f32 v9, v13  }
0x1ac: {  	v9 =	vld.idx.msk [tilespmem:v19+s24+$0x0], $0xffff;
	v13 =	vor.u32 v55, v7  }
0x1ad: {  	v19 =	vor.u32 v55, v3;
	v16 =	vld.idx.msk [tilespmem:v16+s13+$0x0], $0xffff;
	v6 =	vadd.f32 v8, v6;
	v8 =	vmul.f32 v11, v15  }
0x1ae: {  	v11 =	vld.idx.msk [tilespmem:v20+s24+$0x0], $0xffff;
	v15 =	vor.u32 v58, v7  }
0x1af: {  	v20 =	vor.u32 v58, v3;
	v12 =	vld.idx.msk [tilespmem:v12+s13+$0x0], $0xffff;
	v6 =	vadd.f32 v8, v6;
	v8 =	vmul.f32 v10, v17  }
0x1b0: {  	v10 =	vld.idx.msk [tilespmem:v18+s24+$0x0], $0xffff  }
0x1b1: {  	v13 =	vld.idx.msk [tilespmem:v13+s13+$0x0], $0xffff;
	v6 =	vadd.f32 v8, v6;
	v8 =	vmul.f32 v9, v14  }
0x1b2: {  	v17 =	vor.u32 v59, v7;
	v9 =	vld.idx.msk [tilespmem:v19+s24+$0x0], $0xffff  }
0x1b3: {  	v18 =	vor.u32 v59, v3;
	v15 =	vld.idx.msk [tilespmem:v15+s13+$0x0], $0xffff;
	v6 =	vadd.f32 v8, v6;
	v8 =	vmul.f32 v11, v16  }
0x1b4: {  	v11 =	vld.idx.msk [tilespmem:v20+s24+$0x0], $0xffff;
	v20 =	vor.u32 v62, v3  }
0x1b5: {  	v1 =	vld [tilespmem:$0x1FC90];
	v10 =	vmul.f32 v10, v12;
	v8 =	vadd.f32 v8, v6;
	_ =	sdelay $0x1  }
0x1b6: {  	v14 =	vor.u32 v61, v7;
	v17 =	vld.idx.msk [tilespmem:v17+s13+$0x0], $0xffff;
	v9 =	vmul.f32 v9, v13;
	v8 =	vadd.f32 v10, v8  }
0x1b7: {  	v19 =	vor.u32 v61, v3;
	v12 =	vld.idx.msk [tilespmem:v18+s24+$0x0], $0xffff  }
0x1b8: {  	v21 =	vor.u32 v60, v3;
	v8 =	vadd.f32 v9, v8;
	v9 =	vmul.f32 v11, v15;
	v11 =	vld.idx.msk [tilespmem:v20+s24+$0x0], $0xffff  }
0x1b9: {  	v15 =	vor.u32 v1, v7;
	v20 =	vor.u32 v1, v3;
	v1 =	vld [tilespmem:$0x1FCA0];
	_ =	sdelay $0x1  }
0x1ba: {  	v14 =	vld.idx.msk [tilespmem:v14+s13+$0x0], $0xffff  }
0x1bb: {  	v16 =	vor.u32 v62, v7;
	v10 =	vld.idx.msk [tilespmem:v19+s24+$0x0], $0xffff  }
0x1bc: {  	v19 =	vor.u32 v63, v3;
	v8 =	vadd.f32 v9, v8;
	v9 =	vmul.f32 v12, v17;
	v12 =	vld.idx.msk [tilespmem:v21+s24+$0x0], $0xffff  }
0x1bd: {  	v17 =	vor.u32 v1, v7;
	v21 =	vor.u32 v1, v3;
	v1 =	vld [tilespmem:$0x1FF20];
	_ =	sdelay $0x2  }
0x1be: {  	v18 =	vor.u32 v60, v7;
	v16 =	vld.idx.msk [tilespmem:v16+s13+$0x0], $0xffff  }
0x1bf: {  	v8 =	vadd.f32 v9, v8;
	v9 =	vmul.f32 v10, v14;
	v10 =	vld.idx.msk [tilespmem:v19+s24+$0x0], $0xffff  }
0x1c0: {  	v14 =	vor.u32 v1, v7;
	v19 =	vor.u32 v1, v3;
	v1 =	vld [tilespmem:$0x1FCB0];
	_ =	sdelay $0x2  }
0x1c1: {  	v13 =	vor.u32 v63, v7;
	v18 =	vld.idx.msk [tilespmem:v18+s13+$0x0], $0xffff  }
0x1c2: {  	v8 =	vadd.f32 v9, v8;
	v9 =	vmul.f32 v11, v16;
	v11 =	vld.idx.msk [tilespmem:v20+s24+$0x0], $0xffff  }
0x1c3: {  	v16 =	vor.u32 v1, v7;
	v20 =	vor.u32 v1, v3;
	v1 =	vld [tilespmem:$0x1FF50];
	_ =	sdelay $0x2  }
0x1c4: {  	v13 =	vld.idx.msk [tilespmem:v13+s13+$0x0], $0xffff  }
0x1c5: {  	v8 =	vadd.f32 v9, v8;
	v9 =	vmul.f32 v12, v18;
	v12 =	vld.idx.msk [tilespmem:v21+s24+$0x0], $0xffff  }
0x1c6: {  	v18 =	vor.u32 v1, v7;
	v21 =	vor.u32 v1, v3;
	v1 =	vld [tilespmem:$0x1FCC0];
	_ =	sdelay $0x2  }
0x1c7: {  	v15 =	vld.idx.msk [tilespmem:v15+s13+$0x0], $0xffff  }
0x1c8: {  	v8 =	vadd.f32 v9, v8;
	v9 =	vmul.f32 v10, v13;
	v10 =	vld.idx.msk [tilespmem:v19+s24+$0x0], $0xffff  }
0x1c9: {  	v13 =	vor.u32 v1, v7;
	v19 =	vor.u32 v1, v3;
	v1 =	vld [tilespmem:$0x1FF60];
	_ =	sdelay $0x2  }
0x1ca: {  	v17 =	vld.idx.msk [tilespmem:v17+s13+$0x0], $0xffff  }
0x1cb: {  	v8 =	vadd.f32 v9, v8;
	v9 =	vmul.f32 v11, v15;
	v11 =	vld.idx.msk [tilespmem:v20+s24+$0x0], $0xffff  }
0x1cc: {  	v15 =	vor.u32 v1, v7;
	v20 =	vor.u32 v1, v3;
	v1 =	vld [tilespmem:$0x1FF40];
	_ =	sdelay $0x2  }
0x1cd: {  	v14 =	vld.idx.msk [tilespmem:v14+s13+$0x0], $0xffff  }
0x1ce: {  	v8 =	vadd.f32 v9, v8;
	v9 =	vmul.f32 v12, v17;
	v12 =	vld.idx.msk [tilespmem:v21+s24+$0x0], $0xffff  }
0x1cf: {  	v17 =	vor.u32 v1, v7;
	v21 =	vor.u32 v1, v3;
	v1 =	vld [tilespmem:$0x1FF30];
	_ =	sdelay $0x2  }
0x1d0: {  	v16 =	vld.idx.msk [tilespmem:v16+s13+$0x0], $0xffff  }
0x1d1: {  	v8 =	vadd.f32 v9, v8;
	v9 =	vmul.f32 v10, v14;
	v10 =	vld.idx.msk [tilespmem:v19+s24+$0x0], $0xffff  }
0x1d2: {  	v14 =	vor.u32 v1, v7;
	v19 =	vor.u32 v1, v3;
	v1 =	vld [tilespmem:$0x1FF70];
	_ =	sdelay $0x2  }
0x1d3: {  	v18 =	vld.idx.msk [tilespmem:v18+s13+$0x0], $0xffff  }
0x1d4: {  	v8 =	vadd.f32 v9, v8;
	v9 =	vmul.f32 v11, v16;
	v11 =	vld.idx.msk [tilespmem:v20+s24+$0x0], $0xffff  }
0x1d5: {  	v16 =	vor.u32 v1, v7;
	v20 =	vor.u32 v1, v3;
	v1 =	vld [tilespmem:$0x1FF80];
	_ =	sdelay $0x1  }
0x1d6: {  	v13 =	vld.idx.msk [tilespmem:v13+s13+$0x0], $0xffff  }
0x1d7: {  	v15 =	vld.idx.msk [tilespmem:v15+s13+$0x0], $0xffff  }
0x1d8: {  	v8 =	vadd.f32 v9, v8;
	v9 =	vmul.f32 v12, v18;
	v12 =	vld.idx.msk [tilespmem:v21+s24+$0x0], $0xffff  }
0x1d9: {  	v18 =	vor.u32 v1, v7;
	v21 =	vor.u32 v1, v3;
	v1 =	vld [tilespmem:$0x1FF10];
	_ =	sdelay $0x1  }
0x1da: {  	v8 =	vadd.f32 v9, v8;
	v9 =	vmul.f32 v10, v13  }
0x1db: {  	v17 =	vld.idx.msk [tilespmem:v17+s13+$0x0], $0xffff  }
0x1dc: {  	v8 =	vadd.f32 v9, v8;
	v9 =	vmul.f32 v11, v15;
	v11 =	vld.idx.msk [tilespmem:v20+s24+$0x0], $0xffff  }
0x1dd: {  	v15 =	vor.u32 v1, v7;
	v20 =	vor.u32 v1, v3;
	v1 =	vld [tilespmem:$0x1FEE0];
	_ =	sdelay $0x1  }
0x1de: {  	v14 =	vld.idx.msk [tilespmem:v14+s13+$0x0], $0xffff  }
0x1df: {  	v10 =	vld.idx.msk [tilespmem:v19+s24+$0x0], $0xffff;
	v19 =	vor.u32 v49, v3  }
0x1e0: {  	v8 =	vadd.f32 v9, v8;
	v9 =	vmul.f32 v12, v17;
	v12 =	vld.idx.msk [tilespmem:v21+s24+$0x0], $0xffff  }
0x1e1: {  	v17 =	vor.u32 v1, v7;
	v21 =	vor.u32 v1, v3;
	v1 =	vld [tilespmem:$0x1FEF0];
	_ =	sdelay $0x1  }
0x1e2: {  	v16 =	vld.idx.msk [tilespmem:v16+s13+$0x0], $0xffff  }
0x1e3: {  	v8 =	vadd.f32 v9, v8;
	v9 =	vmul.f32 v10, v14;
	v10 =	vld.idx.msk [tilespmem:v19+s24+$0x0], $0xffff  }
0x1e4: {  	v18 =	vld.idx.msk [tilespmem:v18+s13+$0x0], $0xffff  }
0x1e5: {  	v14 =	vor.u32 v1, v7;
	v19 =	vor.u32 v1, v3;
	v1 =	vld [tilespmem:$0x1FF00];
	_ =	sdelay $0x1  }
0x1e6: {  	v8 =	vadd.f32 v9, v8;
	v9 =	vmul.f32 v11, v16  }
0x1e7: {  	v13 =	vor.u32 v49, v7  }
0x1e8: {  	v8 =	vadd.f32 v9, v8;
	v11 =	vld.idx.msk [tilespmem:v20+s24+$0x0], $0xffff  }
0x1e9: {  	v9 =	vmul.f32 v12, v18;
	v16 =	vor.u32 v1, v7;
	v20 =	vor.u32 v1, v3;
	v1 =	vld [tilespmem:$0x1FDE0]  }
0x1ea: {  	v15 =	vld.idx.msk [tilespmem:v15+s13+$0x0], $0xffff  }
0x1eb: {  	v9 =	vadd.f32 v9, v8;
	v8 =	vor.u32 v0, v7;
	v0 =	vld [tilespmem:$0x1FE00]  }
0x1ec: {  	v13 =	vld.idx.msk [tilespmem:v13+s13+$0x0], $0xffff  }
0x1ed: {  	v12 =	vld.idx.msk [tilespmem:v21+s24+$0x0], $0xffff  }
0x1ee: {  	v18 =	vor.u32 v1, v7;
	v21 =	vor.u32 v1, v3;
	v1 =	vld [tilespmem:$0x1FDF0]  }
0x1ef: {  	v11 =	vmul.f32 v11, v15;
	v15 =	vld.idx.msk [tilespmem:v20+s24+$0x0], $0xffff  }
0x1f0: {  	v25 =	vor.u32 v0, v3;
	v20 =	vor.u32 v0, v7;
	v0 =	vld [tilespmem:$0x1FE10];
	_ =	sdelay $0x1  }
0x1f1: {  	v10 =	vmul.f32 v10, v13  }
0x1f2: {  	v13 =	vld.idx.msk [tilespmem:v19+s24+$0x0], $0xffff;
	v19 =	vor.u32 v1, v7  }
0x1f3: {  	v22 =	vld.idx.msk [tilespmem:v16+s13+$0x0], $0xffff;
	v16 =	vadd.f32 v10, v9;
	v23 =	vor.u32 v1, v3  }
0x1f4: {  	v9 =	vor.u32 v27, v7;
	v27 =	vor.u32 v0, v7;
	v30 =	vor.u32 v0, v3;
	v0 =	vld [tilespmem:$0x1FE20]  }
0x1f5: {  	s15 =	simm.s32 $0x20  }
0x1f6: {  	v6 =	vadd.s32 s15, v37;
	v24 =	vld.idx.msk [tilespmem:v18+s13+$0x0], $0xffff  }
0x1f7: {  	(v2sf) =	vpush v6, $0xF;
	v18 =	vadd.f32 v11, v16;
	v16 =	vld.idx.msk [tilespmem:v19+s13+$0x0], $0xffff  }
0x1f8: {  	(v2sf) =	vpush v6, $0xB;
	v19 =	vld.idx.msk [tilespmem:v23+s24+$0x0], $0xffff  }
0x1f9: {  	(v2sf) =	vpush v6, $0x6;
	v23 =	vor.u32 v0, v7;
	v26 =	vor.u32 v0, v3;
	v0 =	vld [tilespmem:$0x1FE30]  }
0x1fa: {  	(v2sf) =	vpush v6, $0xE;
	v17 =	vld.idx.msk [tilespmem:v17+s13+$0x0], $0xffff  }
0x1fb: {  	(v2sf) =	vpush v6, $0xA  }
0x1fc: {  	(v2sf) =	vpush v6, $0xD;
	v14 =	vld.idx.msk [tilespmem:v14+s13+$0x0], $0xffff  }
0x1fd: {  	(v2sf) =	vpush v6, $0x9;
	v31 =	vmul.f32 v15, v22;
	v22 =	vld.idx.msk [tilespmem:v27+s13+$0x0], $0xffff  }
0x1fe: {  	v11 =	vor.u32 v29, v7;
	v29 =	vor.u32 v0, v7;
	v27 =	vor.u32 v0, v3;
	v0 =	vld [tilespmem:$0x1FD00]  }
0x1ff: {  	(v2sf) =	vpush v6, $0x5;
	v17 =	vmul.f32 v12, v17  }
0x200: {  	(v2sf) =	vpush v6, $0xC  }
0x201: {  	v10 =	vor.u32 v28, v7;
	v28 =	vld.idx.msk [tilespmem:v21+s24+$0x0], $0xffff;
	v21 =	vmul.f32 v13, v14;
	v17 =	vadd.f32 v17, v18  }
0x202: {  	(v2sf) =	vpush v6, $0x8;
	v18 =	vld.idx.msk [tilespmem:v20+s13+$0x0], $0xffff  }
0x203: {  	(v2sf) =	vpush v6, $0x4;
	v20 =	vadd.f32 v21, v17;
	v17 =	vor.u32 v0, v7;
	v0 =	vld [tilespmem:$0x1FEA0]  }
0x204: {  	s14 =	simm.s32 $0x18A00;
	(v2sf) =	vpush v6, $0x2  }
0x205: {  	[dreg:$0x2] =	wrdreg s14;
	(v2sf) =	vpush v6, $0x1  }
0x206: {  	s16 =	simm.s32 $0x20;
	s30 =	rddreg [dreg:$0x10];
	(v2sf) =	vpush v6, $0x0  }
0x207: {  	[dreg:$0x4] =	wrdreg s16;
	s3 =	sshll.u32 s30, $0x1;
	(v2sf) =	vpush v6, $0x7;
	s17 =	spop (v2sf)  }
0x208: {  	[dreg:$0x12] =	wrdreg s3;
	(v2sf) =	vpush v6, $0x3;
	s8 =	spop (v2sf);
	v15 =	vor.u32 v0, v7;
	v0 =	vld [tilespmem:$0x1FE40]  }
0x209: {  	s25 =	smulhi.u32 $0x66666667, s17;
	s20 =	spop (v2sf)  }
0x20a: {  	s23 =	sshra.s32 s17, $0x1F;
	s4 =	smulhi.u32 $0x66666667, s8;
	s18 =	spop (v2sf)  }
0x20b: {  	s5 =	smul.u32 $0x66666667, s23;
	s0 =	spop (v2sf);
	v21 =	vld.idx.msk [tilespmem:v25+s24+$0x0], $0xffff  }
0x20c: {  	[dreg:$0x7] =	wrdreg s20;
	s21 =	spop (v2sf);
	v25 =	vld.idx.msk [tilespmem:v30+s24+$0x0], $0xffff  }
0x20d: {  	s28 =	smulhi.u32 $0x66666667, s18;
	s2 =	spop (v2sf);
	v32 =	vmul.f32 v28, v24;
	v30 =	vor.u32 v0, v7;
	v28 =	vor.u32 v0, v3;
	v0 =	vld [tilespmem:$0x1FE70]  }
0x20e: {  	s29 =	smulhi.u32 $0x66666667, s0;
	s22 =	spop (v2sf)  }
0x20f: {  	s9 =	smulhi.u32 $0x66666667, s2;
	[dreg:$0x9] =	wrdreg s22  }
0x210: {  	s22 =	smulhi.u32 $0x66666667, s21;
	s15 =	spop (v2sf)  }
0x211: {  	s16 =	spop (v2sf);
	s19 =	smulhi.u32 $0x66666667, s15;
	v24 =	vld.idx.msk [tilespmem:v23+s13+$0x0], $0xffff  }
0x212: {  	s11 =	spop (v2sf);
	s14 =	smulhi.u32 $0x66666667, s16;
	v23 =	vor.u32 v0, v7;
	v0 =	vld [tilespmem:$0x1FE80]  }
0x213: {  	s31 =	spop (v2sf);
	s7 =	smulhi.u32 $0x66666667, s11  }
0x214: {  	[tilespmem:$0x1FC40] =	vst v43;
	s26 =	smulhi.u32 $0x66666667, s31;
	s1 =	spop (v2sf)  }
0x215: {  	[tilespmem:$0x1FC20] =	vst v33;
	s10 =	spop (v2sf);
	s6 =	smulhi.u32 $0x66666667, s1  }
0x216: {  	[tilespmem:$0x1FC00] =	vst v2;
	s23 =	sshra.s32 s21, $0x1F;
	s21 =	spop (v2sf);
	s17 =	smulhi.u32 $0x66666667, s10;
	v12 =	vor.u32 v51, v7;
	v14 =	vor.u32 v42, v7  }
0x217: {  	[tilespmem:$0x1FBF0] =	vst v4;
	s20 =	simm.s32 $0x30;
	s3 =	smulhi.u32 $0x66666667, s21;
	s12 =	spop (v2sf);
	v13 =	vor.u32 v5, v7;
	v31 =	vadd.f32 v31, v20;
	v20 =	vor.u32 v0, v7  }
.LBB2_3:
0x218: {  	v26 =	vld.idx.msk [tilespmem:v26+s24+$0x0], $0xffff  }
0x219: {  	v4 =	vld [tilespmem:$0x1FE50]  }
0x21a: {  	v29 =	vld.idx.msk [tilespmem:v29+s13+$0x0], $0xffff  }
0x21b: {  	v36 =	vld [tilespmem:$0x1FE60]  }
0x21c: {  	v43 =	vld [tilespmem:$0x1FC40]  }
0x21d: {  	v1 =	vld [tilespmem:$0x1FE70]  }
0x21e: {  	v27 =	vld.idx.msk [tilespmem:v27+s24+$0x0], $0xffff  }
0x21f: {  	v49 =	vld [tilespmem:$0x1FC30]  }
0x220: {  	v30 =	vld.idx.msk [tilespmem:v30+s13+$0x0], $0xffff  }
0x221: {  	v31 =	vadd.f32 v32, v31;
	v0 =	vld [tilespmem:$0x1FC10]  }
0x222: {  	v19 =	vmul.f32 v19, v16;
	v5 =	vmovc v60;
	v60 =	vmovc v62;
	v62 =	vmov v59;
	v37 =	vor.u32 v1, v3;
	v1 =	vld [tilespmem:$0x1FE80]  }
0x223: {  	v59 =	vmovc v55;
	v55 =	vmovc v54;
	v54 =	vmov v52;
	v52 =	vmov v50;
	v50 =	vmov v47;
	v48 =	vld [tilespmem:$0x1FC20]  }
0x224: {  	v47 =	vmovc v46;
	v46 =	vmovc v45;
	v45 =	vmov v44;
	v44 =	vmov v39;
	v28 =	vld.idx.msk [tilespmem:v28+s24+$0x0], $0xffff;
	v32 =	vor.u32 v4, v7  }
0x225: {  	s23 =	smul.u32 $0x66666667, s23;
	s15 =	sshra.s32 s15, $0x1F;
	v39 =	vmovc v38;
	v51 =	vld [tilespmem:$0x1FC00];
	v31 =	vadd.f32 v19, v31;
	v42 =	vmul.f32 v21, v18;
	v33 =	vor.u32 v4, v3  }
0x226: {  	s16 =	sshra.s32 s16, $0x1F;
	v38 =	vmovc v57;
	v57 =	vmovc v53;
	v53 =	vmov v34;
	v2 =	vld [tilespmem:$0x1FBF0];
	s30 =	smul.u32 $0x66666667, s15;
	v34 =	vor.u32 v36, v7;
	v36 =	vor.u32 v36, v3  }
0x227: {  	s10 =	sshra.s32 s10, $0x1F;
	s16 =	smul.u32 $0x66666667, s16;
	v25 =	vmul.f32 v25, v22;
	v31 =	vadd.f32 v42, v31;
	v41 =	vor.u32 v1, v3;
	v1 =	vld [tilespmem:$0x1FD00]  }
0x228: {  	s2 =	sshra.s32 s2, $0x1F;
	v23 =	vld.idx.msk [tilespmem:v23+s13+$0x0], $0xffff;
	s10 =	smul.u32 $0x66666667, s10  }
0x229: {  	s15 =	sshra.s32 s18, $0x1F;
	s18 =	sadd.s32 s30, s19;
	s19 =	smul.u32 $0x66666667, s2;
	v24 =	vmul.f32 v26, v24;
	v25 =	vadd.f32 v25, v31;
	v32 =	vld.idx.msk [tilespmem:v32+s13+$0x0], $0xffff  }
0x22a: {  	s2 =	sshra.s32 s21, $0x1F;
	s14 =	sadd.s32 s16, s14;
	s21 =	sshra.s32 s0, $0x1F;
	v16 =	vor.u32 v43, v7;
	v26 =	vld.idx.msk [tilespmem:v33+s24+$0x0], $0xffff  }
0x22b: {  	s30 =	sshrl.u32 s18, $0x1F;
	s16 =	sshrl.u32 s14, $0x1F;
	s0 =	smul.u32 $0x66666667, s2;
	v4 =	vmovc v63;
	v63 =	vmov v61;
	v24 =	vadd.f32 v24, v25;
	v25 =	vmul.f32 v27, v29;
	v27 =	vld.idx.msk [tilespmem:v36+s24+$0x0], $0xffff  }
0x22c: {  	s2 =	sadd.s32 s10, s17;
	s18 =	sshra.s32 s18, $0x3;
	s14 =	sshra.s32 s14, $0x3;
	v61 =	vmovc v58;
	v18 =	vor.u32 v49, v7;
	v21 =	vor.u32 v0, v7;
	v36 =	vor.u32 v1, v3;
	v1 =	vld [tilespmem:$0x1FEA0]  }
0x22d: {  	v20 =	vld.idx.msk [tilespmem:v20+s13+$0x0], $0xffff;
	v58 =	vmovc v56;
	v56 =	vmovc v35;
	v19 =	vor.u32 v48, v7;
	v22 =	vor.u32 v51, v7;
	v35 =	vmov s30;
	s30 =	sadd.s32 s23, s22;
	s17 =	sshrl.u32 s2, $0x1F;
	s9 =	sadd.s32 s19, s9  }
0x22e: {  	s0 =	sadd.s32 s0, s3;
	s10 =	sshrl.u32 s30, $0x1F;
	v42 =	vmov s17;
	s17 =	sshrl.u32 s9, $0x1F;
	v31 =	vmov s18;
	v33 =	vmov s14;
	v34 =	vld.idx.msk [tilespmem:v34+s13+$0x0], $0xffff  }
0x22f: {  	v17 =	vld.idx.msk [tilespmem:v17+s13+$0x0], $0xffff;
	s19 =	sshra.s32 s30, $0x3;
	s9 =	sshra.s32 s9, $0x3;
	s14 =	sshra.s32 s0, $0x1F;
	v29 =	vsel vm0, s10, v35;
	v24 =	vadd.f32 v25, v24;
	v25 =	vmul.f32 v28, v30  }
0x230: {  	v35 =	vmov s14;
	v28 =	vld.idx.msk [tilespmem:v37+s24+$0x0], $0xffff;
	v30 =	vsel vm0, s19, v31;
	v31 =	vsel vm0, s9, v33  }
0x231: {  	v15 =	vld.idx.msk [tilespmem:v15+s13+$0x0], $0xffff;
	s15 =	smul.u32 $0x66666667, s15;
	s22 =	sshra.s32 s2, $0x3;
	v24 =	vadd.f32 v25, v24;
	v25 =	vmul.f32 v26, v32;
	v33 =	vor.u32 v1, v3  }
0x232: {  	v7 =	vor.u32 v2, v7;
	s18 =	smul.u32 $0x66666667, s21;
	v37 =	vnsel vm4, $0x0, v42;
	v26 =	vld.idx.msk [tilespmem:v41+s24+$0x0], $0xffff;
	v32 =	vsel vm4, s22, v35  }
0x233: {  	s1 =	sshra.s32 s1, $0x1F;
	s8 =	sshra.s32 s8, $0x1F;
	v42 =	vld [tilespmem:$0x1FEB0];
	v35 =	vor.u32 v2, v3;
	v24 =	vadd.f32 v25, v24;
	v25 =	vmul.f32 v27, v34  }
0x234: {  	s8 =	smul.u32 $0x66666667, s8;
	v40 =	vmov s16;
	s3 =	sadd.s32 s15, s28;
	s10 =	sadd.s32 s18, s29;
	v27 =	vld.idx.msk [tilespmem:v36+s24+$0x0], $0xffff  }
0x235: {  	v14 =	vld.idx.msk [tilespmem:v14+s13+$0x0], $0xffff;
	v40 =	vsel vm0, s17, v40;
	s21 =	sshrl.u32 s3, $0x1F;
	s3 =	sshra.s32 s3, $0x3;
	s23 =	sshrl.u32 s10, $0x1F;
	v23 =	vmul.f32 v28, v23;
	v24 =	vadd.f32 v25, v24  }
0x236: {  	s1 =	smul.u32 $0x66666667, s1;
	s5 =	sadd.s32 s5, s25;
	v29 =	vsel vm1, s21, v29;
	s10 =	sshra.s32 s10, $0x3;
	v40 =	vsel vm1, s23, v40;
	v30 =	vsel vm1, s3, v30;
	v25 =	vld.idx.msk [tilespmem:v33+s24+$0x0], $0xffff  }
0x237: {  	s2 =	sshra.s32 s2, $0x1F;
	s17 =	sshrl.u32 s5, $0x1F;
	s18 =	sadd.s32 s8, s4;
	v7 =	vld.idx.msk [tilespmem:v7+s13+$0x0], $0xffff;
	v31 =	vsel vm1, s10, v31;
	v20 =	vmul.f32 v26, v20;
	v23 =	vadd.f32 v23, v24  }
0x238: {  	s1 =	sadd.s32 s1, s6;
	s30 =	sshra.s32 s31, $0x1F;
	s19 =	sshrl.u32 s18, $0x1F;
	v34 =	vor.u32 v42, v3;
	v28 =	vsel vm2, s17, v29;
	v29 =	vsel vm10, s2, v32;
	v24 =	vld.idx.msk [tilespmem:v35+s24+$0x0], $0xffff  }
0x239: {  	v13 =	vld.idx.msk [tilespmem:v13+s13+$0x0], $0xffff;
	s16 =	smul.u32 $0x66666667, s30;
	s10 =	sshra.s32 s1, $0x3;
	v20 =	vadd.f32 v20, v23;
	v33 =	vsel vm2, s19, v40;
	v17 =	vmul.f32 v27, v17  }
0x23a: {  	v12 =	vld.idx.msk [tilespmem:v12+s13+$0x0], $0xffff;
	v27 =	vcombine.low v33, v28;
	v28 =	vsel vm0, s10, v29;
	v29 =	vor.u32 v48, v3  }
0x23b: {  	s25 =	sshra.s32 s5, $0x3;
	v22 =	vld.idx.msk [tilespmem:v22+s13+$0x0], $0xffff;
	s23 =	sadd.s32 s16, s26;
	s26 =	sshra.s32 s18, $0x3;
	v32 =	vor.u32 v51, v3;
	v17 =	vadd.f32 v17, v20;
	v15 =	vmul.f32 v25, v15  }
0x23c: {  	v26 =	vsel vm2, s25, v30;
	v30 =	vsel vm2, s26, v31;
	v31 =	vor.u32 v0, v3;
	v0 =	vld [tilespmem:$0x1FEC0]  }
0x23d: {  	s4 =	sshra.s32 s11, $0x1F;
	s21 =	smulhi.u32 $0x66666667, s12;
	v23 =	vld.idx.msk [tilespmem:v34+s24+$0x0], $0xffff;
	v7 =	vmul.f32 v24, v7;
	v15 =	vadd.f32 v15, v17  }
0x23e: {  	s6 =	smul.u32 $0x66666667, s4;
	s22 =	sshra.s32 s12, $0x1F;
	v40 =	vld [tilespmem:$0x1FFD0]  }
0x23f: {  	s15 =	rddreg [dreg:$0x9];
	s14 =	sshrl.u32 s1, $0x1F;
	s9 =	smul.u32 $0x66666667, s22;
	v7 =	vadd.f32 v7, v15;
	v15 =	vld.idx.msk [tilespmem:v29+s24+$0x0], $0xffff  }
0x240: {  	s16 =	smulhi.u32 $0x66666667, s15;
	s30 =	sshrl.u32 s23, $0x1F;
	v36 =	vsel vm0, s14, v37;
	v29 =	vld [tilespmem:$0x1FED0]  }
0x241: {  	s3 =	sadd.s32 s6, s7;
	s1 =	sshra.s32 s1, $0x1F;
	s11 =	sadd.s32 s9, s21;
	v35 =	vsel vm1, s30, v36;
	v26 =	vcombine.low v30, v26;
	v20 =	vld.idx.msk [tilespmem:v32+s24+$0x0], $0xffff  }
0x242: {  	v21 =	vld.idx.msk [tilespmem:v21+s13+$0x0], $0xffff;
	s18 =	sshra.s32 s23, $0x3;
	s17 =	sshra.s32 s15, $0x1F;
	s12 =	sshrl.u32 s11, $0x1F;
	v30 =	vor.u32 v49, v3;
	v28 =	vsel vm12, s1, v28;
	v14 =	vmul.f32 v23, v14  }
0x243: {  	s2 =	sshra.s32 s23, $0x1F;
	s5 =	smul.u32 $0x66666667, s17;
	s22 =	sshra.s32 s11, $0x3;
	v25 =	vsel vm2, s12, v35;
	v24 =	vperm.xlane v27, v40;
	v27 =	vsel vm1, s18, v28;
	v17 =	vld.idx.msk [tilespmem:v31+s24+$0x0], $0xffff  }
0x244: {  	v19 =	vld.idx.msk [tilespmem:v19+s13+$0x0], $0xffff;
	s23 =	sshra.s32 s11, $0x1F;
	s14 =	sshrl.u32 s3, $0x1F;
	s19 =	rddreg [dreg:$0x7];
	v28 =	vor.u32 v0, v3;
	v23 =	vperm.xlane v26, v40;
	v27 =	vsel vm13, s2, v27  }
0x245: {  	v18 =	vld.idx.msk [tilespmem:v18+s13+$0x0], $0xffff;
	s21 =	smulhi.u32 $0x66666667, s19;
	s4 =	sshra.s32 s19, $0x1F;
	s1 =	sadd.s32 s5, s16;
	v25 =	vsel vm5, s14, v25;
	v26 =	vsel vm2, s22, v27;
	v27 =	vor.u32 v29, v3  }
0x246: {  	v41 =	vld [tilespmem:$0x1FFE0];
	s25 =	sshra.s32 s3, $0x3;
	s4 =	smul.u32 $0x66666667, s4;
	s5 =	sshrl.u32 s1, $0x1F;
	v26 =	vsel vm14, s23, v26;
	v7 =	vadd.f32 v14, v7;
	v14 =	vmul.f32 v20, v22  }
0x247: {  	v20 =	vld.idx.msk [tilespmem:v30+s24+$0x0], $0xffff;
	v22 =	vsel vm6, s5, v25;
	v25 =	vsel vm5, s25, v26;
	v26 =	vor.u32 v43, v3  }
0x248: {  	s26 =	sshra.s32 s3, $0x1F;
	s4 =	sadd.s32 s4, s21;
	v31 =	vld [tilespmem:$0x1FF90];
	v7 =	vadd.f32 v14, v7;
	v14 =	vmul.f32 v17, v21  }
0x249: {  	s30 =	sshrl.u32 s4, $0x1F;
	v25 =	vsel vm15, s26, v25;
	v17 =	vld.idx.msk [tilespmem:v28+s24+$0x0], $0xffff  }
0x24a: {  	s6 =	sshrl.u32 s0, $0x1F;
	s5 =	sshra.s32 s1, $0x3;
	v21 =	vsel vm7, s30, v22;
	v7 =	vadd.f32 v14, v7;
	v14 =	vmul.f32 v15, v19;
	v15 =	vld.idx.msk [tilespmem:v27+s24+$0x0], $0xffff  }
0x24b: {  	vm9 =	vcmask $0x2F2C;
	v22 =	vsel vm6, s5, v25;
	v19 =	vsel vm3, s6, v21;
	v27 =	vld [tilespmem:$0x1FCD0]  }
0x24c: {  	s1 =	sshra.s32 s1, $0x1F;
	v19 =	vperm.xlane v19, v41;
	v7 =	vadd.f32 v14, v7;
	v14 =	vmul.f32 v20, v18;
	v18 =	vld.idx.msk [tilespmem:v26+s24+$0x0], $0xffff  }
0x24d: {  	s7 =	sshra.s32 s4, $0x3;
	v25 =	vor.u32 v31, v3;
	v22 =	vsel vm9, s1, v22;
	vm9 =	vcmask $0x3734;
	v26 =	vld [tilespmem:$0x1FFB0]  }
0x24e: {  	s8 =	sshra.s32 s4, $0x1F;
	v21 =	vsel vm7, s7, v22;
	v13 =	vmul.f32 v17, v13;
	v17 =	vsel vm8, v19, v24;
	v24 =	vld [tilespmem:$0x1FE90]  }
0x24f: {  	v11 =	vld.idx.msk [tilespmem:v11+s13+$0x0], $0xffff;
	s0 =	sshra.s32 s0, $0x3;
	v21 =	vsel vm9, s8, v21  }
0x250: {  	v10 =	vld.idx.msk [tilespmem:v10+s13+$0x0], $0xffff;
	v20 =	vsel vm3, s0, v21;
	v22 =	vor.u32 v27, v3  }
0x251: {  	v16 =	vld.idx.msk [tilespmem:v16+s13+$0x0], $0xffff;
	v20 =	vperm.xlane v20, v41  }
0x252: {  	v1 =	vld [tilespmem:$0x1FFF0];
	v7 =	vadd.f32 v14, v7;
	v21 =	vor.u32 v26, v3  }
0x253: {  	v14 =	vld.idx.msk [tilespmem:v25+s24+$0x0], $0xffff;
	v19 =	vsel vm8, v20, v23;
	v3 =	vor.u32 v24, v3  }
0x254: {  	v9 =	vld.idx.msk [tilespmem:v9+s13+$0x0], $0xffff;
	v7 =	vadd.f32 v13, v7;
	v17 =	vadd.s32 v17, v19;
	v12 =	vmul.f32 v15, v12  }
0x255: {  	s9 =	rddreg [dreg:$0x4];
	v19 =	vmul.u32 $0xFFFFFFEC, v17;
	v13 =	vld.idx.msk [tilespmem:v22+s24+$0x0], $0xffff  }
0x256: {  	v8 =	vld.idx.msk [tilespmem:v8+s13+$0x0], $0xffff;
	v15 =	vmov s9;
	v7 =	vadd.f32 v12, v7;
	v12 =	vmul.f32 v18, v16  }
0x257: {  	vm11 =	vmmov vm10;
	vm9 =	vlt.s32 v6, $0x1;
	v6 =	vsub.s32 v1, v15;
	v16 =	vld.idx.msk [tilespmem:v21+s24+$0x0], $0xffff  }
0x258: {  	vm10 =	vne.s32 v19, v6;
	v6 =	vadd.f32 v12, v7;
	v7 =	vmul.f32 v14, v11;
	v11 =	vld.idx.msk [tilespmem:v3+s24+$0x0], $0xffff  }
0x259: {  	v36 =	vlaneseq.u32;
	v33 =	vimm.s32 $0x0;
	vm9 =	vmand vm9, vm10  }
0x25a: {  	v3 =	vsel vm9, $0xFFFFFFFF, v33;
	v6 =	vadd.f32 v7, v6;
	v7 =	vmul.f32 v13, v10  }
0x25b: {  	vm9 =	vlt.u32 v15, $0x20;
	v3 =	vadd.s32 v3, v17;
	v10 =	vor.u32 s9, v36  }
0x25c: {  	v34 =	vmovc v53;
	v9 =	vmul.f32 v16, v9;
	v3 =	vsel vm9, v10, v3;
	v6 =	vadd.f32 v7, v6  }
0x25d: {  	v53 =	vmovc v57;
	v57 =	vmovc v38;
	v38 =	vmov v39;
	v8 =	vmul.f32 v11, v8;
	v3 =	vshll.u32 v3, $0x6  }
0x25e: {  	v39 =	vmovc v44;
	v44 =	vmovc v45;
	v7 =	vshll.u32 v10, $0x6;
	v10 =	vor.u32 v36, v3;
	v6 =	vadd.f32 v9, v6  }
0x25f: {  	v45 =	vmovc v46;
	v46 =	vmovc v47;
	v47 =	vmov v50;
	v50 =	vmov v52;
	v9 =	vor.u32 v36, v7  }
0x260: {  	s11 =	rddreg [dreg:$0x2];
	v52 =	vmovc v54;
	v54 =	vmovc v55;
	v55 =	vmov v59;
	v11 =	vor.u32 v34, v7;
	v6 =	vadd.f32 v8, v6  }
0x261: {  	v59 =	vmovc v62;
	v62 =	vmovc v60;
	v60 =	vmov v5;
	v5 =	vld [tilespmem:$0x1FCA0];
	v35 =	vmov v56;
	s0 =	sadd.s32 $0x10, s11;
	v8 =	vor.u32 v34, v3  }
0x262: {  	v56 =	vmovc v58;
	v58 =	vmovc v61;
	v61 =	vmov v63;
	v63 =	vmov v4;
	v4 =	vld [tilespmem:$0x1FC90];
	v12 =	vor.u32 v35, v7;
	[tilespmem:s0+$0x0] =	vst v6  }
0x263: {  	v6 =	vld.idx.msk [tilespmem:v10+s24+$0x0], $0xffff;
	v10 =	vor.u32 v35, v3  }
0x264: {  	v13 =	vor.u32 v53, v7;
	v9 =	vld.idx.msk [tilespmem:v9+s13+$0x0], $0xffff  }
0x265: {  	v14 =	vor.u32 v53, v3;
	v11 =	vld.idx.msk [tilespmem:v11+s13+$0x0], $0xffff  }
0x266: {  	v15 =	vor.u32 v56, v7;
	v8 =	vld.idx.msk [tilespmem:v8+s24+$0x0], $0xffff  }
0x267: {  	v16 =	vor.u32 v56, v3;
	v12 =	vld.idx.msk [tilespmem:v12+s13+$0x0], $0xffff  }
0x268: {  	v17 =	vor.u32 v57, v7;
	v10 =	vld.idx.msk [tilespmem:v10+s24+$0x0], $0xffff  }
0x269: {  	v18 =	vor.u32 v57, v3;
	v13 =	vld.idx.msk [tilespmem:v13+s13+$0x0], $0xffff;
	v6 =	vmul.f32 v6, v9  }
0x26a: {  	v9 =	vld.idx.msk [tilespmem:v14+s24+$0x0], $0xffff;
	v14 =	vor.u32 v38, v7  }
0x26b: {  	v19 =	vor.u32 v38, v3;
	v15 =	vld.idx.msk [tilespmem:v15+s13+$0x0], $0xffff;
	v6 =	vadd.f32 $0.0e+00, v6;
	v8 =	vmul.f32 v8, v11  }
0x26c: {  	v11 =	vld.idx.msk [tilespmem:v16+s24+$0x0], $0xffff;
	v16 =	vor.u32 v39, v7  }
0x26d: {  	v20 =	vor.u32 v39, v3;
	v17 =	vld.idx.msk [tilespmem:v17+s13+$0x0], $0xffff;
	v6 =	vadd.f32 v8, v6;
	v8 =	vmul.f32 v10, v12  }
0x26e: {  	v10 =	vld.idx.msk [tilespmem:v18+s24+$0x0], $0xffff;
	v12 =	vor.u32 v44, v7  }
0x26f: {  	v14 =	vld.idx.msk [tilespmem:v14+s13+$0x0], $0xffff;
	v18 =	vor.u32 v44, v3;
	v6 =	vadd.f32 v8, v6;
	v8 =	vmul.f32 v9, v13  }
0x270: {  	v9 =	vld.idx.msk [tilespmem:v19+s24+$0x0], $0xffff;
	v13 =	vor.u32 v45, v7  }
0x271: {  	v16 =	vld.idx.msk [tilespmem:v16+s13+$0x0], $0xffff;
	v19 =	vor.u32 v45, v3;
	v6 =	vadd.f32 v8, v6;
	v8 =	vmul.f32 v11, v15  }
0x272: {  	v11 =	vld.idx.msk [tilespmem:v20+s24+$0x0], $0xffff;
	v15 =	vor.u32 v46, v7  }
0x273: {  	v20 =	vor.u32 v46, v3;
	v12 =	vld.idx.msk [tilespmem:v12+s13+$0x0], $0xffff;
	v6 =	vadd.f32 v8, v6;
	v8 =	vmul.f32 v10, v17  }
0x274: {  	v10 =	vld.idx.msk [tilespmem:v18+s24+$0x0], $0xffff;
	v17 =	vor.u32 v47, v7  }
0x275: {  	v18 =	vor.u32 v47, v3;
	v13 =	vld.idx.msk [tilespmem:v13+s13+$0x0], $0xffff;
	v6 =	vadd.f32 v8, v6;
	v8 =	vmul.f32 v9, v14  }
0x276: {  	v9 =	vld.idx.msk [tilespmem:v19+s24+$0x0], $0xffff;
	v14 =	vor.u32 v50, v7  }
0x277: {  	v19 =	vor.u32 v50, v3;
	v15 =	vld.idx.msk [tilespmem:v15+s13+$0x0], $0xffff;
	v6 =	vadd.f32 v8, v6;
	v8 =	vmul.f32 v11, v16  }
0x278: {  	v11 =	vld.idx.msk [tilespmem:v20+s24+$0x0], $0xffff;
	v16 =	vor.u32 v52, v7  }
0x279: {  	v20 =	vor.u32 v52, v3;
	v17 =	vld.idx.msk [tilespmem:v17+s13+$0x0], $0xffff;
	v6 =	vadd.f32 v8, v6;
	v8 =	vmul.f32 v10, v12  }
0x27a: {  	v10 =	vld.idx.msk [tilespmem:v18+s24+$0x0], $0xffff;
	v12 =	vor.u32 v54, v7  }
0x27b: {  	v18 =	vor.u32 v54, v3;
	v14 =	vld.idx.msk [tilespmem:v14+s13+$0x0], $0xffff;
	v6 =	vadd.f32 v8, v6;
	v8 =	vmul.f32 v9, v13  }
0x27c: {  	v9 =	vld.idx.msk [tilespmem:v19+s24+$0x0], $0xffff;
	v13 =	vor.u32 v55, v7  }
0x27d: {  	v19 =	vor.u32 v55, v3;
	v16 =	vld.idx.msk [tilespmem:v16+s13+$0x0], $0xffff;
	v6 =	vadd.f32 v8, v6;
	v8 =	vmul.f32 v11, v15  }
0x27e: {  	v11 =	vld.idx.msk [tilespmem:v20+s24+$0x0], $0xffff;
	v15 =	vor.u32 v58, v7  }
0x27f: {  	v20 =	vor.u32 v58, v3;
	v12 =	vld.idx.msk [tilespmem:v12+s13+$0x0], $0xffff;
	v6 =	vadd.f32 v8, v6;
	v8 =	vmul.f32 v10, v17  }
0x280: {  	v10 =	vld.idx.msk [tilespmem:v18+s24+$0x0], $0xffff;
	v17 =	vor.u32 v59, v7  }
0x281: {  	v18 =	vor.u32 v59, v3;
	v13 =	vld.idx.msk [tilespmem:v13+s13+$0x0], $0xffff;
	v6 =	vadd.f32 v8, v6;
	v8 =	vmul.f32 v9, v14  }
0x282: {  	v9 =	vld.idx.msk [tilespmem:v19+s24+$0x0], $0xffff;
	v14 =	vor.u32 v61, v7  }
0x283: {  	v19 =	vor.u32 v61, v3;
	v15 =	vld.idx.msk [tilespmem:v15+s13+$0x0], $0xffff;
	v6 =	vadd.f32 v8, v6;
	v8 =	vmul.f32 v11, v16  }
0x284: {  	v11 =	vld.idx.msk [tilespmem:v20+s24+$0x0], $0xffff;
	v16 =	vor.u32 v62, v7  }
0x285: {  	v20 =	vor.u32 v62, v3;
	v17 =	vld.idx.msk [tilespmem:v17+s13+$0x0], $0xffff;
	v10 =	vmul.f32 v10, v12;
	v8 =	vadd.f32 v8, v6  }
0x286: {  	v12 =	vld.idx.msk [tilespmem:v18+s24+$0x0], $0xffff;
	v18 =	vor.u32 v60, v7  }
0x287: {  	v21 =	vor.u32 v60, v3;
	v14 =	vld.idx.msk [tilespmem:v14+s13+$0x0], $0xffff;
	v9 =	vmul.f32 v9, v13;
	v8 =	vadd.f32 v10, v8  }
0x288: {  	v10 =	vld.idx.msk [tilespmem:v19+s24+$0x0], $0xffff;
	v19 =	vor.u32 v63, v3  }
0x289: {  	v16 =	vld.idx.msk [tilespmem:v16+s13+$0x0], $0xffff;
	v8 =	vadd.f32 v9, v8;
	v9 =	vmul.f32 v11, v15  }
0x28a: {  	v11 =	vld.idx.msk [tilespmem:v20+s24+$0x0], $0xffff;
	v20 =	vor.u32 v4, v3  }
0x28b: {  	v18 =	vld.idx.msk [tilespmem:v18+s13+$0x0], $0xffff;
	v8 =	vadd.f32 v9, v8;
	v9 =	vmul.f32 v12, v17  }
0x28c: {  	v12 =	vld.idx.msk [tilespmem:v21+s24+$0x0], $0xffff  }
0x28d: {  	v13 =	vor.u32 v63, v7;
	v8 =	vadd.f32 v9, v8;
	v9 =	vmul.f32 v10, v14;
	v10 =	vld.idx.msk [tilespmem:v19+s24+$0x0], $0xffff  }
0x28e: {  	v15 =	vor.u32 v4, v7;
	v19 =	vld [tilespmem:$0x1FF20]  }
0x28f: {  	v21 =	vor.u32 v5, v3;
	v8 =	vadd.f32 v9, v8;
	v9 =	vmul.f32 v11, v16;
	v11 =	vld.idx.msk [tilespmem:v20+s24+$0x0], $0xffff  }
0x290: {  	v20 =	vld [tilespmem:$0x1FCB0];
	_ =	sdelay $0x1  }
0x291: {  	v17 =	vor.u32 v5, v7;
	v13 =	vld.idx.msk [tilespmem:v13+s13+$0x0], $0xffff  }
0x292: {  	v15 =	vld.idx.msk [tilespmem:v15+s13+$0x0], $0xffff;
	v14 =	vor.u32 v19, v7;
	v19 =	vor.u32 v19, v3  }
0x293: {  	v8 =	vadd.f32 v9, v8;
	v9 =	vmul.f32 v12, v18;
	v12 =	vld.idx.msk [tilespmem:v21+s24+$0x0], $0xffff  }
0x294: {  	v21 =	vld [tilespmem:$0x1FF50];
	v16 =	vor.u32 v20, v7;
	v20 =	vor.u32 v20, v3;
	_ =	sdelay $0x1  }
0x295: {  	v17 =	vld.idx.msk [tilespmem:v17+s13+$0x0], $0xffff;
	v8 =	vadd.f32 v9, v8;
	v9 =	vmul.f32 v10, v13  }
0x296: {  	v10 =	vld.idx.msk [tilespmem:v19+s24+$0x0], $0xffff  }
0x297: {  	v8 =	vadd.f32 v9, v8;
	v19 =	vld [tilespmem:$0x1FCC0]  }
0x298: {  	v9 =	vmul.f32 v11, v15;
	v18 =	vor.u32 v21, v7;
	v21 =	vor.u32 v21, v3;
	v11 =	vld.idx.msk [tilespmem:v20+s24+$0x0], $0xffff  }
0x299: {  	v20 =	vld [tilespmem:$0x1FF60];
	_ =	sdelay $0x1  }
0x29a: {  	v14 =	vld.idx.msk [tilespmem:v14+s13+$0x0], $0xffff  }
0x29b: {  	v16 =	vld.idx.msk [tilespmem:v16+s13+$0x0], $0xffff;
	v13 =	vor.u32 v19, v7;
	v19 =	vor.u32 v19, v3  }
0x29c: {  	v8 =	vadd.f32 v9, v8;
	v9 =	vmul.f32 v12, v17;
	v12 =	vld.idx.msk [tilespmem:v21+s24+$0x0], $0xffff  }
0x29d: {  	v21 =	vld [tilespmem:$0x1FF40];
	v15 =	vor.u32 v20, v7;
	v20 =	vor.u32 v20, v3  }
0x29e: {  	v2 =	vld [tilespmem:$0x1FF70]  }
0x29f: {  	v8 =	vadd.f32 v9, v8;
	v18 =	vld.idx.msk [tilespmem:v18+s13+$0x0], $0xffff;
	v9 =	vmul.f32 v10, v14  }
0x2a0: {  	v10 =	vld.idx.msk [tilespmem:v19+s24+$0x0], $0xffff  }
0x2a1: {  	v8 =	vadd.f32 v9, v8;
	v19 =	vld [tilespmem:$0x1FF30]  }
0x2a2: {  	v9 =	vmul.f32 v11, v16;
	v17 =	vor.u32 v21, v7;
	v21 =	vor.u32 v21, v3;
	v11 =	vld.idx.msk [tilespmem:v20+s24+$0x0], $0xffff  }
0x2a3: {  	v16 =	vor.u32 v2, v7;
	v20 =	vor.u32 v2, v3;
	v2 =	vld [tilespmem:$0x1FF80];
	_ =	sdelay $0x2  }
0x2a4: {  	v8 =	vadd.f32 v9, v8;
	v13 =	vld.idx.msk [tilespmem:v13+s13+$0x0], $0xffff  }
0x2a5: {  	v9 =	vmul.f32 v12, v18;
	v12 =	vld.idx.msk [tilespmem:v21+s24+$0x0], $0xffff;
	v14 =	vor.u32 v19, v7;
	v19 =	vor.u32 v19, v3  }
0x2a6: {  	v18 =	vor.u32 v2, v7;
	v21 =	vor.u32 v2, v3;
	v2 =	vld [tilespmem:$0x1FFC0];
	_ =	sdelay $0x2  }
0x2a7: {  	v15 =	vld.idx.msk [tilespmem:v15+s13+$0x0], $0xffff  }
0x2a8: {  	v8 =	vadd.f32 v9, v8;
	v9 =	vmul.f32 v10, v13;
	v10 =	vld.idx.msk [tilespmem:v19+s24+$0x0], $0xffff  }
0x2a9: {  	v13 =	vor.u32 v2, v7;
	v19 =	vor.u32 v2, v3;
	v2 =	vld [tilespmem:$0x1FF10];
	_ =	sdelay $0x2  }
0x2aa: {  	v17 =	vld.idx.msk [tilespmem:v17+s13+$0x0], $0xffff  }
0x2ab: {  	v8 =	vadd.f32 v9, v8;
	v9 =	vmul.f32 v11, v15;
	v11 =	vld.idx.msk [tilespmem:v20+s24+$0x0], $0xffff  }
0x2ac: {  	v15 =	vor.u32 v2, v7;
	v20 =	vor.u32 v2, v3;
	v2 =	vld [tilespmem:$0x1FEE0]  }
0x2ad: {  	v37 =	vld [tilespmem:$0x1FFA0]  }
0x2ae: {  	v14 =	vld.idx.msk [tilespmem:v14+s13+$0x0], $0xffff  }
0x2af: {  	v16 =	vld.idx.msk [tilespmem:v16+s13+$0x0], $0xffff  }
0x2b0: {  	v8 =	vadd.f32 v9, v8;
	v9 =	vmul.f32 v12, v17;
	v12 =	vld.idx.msk [tilespmem:v21+s24+$0x0], $0xffff  }
0x2b1: {  	v17 =	vor.u32 v2, v7;
	v21 =	vor.u32 v2, v3;
	v2 =	vld [tilespmem:$0x1FEF0]  }
0x2b2: {  	v6 =	vadd.s32 s20, v37  }
0x2b3: {  	(v2sf) =	vpush v6, $0xF;
	v8 =	vadd.f32 v9, v8;
	v18 =	vld.idx.msk [tilespmem:v18+s13+$0x0], $0xffff;
	v9 =	vmul.f32 v10, v14  }
0x2b4: {  	(v2sf) =	vpush v6, $0xB  }
0x2b5: {  	(v2sf) =	vpush v6, $0x6;
	v10 =	vld.idx.msk [tilespmem:v19+s24+$0x0], $0xffff;
	v8 =	vadd.f32 v9, v8  }
0x2b6: {  	v9 =	vmul.f32 v11, v16;
	v14 =	vor.u32 v2, v7;
	v19 =	vor.u32 v2, v3;
	v2 =	vld [tilespmem:$0x1FF00]  }
0x2b7: {  	(v2sf) =	vpush v6, $0xE;
	v13 =	vld.idx.msk [tilespmem:v13+s13+$0x0], $0xffff  }
0x2b8: {  	(v2sf) =	vpush v6, $0xA;
	v8 =	vadd.f32 v9, v8;
	v9 =	vmul.f32 v12, v18;
	v12 =	vld.idx.msk [tilespmem:v21+s24+$0x0], $0xffff  }
0x2b9: {  	v21 =	vld [tilespmem:$0x1FDE0]  }
0x2ba: {  	v9 =	vadd.f32 v9, v8;
	v8 =	vld [tilespmem:$0x1FDF0]  }
0x2bb: {  	(v2sf) =	vpush v6, $0xD;
	v15 =	vld.idx.msk [tilespmem:v15+s13+$0x0], $0xffff;
	v16 =	vor.u32 v2, v7  }
0x2bc: {  	v11 =	vld.idx.msk [tilespmem:v20+s24+$0x0], $0xffff;
	v20 =	vor.u32 v2, v3  }
0x2bd: {  	v17 =	vld.idx.msk [tilespmem:v17+s13+$0x0], $0xffff  }
0x2be: {  	(v2sf) =	vpush v6, $0x9;
	v18 =	vor.u32 v21, v7;
	v14 =	vld.idx.msk [tilespmem:v14+s13+$0x0], $0xffff;
	v21 =	vor.u32 v21, v3  }
0x2bf: {  	(v2sf) =	vpush v6, $0x5;
	v10 =	vmul.f32 v10, v13;
	v13 =	vld.idx.msk [tilespmem:v19+s24+$0x0], $0xffff  }
0x2c0: {  	v22 =	vld.idx.msk [tilespmem:v16+s13+$0x0], $0xffff  }
0x2c1: {  	v11 =	vmul.f32 v11, v15;
	v15 =	vld.idx.msk [tilespmem:v20+s24+$0x0], $0xffff  }
0x2c2: {  	v19 =	vor.u32 v8, v7;
	v16 =	vadd.f32 v10, v9;
	v9 =	vld [tilespmem:$0x1FE00]  }
0x2c3: {  	s12 =	spop (v2sf);
	(v2sf) =	vpush v6, $0xC;
	v23 =	vor.u32 v8, v3;
	v28 =	vld.idx.msk [tilespmem:v21+s24+$0x0], $0xffff  }
0x2c4: {  	s8 =	spop (v2sf);
	(v2sf) =	vpush v6, $0x8;
	v21 =	vmul.f32 v13, v14;
	v13 =	vld [tilespmem:$0x1FE20]  }
0x2c5: {  	s22 =	spop (v2sf);
	(v2sf) =	vpush v6, $0x4;
	v8 =	vor.u32 v24, v7;
	v24 =	vld.idx.msk [tilespmem:v18+s13+$0x0], $0xffff  }
0x2c6: {  	s18 =	spop (v2sf);
	(v2sf) =	vpush v6, $0x2;
	v18 =	vadd.f32 v11, v16;
	v11 =	vld [tilespmem:$0x1FE10]  }
0x2c7: {  	[dreg:$0x2] =	wrdreg s0;
	s0 =	spop (v2sf);
	(v2sf) =	vpush v6, $0x1;
	v17 =	vmul.f32 v12, v17;
	v16 =	vld.idx.msk [tilespmem:v19+s13+$0x0], $0xffff  }
0x2c8: {  	v19 =	vld.idx.msk [tilespmem:v23+s24+$0x0], $0xffff;
	v20 =	vor.u32 v9, v7;
	v25 =	vor.u32 v9, v3;
	v9 =	vor.u32 v26, v7  }
0x2c9: {  	v23 =	vor.u32 v13, v7;
	v26 =	vor.u32 v13, v3;
	v13 =	vor.u32 v0, v7;
	v0 =	vld [tilespmem:$0x1FD00]  }
0x2ca: {  	s23 =	spop (v2sf);
	(v2sf) =	vpush v6, $0x0  }
0x2cb: {  	v10 =	vor.u32 v27, v7;
	v17 =	vadd.f32 v17, v18;
	v27 =	vor.u32 v11, v7  }
0x2cc: {  	v30 =	vor.u32 v11, v3;
	v11 =	vor.u32 v31, v7;
	v31 =	vmul.f32 v15, v22;
	v15 =	vld [tilespmem:$0x1FE30]  }
0x2cd: {  	s2 =	spop (v2sf);
	(v2sf) =	vpush v6, $0x7;
	v18 =	vld.idx.msk [tilespmem:v20+s13+$0x0], $0xffff  }
0x2ce: {  	s30 =	spop (v2sf);
	(v2sf) =	vpush v6, $0x3;
	v20 =	vadd.f32 v21, v17;
	v17 =	vor.u32 v0, v7;
	v0 =	vld [tilespmem:$0x1FEA0]  }
0x2cf: {  	s25 =	smulhi.u32 $0x66666667, s12  }
0x2d0: {  	s4 =	smulhi.u32 $0x66666667, s8  }
0x2d1: {  	s28 =	smulhi.u32 $0x66666667, s18  }
0x2d2: {  	s29 =	smulhi.u32 $0x66666667, s0;
	v12 =	vor.u32 v29, v7;
	v22 =	vld.idx.msk [tilespmem:v27+s13+$0x0], $0xffff  }
0x2d3: {  	[dreg:$0x7] =	wrdreg s22;
	s22 =	smulhi.u32 $0x66666667, s23;
	v29 =	vor.u32 v15, v7;
	v27 =	vor.u32 v15, v3;
	v15 =	vor.u32 v0, v7;
	v0 =	vld [tilespmem:$0x1FE70]  }
0x2d4: {  	s9 =	smulhi.u32 $0x66666667, s2;
	[dreg:$0x9] =	wrdreg s30;
	s30 =	sshra.s32 s12, $0x1F  }
0x2d5: {  	s5 =	smul.u32 $0x66666667, s30;
	s15 =	spop (v2sf)  }
0x2d6: {  	s16 =	spop (v2sf);
	s19 =	smulhi.u32 $0x66666667, s15;
	v32 =	vmul.f32 v28, v24;
	v24 =	vld.idx.msk [tilespmem:v23+s13+$0x0], $0xffff  }
0x2d7: {  	s10 =	smov.u32 s20;
	s11 =	spop (v2sf);
	s14 =	smulhi.u32 $0x66666667, s16;
	v31 =	vadd.f32 v31, v20;
	v20 =	vld [tilespmem:$0x1FE40]  }
0x2d8: {  	p0 =	sne.s32 s20, $0x290;
	[dreg:$0x4] =	wrdreg s10;
	s7 =	smulhi.u32 $0x66666667, s11;
	v23 =	vor.u32 v0, v7;
	v0 =	vld [tilespmem:$0x1FE80]  }
.Ltmp0:
0x2d9: {  	s31 =	spop (v2sf);
	(pc) =	sbr.rel @p0 .LBB2_3-.Ltmp0, $4  }
0x2da: {  	s1 =	spop (v2sf);
	s26 =	smulhi.u32 $0x66666667, s31  }
0x2db: {  	s10 =	spop (v2sf);
	s6 =	smulhi.u32 $0x66666667, s1  }
0x2dc: {  	vm10 =	vmmov vm11;
	s20 =	sadd.s32 $0x10, s20;
	s21 =	spop (v2sf);
	s17 =	smulhi.u32 $0x66666667, s10;
	v14 =	vor.u32 v42, v7;
	v21 =	vld.idx.msk [tilespmem:v25+s24+$0x0], $0xffff  }
0x2dd: {  	s23 =	sshra.s32 s23, $0x1F;
	s3 =	smulhi.u32 $0x66666667, s21;
	s12 =	spop (v2sf);
	v25 =	vld.idx.msk [tilespmem:v30+s24+$0x0], $0xffff;
	v30 =	vor.u32 v20, v7;
	v28 =	vor.u32 v20, v3;
	v20 =	vor.u32 v0, v7  }
0x2de: {  	v0 =	vld [tilespmem:$0x1FE50];
	_ =	sdelay $0x2  }
0x2df: {  	v31 =	vadd.f32 v32, v31;
	v16 =	vmul.f32 v19, v16  }
0x2e0: {  	v19 =	vld.idx.msk [tilespmem:v26+s24+$0x0], $0xffff  }
0x2e1: {  	v16 =	vadd.f32 v16, v31;
	v26 =	vor.u32 v0, v7;
	v31 =	vor.u32 v0, v3;
	v0 =	vld [tilespmem:$0x1FE60];
	_ =	sdelay $0x3  }
0x2e2: {  	v18 =	vmul.f32 v21, v18  }
0x2e3: {  	v22 =	vmul.f32 v25, v22;
	v21 =	vor.u32 v0, v7;
	v25 =	vor.u32 v0, v3;
	v0 =	vld [tilespmem:$0x1FE70];
	_ =	sdelay $0x1  }
0x2e4: {  	v29 =	vld.idx.msk [tilespmem:v29+s13+$0x0], $0xffff  }
0x2e5: {  	v27 =	vld.idx.msk [tilespmem:v27+s24+$0x0], $0xffff;
	v16 =	vadd.f32 v18, v16  }
0x2e6: {  	v28 =	vld.idx.msk [tilespmem:v28+s24+$0x0], $0xffff  }
0x2e7: {  	v16 =	vadd.f32 v22, v16;
	v22 =	vor.u32 v0, v3;
	v0 =	vld [tilespmem:$0x1FE80]  }
0x2e8: {  	v23 =	vld.idx.msk [tilespmem:v23+s13+$0x0], $0xffff  }
0x2e9: {  	v20 =	vld.idx.msk [tilespmem:v20+s13+$0x0], $0xffff  }
0x2ea: {  	v17 =	vld.idx.msk [tilespmem:v17+s13+$0x0], $0xffff  }
0x2eb: {  	v18 =	vld.idx.msk [tilespmem:v30+s13+$0x0], $0xffff  }
0x2ec: {  	v30 =	vor.u32 v0, v3;
	v0 =	vld [tilespmem:$0x1FD00]  }
0x2ed: {  	v15 =	vld.idx.msk [tilespmem:v15+s13+$0x0], $0xffff  }
0x2ee: {  	s20 =	smul.u32 $0x66666667, s23;
	s15 =	sshra.s32 s15, $0x1F;
	v42 =	vld [tilespmem:$0x1FEB0]  }
0x2ef: {  	s16 =	sshra.s32 s16, $0x1F;
	v49 =	vld [tilespmem:$0x1FC00];
	s15 =	smul.u32 $0x66666667, s15;
	v19 =	vmul.f32 v19, v24  }
0x2f0: {  	s10 =	sshra.s32 s10, $0x1F;
	s16 =	smul.u32 $0x66666667, s16;
	v26 =	vld.idx.msk [tilespmem:v26+s13+$0x0], $0xffff  }
0x2f1: {  	s21 =	sshra.s32 s21, $0x1F;
	s10 =	smul.u32 $0x66666667, s10;
	v16 =	vadd.f32 v19, v16;
	v19 =	vmul.f32 v27, v29;
	v27 =	vor.u32 v0, v3;
	v0 =	vld [tilespmem:$0x1FEA0]  }
0x2f2: {  	s2 =	sshra.s32 s2, $0x1F;
	s30 =	smul.u32 $0x66666667, s21;
	v24 =	vld.idx.msk [tilespmem:v31+s24+$0x0], $0xffff  }
0x2f3: {  	s0 =	sshra.s32 s0, $0x1F;
	s2 =	smul.u32 $0x66666667, s2;
	v21 =	vld.idx.msk [tilespmem:v21+s13+$0x0], $0xffff  }
0x2f4: {  	s1 =	sshra.s32 s1, $0x1F;
	s0 =	smul.u32 $0x66666667, s0;
	s15 =	sadd.s32 s15, s19;
	v25 =	vld.idx.msk [tilespmem:v25+s24+$0x0], $0xffff  }
0x2f5: {  	s14 =	sadd.s32 s16, s14;
	s10 =	sadd.s32 s10, s17;
	s16 =	sadd.s32 s20, s22;
	v18 =	vmul.f32 v28, v18;
	v16 =	vadd.f32 v19, v16;
	v19 =	vld.idx.msk [tilespmem:v22+s24+$0x0], $0xffff  }
0x2f6: {  	s20 =	sadd.s32 s30, s3;
	s19 =	sshra.s32 s18, $0x1F;
	s2 =	sadd.s32 s2, s9;
	v28 =	vor.u32 v0, v3;
	v0 =	vld [tilespmem:$0x1FBF0]  }
0x2f7: {  	v51 =	vld [tilespmem:$0x1FC10];
	s21 =	sshrl.u32 s15, $0x1F;
	s15 =	sshra.s32 s15, $0x3;
	s22 =	sshrl.u32 s14, $0x1F;
	v16 =	vadd.f32 v18, v16;
	v18 =	vmul.f32 v24, v26  }
0x2f8: {  	s17 =	sadd.s32 s0, s29;
	s3 =	smul.u32 $0x66666667, s19;
	s18 =	sshrl.u32 s2, $0x1F;
	v24 =	vmov s22;
	v26 =	vmov s15;
	v29 =	vld.idx.msk [tilespmem:v30+s24+$0x0], $0xffff  }
0x2f9: {  	v14 =	vld.idx.msk [tilespmem:v14+s13+$0x0], $0xffff;
	s19 =	sshra.s32 s16, $0x3;
	s22 =	sshra.s32 s8, $0x1F;
	s8 =	sshrl.u32 s17, $0x1F;
	v24 =	vsel vm0, s18, v24;
	v16 =	vadd.f32 v18, v16;
	v18 =	vmul.f32 v25, v21  }
0x2fa: {  	s1 =	smul.u32 $0x66666667, s1;
	v26 =	vsel vm0, s19, v26;
	v24 =	vsel vm1, s8, v24;
	v22 =	vmov s21;
	v27 =	vld.idx.msk [tilespmem:v27+s24+$0x0], $0xffff  }
0x2fb: {  	v48 =	vmovc v1;
	v1 =	vld [tilespmem:$0x1FC20];
	s23 =	sshrl.u32 s10, $0x1F;
	s30 =	sshrl.u32 s16, $0x1F;
	v16 =	vadd.f32 v18, v16;
	v19 =	vmul.f32 v19, v23;
	v25 =	vor.u32 v0, v7  }
0x2fc: {  	v32 =	vld [tilespmem:$0x1FEC0];
	s0 =	sadd.s32 s1, s6;
	s3 =	sadd.s32 s3, s28;
	v21 =	vmov s23;
	v22 =	vsel vm0, s30, v22;
	v18 =	vor.u32 v0, v3  }
0x2fd: {  	s9 =	sshra.s32 s31, $0x1F;
	s23 =	sshrl.u32 s3, $0x1F;
	s3 =	sshra.s32 s3, $0x3;
	v16 =	vadd.f32 v19, v16;
	v20 =	vmul.f32 v29, v20;
	v29 =	vor.u32 v42, v3;
	v28 =	vld.idx.msk [tilespmem:v28+s24+$0x0], $0xffff  }
0x2fe: {  	s5 =	sadd.s32 s5, s25;
	v13 =	vld.idx.msk [tilespmem:v13+s13+$0x0], $0xffff;
	s6 =	smul.u32 $0x66666667, s9;
	s16 =	sshrl.u32 s0, $0x1F;
	v26 =	vsel vm1, s3, v26;
	v21 =	vnsel vm4, $0x0, v21;
	v22 =	vsel vm1, s23, v22  }
0x2ff: {  	v12 =	vld.idx.msk [tilespmem:v12+s13+$0x0], $0xffff;
	s21 =	sshra.s32 s2, $0x3;
	s2 =	smul.u32 $0x66666667, s22;
	s22 =	sshra.s32 s5, $0x3;
	v16 =	vadd.f32 v20, v16;
	v20 =	vor.u32 v49, v7;
	v17 =	vmul.f32 v27, v17  }
0x300: {  	s14 =	sshra.s32 s14, $0x3;
	v21 =	vsel vm0, s16, v21;
	v26 =	vsel vm2, s22, v26;
	v27 =	vor.u32 v49, v3;
	v25 =	vld.idx.msk [tilespmem:v25+s13+$0x0], $0xffff  }
0x301: {  	s6 =	sadd.s32 s6, s26;
	s15 =	sshra.s32 s20, $0x1F;
	v30 =	vmov s14;
	v16 =	vadd.f32 v17, v16;
	v17 =	vor.u32 v51, v7;
	v18 =	vld.idx.msk [tilespmem:v18+s24+$0x0], $0xffff  }
0x302: {  	s30 =	sshra.s32 s10, $0x3;
	v23 =	vmov s15;
	s15 =	sshra.s32 s17, $0x3;
	s17 =	sshrl.u32 s5, $0x1F;
	v29 =	vld.idx.msk [tilespmem:v29+s24+$0x0], $0xffff;
	v15 =	vmul.f32 v28, v15;
	v28 =	vor.u32 v51, v3  }
0x303: {  	s18 =	smulhi.u32 $0x66666667, s12;
	s10 =	sshra.s32 s10, $0x1F;
	v23 =	vsel vm4, s30, v23;
	v22 =	vsel vm2, s17, v22;
	s30 =	sshrl.u32 s6, $0x1F;
	vm4 =	vcmask $0x2F2C;
	v0 =	vld [tilespmem:$0x1FC30]  }
0x304: {  	s19 =	sshra.s32 s12, $0x1F;
	s2 =	sadd.s32 s2, s4;
	s4 =	sshra.s32 s0, $0x3;
	v19 =	vsel vm0, s21, v30;
	v23 =	vsel vm10, s10, v23;
	v21 =	vsel vm1, s30, v21;
	v20 =	vld.idx.msk [tilespmem:v20+s13+$0x0], $0xffff  }
0x305: {  	s9 =	smul.u32 $0x66666667, s19;
	s0 =	sshra.s32 s0, $0x1F;
	v23 =	vsel vm0, s4, v23;
	v27 =	vld.idx.msk [tilespmem:v27+s24+$0x0], $0xffff;
	v15 =	vadd.f32 v15, v16;
	v16 =	vor.u32 v1, v7  }
0x306: {  	s11 =	sshra.s32 s11, $0x1F;
	s12 =	sshra.s32 s6, $0x3;
	s21 =	sshrl.u32 s2, $0x1F;
	v23 =	vsel vm12, s0, v23;
	v17 =	vld.idx.msk [tilespmem:v17+s13+$0x0], $0xffff;
	v18 =	vmul.f32 v18, v25;
	v25 =	vor.u32 v1, v3  }
0x307: {  	s26 =	sadd.s32 s9, s18;
	s23 =	smul.u32 $0x66666667, s11;
	v19 =	vsel vm1, s15, v19;
	v24 =	vsel vm2, s21, v24;
	v23 =	vsel vm1, s12, v23;
	v28 =	vld.idx.msk [tilespmem:v28+s24+$0x0], $0xffff  }
0x308: {  	s9 =	sshrl.u32 s26, $0x1F;
	s18 =	sshra.s32 s26, $0x3;
	s14 =	sshra.s32 s6, $0x1F;
	v30 =	vld [tilespmem:$0x1FED0];
	v14 =	vmul.f32 v29, v14;
	v15 =	vadd.f32 v18, v15;
	v18 =	vor.u32 v0, v7  }
0x309: {  	v31 =	vld [tilespmem:$0x1FC40];
	s25 =	sshra.s32 s2, $0x3;
	s5 =	sadd.s32 s23, s7;
	s10 =	rddreg [dreg:$0x9];
	v21 =	vsel vm2, s9, v21;
	v23 =	vsel vm13, s14, v23;
	v29 =	vor.u32 v0, v3  }
0x30a: {  	s11 =	smulhi.u32 $0x66666667, s10;
	s3 =	sshra.s32 s10, $0x1F;
	s21 =	sshra.s32 s26, $0x1F;
	v23 =	vsel vm2, s18, v23;
	v20 =	vmul.f32 v27, v20;
	v16 =	vld.idx.msk [tilespmem:v16+s13+$0x0], $0xffff;
	v14 =	vadd.f32 v14, v15  }
0x30b: {  	s7 =	sshrl.u32 s5, $0x1F;
	s15 =	rddreg [dreg:$0x7];
	v19 =	vsel vm2, s25, v19;
	s3 =	smul.u32 $0x66666667, s3;
	v22 =	vcombine.low v24, v22;
	v23 =	vsel vm14, s21, v23;
	v15 =	vld.idx.msk [tilespmem:v25+s24+$0x0], $0xffff  }
0x30c: {  	v2 =	vld [tilespmem:$0x1FF90];
	s16 =	smulhi.u32 $0x66666667, s15;
	s4 =	sshra.s32 s15, $0x1F;
	s25 =	sshra.s32 s5, $0x3;
	v25 =	vor.u32 v32, v3;
	v17 =	vmul.f32 v28, v17;
	v14 =	vadd.f32 v20, v14  }
0x30d: {  	v21 =	vsel vm5, s7, v21;
	s19 =	smul.u32 $0x66666667, s4;
	s17 =	sadd.s32 s3, s11;
	v20 =	vsel vm5, s25, v23;
	v23 =	vor.u32 v30, v3;
	v18 =	vld.idx.msk [tilespmem:v18+s13+$0x0], $0xffff  }
0x30e: {  	s26 =	sshra.s32 s5, $0x1F;
	v19 =	vcombine.low v19, v26;
	v22 =	vperm.xlane v22, v40;
	s22 =	sshrl.u32 s17, $0x1F;
	v14 =	vadd.f32 v17, v14;
	v17 =	vld.idx.msk [tilespmem:v29+s24+$0x0], $0xffff  }
0x30f: {  	s23 =	sadd.s32 s19, s16;
	s30 =	sshra.s32 s17, $0x3;
	v21 =	vsel vm6, s22, v21;
	v7 =	vor.u32 v31, v7;
	v20 =	vsel vm15, s26, v20;
	v29 =	vld [tilespmem:$0x1FCD0]  }
0x310: {  	v43 =	vld [tilespmem:$0x1FFB0];
	s0 =	sshra.s32 s17, $0x1F;
	s3 =	sshrl.u32 s23, $0x1F;
	v20 =	vsel vm6, s30, v20;
	v15 =	vmul.f32 v15, v16;
	v16 =	vor.u32 v31, v3  }
0x311: {  	s4 =	sshra.s32 s23, $0x3;
	v21 =	vsel vm7, s3, v21;
	v20 =	vsel vm4, s0, v20;
	vm4 =	vcmask $0x3734;
	v24 =	vld.idx.msk [tilespmem:v25+s24+$0x0], $0xffff  }
0x312: {  	s5 =	sshra.s32 s23, $0x1F;
	s3 =	sshrl.u32 s20, $0x1F;
	v20 =	vsel vm7, s4, v20;
	v23 =	vld.idx.msk [tilespmem:v23+s24+$0x0], $0xffff;
	v14 =	vadd.f32 v15, v14;
	v15 =	vor.u32 v2, v3  }
0x313: {  	s6 =	sshra.s32 s20, $0x3;
	v19 =	vperm.xlane v19, v40;
	v21 =	vsel vm3, s3, v21;
	v20 =	vsel vm4, s5, v20;
	v2 =	vld [tilespmem:$0x1FE90]  }
0x314: {  	v7 =	vld.idx.msk [tilespmem:v7+s13+$0x0], $0xffff;
	v20 =	vsel vm3, s6, v20;
	v17 =	vmul.f32 v17, v18;
	v18 =	vor.u32 v29, v3  }
0x315: {  	v21 =	vperm.xlane v21, v41;
	v20 =	vperm.xlane v20, v41;
	v16 =	vld.idx.msk [tilespmem:v16+s24+$0x0], $0xffff  }
0x316: {  	v11 =	vld.idx.msk [tilespmem:v11+s13+$0x0], $0xffff;
	v14 =	vadd.f32 v17, v14;
	v13 =	vmul.f32 v24, v13;
	v17 =	vor.u32 v43, v3  }
0x317: {  	v21 =	vsel vm8, v21, v22;
	v19 =	vsel vm8, v20, v19;
	v15 =	vld.idx.msk [tilespmem:v15+s24+$0x0], $0xffff  }
0x318: {  	v10 =	vld.idx.msk [tilespmem:v10+s13+$0x0], $0xffff;
	s7 =	rddreg [dreg:$0x4];
	v12 =	vmul.f32 v23, v12;
	v13 =	vadd.f32 v13, v14;
	v3 =	vor.u32 v2, v3  }
0x319: {  	v14 =	vld.idx.msk [tilespmem:v18+s24+$0x0], $0xffff;
	v18 =	vadd.s32 v21, v19;
	v19 =	vmov s7  }
0x31a: {  	v9 =	vld.idx.msk [tilespmem:v9+s13+$0x0], $0xffff;
	v12 =	vadd.f32 v12, v13;
	v13 =	vmul.u32 $0xFFFFFFEC, v18;
	v7 =	vmul.f32 v16, v7  }
0x31b: {  	vm9 =	vlt.s32 v6, $0x1;
	v6 =	vsub.s32 v48, v19;
	v16 =	vld.idx.msk [tilespmem:v17+s24+$0x0], $0xffff  }
0x31c: {  	v8 =	vld.idx.msk [tilespmem:v8+s13+$0x0], $0xffff;
	vm10 =	vne.s32 v13, v6;
	v6 =	vadd.f32 v7, v12;
	v7 =	vmul.f32 v15, v11  }
0x31d: {  	vm9 =	vmand vm9, vm10;
	v11 =	vld.idx.msk [tilespmem:v3+s24+$0x0], $0xffff  }
0x31e: {  	v3 =	vsel vm9, $0xFFFFFFFF, v33;
	v6 =	vadd.f32 v7, v6;
	v7 =	vmul.f32 v14, v10  }
0x31f: {  	vm9 =	vlt.u32 v19, $0x20;
	v10 =	vor.u32 s7, v36;
	v3 =	vadd.s32 v3, v18  }
0x320: {  	v3 =	vsel vm9, v10, v3;
	v9 =	vmul.f32 v16, v9;
	v7 =	vadd.f32 v7, v6  }
0x321: {  	v6 =	vshll.u32 v10, $0x6;
	v3 =	vshll.u32 v3, $0x6  }
0x322: {  	v10 =	vor.u32 v36, v3;
	v8 =	vmul.f32 v11, v8;
	v7 =	vadd.f32 v9, v7  }
0x323: {  	v9 =	vor.u32 v36, v6  }
0x324: {  	s8 =	rddreg [dreg:$0x2];
	v20 =	vld [tilespmem:$0x1FCB0];
	v11 =	vor.u32 v34, v6;
	v7 =	vadd.f32 v8, v7  }
0x325: {  	s9 =	sadd.s32 $0x10, s8;
	v23 =	vld [tilespmem:$0x1FF50];
	v8 =	vor.u32 v34, v3  }
0x326: {  	v21 =	vld [tilespmem:$0x1FF20];
	v12 =	vor.u32 v35, v6;
	[tilespmem:s9+$0x0] =	vst v7  }
0x327: {  	v7 =	vld.idx.msk [tilespmem:v10+s24+$0x0], $0xffff;
	v10 =	vor.u32 v35, v3  }
0x328: {  	v13 =	vor.u32 v53, v6;
	v9 =	vld.idx.msk [tilespmem:v9+s13+$0x0], $0xffff  }
0x329: {  	v14 =	vor.u32 v53, v3;
	v11 =	vld.idx.msk [tilespmem:v11+s13+$0x0], $0xffff  }
0x32a: {  	v15 =	vor.u32 v56, v6;
	v8 =	vld.idx.msk [tilespmem:v8+s24+$0x0], $0xffff  }
0x32b: {  	v16 =	vor.u32 v56, v3;
	v12 =	vld.idx.msk [tilespmem:v12+s13+$0x0], $0xffff  }
0x32c: {  	v17 =	vor.u32 v57, v6;
	v10 =	vld.idx.msk [tilespmem:v10+s24+$0x0], $0xffff  }
0x32d: {  	v18 =	vor.u32 v57, v3;
	v13 =	vld.idx.msk [tilespmem:v13+s13+$0x0], $0xffff;
	v7 =	vmul.f32 v7, v9  }
0x32e: {  	v9 =	vld.idx.msk [tilespmem:v14+s24+$0x0], $0xffff;
	v14 =	vor.u32 v38, v6  }
0x32f: {  	v19 =	vor.u32 v38, v3;
	v15 =	vld.idx.msk [tilespmem:v15+s13+$0x0], $0xffff;
	v7 =	vadd.f32 $0.0e+00, v7;
	v8 =	vmul.f32 v8, v11  }
0x330: {  	v11 =	vld.idx.msk [tilespmem:v16+s24+$0x0], $0xffff;
	v16 =	vor.u32 v39, v6  }
0x331: {  	v17 =	vld.idx.msk [tilespmem:v17+s13+$0x0], $0xffff;
	v7 =	vadd.f32 v8, v7;
	v8 =	vor.u32 v39, v3;
	v10 =	vmul.f32 v10, v12  }
0x332: {  	v12 =	vld.idx.msk [tilespmem:v18+s24+$0x0], $0xffff;
	v18 =	vor.u32 v44, v6  }
0x333: {  	v14 =	vld.idx.msk [tilespmem:v14+s13+$0x0], $0xffff;
	v9 =	vmul.f32 v9, v13;
	v7 =	vadd.f32 v10, v7;
	v10 =	vor.u32 v44, v3  }
0x334: {  	v13 =	vld.idx.msk [tilespmem:v19+s24+$0x0], $0xffff;
	v19 =	vor.u32 v45, v6  }
0x335: {  	v16 =	vld.idx.msk [tilespmem:v16+s13+$0x0], $0xffff;
	v11 =	vmul.f32 v11, v15;
	v7 =	vadd.f32 v9, v7;
	v9 =	vor.u32 v45, v3  }
0x336: {  	v15 =	vor.u32 v46, v6;
	v8 =	vld.idx.msk [tilespmem:v8+s24+$0x0], $0xffff  }
0x337: {  	v18 =	vld.idx.msk [tilespmem:v18+s13+$0x0], $0xffff;
	v12 =	vmul.f32 v12, v17;
	v7 =	vadd.f32 v11, v7;
	v11 =	vor.u32 v46, v3  }
0x338: {  	v17 =	vor.u32 v47, v6;
	v10 =	vld.idx.msk [tilespmem:v10+s24+$0x0], $0xffff  }
0x339: {  	v19 =	vld.idx.msk [tilespmem:v19+s13+$0x0], $0xffff;
	v13 =	vmul.f32 v13, v14;
	v7 =	vadd.f32 v12, v7;
	v12 =	vor.u32 v47, v3  }
0x33a: {  	v14 =	vor.u32 v50, v6;
	v9 =	vld.idx.msk [tilespmem:v9+s24+$0x0], $0xffff  }
0x33b: {  	v15 =	vld.idx.msk [tilespmem:v15+s13+$0x0], $0xffff;
	v8 =	vmul.f32 v8, v16;
	v7 =	vadd.f32 v13, v7;
	v13 =	vor.u32 v50, v3  }
0x33c: {  	v16 =	vor.u32 v52, v6;
	v11 =	vld.idx.msk [tilespmem:v11+s24+$0x0], $0xffff  }
0x33d: {  	v17 =	vld.idx.msk [tilespmem:v17+s13+$0x0], $0xffff;
	v7 =	vadd.f32 v8, v7;
	v8 =	vor.u32 v52, v3;
	v10 =	vmul.f32 v10, v18  }
0x33e: {  	v18 =	vor.u32 v54, v6;
	v12 =	vld.idx.msk [tilespmem:v12+s24+$0x0], $0xffff  }
0x33f: {  	v14 =	vld.idx.msk [tilespmem:v14+s13+$0x0], $0xffff;
	v7 =	vadd.f32 v10, v7;
	v10 =	vor.u32 v54, v3;
	v9 =	vmul.f32 v9, v19  }
0x340: {  	v19 =	vor.u32 v55, v6;
	v13 =	vld.idx.msk [tilespmem:v13+s24+$0x0], $0xffff  }
0x341: {  	v16 =	vld.idx.msk [tilespmem:v16+s13+$0x0], $0xffff;
	v7 =	vadd.f32 v9, v7;
	v9 =	vor.u32 v55, v3;
	v11 =	vmul.f32 v11, v15  }
0x342: {  	v15 =	vor.u32 v58, v6;
	v8 =	vld.idx.msk [tilespmem:v8+s24+$0x0], $0xffff  }
0x343: {  	v18 =	vld.idx.msk [tilespmem:v18+s13+$0x0], $0xffff;
	v7 =	vadd.f32 v11, v7;
	v11 =	vor.u32 v58, v3;
	v12 =	vmul.f32 v12, v17  }
0x344: {  	v17 =	vor.u32 v59, v6;
	v10 =	vld.idx.msk [tilespmem:v10+s24+$0x0], $0xffff  }
0x345: {  	v19 =	vld.idx.msk [tilespmem:v19+s13+$0x0], $0xffff;
	v7 =	vadd.f32 v12, v7;
	v12 =	vor.u32 v59, v3;
	v13 =	vmul.f32 v13, v14  }
0x346: {  	v14 =	vor.u32 v61, v6;
	v9 =	vld.idx.msk [tilespmem:v9+s24+$0x0], $0xffff  }
0x347: {  	v15 =	vld.idx.msk [tilespmem:v15+s13+$0x0], $0xffff;
	v7 =	vadd.f32 v13, v7;
	v13 =	vor.u32 v61, v3;
	v8 =	vmul.f32 v8, v16  }
0x348: {  	v16 =	vor.u32 v62, v6;
	v11 =	vld.idx.msk [tilespmem:v11+s24+$0x0], $0xffff  }
0x349: {  	v17 =	vld.idx.msk [tilespmem:v17+s13+$0x0], $0xffff;
	v7 =	vadd.f32 v8, v7;
	v8 =	vor.u32 v62, v3;
	v10 =	vmul.f32 v10, v18  }
0x34a: {  	v18 =	vor.u32 v60, v6;
	v12 =	vld.idx.msk [tilespmem:v12+s24+$0x0], $0xffff  }
0x34b: {  	v14 =	vld.idx.msk [tilespmem:v14+s13+$0x0], $0xffff;
	v7 =	vadd.f32 v10, v7;
	v10 =	vor.u32 v60, v3;
	v9 =	vmul.f32 v9, v19  }
0x34c: {  	v19 =	vor.u32 v63, v6;
	v13 =	vld.idx.msk [tilespmem:v13+s24+$0x0], $0xffff  }
0x34d: {  	v16 =	vld.idx.msk [tilespmem:v16+s13+$0x0], $0xffff;
	v7 =	vadd.f32 v9, v7;
	v9 =	vor.u32 v63, v3;
	v11 =	vmul.f32 v11, v15  }
0x34e: {  	v15 =	vor.u32 v4, v6;
	v8 =	vld.idx.msk [tilespmem:v8+s24+$0x0], $0xffff  }
0x34f: {  	v18 =	vld.idx.msk [tilespmem:v18+s13+$0x0], $0xffff;
	v7 =	vadd.f32 v11, v7;
	v11 =	vor.u32 v4, v3;
	v12 =	vmul.f32 v12, v17  }
0x350: {  	v17 =	vor.u32 v5, v6;
	v10 =	vld.idx.msk [tilespmem:v10+s24+$0x0], $0xffff  }
0x351: {  	v19 =	vld.idx.msk [tilespmem:v19+s13+$0x0], $0xffff;
	v7 =	vadd.f32 v12, v7;
	v12 =	vor.u32 v5, v3;
	v13 =	vmul.f32 v13, v14  }
0x352: {  	v14 =	vor.u32 v21, v6;
	v9 =	vld.idx.msk [tilespmem:v9+s24+$0x0], $0xffff  }
0x353: {  	v15 =	vld.idx.msk [tilespmem:v15+s13+$0x0], $0xffff;
	v7 =	vadd.f32 v13, v7;
	v13 =	vor.u32 v21, v3  }
0x354: {  	v11 =	vld.idx.msk [tilespmem:v11+s24+$0x0], $0xffff  }
0x355: {  	v17 =	vld.idx.msk [tilespmem:v17+s13+$0x0], $0xffff  }
0x356: {  	v12 =	vld.idx.msk [tilespmem:v12+s24+$0x0], $0xffff  }
0x357: {  	v8 =	vmul.f32 v8, v16;
	v14 =	vld.idx.msk [tilespmem:v14+s13+$0x0], $0xffff  }
0x358: {  	v16 =	vor.u32 v20, v6;
	v13 =	vld.idx.msk [tilespmem:v13+s24+$0x0], $0xffff  }
0x359: {  	v7 =	vadd.f32 v8, v7;
	v8 =	vor.u32 v20, v3;
	v20 =	vld [tilespmem:$0x1FCC0];
	_ =	sdelay $0x1  }
0x35a: {  	v10 =	vmul.f32 v10, v18;
	v28 =	vld [tilespmem:$0x1FF60]  }
0x35b: {  	v18 =	vor.u32 v23, v6  }
0x35c: {  	v7 =	vadd.f32 v10, v7;
	v10 =	vor.u32 v23, v3;
	v9 =	vmul.f32 v9, v19;
	v16 =	vld.idx.msk [tilespmem:v16+s13+$0x0], $0xffff  }
0x35d: {  	v24 =	vld [tilespmem:$0x1FF40];
	v19 =	vor.u32 v20, v6  }
0x35e: {  	v25 =	vld [tilespmem:$0x1FF30];
	v7 =	vadd.f32 v9, v7;
	v11 =	vmul.f32 v11, v15;
	v9 =	vor.u32 v20, v3  }
0x35f: {  	v8 =	vld.idx.msk [tilespmem:v8+s24+$0x0], $0xffff;
	v15 =	vor.u32 v28, v6  }
0x360: {  	v18 =	vld.idx.msk [tilespmem:v18+s13+$0x0], $0xffff;
	v7 =	vadd.f32 v11, v7;
	v12 =	vmul.f32 v12, v17;
	v11 =	vor.u32 v28, v3  }
0x361: {  	v10 =	vld.idx.msk [tilespmem:v10+s24+$0x0], $0xffff  }
0x362: {  	v7 =	vadd.f32 v12, v7;
	v13 =	vmul.f32 v13, v14;
	v19 =	vld.idx.msk [tilespmem:v19+s13+$0x0], $0xffff  }
0x363: {  	v9 =	vld.idx.msk [tilespmem:v9+s24+$0x0], $0xffff  }
0x364: {  	v17 =	vor.u32 v24, v6;
	v7 =	vadd.f32 v13, v7;
	v8 =	vmul.f32 v8, v16;
	v15 =	vld.idx.msk [tilespmem:v15+s13+$0x0], $0xffff  }
0x365: {  	v12 =	vor.u32 v24, v3;
	v11 =	vld.idx.msk [tilespmem:v11+s24+$0x0], $0xffff  }
0x366: {  	v7 =	vadd.f32 v8, v7;
	v10 =	vmul.f32 v10, v18  }
0x367: {  	v20 =	vld [tilespmem:$0x1FF10]  }
0x368: {  	v26 =	vld [tilespmem:$0x1FF70];
	v7 =	vadd.f32 v10, v7;
	v9 =	vmul.f32 v9, v19  }
0x369: {  	v14 =	vor.u32 v25, v6;
	v17 =	vld.idx.msk [tilespmem:v17+s13+$0x0], $0xffff  }
0x36a: {  	v13 =	vor.u32 v25, v3;
	v12 =	vld.idx.msk [tilespmem:v12+s24+$0x0], $0xffff;
	v11 =	vmul.f32 v11, v15;
	v7 =	vadd.f32 v9, v7;
	_ =	sdelay $0x1  }
0x36b: {  	v15 =	vor.u32 v20, v6;
	v7 =	vadd.f32 v11, v7;
	v11 =	vor.u32 v20, v3;
	v20 =	vld [tilespmem:$0x1FEE0]  }
0x36c: {  	v27 =	vld [tilespmem:$0x1FF80]  }
0x36d: {  	v16 =	vor.u32 v26, v6;
	v14 =	vld.idx.msk [tilespmem:v14+s13+$0x0], $0xffff  }
0x36e: {  	v8 =	vor.u32 v26, v3;
	v13 =	vld.idx.msk [tilespmem:v13+s24+$0x0], $0xffff;
	v12 =	vmul.f32 v12, v17;
	_ =	sdelay $0x1  }
0x36f: {  	v7 =	vadd.f32 v12, v7;
	v17 =	vor.u32 v20, v6;
	v12 =	vor.u32 v20, v3;
	v20 =	vld [tilespmem:$0x1FEF0]  }
0x370: {  	v22 =	vld [tilespmem:$0x1FFC0]  }
0x371: {  	v18 =	vor.u32 v27, v6;
	v16 =	vld.idx.msk [tilespmem:v16+s13+$0x0], $0xffff  }
0x372: {  	v10 =	vor.u32 v27, v3;
	v8 =	vld.idx.msk [tilespmem:v8+s24+$0x0], $0xffff;
	v13 =	vmul.f32 v13, v14;
	_ =	sdelay $0x1  }
0x373: {  	v7 =	vadd.f32 v13, v7;
	v14 =	vor.u32 v20, v6;
	v13 =	vor.u32 v20, v3;
	v20 =	vld [tilespmem:$0x1FF00];
	_ =	sdelay $0x1  }
0x374: {  	v18 =	vld.idx.msk [tilespmem:v18+s13+$0x0], $0xffff;
	v19 =	vor.u32 v22, v6  }
0x375: {  	v10 =	vld.idx.msk [tilespmem:v10+s24+$0x0], $0xffff;
	v9 =	vor.u32 v22, v3;
	v8 =	vmul.f32 v8, v16;
	_ =	sdelay $0x1  }
0x376: {  	v7 =	vadd.f32 v8, v7;
	v16 =	vor.u32 v20, v6;
	v8 =	vor.u32 v20, v3;
	v20 =	vld [tilespmem:$0x1FDE0];
	_ =	sdelay $0x1  }
0x377: {  	v19 =	vld.idx.msk [tilespmem:v19+s13+$0x0], $0xffff  }
0x378: {  	v10 =	vmul.f32 v10, v18;
	v9 =	vld.idx.msk [tilespmem:v9+s24+$0x0], $0xffff;
	_ =	sdelay $0x1  }
0x379: {  	v7 =	vadd.f32 v10, v7;
	v18 =	vor.u32 v20, v6;
	v10 =	vor.u32 v20, v3;
	v20 =	vld [tilespmem:$0x1FDF0];
	_ =	sdelay $0x1  }
0x37a: {  	v15 =	vld.idx.msk [tilespmem:v15+s13+$0x0], $0xffff  }
0x37b: {  	v11 =	vld.idx.msk [tilespmem:v11+s24+$0x0], $0xffff;
	v9 =	vmul.f32 v9, v19;
	_ =	sdelay $0x1  }
0x37c: {  	v7 =	vadd.f32 v9, v7;
	v19 =	vor.u32 v20, v6;
	v9 =	vor.u32 v20, v3;
	v20 =	vld [tilespmem:$0x1FE00];
	_ =	sdelay $0x1  }
0x37d: {  	v17 =	vld.idx.msk [tilespmem:v17+s13+$0x0], $0xffff  }
0x37e: {  	v12 =	vld.idx.msk [tilespmem:v12+s24+$0x0], $0xffff;
	v11 =	vmul.f32 v11, v15;
	_ =	sdelay $0x1  }
0x37f: {  	v7 =	vadd.f32 v11, v7;
	v15 =	vor.u32 v20, v6;
	v11 =	vor.u32 v20, v3;
	v20 =	vld [tilespmem:$0x1FE10];
	_ =	sdelay $0x1  }
0x380: {  	v14 =	vld.idx.msk [tilespmem:v14+s13+$0x0], $0xffff  }
0x381: {  	v13 =	vld.idx.msk [tilespmem:v13+s24+$0x0], $0xffff;
	v12 =	vmul.f32 v12, v17;
	_ =	sdelay $0x1  }
0x382: {  	v7 =	vadd.f32 v12, v7;
	v17 =	vor.u32 v20, v6;
	v12 =	vor.u32 v20, v3;
	v20 =	vld [tilespmem:$0x1FE20];
	_ =	sdelay $0x1  }
0x383: {  	v16 =	vld.idx.msk [tilespmem:v16+s13+$0x0], $0xffff  }
0x384: {  	v8 =	vld.idx.msk [tilespmem:v8+s24+$0x0], $0xffff;
	v13 =	vmul.f32 v13, v14;
	_ =	sdelay $0x1  }
0x385: {  	v7 =	vadd.f32 v13, v7;
	v14 =	vor.u32 v20, v6;
	v13 =	vor.u32 v20, v3;
	v20 =	vld [tilespmem:$0x1FE30];
	_ =	sdelay $0x1  }
0x386: {  	v18 =	vld.idx.msk [tilespmem:v18+s13+$0x0], $0xffff  }
0x387: {  	v10 =	vld.idx.msk [tilespmem:v10+s24+$0x0], $0xffff;
	v8 =	vmul.f32 v8, v16;
	_ =	sdelay $0x1  }
0x388: {  	v7 =	vadd.f32 v8, v7;
	v16 =	vor.u32 v20, v6;
	v8 =	vor.u32 v20, v3;
	v20 =	vld [tilespmem:$0x1FE40];
	_ =	sdelay $0x1  }
0x389: {  	v19 =	vld.idx.msk [tilespmem:v19+s13+$0x0], $0xffff  }
0x38a: {  	v9 =	vld.idx.msk [tilespmem:v9+s24+$0x0], $0xffff;
	v10 =	vmul.f32 v10, v18;
	_ =	sdelay $0x1  }
0x38b: {  	v7 =	vadd.f32 v10, v7;
	v18 =	vor.u32 v20, v6;
	v10 =	vor.u32 v20, v3;
	v20 =	vld [tilespmem:$0x1FE50];
	_ =	sdelay $0x1  }
0x38c: {  	v15 =	vld.idx.msk [tilespmem:v15+s13+$0x0], $0xffff  }
0x38d: {  	v11 =	vld.idx.msk [tilespmem:v11+s24+$0x0], $0xffff;
	v9 =	vmul.f32 v9, v19;
	_ =	sdelay $0x1  }
0x38e: {  	v7 =	vadd.f32 v9, v7;
	v19 =	vor.u32 v20, v6;
	v9 =	vor.u32 v20, v3;
	v20 =	vld [tilespmem:$0x1FE60];
	_ =	sdelay $0x1  }
0x38f: {  	v17 =	vld.idx.msk [tilespmem:v17+s13+$0x0], $0xffff  }
0x390: {  	v12 =	vld.idx.msk [tilespmem:v12+s24+$0x0], $0xffff;
	v11 =	vmul.f32 v11, v15;
	_ =	sdelay $0x1  }
0x391: {  	v7 =	vadd.f32 v11, v7;
	v15 =	vor.u32 v20, v6;
	v11 =	vor.u32 v20, v3;
	v20 =	vld [tilespmem:$0x1FE70];
	_ =	sdelay $0x1  }
0x392: {  	v14 =	vld.idx.msk [tilespmem:v14+s13+$0x0], $0xffff  }
0x393: {  	v13 =	vld.idx.msk [tilespmem:v13+s24+$0x0], $0xffff;
	v12 =	vmul.f32 v12, v17;
	_ =	sdelay $0x1  }
0x394: {  	v7 =	vadd.f32 v12, v7;
	v17 =	vor.u32 v20, v6;
	v12 =	vor.u32 v20, v3;
	v20 =	vld [tilespmem:$0x1FE80];
	_ =	sdelay $0x1  }
0x395: {  	v16 =	vld.idx.msk [tilespmem:v16+s13+$0x0], $0xffff  }
0x396: {  	v8 =	vld.idx.msk [tilespmem:v8+s24+$0x0], $0xffff;
	v13 =	vmul.f32 v13, v14;
	_ =	sdelay $0x1  }
0x397: {  	v7 =	vadd.f32 v13, v7;
	v14 =	vor.u32 v20, v6;
	v13 =	vor.u32 v20, v3;
	v20 =	vld [tilespmem:$0x1FD00]  }
0x398: {  	v18 =	vld.idx.msk [tilespmem:v18+s13+$0x0], $0xffff  }
0x399: {  	v10 =	vld.idx.msk [tilespmem:v10+s24+$0x0], $0xffff  }
0x39a: {  	v8 =	vmul.f32 v8, v16;
	v15 =	vld.idx.msk [tilespmem:v15+s13+$0x0], $0xffff  }
0x39b: {  	v11 =	vld.idx.msk [tilespmem:v11+s24+$0x0], $0xffff  }
0x39c: {  	v7 =	vadd.f32 v8, v7;
	v16 =	vor.u32 v20, v6;
	v8 =	vor.u32 v20, v3;
	v20 =	vld [tilespmem:$0x1FEA0];
	_ =	sdelay $0x1  }
0x39d: {  	v19 =	vld.idx.msk [tilespmem:v19+s13+$0x0], $0xffff;
	v10 =	vmul.f32 v10, v18  }
0x39e: {  	v9 =	vld.idx.msk [tilespmem:v9+s24+$0x0], $0xffff  }
0x39f: {  	v7 =	vadd.f32 v10, v7;
	v11 =	vmul.f32 v11, v15  }
0x3a0: {  	v15 =	vor.u32 v42, v6;
	v18 =	vor.u32 v20, v6;
	v10 =	vor.u32 v20, v3;
	v20 =	vld [tilespmem:$0x1FBF0]  }
0x3a1: {  	v17 =	vld.idx.msk [tilespmem:v17+s13+$0x0], $0xffff  }
0x3a2: {  	v12 =	vld.idx.msk [tilespmem:v12+s24+$0x0], $0xffff  }
0x3a3: {  	v9 =	vmul.f32 v9, v19;
	v14 =	vld.idx.msk [tilespmem:v14+s13+$0x0], $0xffff  }
0x3a4: {  	v13 =	vld.idx.msk [tilespmem:v13+s24+$0x0], $0xffff  }
0x3a5: {  	v7 =	vadd.f32 v9, v7;
	v15 =	vld.idx.msk [tilespmem:v15+s13+$0x0], $0xffff;
	v19 =	vor.u32 v20, v6  }
0x3a6: {  	v16 =	vld.idx.msk [tilespmem:v16+s13+$0x0], $0xffff;
	v9 =	vor.u32 v20, v3  }
0x3a7: {  	v7 =	vadd.f32 v11, v7;
	v11 =	vor.u32 v42, v3;
	v12 =	vmul.f32 v12, v17;
	v8 =	vld.idx.msk [tilespmem:v8+s24+$0x0], $0xffff  }
0x3a8: {  	v17 =	vor.u32 v49, v6;
	v18 =	vld.idx.msk [tilespmem:v18+s13+$0x0], $0xffff  }
0x3a9: {  	v7 =	vadd.f32 v12, v7;
	v12 =	vor.u32 v49, v3;
	v13 =	vmul.f32 v13, v14;
	v10 =	vld.idx.msk [tilespmem:v10+s24+$0x0], $0xffff  }
0x3aa: {  	v14 =	vor.u32 v51, v6;
	v19 =	vld.idx.msk [tilespmem:v19+s13+$0x0], $0xffff  }
0x3ab: {  	v7 =	vadd.f32 v13, v7;
	v13 =	vor.u32 v51, v3;
	v9 =	vld.idx.msk [tilespmem:v9+s24+$0x0], $0xffff  }
0x3ac: {  	v11 =	vld.idx.msk [tilespmem:v11+s24+$0x0], $0xffff;
	v8 =	vmul.f32 v8, v16  }
0x3ad: {  	v17 =	vld.idx.msk [tilespmem:v17+s13+$0x0], $0xffff;
	v16 =	vor.u32 v1, v6  }
0x3ae: {  	v12 =	vld.idx.msk [tilespmem:v12+s24+$0x0], $0xffff;
	v7 =	vadd.f32 v8, v7;
	v8 =	vor.u32 v1, v3;
	v10 =	vmul.f32 v10, v18  }
0x3af: {  	v14 =	vld.idx.msk [tilespmem:v14+s13+$0x0], $0xffff;
	v18 =	vor.u32 v0, v6  }
0x3b0: {  	v13 =	vld.idx.msk [tilespmem:v13+s24+$0x0], $0xffff;
	v7 =	vadd.f32 v10, v7;
	v10 =	vor.u32 v0, v3;
	v9 =	vmul.f32 v9, v19  }
0x3b1: {  	v1 =	vld [tilespmem:$0x1FF90];
	v19 =	vor.u32 v32, v6  }
0x3b2: {  	v11 =	vmul.f32 v11, v15;
	v16 =	vld.idx.msk [tilespmem:v16+s13+$0x0], $0xffff;
	v7 =	vadd.f32 v9, v7;
	v9 =	vor.u32 v32, v3  }
0x3b3: {  	v15 =	vor.u32 v30, v6;
	v8 =	vld.idx.msk [tilespmem:v8+s24+$0x0], $0xffff  }
0x3b4: {  	v12 =	vmul.f32 v12, v17;
	v18 =	vld.idx.msk [tilespmem:v18+s13+$0x0], $0xffff;
	v7 =	vadd.f32 v11, v7;
	v11 =	vor.u32 v30, v3  }
0x3b5: {  	v17 =	vor.u32 v31, v6;
	v10 =	vld.idx.msk [tilespmem:v10+s24+$0x0], $0xffff  }
0x3b6: {  	v13 =	vmul.f32 v13, v14;
	v19 =	vld.idx.msk [tilespmem:v19+s13+$0x0], $0xffff;
	v7 =	vadd.f32 v12, v7;
	v12 =	vor.u32 v31, v3  }
0x3b7: {  	v14 =	vor.u32 v1, v6;
	v9 =	vld.idx.msk [tilespmem:v9+s24+$0x0], $0xffff  }
0x3b8: {  	v15 =	vld.idx.msk [tilespmem:v15+s13+$0x0], $0xffff;
	v8 =	vmul.f32 v8, v16;
	v7 =	vadd.f32 v13, v7;
	v13 =	vor.u32 v1, v3  }
0x3b9: {  	v16 =	vor.u32 v29, v6;
	v11 =	vld.idx.msk [tilespmem:v11+s24+$0x0], $0xffff  }
0x3ba: {  	v17 =	vld.idx.msk [tilespmem:v17+s13+$0x0], $0xffff;
	v10 =	vmul.f32 v10, v18;
	v7 =	vadd.f32 v8, v7;
	v8 =	vor.u32 v29, v3  }
0x3bb: {  	v18 =	vor.u32 v43, v6;
	v12 =	vld.idx.msk [tilespmem:v12+s24+$0x0], $0xffff  }
0x3bc: {  	v7 =	vadd.f32 v10, v7;
	v10 =	vld.idx.msk [tilespmem:v14+s13+$0x0], $0xffff;
	v9 =	vmul.f32 v9, v19;
	v14 =	vor.u32 v43, v3  }
0x3bd: {  	v6 =	vor.u32 v2, v6;
	v13 =	vld.idx.msk [tilespmem:v13+s24+$0x0], $0xffff  }
0x3be: {  	v3 =	vor.u32 v2, v3;
	v7 =	vadd.f32 v9, v7;
	v9 =	vmul.f32 v11, v15;
	v11 =	vld.idx.msk [tilespmem:v16+s13+$0x0], $0xffff  }
0x3bf: {  	v8 =	vld.idx.msk [tilespmem:v8+s24+$0x0], $0xffff  }
0x3c0: {  	v7 =	vadd.f32 v9, v7;
	v9 =	vmul.f32 v12, v17;
	v12 =	vld.idx.msk [tilespmem:v18+s13+$0x0], $0xffff  }
0x3c1: {  	v14 =	vld.idx.msk [tilespmem:v14+s24+$0x0], $0xffff  }
0x3c2: {  	v6 =	vld.idx.msk [tilespmem:v6+s13+$0x0], $0xffff;
	v7 =	vadd.f32 v9, v7;
	v9 =	vmul.f32 v13, v10  }
0x3c3: {  	v3 =	vld.idx.msk [tilespmem:v3+s24+$0x0], $0xffff  }
0x3c4: {  	v7 =	vadd.f32 v9, v7;
	v8 =	vmul.f32 v8, v11;
	_ =	sdelay $0x1  }
0x3c5: {  	v7 =	vadd.f32 v8, v7;
	v8 =	vmul.f32 v14, v12;
	_ =	sdelay $0x1  }
0x3c6: {  	v3 =	vmul.f32 v3, v6;
	v7 =	vadd.f32 v8, v7  }
0x3c7: {  	s6 =	rddreg [dreg:$0x10]  }
0x3c8: {  	s10 =	smul.u32 $0xA8, s6;
	v3 =	vadd.f32 v3, v7  }
0x3c9: {  	s15 =	simm.s32 $0x2;
	s11 =	sadd.s32 $0x10, s9;
	s12 =	rddreg [dreg:$0xd]  }
0x3ca: {  	s14 =	simm.s32 $0x18A00;
	s0 =	sadd.s32 s10, s12;
	s13 =	simm.s32 $0x0;
	[tilespmem:s11+$0x0] =	vst v3  }
0x3cb: {  	[hbm4b:s0+s13] =	stream.linear.scatter [tilespmem:s14], [sflag:$0x3], $0x2A0, $0x38;
	[tilespmem:$0x18F40] =	vst v63  }
0x3cc: {  	_ =	swait.ge [sflag:s15], $0xA800  }
0x3cd: {  	[sflag:s15] =	ssyncset.done $0x0  }
0x3ce: {  	[sflag:s15] =	ssyncadd.s32 $0xFFFF5800  }
0x3cf: {  	_ =	swait.ge [sflag:s15], $0x800  }
0x3d0: {  	p0 =	seq.s32 s6, $0x7;
	s0 =	rddreg [dreg:$0x12]  }
0x3d1: {  	s0 =	sadd.s32 @!p0 $0x2, s0  }
0x3d2: {  	s1 =	smul.u32 @!p0 $0xA80, s0  }
0x3d3: {  	s2 =	simm.s32 @!p0 $0x80;
	s3 =	simm.s32 @!p0 $0x2A00;
	[sflag:s15] =	ssyncset.done $0x0  }
0x3d4: {  	s5 =	rddreg [dreg:$0xa];
	[sflag:s15] =	ssyncadd.s32 $0xFFFFF800;
	s1 =	sshra.s32 @!p0 s1, $0x2  }
0x3d5: {  	[tilespmem:s3], [sflag:$0x1] =	stream.indirect.gather @!p0 [hbm4b:s5+s2], $0x40, s1, s2, $0xb8;
	[tilespmem:$0x18F40] =	vst v63  }
0x3d6: {  	s4 =	simm.s32 @!p0 $0x4A00;
	s3 =	sadd.s32 @!p0 $0x80, s1  }
0x3d7: {  	[tilespmem:s4], [sflag:$0x1] =	stream.indirect.gather @!p0 [hbm4b:s5+s2], $0x40, s3, s2, $0xb8;
	[tilespmem:$0x18F40] =	vst v63  }
0x3d8: {  	s3 =	sadd.s32 @!p0 $0x100, s1;
	s4 =	simm.s32 @!p0 $0x6A00  }
0x3d9: {  	[tilespmem:s4], [sflag:$0x1] =	stream.indirect.gather @!p0 [hbm4b:s5+s2], $0x40, s3, s2, $0xb8;
	[tilespmem:$0x18F40] =	vst v63  }
0x3da: {  	s3 =	sadd.s32 @!p0 $0x180, s1;
	s4 =	simm.s32 @!p0 $0x8A00  }
0x3db: {  	[tilespmem:s4], [sflag:$0x1] =	stream.indirect.gather @!p0 [hbm4b:s5+s2], $0x40, s3, s2, $0xb8;
	[tilespmem:$0x18F40] =	vst v63  }
0x3dc: {  	s3 =	sadd.s32 @!p0 $0x200, s1;
	s4 =	simm.s32 @!p0 $0xAA00  }
0x3dd: {  	[tilespmem:s4], [sflag:$0x1] =	stream.indirect.gather @!p0 [hbm4b:s5+s2], $0x40, s3, s2, $0xb8;
	[tilespmem:$0x18F40] =	vst v63  }
0x3de: {  	s1 =	sadd.s32 @!p0 $0x280, s1;
	s2 =	simm.s32 @!p0 $0x20;
	s3 =	simm.s32 @!p0 $0xCA00  }
0x3df: {  	[tilespmem:s3], [sflag:$0x1] =	stream.indirect.gather @!p0 [hbm4b:s5+s2], $0x40, s1, s2, $0xb8;
	[tilespmem:$0x18F40] =	vst v63  }
0x3e0: {  	p1 =	seq.s32 @!p0 s6, $0x0;
	s0 =	sshll.u32 @!p0 s0, $0x8;
	s1 =	rddreg [dreg:$0xc]  }
0x3e1: {  	s2 =	simm.s32 @!p0 $0x17A00;
	s0 =	sadd.s32 @!p0 s1, s0;
	s1 =	simm.s32 @!p0 $0x0  }
0x3e2: {  	[tilespmem:s2], [sflag:$0x1] =	stream.linear.gather @!p0 [hbm4b:s0+s1], $0x800, $0x38;
	[tilespmem:$0x18F40] =	vst v63  }
0x3e3: {  	p0 =	por p0, !p1  }
0x3e4: {  	s0 =	simm.s32 @p0 $0x4  }
0x3e5: {  	_ =	swait.ge @p0 [sflag:s0], $0x2A0  }
0x3e6: {  	[sflag:s0] =	ssyncset.done @p0 $0x0  }
0x3e7: {  	[sflag:s0] =	ssyncadd.s32 @p0 $0xFFFFFD60;
	s0 =	simm.s32 $0x0  }
0x3e8: {  	v3 =	vadd.s32 s0, v37  }
0x3e9: {  	(v2sf) =	vpush v3, $0xF  }
0x3ea: {  	(v2sf) =	vpush v3, $0xB;
	_ =	sdelay $0x1  }
0x3eb: {  	(v2sf) =	vpush v3, $0x6  }
0x3ec: {  	(v2sf) =	vpush v3, $0xE  }
0x3ed: {  	(v2sf) =	vpush v3, $0xA;
	_ =	sdelay $0x1  }
0x3ee: {  	(v2sf) =	vpush v3, $0xD;
	_ =	sdelay $0x1  }
0x3ef: {  	(v2sf) =	vpush v3, $0x9  }
0x3f0: {  	(v2sf) =	vpush v3, $0x5  }
0x3f1: {  	(v2sf) =	vpush v3, $0xC  }
0x3f2: {  	(v2sf) =	vpush v3, $0x8;
	_ =	sdelay $0x1  }
0x3f3: {  	(v2sf) =	vpush v3, $0x4  }
0x3f4: {  	s16 =	spop (v2sf)  }
0x3f5: {  	(v2sf) =	vpush v3, $0x2;
	s9 =	spop (v2sf);
	s7 =	smulhi.u32 $0x66666667, s16  }
0x3f6: {  	(v2sf) =	vpush v3, $0x1;
	s2 =	sshra.s32 s16, $0x1F;
	s8 =	smulhi.u32 $0x66666667, s9  }
0x3f7: {  	(v2sf) =	vpush v3, $0x0;
	s1 =	spop (v2sf);
	s26 =	smul.u32 $0x66666667, s2;
	s9 =	sshra.s32 s9, $0x1F  }
0x3f8: {  	s10 =	spop (v2sf);
	s9 =	smul.u32 $0x66666667, s9  }
0x3f9: {  	s11 =	spop (v2sf);
	s14 =	smulhi.u32 $0x66666667, s10  }
0x3fa: {  	s10 =	sshra.s32 s10, $0x1F;
	s15 =	smulhi.u32 $0x66666667, s11  }
0x3fb: {  	s12 =	spop (v2sf);
	s10 =	smul.u32 $0x66666667, s10  }
0x3fc: {  	(v2sf) =	vpush v3, $0x7;
	s11 =	sshra.s32 s11, $0x1F;
	s17 =	smulhi.u32 $0x66666667, s12  }
0x3fd: {  	s13 =	spop (v2sf);
	s11 =	smul.u32 $0x66666667, s11  }
0x3fe: {  	s3 =	spop (v2sf);
	s19 =	smulhi.u32 $0x66666667, s13;
	s13 =	sshra.s32 s13, $0x1F  }
0x3ff: {  	s18 =	spop (v2sf);
	s13 =	smul.u32 $0x66666667, s13  }
0x400: {  	s24 =	spop (v2sf);
	s20 =	smulhi.u32 $0x66666667, s18  }
0x401: {  	s16 =	sshra.s32 s18, $0x1F;
	s22 =	smulhi.u32 $0x66666667, s24  }
0x402: {  	s5 =	spop (v2sf);
	s2 =	smul.u32 $0x66666667, s16  }
0x403: {  	s18 =	sshra.s32 s24, $0x1F;
	s4 =	smulhi.u32 $0x66666667, s5  }
0x404: {  	s21 =	spop (v2sf);
	s16 =	smul.u32 $0x66666667, s18  }
0x405: {  	s5 =	sshra.s32 s5, $0x1F;
	s23 =	spop (v2sf);
	s6 =	smulhi.u32 $0x66666667, s21  }
0x406: {  	(v2sf) =	vpush v3, $0x3;
	s5 =	smul.u32 $0x66666667, s5;
	s30 =	spop (v2sf)  }
0x407: {  	s12 =	sshra.s32 s12, $0x1F;
	s25 =	smulhi.u32 $0x66666667, s30;
	s30 =	sshra.s32 s30, $0x1F  }
0x408: {  	s10 =	sadd.s32 s10, s14;
	s11 =	sadd.s32 s11, s15;
	s30 =	smul.u32 $0x66666667, s30  }
0x409: {  	s13 =	sadd.s32 s13, s19;
	s20 =	sadd.s32 s2, s20;
	s24 =	smulhi.u32 $0x66666667, s23  }
0x40a: {  	s21 =	sshra.s32 s21, $0x1F;
	s25 =	sadd.s32 s30, s25;
	s30 =	smul.u32 $0x66666667, s12  }
0x40b: {  	s16 =	sadd.s32 s16, s22;
	s4 =	sadd.s32 s5, s4;
	s18 =	spop (v2sf)  }
0x40c: {  	s17 =	sadd.s32 s30, s17;
	s30 =	sshra.s32 s23, $0x1F;
	s22 =	smulhi.u32 $0x66666667, s18  }
0x40d: {  	s18 =	sshra.s32 s18, $0x1F;
	s23 =	smul.u32 $0x66666667, s30;
	s19 =	sshrl.u32 s17, $0x1F  }
0x40e: {  	s17 =	sshra.s32 s17, $0x3;
	s12 =	smul.u32 $0x66666667, s18;
	s18 =	sshrl.u32 s20, $0x1F  }
0x40f: {  	s20 =	sshra.s32 s20, $0x3;
	s14 =	sadd.s32 s23, s24;
	s23 =	sshrl.u32 s13, $0x1F  }
0x410: {  	s13 =	sshra.s32 s13, $0x3;
	s24 =	sadd.s32 s26, s7;
	s26 =	sshrl.u32 s10, $0x1F  }
0x411: {  	vm12 =	vcmask $0xF0C;
	vm13 =	vcmask $0x1714;
	s7 =	sadd.s32 s9, s8;
	s8 =	sshrl.u32 s11, $0x1F;
	s10 =	sshra.s32 s10, $0x3  }
0x412: {  	vm14 =	vcmask $0x1F1C;
	vm5 =	vcmask $0x2320;
	vm15 =	vcmask $0x3B38;
	s11 =	sshra.s32 s11, $0x3;
	s9 =	smul.u32 $0x66666667, s21;
	s2 =	sadd.s32 s12, s22  }
0x413: {  	vm6 =	vcmask $0x2B28;
	vm7 =	vcmask $0x3330;
	vm4 =	vcmask $0x300;
	s21 =	sshra.s32 s25, $0x3;
	s12 =	sshrl.u32 s16, $0x1F;
	s30 =	sshra.s32 s2, $0x1F  }
0x414: {  	vm3 =	vcmask $0x2F2C;
	v7 =	vmov s18;
	s16 =	sshra.s32 s16, $0x3;
	s22 =	sshrl.u32 s25, $0x1F;
	s25 =	sshra.s32 s25, $0x1F;
	v6 =	vmov s30  }
0x415: {  	v9 =	vmov s20;
	s28 =	sshrl.u32 s14, $0x1F;
	s18 =	sshrl.u32 s24, $0x1F;
	v7 =	vsel vm0, s19, v7;
	s30 =	spop (v2sf);
	v6 =	vsel vm4, s21, v6  }
0x416: {  	s15 =	sshra.s32 s14, $0x3;
	v9 =	vsel vm0, s17, v9;
	v8 =	vmov s12;
	s29 =	smulhi.u32 $0x66666667, s30;
	s30 =	sshra.s32 s30, $0x1F;
	v6 =	vsel vm11, s25, v6  }
0x417: {  	s6 =	sadd.s32 s9, s6;
	v10 =	vmov s16;
	v11 =	vmov s22;
	s22 =	sshra.s32 s14, $0x1F;
	s12 =	smul.u32 $0x66666667, s30;
	v6 =	vsel vm0, s15, v6  }
0x418: {  	s20 =	sshra.s32 s24, $0x3;
	v7 =	vsel vm1, s26, v7;
	s26 =	smulhi.u32 $0x66666667, s3;
	v9 =	vsel vm1, s10, v9;
	s25 =	sshra.s32 s6, $0x3;
	v6 =	vsel vm12, s22, v6  }
0x419: {  	v8 =	vsel vm0, s23, v8;
	s24 =	sshrl.u32 s6, $0x1F;
	v10 =	vsel vm0, s13, v10;
	s6 =	sshra.s32 s6, $0x1F;
	s12 =	sadd.s32 s12, s29;
	v6 =	vsel vm1, s25, v6  }
0x41a: {  	s3 =	sshra.s32 s3, $0x1F;
	s10 =	smulhi.u32 $0x66666667, s1;
	v11 =	vnsel vm4, $0x0, v11;
	v7 =	vsel vm2, s18, v7;
	s30 =	sshra.s32 s12, $0x3;
	v6 =	vsel vm13, s6, v6  }
0x41b: {  	s1 =	sshra.s32 s1, $0x1F;
	s3 =	smul.u32 $0x66666667, s3;
	v9 =	vsel vm2, s20, v9;
	v8 =	vsel vm1, s8, v8;
	s8 =	sshra.s32 s12, $0x1F;
	v6 =	vsel vm2, s30, v6  }
0x41c: {  	s1 =	smul.u32 $0x66666667, s1;
	s21 =	sshrl.u32 s7, $0x1F;
	v10 =	vsel vm1, s11, v10;
	v11 =	vsel vm0, s28, v11;
	s11 =	sshra.s32 s4, $0x3;
	v6 =	vsel vm14, s8, v6  }
0x41d: {  	s13 =	sshra.s32 s4, $0x1F;
	s7 =	sshra.s32 s7, $0x3;
	v8 =	vsel vm2, s21, v8;
	s3 =	sadd.s32 s3, s26;
	vm11 =	vcmask $0x2724;
	v6 =	vsel vm5, s11, v6  }
0x41e: {  	v11 =	vsel vm1, s24, v11;
	v10 =	vsel vm2, s7, v10;
	s17 =	sshra.s32 s3, $0x3;
	s16 =	sshrl.u32 s12, $0x1F;
	v6 =	vsel vm11, s13, v6  }
0x41f: {  	s4 =	sshrl.u32 s4, $0x1F;
	s1 =	sadd.s32 s1, s10;
	s18 =	sshra.s32 s3, $0x1F;
	v7 =	vcombine.low v8, v7;
	v11 =	vsel vm2, s16, v11;
	v6 =	vsel vm6, s17, v6  }
0x420: {  	s3 =	sshrl.u32 s3, $0x1F;
	s19 =	sshra.s32 s1, $0x3;
	v9 =	vcombine.low v10, v9;
	v8 =	vsel vm5, s4, v11;
	v6 =	vsel vm3, s18, v6  }
0x421: {  	s20 =	sshrl.u32 s1, $0x1F;
	s1 =	sshra.s32 s1, $0x1F;
	vm12 =	vcmask $0x3734;
	v8 =	vsel vm6, s3, v8;
	v6 =	vsel vm7, s19, v6  }
0x422: {  	s21 =	sshrl.u32 s2, $0x1F;
	s22 =	sshra.s32 s2, $0x3;
	v7 =	vperm.xlane v7, v40;
	v8 =	vsel vm7, s20, v8;
	v6 =	vsel vm12, s1, v6  }
0x423: {  	v9 =	vperm.xlane v9, v40;
	v8 =	vsel vm15, s21, v8;
	v6 =	vsel vm15, s22, v6  }
0x424: {  	v8 =	vperm.xlane v8, v41;
	v6 =	vperm.xlane v6, v41;
	_ =	sdelay $0x1  }
0x425: {  	v7 =	vsel vm8, v8, v7;
	v6 =	vsel vm8, v6, v9  }
0x426: {  	v6 =	vadd.s32 v7, v6  }
0x427: {  	v7 =	vmov s0;
	v8 =	vmul.u32 $0xFFFFFFEC, v6  }
0x428: {  	v9 =	vsub.s32 v48, v7  }
0x429: {  	vm9 =	vlt.s32 v3, $0x1;
	vm10 =	vne.s32 v8, v9  }
0x42a: {  	vm9 =	vmand vm9, vm10  }
0x42b: {  	v3 =	vsel vm9, $0xFFFFFFFF, v33  }
0x42c: {  	v8 =	vor.u32 s0, v36;
	vm9 =	vlt.u32 v7, $0x20;
	v3 =	vadd.s32 v3, v6  }
0x42d: {  	v6 =	vshll.u32 v8, $0x6;
	v3 =	vsel vm9, v8, v3  }
0x42e: {  	v8 =	vor.u32 v36, v6;
	v3 =	vshll.u32 v3, $0x6  }
0x42f: {  	v7 =	vor.u32 v36, v3  }
0x430: {  	v9 =	vor.u32 v34, v6  }
0x431: {  	v10 =	vor.u32 v34, v3  }
0x432: {  	v2 =	vmov v1;
	v1 =	vld [tilespmem:$0x1FCB0];
	s20 =	simm.s32 $0xD200;
	v11 =	vor.u32 v35, v6  }
0x433: {  	s11 =	simm.s32 $0x18200;
	v12 =	vor.u32 v35, v3;
	v8 =	vld.idx.msk [tilespmem:v8+s20+$0x0], $0xffff  }
0x434: {  	v13 =	vor.u32 v53, v6;
	v7 =	vld.idx.msk [tilespmem:v7+s11+$0x0], $0xffff  }
0x435: {  	v14 =	vor.u32 v53, v3;
	v9 =	vld.idx.msk [tilespmem:v9+s20+$0x0], $0xffff  }
0x436: {  	v15 =	vor.u32 v56, v6;
	v10 =	vld.idx.msk [tilespmem:v10+s11+$0x0], $0xffff  }
0x437: {  	v16 =	vor.u32 v56, v3;
	v11 =	vld.idx.msk [tilespmem:v11+s20+$0x0], $0xffff  }
0x438: {  	v17 =	vor.u32 v57, v6;
	v12 =	vld.idx.msk [tilespmem:v12+s11+$0x0], $0xffff  }
0x439: {  	v18 =	vor.u32 v57, v3;
	v13 =	vld.idx.msk [tilespmem:v13+s20+$0x0], $0xffff;
	v7 =	vmul.f32 v7, v8  }
0x43a: {  	v8 =	vld.idx.msk [tilespmem:v14+s11+$0x0], $0xffff;
	v14 =	vor.u32 v38, v6  }
0x43b: {  	v19 =	vor.u32 v38, v3;
	v15 =	vld.idx.msk [tilespmem:v15+s20+$0x0], $0xffff;
	v9 =	vmul.f32 v10, v9;
	v7 =	vadd.f32 $0.0e+00, v7  }
0x43c: {  	v32 =	vmov v20;
	v10 =	vld.idx.msk [tilespmem:v16+s11+$0x0], $0xffff;
	v16 =	vor.u32 v39, v6  }
0x43d: {  	v20 =	vor.u32 v39, v3;
	v17 =	vld.idx.msk [tilespmem:v17+s20+$0x0], $0xffff;
	v7 =	vadd.f32 v9, v7;
	v9 =	vmul.f32 v12, v11  }
0x43e: {  	v11 =	vld.idx.msk [tilespmem:v18+s11+$0x0], $0xffff;
	v12 =	vor.u32 v44, v6  }
0x43f: {  	v18 =	vor.u32 v44, v3;
	v14 =	vld.idx.msk [tilespmem:v14+s20+$0x0], $0xffff;
	v8 =	vmul.f32 v8, v13;
	v7 =	vadd.f32 v9, v7  }
0x440: {  	v13 =	vor.u32 v45, v6;
	v9 =	vld.idx.msk [tilespmem:v19+s11+$0x0], $0xffff  }
0x441: {  	v16 =	vld.idx.msk [tilespmem:v16+s20+$0x0], $0xffff;
	v19 =	vor.u32 v45, v3;
	v7 =	vadd.f32 v8, v7;
	v8 =	vmul.f32 v10, v15  }
0x442: {  	v10 =	vld.idx.msk [tilespmem:v20+s11+$0x0], $0xffff;
	v15 =	vor.u32 v46, v6  }
0x443: {  	v20 =	vor.u32 v46, v3;
	v12 =	vld.idx.msk [tilespmem:v12+s20+$0x0], $0xffff;
	v7 =	vadd.f32 v8, v7;
	v8 =	vmul.f32 v11, v17  }
0x444: {  	v11 =	vld.idx.msk [tilespmem:v18+s11+$0x0], $0xffff;
	v17 =	vor.u32 v47, v6  }
0x445: {  	v13 =	vld.idx.msk [tilespmem:v13+s20+$0x0], $0xffff;
	v18 =	vor.u32 v47, v3;
	v7 =	vadd.f32 v8, v7;
	v8 =	vmul.f32 v9, v14  }
0x446: {  	v9 =	vld.idx.msk [tilespmem:v19+s11+$0x0], $0xffff;
	v14 =	vor.u32 v50, v6  }
0x447: {  	v19 =	vor.u32 v50, v3;
	v15 =	vld.idx.msk [tilespmem:v15+s20+$0x0], $0xffff;
	v7 =	vadd.f32 v8, v7;
	v8 =	vmul.f32 v10, v16  }
0x448: {  	v10 =	vld.idx.msk [tilespmem:v20+s11+$0x0], $0xffff;
	v16 =	vor.u32 v52, v6  }
0x449: {  	v20 =	vor.u32 v52, v3;
	v17 =	vld.idx.msk [tilespmem:v17+s20+$0x0], $0xffff;
	v7 =	vadd.f32 v8, v7;
	v8 =	vmul.f32 v11, v12  }
0x44a: {  	v11 =	vld.idx.msk [tilespmem:v18+s11+$0x0], $0xffff;
	v12 =	vor.u32 v54, v6  }
0x44b: {  	v18 =	vor.u32 v54, v3;
	v14 =	vld.idx.msk [tilespmem:v14+s20+$0x0], $0xffff;
	v7 =	vadd.f32 v8, v7;
	v8 =	vmul.f32 v9, v13  }
0x44c: {  	v9 =	vld.idx.msk [tilespmem:v19+s11+$0x0], $0xffff;
	v13 =	vor.u32 v55, v6  }
0x44d: {  	v19 =	vor.u32 v55, v3;
	v16 =	vld.idx.msk [tilespmem:v16+s20+$0x0], $0xffff;
	v7 =	vadd.f32 v8, v7;
	v8 =	vmul.f32 v10, v15  }
0x44e: {  	v10 =	vld.idx.msk [tilespmem:v20+s11+$0x0], $0xffff;
	v15 =	vor.u32 v58, v6  }
0x44f: {  	v20 =	vor.u32 v58, v3;
	v12 =	vld.idx.msk [tilespmem:v12+s20+$0x0], $0xffff;
	v7 =	vadd.f32 v8, v7;
	v8 =	vmul.f32 v11, v17  }
0x450: {  	v11 =	vld.idx.msk [tilespmem:v18+s11+$0x0], $0xffff;
	v17 =	vor.u32 v59, v6  }
0x451: {  	v18 =	vor.u32 v59, v3;
	v13 =	vld.idx.msk [tilespmem:v13+s20+$0x0], $0xffff;
	v7 =	vadd.f32 v8, v7;
	v8 =	vmul.f32 v9, v14  }
0x452: {  	v9 =	vld.idx.msk [tilespmem:v19+s11+$0x0], $0xffff;
	v14 =	vor.u32 v61, v6  }
0x453: {  	v19 =	vor.u32 v61, v3;
	v15 =	vld.idx.msk [tilespmem:v15+s20+$0x0], $0xffff;
	v7 =	vadd.f32 v8, v7;
	v8 =	vmul.f32 v10, v16  }
0x454: {  	v10 =	vld.idx.msk [tilespmem:v20+s11+$0x0], $0xffff;
	v16 =	vor.u32 v62, v6  }
0x455: {  	v20 =	vor.u32 v62, v3;
	v17 =	vld.idx.msk [tilespmem:v17+s20+$0x0], $0xffff;
	v7 =	vadd.f32 v8, v7;
	v8 =	vmul.f32 v11, v12  }
0x456: {  	v11 =	vld.idx.msk [tilespmem:v18+s11+$0x0], $0xffff;
	v12 =	vor.u32 v60, v6  }
0x457: {  	v18 =	vor.u32 v60, v3;
	v14 =	vld.idx.msk [tilespmem:v14+s20+$0x0], $0xffff;
	v7 =	vadd.f32 v8, v7;
	v8 =	vmul.f32 v9, v13  }
0x458: {  	v9 =	vld.idx.msk [tilespmem:v19+s11+$0x0], $0xffff;
	v13 =	vor.u32 v63, v6  }
0x459: {  	v19 =	vor.u32 v63, v3;
	v16 =	vld.idx.msk [tilespmem:v16+s20+$0x0], $0xffff;
	v7 =	vadd.f32 v8, v7;
	v8 =	vmul.f32 v10, v15  }
0x45a: {  	v10 =	vld.idx.msk [tilespmem:v20+s11+$0x0], $0xffff;
	v20 =	vor.u32 v4, v3  }
0x45b: {  	v12 =	vld.idx.msk [tilespmem:v12+s20+$0x0], $0xffff;
	v7 =	vadd.f32 v8, v7;
	v8 =	vmul.f32 v11, v17  }
0x45c: {  	v15 =	vor.u32 v4, v6;
	v11 =	vld.idx.msk [tilespmem:v18+s11+$0x0], $0xffff  }
0x45d: {  	v17 =	vor.u32 v5, v6;
	v13 =	vld.idx.msk [tilespmem:v13+s20+$0x0], $0xffff;
	v9 =	vmul.f32 v9, v14;
	v8 =	vadd.f32 v8, v7  }
0x45e: {  	v18 =	vor.u32 v5, v3;
	v14 =	vld.idx.msk [tilespmem:v19+s11+$0x0], $0xffff  }
0x45f: {  	v19 =	vor.u32 v21, v6;
	v8 =	vadd.f32 v9, v8;
	v9 =	vmul.f32 v10, v16;
	v10 =	vld.idx.msk [tilespmem:v20+s11+$0x0], $0xffff  }
0x460: {  	v21 =	vor.u32 v21, v3;
	v16 =	vor.u32 v1, v6;
	v20 =	vor.u32 v1, v3;
	v1 =	vld [tilespmem:$0x1FCC0]  }
0x461: {  	v15 =	vld.idx.msk [tilespmem:v15+s20+$0x0], $0xffff  }
0x462: {  	v17 =	vld.idx.msk [tilespmem:v17+s20+$0x0], $0xffff;
	v8 =	vadd.f32 v9, v8;
	v9 =	vmul.f32 v11, v12  }
0x463: {  	v11 =	vld.idx.msk [tilespmem:v18+s11+$0x0], $0xffff;
	v12 =	vor.u32 v23, v6  }
0x464: {  	v18 =	vld.idx.msk [tilespmem:v19+s20+$0x0], $0xffff;
	v19 =	vor.u32 v23, v3;
	v8 =	vadd.f32 v9, v8;
	v9 =	vmul.f32 v14, v13  }
0x465: {  	v13 =	vld.idx.msk [tilespmem:v21+s11+$0x0], $0xffff;
	v14 =	vor.u32 v1, v6  }
0x466: {  	v16 =	vld.idx.msk [tilespmem:v16+s20+$0x0], $0xffff;
	v21 =	vor.u32 v1, v3;
	v8 =	vadd.f32 v9, v8;
	v9 =	vmul.f32 v10, v15  }
0x467: {  	v10 =	vld.idx.msk [tilespmem:v20+s11+$0x0], $0xffff;
	v15 =	vor.u32 v28, v6  }
0x468: {  	v20 =	vor.u32 v28, v3;
	v12 =	vld.idx.msk [tilespmem:v12+s20+$0x0], $0xffff;
	v8 =	vadd.f32 v9, v8;
	v9 =	vmul.f32 v11, v17  }
0x469: {  	v11 =	vld.idx.msk [tilespmem:v19+s11+$0x0], $0xffff  }
0x46a: {  	v14 =	vld.idx.msk [tilespmem:v14+s20+$0x0], $0xffff;
	v8 =	vadd.f32 v9, v8;
	v9 =	vmul.f32 v13, v18  }
0x46b: {  	v17 =	vor.u32 v24, v6;
	v13 =	vld.idx.msk [tilespmem:v21+s11+$0x0], $0xffff  }
0x46c: {  	v19 =	vor.u32 v24, v3;
	v15 =	vld.idx.msk [tilespmem:v15+s20+$0x0], $0xffff;
	v8 =	vadd.f32 v9, v8;
	v9 =	vmul.f32 v10, v16  }
0x46d: {  	v10 =	vld.idx.msk [tilespmem:v20+s11+$0x0], $0xffff;
	v20 =	vor.u32 v26, v3  }
0x46e: {  	v1 =	vld [tilespmem:$0x1FF10];
	v8 =	vadd.f32 v9, v8;
	v9 =	vmul.f32 v11, v12;
	_ =	sdelay $0x1  }
0x46f: {  	v18 =	vor.u32 v25, v6;
	v17 =	vld.idx.msk [tilespmem:v17+s20+$0x0], $0xffff;
	v8 =	vadd.f32 v9, v8;
	v9 =	vmul.f32 v13, v14  }
0x470: {  	v21 =	vor.u32 v25, v3;
	v11 =	vld.idx.msk [tilespmem:v19+s11+$0x0], $0xffff  }
0x471: {  	v19 =	vor.u32 v27, v3;
	v8 =	vadd.f32 v9, v8;
	v9 =	vmul.f32 v10, v15;
	v10 =	vld.idx.msk [tilespmem:v20+s11+$0x0], $0xffff  }
0x472: {  	v15 =	vor.u32 v1, v6;
	v20 =	vor.u32 v1, v3;
	v1 =	vld [tilespmem:$0x1FEE0];
	_ =	sdelay $0x1  }
0x473: {  	v18 =	vld.idx.msk [tilespmem:v18+s20+$0x0], $0xffff  }
0x474: {  	v42 =	vmov v29;
	v29 =	vmov v22;
	v16 =	vor.u32 v26, v6;
	v13 =	vld.idx.msk [tilespmem:v21+s11+$0x0], $0xffff  }
0x475: {  	v21 =	vor.u32 v29, v3;
	v8 =	vadd.f32 v9, v8;
	v9 =	vmul.f32 v11, v17;
	v11 =	vld.idx.msk [tilespmem:v19+s11+$0x0], $0xffff  }
0x476: {  	v17 =	vor.u32 v1, v6;
	v19 =	vor.u32 v1, v3;
	v1 =	vld [tilespmem:$0x1FEF0];
	_ =	sdelay $0x2  }
0x477: {  	v12 =	vor.u32 v27, v6;
	v16 =	vld.idx.msk [tilespmem:v16+s20+$0x0], $0xffff  }
0x478: {  	v8 =	vadd.f32 v9, v8;
	v9 =	vmul.f32 v13, v18;
	v13 =	vld.idx.msk [tilespmem:v21+s11+$0x0], $0xffff  }
0x479: {  	v18 =	vor.u32 v1, v6;
	v21 =	vor.u32 v1, v3;
	v1 =	vld [tilespmem:$0x1FF00];
	_ =	sdelay $0x2  }
0x47a: {  	v14 =	vor.u32 v29, v6;
	v12 =	vld.idx.msk [tilespmem:v12+s20+$0x0], $0xffff  }
0x47b: {  	v8 =	vadd.f32 v9, v8;
	v9 =	vmul.f32 v10, v16;
	v10 =	vld.idx.msk [tilespmem:v20+s11+$0x0], $0xffff  }
0x47c: {  	v16 =	vor.u32 v1, v6;
	v20 =	vor.u32 v1, v3;
	v1 =	vld [tilespmem:$0x1FDE0];
	_ =	sdelay $0x2  }
0x47d: {  	v14 =	vld.idx.msk [tilespmem:v14+s20+$0x0], $0xffff  }
0x47e: {  	v8 =	vadd.f32 v9, v8;
	v9 =	vmul.f32 v11, v12;
	v11 =	vld.idx.msk [tilespmem:v19+s11+$0x0], $0xffff  }
0x47f: {  	v12 =	vor.u32 v1, v6;
	v19 =	vor.u32 v1, v3;
	v1 =	vld [tilespmem:$0x1FDF0];
	_ =	sdelay $0x2  }
0x480: {  	v15 =	vld.idx.msk [tilespmem:v15+s20+$0x0], $0xffff  }
0x481: {  	v8 =	vadd.f32 v9, v8;
	v9 =	vmul.f32 v13, v14;
	v13 =	vld.idx.msk [tilespmem:v21+s11+$0x0], $0xffff  }
0x482: {  	v14 =	vor.u32 v1, v6;
	v21 =	vor.u32 v1, v3;
	v1 =	vld [tilespmem:$0x1FE00];
	_ =	sdelay $0x2  }
0x483: {  	v17 =	vld.idx.msk [tilespmem:v17+s20+$0x0], $0xffff  }
0x484: {  	v8 =	vadd.f32 v9, v8;
	v9 =	vmul.f32 v10, v15;
	v10 =	vld.idx.msk [tilespmem:v20+s11+$0x0], $0xffff  }
0x485: {  	v15 =	vor.u32 v1, v6;
	v20 =	vor.u32 v1, v3;
	v1 =	vld [tilespmem:$0x1FE10];
	_ =	sdelay $0x2  }
0x486: {  	v18 =	vld.idx.msk [tilespmem:v18+s20+$0x0], $0xffff  }
0x487: {  	v0 =	vmov v31;
	v8 =	vadd.f32 v9, v8;
	v9 =	vmul.f32 v11, v17;
	v11 =	vld.idx.msk [tilespmem:v19+s11+$0x0], $0xffff  }
0x488: {  	v49 =	vmovc v0;
	s4 =	simm.s32 $0x10;
	v0 =	vor.u32 v0, v6;
	v17 =	vor.u32 v1, v6;
	v19 =	vor.u32 v1, v3;
	v1 =	vld [tilespmem:$0x1FE20]  }
0x489: {  	[tilespmem:$0x1FBA0] =	vst v0;
	v0 =	vor.u32 v2, v6;
	v7 =	vadd.s32 s4, v37  }
0x48a: {  	[tilespmem:$0x1FBB0] =	vst v0;
	v0 =	vld [tilespmem:$0x1FE80];
	(v2sf) =	vpush v7, $0xF  }
0x48b: {  	(v2sf) =	vpush v7, $0xB;
	v16 =	vld.idx.msk [tilespmem:v16+s20+$0x0], $0xffff  }
0x48c: {  	(v2sf) =	vpush v7, $0x6;
	v8 =	vadd.f32 v9, v8;
	v9 =	vmul.f32 v13, v18;
	v13 =	vld.idx.msk [tilespmem:v21+s11+$0x0], $0xffff  }
0x48d: {  	(v2sf) =	vpush v7, $0xE;
	v18 =	vor.u32 v1, v6;
	v21 =	vor.u32 v1, v3;
	v1 =	vld [tilespmem:$0x1FE30]  }
0x48e: {  	(v2sf) =	vpush v7, $0xA;
	v12 =	vld.idx.msk [tilespmem:v12+s20+$0x0], $0xffff  }
0x48f: {  	(v2sf) =	vpush v7, $0xD;
	v14 =	vld.idx.msk [tilespmem:v14+s20+$0x0], $0xffff  }
0x490: {  	v15 =	vld.idx.msk [tilespmem:v15+s20+$0x0], $0xffff  }
0x491: {  	(v2sf) =	vpush v7, $0x9;
	v8 =	vadd.f32 v9, v8;
	v9 =	vmul.f32 v10, v16;
	v10 =	vld.idx.msk [tilespmem:v20+s11+$0x0], $0xffff  }
0x492: {  	(v2sf) =	vpush v7, $0x5;
	v17 =	vld.idx.msk [tilespmem:v17+s20+$0x0], $0xffff;
	v20 =	vor.u32 v1, v3  }
0x493: {  	(v2sf) =	vpush v7, $0xC;
	v8 =	vadd.f32 v9, v8;
	v9 =	vmul.f32 v11, v12;
	v11 =	vld.idx.msk [tilespmem:v19+s11+$0x0], $0xffff  }
0x494: {  	(v2sf) =	vpush v7, $0x8;
	v16 =	vor.u32 v1, v6;
	v1 =	vld [tilespmem:$0x1FE40]  }
0x495: {  	(v2sf) =	vpush v7, $0x4;
	v8 =	vadd.f32 v9, v8;
	v9 =	vmul.f32 v13, v14;
	v13 =	vld.idx.msk [tilespmem:v21+s11+$0x0], $0xffff  }
0x496: {  	v24 =	vor.u32 v0, v3;
	(v2sf) =	vpush v7, $0x2;
	v21 =	vld [tilespmem:$0x1FE50]  }
0x497: {  	(v2sf) =	vpush v7, $0x1;
	v8 =	vadd.f32 v9, v8;
	v9 =	vmul.f32 v10, v15;
	v10 =	vld.idx.msk [tilespmem:v20+s11+$0x0], $0xffff  }
0x498: {  	(v2sf) =	vpush v7, $0x0;
	v20 =	vld [tilespmem:$0x1FE60]  }
0x499: {  	s10 =	spop (v2sf)  }
0x49a: {  	s8 =	spop (v2sf);
	(v2sf) =	vpush v7, $0x7;
	s6 =	smulhi.u32 $0x66666667, s10;
	v12 =	vor.u32 v1, v6  }
0x49b: {  	s0 =	spop (v2sf);
	s5 =	smulhi.u32 $0x66666667, s8;
	s8 =	sshra.s32 s8, $0x1F;
	v8 =	vadd.f32 v9, v8;
	v9 =	vmul.f32 v11, v17;
	v11 =	vld [tilespmem:$0x1FE70];
	v19 =	vor.u32 v1, v3  }
0x49c: {  	v24 =	vld.idx.msk [tilespmem:v24+s11+$0x0], $0xffff;
	s7 =	spop (v2sf);
	s8 =	smul.u32 $0x66666667, s8;
	v14 =	vor.u32 v21, v6  }
0x49d: {  	s15 =	spop (v2sf);
	s31 =	smulhi.u32 $0x66666667, s7;
	v18 =	vld.idx.msk [tilespmem:v18+s20+$0x0], $0xffff;
	v15 =	vor.u32 v20, v6  }
0x49e: {  	s23 =	spop (v2sf);
	s12 =	smulhi.u32 $0x66666667, s15;
	v16 =	vld.idx.msk [tilespmem:v16+s20+$0x0], $0xffff  }
0x49f: {  	s15 =	sshra.s32 s15, $0x1F;
	s19 =	smulhi.u32 $0x66666667, s23;
	v21 =	vor.u32 v21, v3;
	v12 =	vld.idx.msk [tilespmem:v12+s20+$0x0], $0xffff  }
0x4a0: {  	s5 =	sadd.s32 s8, s5;
	s17 =	spop (v2sf);
	s15 =	smul.u32 $0x66666667, s15;
	v22 =	vor.u32 v11, v3;
	v17 =	vld.idx.msk [tilespmem:v19+s11+$0x0], $0xffff  }
0x4a1: {  	s28 =	sshra.s32 s23, $0x1F;
	s1 =	spop (v2sf);
	s16 =	smulhi.u32 $0x66666667, s17;
	v20 =	vor.u32 v20, v3;
	v14 =	vld.idx.msk [tilespmem:v14+s20+$0x0], $0xffff  }
0x4a2: {  	s23 =	smul.u32 $0x66666667, s28;
	s17 =	sshra.s32 s17, $0x1F;
	s25 =	spop (v2sf);
	v19 =	vor.u32 v11, v6;
	v23 =	vld.idx.msk [tilespmem:v15+s20+$0x0], $0xffff  }
0x4a3: {  	s28 =	sshra.s32 s10, $0x1F;
	s17 =	smul.u32 $0x66666667, s17;
	s22 =	spop (v2sf);
	v15 =	vmul.f32 v10, v16;
	v16 =	vor.u32 v0, v6;
	v0 =	vld [tilespmem:$0x1FD00]  }
0x4a4: {  	s30 =	smulhi.u32 $0x66666667, s25;
	s21 =	sshra.s32 s25, $0x1F;
	s3 =	spop (v2sf);
	v13 =	vmul.f32 v13, v18;
	v11 =	vadd.f32 v9, v8;
	v21 =	vld.idx.msk [tilespmem:v21+s11+$0x0], $0xffff  }
0x4a5: {  	s23 =	sadd.s32 s23, s19;
	s21 =	smul.u32 $0x66666667, s21;
	s13 =	spop (v2sf);
	v22 =	vld.idx.msk [tilespmem:v22+s11+$0x0], $0xffff  }
0x4a6: {  	s24 =	smulhi.u32 $0x66666667, s22;
	s22 =	sshra.s32 s22, $0x1F;
	s18 =	spop (v2sf);
	v13 =	vadd.f32 v13, v11;
	v20 =	vld.idx.msk [tilespmem:v20+s11+$0x0], $0xffff  }
0x4a7: {  	v30 =	vor.u32 v32, v6;
	(v2sf) =	vpush v7, $0x3;
	s21 =	sadd.s32 s21, s30;
	s30 =	smul.u32 $0x66666667, s22;
	s25 =	spop (v2sf);
	v19 =	vld.idx.msk [tilespmem:v19+s20+$0x0], $0xffff;
	v17 =	vmul.f32 v17, v12  }
0x4a8: {  	s26 =	smulhi.u32 $0x66666667, s25;
	s22 =	sshra.s32 s25, $0x1F;
	s25 =	sshrl.u32 s21, $0x1F;
	v25 =	vadd.f32 v15, v13;
	v27 =	vor.u32 v0, v6;
	v28 =	vor.u32 v0, v3;
	v0 =	vmovc v32;
	v32 =	vld [tilespmem:$0x1FEA0]  }
0x4a9: {  	s16 =	sadd.s32 s17, s16;
	s17 =	sshrl.u32 s23, $0x1F;
	s22 =	smul.u32 $0x66666667, s22;
	v18 =	vmov s25;
	v8 =	vld [tilespmem:$0x1FC00]  }
0x4aa: {  	s2 =	smulhi.u32 $0x66666667, s3;
	s24 =	sadd.s32 s30, s24;
	v1 =	vor.u32 v42, v6;
	s25 =	spop (v2sf);
	v21 =	vmul.f32 v21, v14;
	v12 =	vmovc v2;
	v2 =	vld [tilespmem:$0x1FEB0];
	v17 =	vadd.f32 v17, v25  }
0x4ab: {  	s10 =	sadd.s32 s22, s26;
	[tilespmem:$0x1FBC0] =	vst v1;
	v1 =	vor.u32 v43, v6;
	s29 =	smulhi.u32 $0x66666667, s25;
	s30 =	sshra.s32 s25, $0x1F;
	v16 =	vld.idx.msk [tilespmem:v16+s20+$0x0], $0xffff  }
0x4ac: {  	s25 =	sshrl.u32 s24, $0x1F;
	v18 =	vsel vm0, s17, v18;
	s22 =	smul.u32 $0x66666667, s30;
	s30 =	sshra.s32 s7, $0x1F;
	v13 =	vld [tilespmem:$0x1FED0];
	v20 =	vmul.f32 v20, v23;
	v17 =	vadd.f32 v21, v17  }
0x4ad: {  	v30 =	vld.idx.msk [tilespmem:v30+s20+$0x0], $0xffff;
	s12 =	sadd.s32 s15, s12;
	v26 =	vmov s25;
	s25 =	smul.u32 $0x66666667, s30;
	s30 =	sshrl.u32 s16, $0x1F;
	v19 =	vmul.f32 v22, v19;
	v22 =	vor.u32 v32, v6  }
0x4ae: {  	s7 =	sadd.s32 s22, s29;
	s22 =	sshrl.u32 s10, $0x1F;
	v26 =	vsel vm0, s30, v26;
	s30 =	sshrl.u32 s12, $0x1F;
	v17 =	vadd.f32 v20, v17;
	v32 =	vor.u32 v32, v3;
	v27 =	vld.idx.msk [tilespmem:v27+s20+$0x0], $0xffff  }
0x4af: {  	s23 =	sshra.s32 s23, $0x3;
	s3 =	sshra.s32 s3, $0x1F;
	s9 =	smulhi.u32 $0x66666667, s13;
	v31 =	vmov s22;
	v26 =	vsel vm1, s30, v26;
	v25 =	vor.u32 v8, v6;
	v28 =	vld.idx.msk [tilespmem:v28+s11+$0x0], $0xffff  }
0x4b0: {  	s13 =	sshra.s32 s13, $0x1F;
	s3 =	smul.u32 $0x66666667, s3;
	s21 =	sshra.s32 s21, $0x3;
	v9 =	vld [tilespmem:$0x1FC10];
	v17 =	vadd.f32 v19, v17;
	v16 =	vmul.f32 v24, v16;
	v24 =	vor.u32 v0, v3  }
0x4b1: {  	s26 =	smul.u32 $0x66666667, s28;
	s24 =	sshra.s32 s24, $0x3;
	[tilespmem:$0x1FBD0] =	vst v1;
	s22 =	sadd.s32 s25, s31;
	v11 =	vld [tilespmem:$0x1FEC0];
	v23 =	vmov s21;
	v1 =	vor.u32 v13, v6;
	v20 =	vor.u32 v2, v6  }
0x4b2: {  	s14 =	smulhi.u32 $0x66666667, s18;
	s21 =	sshra.s32 s7, $0x1F;
	[tilespmem:$0x1FB90] =	vst v1;
	v1 =	vmov s24;
	s24 =	sshrl.u32 s22, $0x1F;
	v16 =	vadd.f32 v16, v17;
	v17 =	vor.u32 v2, v3;
	v22 =	vld.idx.msk [tilespmem:v22+s20+$0x0], $0xffff  }
0x4b3: {  	s18 =	sshra.s32 s18, $0x1F;
	s6 =	sadd.s32 s26, s6;
	s25 =	sshra.s32 s10, $0x3;
	v23 =	vsel vm0, s23, v23;
	v18 =	vsel vm1, s24, v18;
	v19 =	vmov s21;
	v32 =	vld.idx.msk [tilespmem:v32+s11+$0x0], $0xffff  }
0x4b4: {  	s13 =	smul.u32 $0x66666667, s13;
	s23 =	sshrl.u32 s6, $0x1F;
	v25 =	vld.idx.msk [tilespmem:v25+s20+$0x0], $0xffff;
	v19 =	vsel vm4, s25, v19;
	s25 =	sshrl.u32 s5, $0x1F;
	v27 =	vmul.f32 v28, v27;
	v28 =	vor.u32 v8, v3  }
0x4b5: {  	s18 =	smul.u32 $0x66666667, s18;
	v21 =	vor.u32 v9, v6;
	v18 =	vsel vm2, s23, v18;
	v26 =	vsel vm2, s25, v26;
	v24 =	vld.idx.msk [tilespmem:v24+s11+$0x0], $0xffff  }
0x4b6: {  	s2 =	sadd.s32 s3, s2;
	s9 =	sadd.s32 s13, s9;
	s19 =	spop (v2sf);
	v20 =	vld.idx.msk [tilespmem:v20+s20+$0x0], $0xffff;
	v18 =	vcombine.low v26, v18;
	v26 =	vor.u32 v9, v3  }
0x4b7: {  	s26 =	smulhi.u32 $0x66666667, s19;
	s16 =	sshra.s32 s16, $0x3;
	s30 =	sshra.s32 s19, $0x1F;
	v17 =	vld.idx.msk [tilespmem:v17+s11+$0x0], $0xffff  }
0x4b8: {  	s14 =	sadd.s32 s18, s14;
	s13 =	smul.u32 $0x66666667, s30;
	v29 =	vsel vm0, s16, v1;
	s16 =	sshra.s32 s22, $0x3;
	v0 =	vld [tilespmem:$0x1FB90];
	v16 =	vadd.f32 v27, v16;
	v22 =	vmul.f32 v32, v22  }
0x4b9: {  	v31 =	vnsel vm4, $0x0, v31;
	s22 =	sshrl.u32 s14, $0x1F;
	v23 =	vsel vm1, s16, v23;
	s23 =	smulhi.u32 $0x66666667, s1;
	s1 =	sshra.s32 s1, $0x1F;
	v27 =	vld.idx.msk [tilespmem:v28+s11+$0x0], $0xffff  }
0x4ba: {  	s18 =	sadd.s32 s13, s26;
	v31 =	vsel vm0, s22, v31;
	s16 =	sshrl.u32 s9, $0x1F;
	v21 =	vld.idx.msk [tilespmem:v21+s20+$0x0], $0xffff;
	s1 =	smul.u32 $0x66666667, s1;
	v16 =	vadd.f32 v22, v16;
	v22 =	vmul.f32 v24, v30  }
0x4bb: {  	s26 =	smulhi.u32 $0x66666667, s0;
	s0 =	sshra.s32 s0, $0x1F;
	s19 =	sshrl.u32 s18, $0x1F;
	v31 =	vsel vm1, s16, v31;
	v24 =	vld.idx.msk [tilespmem:v26+s11+$0x0], $0xffff;
	v26 =	vor.u32 v11, v3  }
0x4bc: {  	s6 =	sshra.s32 s6, $0x3;
	s22 =	sshrl.u32 s2, $0x1F;
	s1 =	sadd.s32 s1, s23;
	v28 =	vsel vm2, s19, v31;
	v17 =	vmul.f32 v17, v20;
	v16 =	vadd.f32 v22, v16  }
0x4bd: {  	s0 =	smul.u32 $0x66666667, s0;
	v23 =	vsel vm2, s6, v23;
	s6 =	sshrl.u32 s1, $0x1F;
	v28 =	vsel vm5, s22, v28  }
0x4be: {  	v16 =	vadd.f32 v17, v16;
	v17 =	vmul.f32 v27, v25;
	v27 =	vsel vm6, s6, v28  }
0x4bf: {  	v48 =	vld [tilespmem:$0x1FC20];
	s0 =	sadd.s32 s0, s26  }
0x4c0: {  	s24 =	sshra.s32 s10, $0x1F;
	s10 =	sshrl.u32 s0, $0x1F;
	v16 =	vadd.f32 v17, v16;
	v17 =	vmul.f32 v24, v21;
	v21 =	vld.idx.msk [tilespmem:v26+s11+$0x0], $0xffff  }
0x4c1: {  	v24 =	vsel vm7, s10, v27;
	v26 =	vor.u32 v12, v3;
	v27 =	vmov v12;
	v12 =	vld.idx.msk [tilespmem:v0+s20+$0x0], $0xffff  }
0x4c2: {  	v0 =	vld [tilespmem:$0x1FBA0];
	_ =	sdelay $0x2  }
0x4c3: {  	vm9 =	vcmask $0x704;
	v2 =	vld [tilespmem:$0x1FBC0]  }
0x4c4: {  	vm13 =	vmmov vm9;
	s12 =	sshra.s32 s12, $0x3;
	v10 =	vld [tilespmem:$0x1FC30]  }
0x4c5: {  	s17 =	sshra.s32 s14, $0x3;
	v15 =	vor.u32 v48, v6;
	v29 =	vsel vm1, s12, v29;
	s5 =	sshra.s32 s5, $0x3;
	v19 =	vsel vm9, s24, v19  }
0x4c6: {  	s21 =	sshra.s32 s14, $0x1F;
	v29 =	vsel vm2, s5, v29;
	vm9 =	vcmask $0xF0C;
	v19 =	vsel vm0, s17, v19  }
0x4c7: {  	v51 =	vor.u32 v11, v6;
	s24 =	sshra.s32 s9, $0x3;
	v23 =	vcombine.low v29, v23;
	v19 =	vsel vm9, s21, v19  }
0x4c8: {  	s25 =	sshra.s32 s9, $0x1F;
	v29 =	vor.u32 v48, v3;
	vm9 =	vcmask $0x1714;
	v19 =	vsel vm1, s24, v19;
	v30 =	vmovc v11;
	v11 =	vld.idx.msk [tilespmem:v0+s20+$0x0], $0xffff  }
0x4c9: {  	s30 =	sshra.s32 s18, $0x3;
	v14 =	vor.u32 v10, v6;
	v19 =	vsel vm9, s25, v19;
	v0 =	vld [tilespmem:$0x1FBB0]  }
0x4ca: {  	v15 =	vld.idx.msk [tilespmem:v15+s20+$0x0], $0xffff;
	s5 =	sshra.s32 s18, $0x1F;
	v19 =	vsel vm2, s30, v19;
	v31 =	vor.u32 v10, v3  }
0x4cb: {  	s9 =	sshra.s32 s2, $0x3;
	v19 =	vsel vm14, s5, v19;
	v9 =	vld.idx.msk [tilespmem:v2+s20+$0x0], $0xffff  }
0x4cc: {  	s2 =	sshra.s32 s2, $0x1F;
	v19 =	vsel vm5, s9, v19;
	v2 =	vld [tilespmem:$0x1FBD0]  }
0x4cd: {  	s12 =	sshra.s32 s1, $0x3;
	v19 =	vsel vm11, s2, v19;
	v20 =	vld.idx.msk [tilespmem:v29+s11+$0x0], $0xffff  }
0x4ce: {  	v14 =	vld.idx.msk [tilespmem:v14+s20+$0x0], $0xffff;
	s1 =	sshra.s32 s1, $0x1F;
	v19 =	vsel vm6, s12, v19;
	v22 =	vperm.xlane v23, v40;
	v23 =	vor.u32 v13, v3  }
0x4cf: {  	s14 =	sshra.s32 s0, $0x3;
	v19 =	vsel vm3, s1, v19;
	v25 =	vld.idx.msk [tilespmem:v31+s11+$0x0], $0xffff  }
0x4d0: {  	s0 =	sshra.s32 s0, $0x1F;
	v1 =	vmov v13;
	v19 =	vsel vm7, s14, v19;
	v13 =	vld.idx.msk [tilespmem:v51+s20+$0x0], $0xffff;
	v28 =	vor.u32 v49, v3  }
0x4d1: {  	s15 =	sshra.s32 s7, $0x3;
	v18 =	vperm.xlane v18, v40;
	v32 =	vmov v10;
	v19 =	vsel vm12, s0, v19;
	v10 =	vld.idx.msk [tilespmem:v0+s20+$0x0], $0xffff  }
0x4d2: {  	s13 =	sshrl.u32 s7, $0x1F;
	v19 =	vsel vm15, s15, v19;
	v15 =	vmul.f32 v20, v15;
	v16 =	vadd.f32 v17, v16;
	v0 =	vld [tilespmem:$0x1FE90]  }
0x4d3: {  	v19 =	vperm.xlane v19, v41;
	v20 =	vsel vm15, s13, v24;
	v17 =	vld.idx.msk [tilespmem:v23+s11+$0x0], $0xffff;
	v23 =	vor.u32 v42, v3  }
0x4d4: {  	v8 =	vld.idx.msk [tilespmem:v2+s20+$0x0], $0xffff;
	v20 =	vperm.xlane v20, v41;
	v14 =	vmul.f32 v25, v14;
	v15 =	vadd.f32 v15, v16  }
0x4d5: {  	v19 =	vsel vm8, v19, v22;
	v24 =	vor.u32 v43, v3;
	v16 =	vld.idx.msk [tilespmem:v28+s11+$0x0], $0xffff  }
0x4d6: {  	v2 =	vld [tilespmem:$0x1FFF0];
	v18 =	vsel vm8, v20, v18;
	v13 =	vmul.f32 v21, v13;
	v14 =	vadd.f32 v14, v15  }
0x4d7: {  	v18 =	vadd.s32 v18, v19;
	v15 =	vld.idx.msk [tilespmem:v26+s11+$0x0], $0xffff;
	v6 =	vor.u32 v0, v6  }
0x4d8: {  	v12 =	vmul.f32 v17, v12;
	v13 =	vadd.f32 v13, v14;
	v3 =	vor.u32 v0, v3  }
0x4d9: {  	v19 =	vmul.u32 $0xFFFFFFEC, v18;
	v14 =	vld.idx.msk [tilespmem:v23+s11+$0x0], $0xffff  }
0x4da: {  	v17 =	vmov s4;
	v12 =	vadd.f32 v12, v13;
	v11 =	vmul.f32 v16, v11  }
0x4db: {  	vm9 =	vlt.s32 v7, $0x1;
	v7 =	vsub.s32 v2, v17;
	v13 =	vld.idx.msk [tilespmem:v24+s11+$0x0], $0xffff  }
0x4dc: {  	vm10 =	vne.s32 v19, v7;
	v7 =	vadd.f32 v11, v12;
	v10 =	vmul.f32 v15, v10;
	v6 =	vld.idx.msk [tilespmem:v6+s20+$0x0], $0xffff  }
0x4dd: {  	vm9 =	vmand vm9, vm10;
	v11 =	vld.idx.msk [tilespmem:v3+s11+$0x0], $0xffff  }
0x4de: {  	v9 =	vmul.f32 v14, v9;
	v7 =	vadd.f32 v10, v7;
	v3 =	vsel vm9, $0xFFFFFFFF, v33  }
0x4df: {  	v10 =	vor.u32 s4, v36;
	vm9 =	vlt.u32 v17, $0x20;
	v3 =	vadd.s32 v3, v18  }
0x4e0: {  	v8 =	vmul.f32 v13, v8;
	v9 =	vadd.f32 v9, v7;
	v3 =	vsel vm9, v10, v3  }
0x4e1: {  	v7 =	vshll.u32 v10, $0x6;
	v3 =	vshll.u32 v3, $0x6  }
0x4e2: {  	v8 =	vadd.f32 v8, v9;
	v10 =	vor.u32 v36, v3;
	v6 =	vmul.f32 v11, v6  }
0x4e3: {  	v9 =	vor.u32 v36, v7  }
0x4e4: {  	v11 =	vor.u32 v34, v7;
	v6 =	vadd.f32 v6, v8  }
0x4e5: {  	s16 =	simm.s32 $0x18CA0;
	v8 =	vor.u32 v34, v3  }
0x4e6: {  	v12 =	vor.u32 v35, v7;
	[tilespmem:s16+$0x0] =	vst v6  }
0x4e7: {  	v6 =	vld.idx.msk [tilespmem:v10+s11+$0x0], $0xffff;
	v10 =	vor.u32 v35, v3  }
0x4e8: {  	v13 =	vor.u32 v53, v7;
	v9 =	vld.idx.msk [tilespmem:v9+s20+$0x0], $0xffff  }
0x4e9: {  	v14 =	vor.u32 v53, v3;
	v11 =	vld.idx.msk [tilespmem:v11+s20+$0x0], $0xffff  }
0x4ea: {  	v15 =	vor.u32 v56, v7;
	v8 =	vld.idx.msk [tilespmem:v8+s11+$0x0], $0xffff  }
0x4eb: {  	v16 =	vor.u32 v56, v3;
	v12 =	vld.idx.msk [tilespmem:v12+s20+$0x0], $0xffff  }
0x4ec: {  	v17 =	vor.u32 v57, v7;
	v10 =	vld.idx.msk [tilespmem:v10+s11+$0x0], $0xffff  }
0x4ed: {  	v18 =	vor.u32 v57, v3;
	v13 =	vld.idx.msk [tilespmem:v13+s20+$0x0], $0xffff;
	v6 =	vmul.f32 v6, v9  }
0x4ee: {  	v9 =	vld.idx.msk [tilespmem:v14+s11+$0x0], $0xffff;
	v14 =	vor.u32 v38, v7  }
0x4ef: {  	v19 =	vor.u32 v38, v3;
	v15 =	vld.idx.msk [tilespmem:v15+s20+$0x0], $0xffff;
	v6 =	vadd.f32 $0.0e+00, v6;
	v8 =	vmul.f32 v8, v11  }
0x4f0: {  	v11 =	vld.idx.msk [tilespmem:v16+s11+$0x0], $0xffff;
	v16 =	vor.u32 v39, v7  }
0x4f1: {  	v20 =	vor.u32 v39, v3;
	v17 =	vld.idx.msk [tilespmem:v17+s20+$0x0], $0xffff;
	v6 =	vadd.f32 v8, v6;
	v8 =	vmul.f32 v10, v12  }
0x4f2: {  	v10 =	vld.idx.msk [tilespmem:v18+s11+$0x0], $0xffff;
	v12 =	vor.u32 v44, v7  }
0x4f3: {  	v14 =	vld.idx.msk [tilespmem:v14+s20+$0x0], $0xffff;
	v18 =	vor.u32 v44, v3;
	v6 =	vadd.f32 v8, v6;
	v8 =	vmul.f32 v9, v13  }
0x4f4: {  	v9 =	vld.idx.msk [tilespmem:v19+s11+$0x0], $0xffff;
	v13 =	vor.u32 v45, v7  }
0x4f5: {  	v16 =	vld.idx.msk [tilespmem:v16+s20+$0x0], $0xffff;
	v19 =	vor.u32 v45, v3;
	v6 =	vadd.f32 v8, v6;
	v8 =	vmul.f32 v11, v15  }
0x4f6: {  	v11 =	vld.idx.msk [tilespmem:v20+s11+$0x0], $0xffff;
	v15 =	vor.u32 v46, v7  }
0x4f7: {  	v20 =	vor.u32 v46, v3;
	v12 =	vld.idx.msk [tilespmem:v12+s20+$0x0], $0xffff;
	v6 =	vadd.f32 v8, v6;
	v8 =	vmul.f32 v10, v17  }
0x4f8: {  	v10 =	vld.idx.msk [tilespmem:v18+s11+$0x0], $0xffff;
	v17 =	vor.u32 v47, v7  }
0x4f9: {  	v18 =	vor.u32 v47, v3;
	v13 =	vld.idx.msk [tilespmem:v13+s20+$0x0], $0xffff;
	v6 =	vadd.f32 v8, v6;
	v8 =	vmul.f32 v9, v14  }
0x4fa: {  	v9 =	vld.idx.msk [tilespmem:v19+s11+$0x0], $0xffff;
	v14 =	vor.u32 v50, v7  }
0x4fb: {  	v19 =	vor.u32 v50, v3;
	v15 =	vld.idx.msk [tilespmem:v15+s20+$0x0], $0xffff;
	v6 =	vadd.f32 v8, v6;
	v8 =	vmul.f32 v11, v16  }
0x4fc: {  	v11 =	vld.idx.msk [tilespmem:v20+s11+$0x0], $0xffff;
	v16 =	vor.u32 v52, v7  }
0x4fd: {  	v20 =	vor.u32 v52, v3;
	v17 =	vld.idx.msk [tilespmem:v17+s20+$0x0], $0xffff;
	v6 =	vadd.f32 v8, v6;
	v8 =	vmul.f32 v10, v12  }
0x4fe: {  	v10 =	vld.idx.msk [tilespmem:v18+s11+$0x0], $0xffff;
	v12 =	vor.u32 v54, v7  }
0x4ff: {  	v18 =	vor.u32 v54, v3;
	v14 =	vld.idx.msk [tilespmem:v14+s20+$0x0], $0xffff;
	v6 =	vadd.f32 v8, v6;
	v8 =	vmul.f32 v9, v13  }
0x500: {  	v9 =	vld.idx.msk [tilespmem:v19+s11+$0x0], $0xffff;
	v13 =	vor.u32 v55, v7  }
0x501: {  	v19 =	vor.u32 v55, v3;
	v16 =	vld.idx.msk [tilespmem:v16+s20+$0x0], $0xffff;
	v6 =	vadd.f32 v8, v6;
	v8 =	vmul.f32 v11, v15  }
0x502: {  	v11 =	vld.idx.msk [tilespmem:v20+s11+$0x0], $0xffff;
	v15 =	vor.u32 v58, v7  }
0x503: {  	v20 =	vor.u32 v58, v3;
	v12 =	vld.idx.msk [tilespmem:v12+s20+$0x0], $0xffff;
	v6 =	vadd.f32 v8, v6;
	v8 =	vmul.f32 v10, v17  }
0x504: {  	v10 =	vld.idx.msk [tilespmem:v18+s11+$0x0], $0xffff;
	v17 =	vor.u32 v59, v7  }
0x505: {  	v18 =	vor.u32 v59, v3;
	v13 =	vld.idx.msk [tilespmem:v13+s20+$0x0], $0xffff;
	v6 =	vadd.f32 v8, v6;
	v8 =	vmul.f32 v9, v14  }
0x506: {  	v9 =	vld.idx.msk [tilespmem:v19+s11+$0x0], $0xffff;
	v14 =	vor.u32 v61, v7  }
0x507: {  	v19 =	vor.u32 v61, v3;
	v15 =	vld.idx.msk [tilespmem:v15+s20+$0x0], $0xffff;
	v6 =	vadd.f32 v8, v6;
	v8 =	vmul.f32 v11, v16  }
0x508: {  	v11 =	vld.idx.msk [tilespmem:v20+s11+$0x0], $0xffff  }
0x509: {  	v17 =	vld.idx.msk [tilespmem:v17+s20+$0x0], $0xffff;
	v10 =	vmul.f32 v10, v12;
	v8 =	vadd.f32 v8, v6  }
0x50a: {  	v16 =	vor.u32 v62, v7;
	v12 =	vld.idx.msk [tilespmem:v18+s11+$0x0], $0xffff  }
0x50b: {  	v20 =	vor.u32 v62, v3;
	v14 =	vld.idx.msk [tilespmem:v14+s20+$0x0], $0xffff;
	v9 =	vmul.f32 v9, v13;
	v8 =	vadd.f32 v10, v8  }
0x50c: {  	v10 =	vld.idx.msk [tilespmem:v19+s11+$0x0], $0xffff;
	v19 =	vor.u32 v63, v3  }
0x50d: {  	v2 =	vld [tilespmem:$0x1FF20];
	v8 =	vadd.f32 v9, v8;
	v9 =	vmul.f32 v11, v15;
	_ =	sdelay $0x1  }
0x50e: {  	v18 =	vor.u32 v60, v7;
	v16 =	vld.idx.msk [tilespmem:v16+s20+$0x0], $0xffff;
	v8 =	vadd.f32 v9, v8;
	v9 =	vmul.f32 v12, v17  }
0x50f: {  	v21 =	vor.u32 v60, v3;
	v11 =	vld.idx.msk [tilespmem:v20+s11+$0x0], $0xffff  }
0x510: {  	v20 =	vor.u32 v4, v3;
	v8 =	vadd.f32 v9, v8;
	v9 =	vmul.f32 v10, v14;
	v10 =	vld.idx.msk [tilespmem:v19+s11+$0x0], $0xffff  }
0x511: {  	v14 =	vor.u32 v2, v7;
	v19 =	vor.u32 v2, v3;
	v2 =	vld [tilespmem:$0x1FCB0];
	_ =	sdelay $0x1  }
0x512: {  	v18 =	vld.idx.msk [tilespmem:v18+s20+$0x0], $0xffff  }
0x513: {  	v13 =	vor.u32 v63, v7;
	v12 =	vld.idx.msk [tilespmem:v21+s11+$0x0], $0xffff  }
0x514: {  	v21 =	vor.u32 v5, v3;
	v8 =	vadd.f32 v9, v8;
	v9 =	vmul.f32 v11, v16;
	v11 =	vld.idx.msk [tilespmem:v20+s11+$0x0], $0xffff  }
0x515: {  	v16 =	vor.u32 v2, v7;
	v20 =	vor.u32 v2, v3;
	v2 =	vld [tilespmem:$0x1FF50];
	_ =	sdelay $0x2  }
0x516: {  	v15 =	vor.u32 v4, v7;
	v13 =	vld.idx.msk [tilespmem:v13+s20+$0x0], $0xffff  }
0x517: {  	v8 =	vadd.f32 v9, v8;
	v9 =	vmul.f32 v12, v18;
	v12 =	vld.idx.msk [tilespmem:v21+s11+$0x0], $0xffff  }
0x518: {  	v18 =	vor.u32 v2, v7;
	v21 =	vor.u32 v2, v3;
	v2 =	vld [tilespmem:$0x1FCC0];
	_ =	sdelay $0x2  }
0x519: {  	v17 =	vor.u32 v5, v7;
	v15 =	vld.idx.msk [tilespmem:v15+s20+$0x0], $0xffff  }
0x51a: {  	v8 =	vadd.f32 v9, v8;
	v9 =	vmul.f32 v10, v13;
	v10 =	vld.idx.msk [tilespmem:v19+s11+$0x0], $0xffff  }
0x51b: {  	v13 =	vor.u32 v2, v7;
	v19 =	vor.u32 v2, v3;
	v2 =	vld [tilespmem:$0x1FF60];
	_ =	sdelay $0x2  }
0x51c: {  	v17 =	vld.idx.msk [tilespmem:v17+s20+$0x0], $0xffff  }
0x51d: {  	v8 =	vadd.f32 v9, v8;
	v9 =	vmul.f32 v11, v15;
	v11 =	vld.idx.msk [tilespmem:v20+s11+$0x0], $0xffff  }
0x51e: {  	v15 =	vor.u32 v2, v7;
	v20 =	vor.u32 v2, v3;
	v2 =	vld [tilespmem:$0x1FF40];
	_ =	sdelay $0x2  }
0x51f: {  	v14 =	vld.idx.msk [tilespmem:v14+s20+$0x0], $0xffff  }
0x520: {  	v8 =	vadd.f32 v9, v8;
	v9 =	vmul.f32 v12, v17;
	v12 =	vld.idx.msk [tilespmem:v21+s11+$0x0], $0xffff  }
0x521: {  	v17 =	vor.u32 v2, v7;
	v21 =	vor.u32 v2, v3;
	v2 =	vld [tilespmem:$0x1FF30];
	_ =	sdelay $0x2  }
0x522: {  	v16 =	vld.idx.msk [tilespmem:v16+s20+$0x0], $0xffff  }
0x523: {  	v8 =	vadd.f32 v9, v8;
	v9 =	vmul.f32 v10, v14;
	v10 =	vld.idx.msk [tilespmem:v19+s11+$0x0], $0xffff  }
0x524: {  	v14 =	vor.u32 v2, v7;
	v19 =	vor.u32 v2, v3;
	v2 =	vld [tilespmem:$0x1FF70];
	_ =	sdelay $0x2  }
0x525: {  	v18 =	vld.idx.msk [tilespmem:v18+s20+$0x0], $0xffff  }
0x526: {  	v8 =	vadd.f32 v9, v8;
	v9 =	vmul.f32 v11, v16;
	v11 =	vld.idx.msk [tilespmem:v20+s11+$0x0], $0xffff  }
0x527: {  	v16 =	vor.u32 v2, v7;
	v20 =	vor.u32 v2, v3;
	v2 =	vld [tilespmem:$0x1FF80];
	_ =	sdelay $0x2  }
0x528: {  	v13 =	vld.idx.msk [tilespmem:v13+s20+$0x0], $0xffff  }
0x529: {  	v8 =	vadd.f32 v9, v8;
	v9 =	vmul.f32 v12, v18;
	v12 =	vld.idx.msk [tilespmem:v21+s11+$0x0], $0xffff  }
0x52a: {  	v18 =	vor.u32 v2, v7;
	v21 =	vor.u32 v2, v3;
	v2 =	vld [tilespmem:$0x1FFC0];
	_ =	sdelay $0x2  }
0x52b: {  	v15 =	vld.idx.msk [tilespmem:v15+s20+$0x0], $0xffff  }
0x52c: {  	v8 =	vadd.f32 v9, v8;
	v9 =	vmul.f32 v10, v13;
	v10 =	vld.idx.msk [tilespmem:v19+s11+$0x0], $0xffff  }
0x52d: {  	v13 =	vor.u32 v2, v7;
	v19 =	vor.u32 v2, v3;
	v2 =	vld [tilespmem:$0x1FF10];
	_ =	sdelay $0x2  }
0x52e: {  	v17 =	vld.idx.msk [tilespmem:v17+s20+$0x0], $0xffff  }
0x52f: {  	v8 =	vadd.f32 v9, v8;
	v9 =	vmul.f32 v11, v15;
	v11 =	vld.idx.msk [tilespmem:v20+s11+$0x0], $0xffff  }
0x530: {  	v15 =	vor.u32 v2, v7;
	v20 =	vor.u32 v2, v3;
	v2 =	vld [tilespmem:$0x1FEE0];
	_ =	sdelay $0x2  }
0x531: {  	v14 =	vld.idx.msk [tilespmem:v14+s20+$0x0], $0xffff  }
0x532: {  	v8 =	vadd.f32 v9, v8;
	v9 =	vmul.f32 v12, v17;
	v12 =	vld.idx.msk [tilespmem:v21+s11+$0x0], $0xffff  }
0x533: {  	v17 =	vor.u32 v2, v7;
	v21 =	vor.u32 v2, v3;
	v2 =	vld [tilespmem:$0x1FEF0];
	_ =	sdelay $0x1  }
0x534: {  	v16 =	vld.idx.msk [tilespmem:v16+s20+$0x0], $0xffff  }
0x535: {  	v18 =	vld.idx.msk [tilespmem:v18+s20+$0x0], $0xffff  }
0x536: {  	v8 =	vadd.f32 v9, v8;
	v9 =	vmul.f32 v10, v14;
	v10 =	vld.idx.msk [tilespmem:v19+s11+$0x0], $0xffff  }
0x537: {  	v14 =	vor.u32 v2, v7;
	v19 =	vor.u32 v2, v3;
	v2 =	vld [tilespmem:$0x1FF00];
	_ =	sdelay $0x1  }
0x538: {  	v8 =	vadd.f32 v9, v8;
	v9 =	vmul.f32 v11, v16;
	_ =	sdelay $0x1  }
0x539: {  	v8 =	vadd.f32 v9, v8;
	v11 =	vld.idx.msk [tilespmem:v20+s11+$0x0], $0xffff  }
0x53a: {  	v9 =	vmul.f32 v12, v18;
	v16 =	vor.u32 v2, v7;
	v20 =	vor.u32 v2, v3;
	v2 =	vld [tilespmem:$0x1FDE0]  }
0x53b: {  	v15 =	vld.idx.msk [tilespmem:v15+s20+$0x0], $0xffff  }
0x53c: {  	s18 =	simm.s32 $0x20;
	v9 =	vadd.f32 v9, v8;
	v8 =	vor.u32 v0, v7;
	v0 =	vld [tilespmem:$0x1FE00]  }
0x53d: {  	v6 =	vadd.s32 s18, v37;
	v13 =	vld.idx.msk [tilespmem:v13+s20+$0x0], $0xffff  }
0x53e: {  	(v2sf) =	vpush v6, $0xF;
	v12 =	vld.idx.msk [tilespmem:v21+s11+$0x0], $0xffff  }
0x53f: {  	(v2sf) =	vpush v6, $0xB;
	v18 =	vor.u32 v2, v7;
	v21 =	vor.u32 v2, v3;
	v2 =	vld [tilespmem:$0x1FDF0]  }
0x540: {  	(v2sf) =	vpush v6, $0x6;
	v11 =	vmul.f32 v11, v15;
	v15 =	vld.idx.msk [tilespmem:v20+s11+$0x0], $0xffff  }
0x541: {  	(v2sf) =	vpush v6, $0xE;
	v25 =	vor.u32 v0, v3;
	v20 =	vor.u32 v0, v7;
	v0 =	vld [tilespmem:$0x1FE10]  }
0x542: {  	(v2sf) =	vpush v6, $0xA  }
0x543: {  	(v2sf) =	vpush v6, $0xD  }
0x544: {  	(v2sf) =	vpush v6, $0x9  }
0x545: {  	(v2sf) =	vpush v6, $0x5;
	v17 =	vld.idx.msk [tilespmem:v17+s20+$0x0], $0xffff;
	v22 =	vor.u32 v2, v3  }
0x546: {  	v10 =	vmul.f32 v10, v13;
	v26 =	vor.u32 v0, v7;
	v29 =	vor.u32 v0, v3;
	v0 =	vld [tilespmem:$0x1FE20]  }
0x547: {  	(v2sf) =	vpush v6, $0xC;
	v14 =	vld.idx.msk [tilespmem:v14+s20+$0x0], $0xffff  }
0x548: {  	(v2sf) =	vpush v6, $0x8;
	v23 =	vadd.f32 v10, v9;
	v13 =	vld.idx.msk [tilespmem:v19+s11+$0x0], $0xffff  }
0x549: {  	(v2sf) =	vpush v6, $0x4;
	v16 =	vld.idx.msk [tilespmem:v16+s20+$0x0], $0xffff  }
0x54a: {  	(v2sf) =	vpush v6, $0x2;
	v23 =	vadd.f32 v11, v23;
	v24 =	vld.idx.msk [tilespmem:v22+s11+$0x0], $0xffff  }
0x54b: {  	v11 =	vor.u32 v27, v7;
	v22 =	vor.u32 v0, v7;
	v27 =	vor.u32 v0, v3;
	v0 =	vld [tilespmem:$0x1FE30]  }
0x54c: {  	(v2sf) =	vpush v6, $0x1;
	v18 =	vld.idx.msk [tilespmem:v18+s20+$0x0], $0xffff  }
0x54d: {  	(v2sf) =	vpush v6, $0x0;
	v17 =	vmul.f32 v12, v17;
	v28 =	vld.idx.msk [tilespmem:v21+s11+$0x0], $0xffff  }
0x54e: {  	s17 =	simm.s32 $0x18CA0;
	(v2sf) =	vpush v6, $0x7;
	v21 =	vld.idx.msk [tilespmem:v20+s20+$0x0], $0xffff  }
0x54f: {  	[dreg:$0x3] =	wrdreg s17;
	s21 =	spop (v2sf);
	(v2sf) =	vpush v6, $0x3;
	v17 =	vadd.f32 v17, v23;
	v23 =	vmul.f32 v13, v14;
	v20 =	vld.idx.msk [tilespmem:v26+s20+$0x0], $0xffff  }
0x550: {  	s19 =	simm.s32 $0x20;
	s7 =	spop (v2sf);
	s13 =	smulhi.u32 $0x66666667, s21;
	v14 =	vor.u32 v30, v7;
	v30 =	vor.u32 v0, v7;
	v26 =	vor.u32 v0, v3;
	v0 =	vld [tilespmem:$0x1FE40]  }
0x551: {  	[dreg:$0x5] =	wrdreg s19;
	s2 =	sshra.s32 s21, $0x1F;
	s4 =	smulhi.u32 $0x66666667, s7  }
0x552: {  	s22 =	spop (v2sf);
	s18 =	smul.u32 $0x66666667, s2;
	v17 =	vadd.f32 v23, v17;
	v23 =	vmul.f32 v15, v16  }
0x553: {  	[dreg:$0x6] =	wrdreg s22;
	s0 =	spop (v2sf)  }
0x554: {  	s29 =	spop (v2sf);
	s31 =	smulhi.u32 $0x66666667, s0;
	v15 =	vor.u32 v32, v7;
	v31 =	vadd.f32 v23, v17;
	v23 =	vld.idx.msk [tilespmem:v29+s11+$0x0], $0xffff  }
0x555: {  	s23 =	spop (v2sf);
	s26 =	smulhi.u32 $0x66666667, s29;
	v32 =	vmul.f32 v28, v18;
	v29 =	vor.u32 v0, v7;
	v28 =	vor.u32 v0, v3;
	v0 =	vld [tilespmem:$0x1FC00]  }
0x556: {  	s1 =	spop (v2sf);
	s6 =	smulhi.u32 $0x66666667, s23  }
0x557: {  	s30 =	spop (v2sf);
	s9 =	smulhi.u32 $0x66666667, s1  }
0x558: {  	[dreg:$0x8] =	wrdreg s30;
	s15 =	spop (v2sf)  }
0x559: {  	s22 =	spop (v2sf);
	s3 =	smulhi.u32 $0x66666667, s15;
	v19 =	vor.u32 v2, v7  }
0x55a: {  	v4 =	vmovc v56;
	v56 =	vmov v35;
	v5 =	vmov v60;
	s8 =	spop (v2sf);
	s14 =	smulhi.u32 $0x66666667, s22;
	v18 =	vor.u32 v0, v7;
	v0 =	vld [tilespmem:$0x1FC10]  }
0x55b: {  	v60 =	vmovc v62;
	v62 =	vmovc v59;
	v59 =	vmov v55;
	v55 =	vmov v54;
	v54 =	vmov v52;
	s28 =	spop (v2sf);
	s24 =	smulhi.u32 $0x66666667, s8  }
0x55c: {  	v52 =	vmovc v50;
	v50 =	vmovc v47;
	v47 =	vmov v46;
	v46 =	vmov v45;
	v45 =	vmov v44;
	s25 =	smulhi.u32 $0x66666667, s28;
	s5 =	spop (v2sf)  }
0x55d: {  	v44 =	vmovc v39;
	v39 =	vmovc v38;
	v38 =	vmov v57;
	v57 =	vmov v53;
	v53 =	vmov v34;
	s10 =	spop (v2sf);
	s2 =	smulhi.u32 $0x66666667, s5;
	v25 =	vld.idx.msk [tilespmem:v25+s11+$0x0], $0xffff  }
0x55e: {  	s19 =	simm.s32 $0x30;
	s21 =	spop (v2sf);
	s16 =	smulhi.u32 $0x66666667, s10;
	v10 =	vor.u32 v42, v7;
	v9 =	vor.u32 v43, v7;
	v12 =	vor.u32 v49, v7;
	v19 =	vld.idx.msk [tilespmem:v19+s20+$0x0], $0xffff  }
0x55f: {  	s23 =	sshra.s32 s23, $0x1F;
	s17 =	smulhi.u32 $0x66666667, s21;
	s12 =	spop (v2sf);
	v13 =	vor.u32 v1, v7;
	v16 =	vor.u32 v48, v7;
	v22 =	vld.idx.msk [tilespmem:v22+s20+$0x0], $0xffff;
	v17 =	vor.u32 v0, v7  }
.LBB2_5:
0x560: {  	_ = 	snop  }
0x561: {  	v27 =	vld.idx.msk [tilespmem:v27+s11+$0x0], $0xffff  }
0x562: {  	v30 =	vld.idx.msk [tilespmem:v30+s20+$0x0], $0xffff  }
0x563: {  	v43 =	vld [tilespmem:$0x1FBF0]  }
0x564: {  	v1 =	vld [tilespmem:$0x1FEB0]  }
0x565: {  	v29 =	vld.idx.msk [tilespmem:v29+s20+$0x0], $0xffff  }
0x566: {  	v37 =	vld [tilespmem:$0x1FE70]  }
0x567: {  	v31 =	vadd.f32 v32, v31;
	v24 =	vmul.f32 v24, v19;
	v19 =	vld [tilespmem:$0x1FE50]  }
0x568: {  	v0 =	vld [tilespmem:$0x1FD00]  }
0x569: {  	v2 =	vld [tilespmem:$0x1FEA0];
	v21 =	vmul.f32 v25, v21;
	v24 =	vadd.f32 v24, v31  }
0x56a: {  	v31 =	vld [tilespmem:$0x1FE60]  }
0x56b: {  	s23 =	smul.u32 $0x66666667, s23;
	s15 =	sshra.s32 s15, $0x1F;
	v41 =	vld [tilespmem:$0x1FE80];
	v21 =	vadd.f32 v21, v24;
	v24 =	vor.u32 v37, v7  }
0x56c: {  	s22 =	sshra.s32 s22, $0x1F;
	s30 =	smul.u32 $0x66666667, s15;
	v25 =	vld.idx.msk [tilespmem:v26+s11+$0x0], $0xffff;
	v48 =	vor.u32 v19, v7  }
0x56d: {  	s1 =	sshra.s32 s1, $0x1F;
	v18 =	vld.idx.msk [tilespmem:v18+s20+$0x0], $0xffff;
	s15 =	sshra.s32 s0, $0x1F;
	s0 =	smul.u32 $0x66666667, s22;
	v20 =	vmul.f32 v23, v20;
	v33 =	vor.u32 v19, v3  }
0x56e: {  	s10 =	sshra.s32 s10, $0x1F;
	s22 =	smul.u32 $0x66666667, s1;
	v23 =	vld.idx.msk [tilespmem:v28+s11+$0x0], $0xffff;
	v37 =	vor.u32 v37, v3  }
0x56f: {  	s5 =	sshra.s32 s5, $0x1F;
	v17 =	vld.idx.msk [tilespmem:v17+s20+$0x0], $0xffff;
	s10 =	smul.u32 $0x66666667, s10;
	v20 =	vadd.f32 v20, v21;
	v21 =	vmul.f32 v27, v22;
	v26 =	vor.u32 v31, v7  }
0x570: {  	s1 =	sshra.s32 s21, $0x1F;
	s5 =	smul.u32 $0x66666667, s5;
	v34 =	vor.u32 v43, v7;
	v31 =	vor.u32 v31, v3;
	v24 =	vld.idx.msk [tilespmem:v24+s20+$0x0], $0xffff  }
0x571: {  	s21 =	sshra.s32 s29, $0x1F;
	s29 =	smul.u32 $0x66666667, s1;
	v35 =	vor.u32 v0, v7;
	v20 =	vadd.f32 v21, v20;
	v21 =	vmul.f32 v25, v30;
	v32 =	vld.idx.msk [tilespmem:v48+s20+$0x0], $0xffff  }
0x572: {  	s6 =	sadd.s32 s23, s6;
	s15 =	smul.u32 $0x66666667, s15;
	v36 =	vor.u32 v2, v7;
	v19 =	vor.u32 v1, v7;
	v7 =	vor.u32 v41, v7;
	v22 =	vld.idx.msk [tilespmem:v33+s11+$0x0], $0xffff  }
0x573: {  	s3 =	sadd.s32 s30, s3;
	s0 =	sadd.s32 s0, s14;
	s1 =	sadd.s32 s10, s16;
	v41 =	vor.u32 v41, v3;
	v20 =	vadd.f32 v21, v20;
	v21 =	vmul.f32 v23, v29;
	v23 =	vld.idx.msk [tilespmem:v37+s11+$0x0], $0xffff  }
0x574: {  	s10 =	sshrl.u32 s6, $0x1F;
	s30 =	sshrl.u32 s3, $0x1F;
	s14 =	sshrl.u32 s0, $0x1F;
	v26 =	vld.idx.msk [tilespmem:v26+s20+$0x0], $0xffff  }
0x575: {  	s9 =	sadd.s32 s22, s9;
	s3 =	sshra.s32 s3, $0x3;
	s16 =	sshra.s32 s0, $0x3;
	v28 =	vmov s30;
	v40 =	vmov s14;
	v25 =	vld.idx.msk [tilespmem:v31+s11+$0x0], $0xffff;
	v31 =	vor.u32 v0, v3  }
0x576: {  	s6 =	sshra.s32 s6, $0x3;
	s0 =	sadd.s32 s29, s17;
	s30 =	sshrl.u32 s1, $0x1F;
	v51 =	vmov s16;
	v27 =	vmov s3;
	v48 =	vor.u32 v2, v3;
	v2 =	vld [tilespmem:$0x1FC20]  }
0x577: {  	s17 =	smul.u32 $0x66666667, s21;
	s14 =	sshra.s32 s0, $0x1F;
	v42 =	vmov s30;
	v28 =	vsel vm0, s10, v28;
	s3 =	sadd.s32 s15, s31;
	v27 =	vsel vm0, s6, v27;
	v7 =	vld.idx.msk [tilespmem:v7+s20+$0x0], $0xffff  }
0x578: {  	s16 =	sshrl.u32 s9, $0x1F;
	s9 =	sshra.s32 s9, $0x3;
	s21 =	sshrl.u32 s3, $0x1F;
	v30 =	vmov s14;
	v20 =	vadd.f32 v21, v20;
	v21 =	vmul.f32 v22, v32;
	v22 =	vld.idx.msk [tilespmem:v41+s11+$0x0], $0xffff  }
0x579: {  	s22 =	sadd.s32 s17, s26;
	v28 =	vsel vm1, s21, v28;
	v29 =	vsel vm0, s9, v51;
	v51 =	vnsel vm4, $0x0, v42;
	v32 =	vld.idx.msk [tilespmem:v35+s20+$0x0], $0xffff  }
0x57a: {  	s2 =	sadd.s32 s5, s2;
	s10 =	sshra.s32 s22, $0x3;
	s3 =	sshra.s32 s3, $0x3;
	v35 =	vor.u32 v43, v3;
	v20 =	vadd.f32 v21, v20;
	v21 =	vmul.f32 v25, v26;
	v25 =	vld.idx.msk [tilespmem:v31+s11+$0x0], $0xffff  }
0x57b: {  	s13 =	sadd.s32 s18, s13;
	s15 =	sshrl.u32 s2, $0x1F;
	v26 =	vsel vm1, s3, v27;
	v27 =	vsel vm1, s10, v29;
	v29 =	vld.idx.msk [tilespmem:v36+s20+$0x0], $0xffff;
	v31 =	vor.u32 v1, v3  }
0x57c: {  	s23 =	sshra.s32 s1, $0x3;
	s17 =	sshrl.u32 s13, $0x1F;
	v36 =	vsel vm0, s15, v51;
	v51 =	vld [tilespmem:$0x1FC00];
	v20 =	vadd.f32 v21, v20;
	v21 =	vmul.f32 v23, v24  }
0x57d: {  	s1 =	sshra.s32 s1, $0x1F;
	v30 =	vsel vm4, s23, v30;
	v23 =	vld.idx.msk [tilespmem:v48+s11+$0x0], $0xffff;
	v24 =	vsel vm2, s17, v28  }
0x57e: {  	v28 =	vsel vm13, s1, v30;
	v30 =	vld.idx.msk [tilespmem:v34+s20+$0x0], $0xffff;
	v7 =	vmul.f32 v22, v7;
	v20 =	vadd.f32 v21, v20  }
0x57f: {  	v21 =	vld.idx.msk [tilespmem:v35+s11+$0x0], $0xffff  }
0x580: {  	s7 =	sshra.s32 s7, $0x1F;
	v43 =	vld [tilespmem:$0x1FC10];
	v7 =	vadd.f32 v7, v20;
	v20 =	vmul.f32 v25, v32  }
0x581: {  	s7 =	smul.u32 $0x66666667, s7;
	v25 =	vld.idx.msk [tilespmem:v31+s11+$0x0], $0xffff;
	v31 =	vor.u32 v2, v3  }
0x582: {  	v16 =	vld.idx.msk [tilespmem:v16+s20+$0x0], $0xffff;
	v7 =	vadd.f32 v20, v7;
	v20 =	vmul.f32 v23, v29  }
0x583: {  	s18 =	sadd.s32 s7, s4;
	s30 =	sshra.s32 s28, $0x1F;
	v19 =	vld.idx.msk [tilespmem:v19+s20+$0x0], $0xffff;
	v33 =	vor.u32 v51, v3  }
0x584: {  	s5 =	sshra.s32 s18, $0x3;
	v40 =	vsel vm0, s16, v40;
	s16 =	smul.u32 $0x66666667, s30;
	s30 =	sshra.s32 s13, $0x3;
	v32 =	vld [tilespmem:$0x1FC30];
	v7 =	vadd.f32 v20, v7;
	v20 =	vmul.f32 v21, v30  }
0x585: {  	s26 =	sshrl.u32 s22, $0x1F;
	v22 =	vsel vm2, s30, v26;
	v26 =	vsel vm2, s5, v27;
	v27 =	vor.u32 v43, v3;
	v30 =	vld [tilespmem:$0x1FEC0]  }
0x586: {  	s22 =	smulhi.u32 $0x66666667, s12;
	v40 =	vsel vm1, s26, v40;
	s26 =	sadd.s32 s16, s25;
	v7 =	vadd.f32 v20, v7;
	v20 =	vld.idx.msk [tilespmem:v31+s11+$0x0], $0xffff  }
0x587: {  	s4 =	sshrl.u32 s26, $0x1F;
	s23 =	sshra.s32 s12, $0x1F;
	s12 =	sshra.s32 s2, $0x3;
	v31 =	vld [tilespmem:$0x1FED0]  }
0x588: {  	vm9 =	vcmask $0xF0C;
	s21 =	sshrl.u32 s18, $0x1F;
	s2 =	sshra.s32 s2, $0x1F;
	s9 =	smul.u32 $0x66666667, s23;
	v28 =	vsel vm0, s12, v28;
	v23 =	vld.idx.msk [tilespmem:v33+s11+$0x0], $0xffff  }
0x589: {  	s8 =	sshra.s32 s8, $0x1F;
	v15 =	vld.idx.msk [tilespmem:v15+s20+$0x0], $0xffff;
	s16 =	rddreg [dreg:$0x8];
	s18 =	sshra.s32 s26, $0x3;
	v34 =	vsel vm2, s21, v40;
	v48 =	vsel vm1, s4, v36;
	v28 =	vsel vm9, s2, v28  }
0x58a: {  	s13 =	sadd.s32 s9, s22;
	s10 =	smul.u32 $0x66666667, s8;
	s1 =	sshra.s32 s26, $0x1F;
	vm9 =	vcmask $0x1714;
	v21 =	vld.idx.msk [tilespmem:v27+s11+$0x0], $0xffff;
	v27 =	vsel vm1, s18, v28;
	v29 =	vor.u32 v32, v3  }
0x58b: {  	s23 =	sshra.s32 s13, $0x3;
	v40 =	vld [tilespmem:$0x1FFD0];
	s17 =	smulhi.u32 $0x66666667, s16;
	s4 =	sshra.s32 s16, $0x1F;
	v27 =	vsel vm9, s1, v27;
	v19 =	vmul.f32 v25, v19;
	v28 =	vor.u32 v30, v3  }
0x58c: {  	v14 =	vld.idx.msk [tilespmem:v14+s20+$0x0], $0xffff;
	s21 =	rddreg [dreg:$0x6];
	s4 =	smul.u32 $0x66666667, s4;
	v25 =	vsel vm2, s23, v27;
	v27 =	vor.u32 v31, v3  }
0x58d: {  	v42 =	vld [tilespmem:$0x1FF90];
	s22 =	smulhi.u32 $0x66666667, s21;
	s7 =	sshra.s32 s21, $0x1F;
	v7 =	vadd.f32 v19, v7;
	v18 =	vmul.f32 v23, v18  }
0x58e: {  	s14 =	sshrl.u32 s13, $0x1F;
	v41 =	vld [tilespmem:$0x1FFE0];
	s3 =	sadd.s32 s10, s24;
	v24 =	vcombine.low v34, v24;
	v22 =	vcombine.low v26, v22;
	s24 =	smul.u32 $0x66666667, s7  }
0x58f: {  	s25 =	sshra.s32 s13, $0x1F;
	s15 =	sshrl.u32 s3, $0x1F;
	v26 =	vsel vm2, s14, v48;
	s2 =	sadd.s32 s4, s17;
	v17 =	vmul.f32 v21, v17;
	v19 =	vld.idx.msk [tilespmem:v29+s11+$0x0], $0xffff;
	v7 =	vadd.f32 v18, v7  }
0x590: {  	s30 =	sshra.s32 s3, $0x3;
	v26 =	vsel vm5, s15, v26;
	s26 =	sshrl.u32 s2, $0x1F;
	s4 =	sadd.s32 s24, s22;
	v24 =	vperm.xlane v24, v40;
	v25 =	vsel vm14, s25, v25;
	v18 =	vld.idx.msk [tilespmem:v28+s11+$0x0], $0xffff  }
0x591: {  	s7 =	sshra.s32 s3, $0x1F;
	s8 =	sshrl.u32 s4, $0x1F;
	v25 =	vsel vm5, s30, v25;
	v23 =	vsel vm6, s26, v26;
	v7 =	vadd.f32 v17, v7;
	v17 =	vld.idx.msk [tilespmem:v27+s11+$0x0], $0xffff  }
0x592: {  	s12 =	sshrl.u32 s0, $0x1F;
	s9 =	sshra.s32 s2, $0x3;
	v26 =	vor.u32 v49, v3;
	v25 =	vsel vm11, s7, v25;
	v21 =	vsel vm7, s8, v23;
	v27 =	vld [tilespmem:$0x1FCD0]  }
0x593: {  	v13 =	vld.idx.msk [tilespmem:v13+s20+$0x0], $0xffff;
	s10 =	sshra.s32 s2, $0x1F;
	v23 =	vsel vm6, s9, v25;
	v16 =	vmul.f32 v20, v16;
	v20 =	vsel vm15, s12, v21  }
0x594: {  	v1 =	vld [tilespmem:$0x1FFB0];
	s13 =	sshra.s32 s4, $0x3;
	v23 =	vsel vm3, s10, v23;
	v15 =	vmul.f32 v19, v15;
	v19 =	vperm.xlane v20, v41  }
0x595: {  	v12 =	vld.idx.msk [tilespmem:v12+s20+$0x0], $0xffff;
	s14 =	sshra.s32 s4, $0x1F;
	v25 =	vor.u32 v42, v3;
	v21 =	vsel vm7, s13, v23  }
0x596: {  	s0 =	sshra.s32 s0, $0x3;
	v21 =	vsel vm12, s14, v21;
	v14 =	vmul.f32 v18, v14;
	v18 =	vsel vm8, v19, v24;
	v24 =	vld [tilespmem:$0x1FE90]  }
0x597: {  	v7 =	vadd.f32 v16, v7;
	v16 =	vld.idx.msk [tilespmem:v26+s11+$0x0], $0xffff;
	v20 =	vsel vm15, s0, v21;
	v23 =	vor.u32 v27, v3  }
0x598: {  	v11 =	vld.idx.msk [tilespmem:v11+s20+$0x0], $0xffff;
	v22 =	vperm.xlane v22, v40;
	v20 =	vperm.xlane v20, v41  }
0x599: {  	v0 =	vld [tilespmem:$0x1FFF0];
	v21 =	vor.u32 v1, v3;
	v7 =	vadd.f32 v15, v7  }
0x59a: {  	v15 =	vld.idx.msk [tilespmem:v25+s11+$0x0], $0xffff;
	v19 =	vsel vm8, v20, v22  }
0x59b: {  	v10 =	vld.idx.msk [tilespmem:v10+s20+$0x0], $0xffff;
	v7 =	vadd.f32 v14, v7;
	v13 =	vmul.f32 v17, v13;
	v3 =	vor.u32 v24, v3  }
0x59c: {  	s15 =	rddreg [dreg:$0x5];
	v18 =	vadd.s32 v18, v19;
	v12 =	vmul.f32 v16, v12;
	v14 =	vld.idx.msk [tilespmem:v23+s11+$0x0], $0xffff  }
0x59d: {  	v9 =	vld.idx.msk [tilespmem:v9+s20+$0x0], $0xffff;
	v17 =	vmov s15;
	v19 =	vmul.u32 $0xFFFFFFEC, v18;
	v7 =	vadd.f32 v13, v7  }
0x59e: {  	vm9 =	vlt.s32 v6, $0x1;
	v6 =	vsub.s32 v0, v17;
	v13 =	vld.idx.msk [tilespmem:v21+s11+$0x0], $0xffff  }
0x59f: {  	v8 =	vld.idx.msk [tilespmem:v8+s20+$0x0], $0xffff;
	vm10 =	vne.s32 v19, v6;
	v6 =	vadd.f32 v12, v7;
	v7 =	vmul.f32 v15, v11  }
0x5a0: {  	v36 =	vlaneseq.u32;
	v48 =	vmovc v0;
	v0 =	vimm.s32 $0x0;
	vm9 =	vmand vm9, vm10;
	v11 =	vld.idx.msk [tilespmem:v3+s11+$0x0], $0xffff  }
0x5a1: {  	v6 =	vadd.f32 v7, v6;
	v3 =	vsel vm9, $0xFFFFFFFF, v0;
	v7 =	vmul.f32 v14, v10  }
0x5a2: {  	vm9 =	vlt.u32 v17, $0x20;
	v3 =	vadd.s32 v3, v18;
	v10 =	vor.u32 s15, v36  }
0x5a3: {  	v9 =	vmul.f32 v13, v9;
	v3 =	vsel vm9, v10, v3;
	v6 =	vadd.f32 v7, v6  }
0x5a4: {  	v7 =	vshll.u32 v10, $0x6;
	v3 =	vshll.u32 v3, $0x6  }
0x5a5: {  	v10 =	vor.u32 v36, v3;
	v8 =	vmul.f32 v11, v8;
	v6 =	vadd.f32 v9, v6  }
0x5a6: {  	v9 =	vor.u32 v36, v7  }
0x5a7: {  	s17 =	rddreg [dreg:$0x3];
	v11 =	vor.u32 v53, v7;
	v6 =	vadd.f32 v8, v6  }
0x5a8: {  	s0 =	sadd.s32 $0x10, s17;
	v8 =	vor.u32 v53, v3  }
0x5a9: {  	v12 =	vor.u32 v56, v7;
	[tilespmem:s0+$0x0] =	vst v6  }
0x5aa: {  	v6 =	vld.idx.msk [tilespmem:v10+s11+$0x0], $0xffff;
	v10 =	vor.u32 v56, v3  }
0x5ab: {  	v13 =	vor.u32 v57, v7;
	v9 =	vld.idx.msk [tilespmem:v9+s20+$0x0], $0xffff  }
0x5ac: {  	v14 =	vor.u32 v57, v3;
	v11 =	vld.idx.msk [tilespmem:v11+s20+$0x0], $0xffff  }
0x5ad: {  	v15 =	vor.u32 v4, v7;
	v8 =	vld.idx.msk [tilespmem:v8+s11+$0x0], $0xffff  }
0x5ae: {  	v16 =	vor.u32 v4, v3;
	v12 =	vld.idx.msk [tilespmem:v12+s20+$0x0], $0xffff  }
0x5af: {  	v17 =	vor.u32 v38, v7;
	v10 =	vld.idx.msk [tilespmem:v10+s11+$0x0], $0xffff  }
0x5b0: {  	v18 =	vor.u32 v38, v3;
	v13 =	vld.idx.msk [tilespmem:v13+s20+$0x0], $0xffff;
	v6 =	vmul.f32 v6, v9  }
0x5b1: {  	v9 =	vld.idx.msk [tilespmem:v14+s11+$0x0], $0xffff;
	v14 =	vor.u32 v39, v7  }
0x5b2: {  	v19 =	vor.u32 v39, v3;
	v15 =	vld.idx.msk [tilespmem:v15+s20+$0x0], $0xffff;
	v6 =	vadd.f32 $0.0e+00, v6;
	v8 =	vmul.f32 v8, v11  }
0x5b3: {  	v11 =	vld.idx.msk [tilespmem:v16+s11+$0x0], $0xffff;
	v16 =	vor.u32 v44, v7  }
0x5b4: {  	v20 =	vor.u32 v44, v3;
	v17 =	vld.idx.msk [tilespmem:v17+s20+$0x0], $0xffff;
	v6 =	vadd.f32 v8, v6;
	v8 =	vmul.f32 v10, v12  }
0x5b5: {  	v10 =	vld.idx.msk [tilespmem:v18+s11+$0x0], $0xffff;
	v12 =	vor.u32 v45, v7  }
0x5b6: {  	v14 =	vld.idx.msk [tilespmem:v14+s20+$0x0], $0xffff;
	v18 =	vor.u32 v45, v3;
	v6 =	vadd.f32 v8, v6;
	v8 =	vmul.f32 v9, v13  }
0x5b7: {  	v9 =	vld.idx.msk [tilespmem:v19+s11+$0x0], $0xffff;
	v13 =	vor.u32 v46, v7  }
0x5b8: {  	v16 =	vld.idx.msk [tilespmem:v16+s20+$0x0], $0xffff;
	v19 =	vor.u32 v46, v3;
	v6 =	vadd.f32 v8, v6;
	v8 =	vmul.f32 v11, v15  }
0x5b9: {  	v11 =	vld.idx.msk [tilespmem:v20+s11+$0x0], $0xffff;
	v15 =	vor.u32 v47, v7  }
0x5ba: {  	v20 =	vor.u32 v47, v3;
	v12 =	vld.idx.msk [tilespmem:v12+s20+$0x0], $0xffff;
	v6 =	vadd.f32 v8, v6;
	v8 =	vmul.f32 v10, v17  }
0x5bb: {  	v10 =	vld.idx.msk [tilespmem:v18+s11+$0x0], $0xffff;
	v17 =	vor.u32 v50, v7  }
0x5bc: {  	v18 =	vor.u32 v50, v3;
	v13 =	vld.idx.msk [tilespmem:v13+s20+$0x0], $0xffff;
	v6 =	vadd.f32 v8, v6;
	v8 =	vmul.f32 v9, v14  }
0x5bd: {  	v9 =	vld.idx.msk [tilespmem:v19+s11+$0x0], $0xffff;
	v14 =	vor.u32 v52, v7  }
0x5be: {  	v19 =	vor.u32 v52, v3;
	v15 =	vld.idx.msk [tilespmem:v15+s20+$0x0], $0xffff;
	v6 =	vadd.f32 v8, v6;
	v8 =	vmul.f32 v11, v16  }
0x5bf: {  	v11 =	vld.idx.msk [tilespmem:v20+s11+$0x0], $0xffff;
	v16 =	vor.u32 v54, v7  }
0x5c0: {  	v20 =	vor.u32 v54, v3;
	v17 =	vld.idx.msk [tilespmem:v17+s20+$0x0], $0xffff;
	v6 =	vadd.f32 v8, v6;
	v8 =	vmul.f32 v10, v12  }
0x5c1: {  	v10 =	vld.idx.msk [tilespmem:v18+s11+$0x0], $0xffff;
	v12 =	vor.u32 v55, v7  }
0x5c2: {  	v18 =	vor.u32 v55, v3;
	v14 =	vld.idx.msk [tilespmem:v14+s20+$0x0], $0xffff;
	v6 =	vadd.f32 v8, v6;
	v8 =	vmul.f32 v9, v13  }
0x5c3: {  	v9 =	vld.idx.msk [tilespmem:v19+s11+$0x0], $0xffff;
	v13 =	vor.u32 v59, v7  }
0x5c4: {  	v19 =	vor.u32 v59, v3;
	v16 =	vld.idx.msk [tilespmem:v16+s20+$0x0], $0xffff;
	v6 =	vadd.f32 v8, v6;
	v8 =	vmul.f32 v11, v15  }
0x5c5: {  	v11 =	vld.idx.msk [tilespmem:v20+s11+$0x0], $0xffff;
	v15 =	vor.u32 v58, v7  }
0x5c6: {  	v20 =	vor.u32 v58, v3;
	v12 =	vld.idx.msk [tilespmem:v12+s20+$0x0], $0xffff;
	v6 =	vadd.f32 v8, v6;
	v8 =	vmul.f32 v10, v17  }
0x5c7: {  	v10 =	vld.idx.msk [tilespmem:v18+s11+$0x0], $0xffff  }
0x5c8: {  	v13 =	vld.idx.msk [tilespmem:v13+s20+$0x0], $0xffff;
	v6 =	vadd.f32 v8, v6;
	v8 =	vmul.f32 v9, v14  }
0x5c9: {  	v17 =	vor.u32 v62, v7;
	v9 =	vld.idx.msk [tilespmem:v19+s11+$0x0], $0xffff  }
0x5ca: {  	v18 =	vor.u32 v62, v3;
	v15 =	vld.idx.msk [tilespmem:v15+s20+$0x0], $0xffff;
	v6 =	vadd.f32 v8, v6;
	v8 =	vmul.f32 v11, v16  }
0x5cb: {  	v11 =	vld.idx.msk [tilespmem:v20+s11+$0x0], $0xffff;
	v20 =	vor.u32 v60, v3  }
0x5cc: {  	v10 =	vmul.f32 v10, v12;
	v8 =	vadd.f32 v8, v6;
	_ =	sdelay $0x1  }
0x5cd: {  	v14 =	vor.u32 v61, v7;
	v17 =	vld.idx.msk [tilespmem:v17+s20+$0x0], $0xffff;
	v9 =	vmul.f32 v9, v13;
	v8 =	vadd.f32 v10, v8  }
0x5ce: {  	v19 =	vor.u32 v61, v3;
	v12 =	vld.idx.msk [tilespmem:v18+s11+$0x0], $0xffff  }
0x5cf: {  	v16 =	vor.u32 v60, v7;
	v8 =	vadd.f32 v9, v8;
	v9 =	vmul.f32 v11, v15;
	v11 =	vld.idx.msk [tilespmem:v20+s11+$0x0], $0xffff  }
0x5d0: {  	v21 =	vor.u32 v5, v3;
	v20 =	vld [tilespmem:$0x1FC90];
	_ =	sdelay $0x1  }
0x5d1: {  	v14 =	vld.idx.msk [tilespmem:v14+s20+$0x0], $0xffff  }
0x5d2: {  	v10 =	vld.idx.msk [tilespmem:v19+s11+$0x0], $0xffff  }
0x5d3: {  	v18 =	vor.u32 v5, v7;
	v16 =	vld.idx.msk [tilespmem:v16+s20+$0x0], $0xffff;
	v8 =	vadd.f32 v9, v8  }
0x5d4: {  	v9 =	vmul.f32 v12, v17;
	v12 =	vld.idx.msk [tilespmem:v21+s11+$0x0], $0xffff;
	v15 =	vor.u32 v20, v7;
	v20 =	vor.u32 v20, v3  }
0x5d5: {  	v21 =	vld [tilespmem:$0x1FCA0]  }
0x5d6: {  	v13 =	vor.u32 v63, v7  }
0x5d7: {  	v19 =	vor.u32 v63, v3;
	v8 =	vadd.f32 v9, v8;
	v9 =	vmul.f32 v10, v14  }
0x5d8: {  	v18 =	vld.idx.msk [tilespmem:v18+s20+$0x0], $0xffff  }
0x5d9: {  	v8 =	vadd.f32 v9, v8;
	v9 =	vmul.f32 v11, v16;
	v11 =	vld.idx.msk [tilespmem:v20+s11+$0x0], $0xffff  }
0x5da: {  	v17 =	vor.u32 v21, v7;
	v21 =	vor.u32 v21, v3;
	v20 =	vld [tilespmem:$0x1FCB0]  }
0x5db: {  	v13 =	vld.idx.msk [tilespmem:v13+s20+$0x0], $0xffff  }
0x5dc: {  	v10 =	vld.idx.msk [tilespmem:v19+s11+$0x0], $0xffff  }
0x5dd: {  	v19 =	vld [tilespmem:$0x1FF20]  }
0x5de: {  	v8 =	vadd.f32 v9, v8;
	v15 =	vld.idx.msk [tilespmem:v15+s20+$0x0], $0xffff  }
0x5df: {  	v9 =	vmul.f32 v12, v18;
	v12 =	vld.idx.msk [tilespmem:v21+s11+$0x0], $0xffff;
	v16 =	vor.u32 v20, v7;
	v20 =	vor.u32 v20, v3  }
0x5e0: {  	v21 =	vld [tilespmem:$0x1FF50];
	_ =	sdelay $0x1  }
0x5e1: {  	v0 =	vld [tilespmem:$0x1FCC0];
	v14 =	vor.u32 v19, v7;
	v8 =	vadd.f32 v9, v8;
	v9 =	vmul.f32 v10, v13  }
0x5e2: {  	v19 =	vor.u32 v19, v3;
	v17 =	vld.idx.msk [tilespmem:v17+s20+$0x0], $0xffff  }
0x5e3: {  	v8 =	vadd.f32 v9, v8;
	v9 =	vmul.f32 v11, v15;
	v11 =	vld.idx.msk [tilespmem:v20+s11+$0x0], $0xffff  }
0x5e4: {  	v18 =	vor.u32 v21, v7;
	v21 =	vor.u32 v21, v3;
	v20 =	vld [tilespmem:$0x1FF60];
	_ =	sdelay $0x1  }
0x5e5: {  	v14 =	vld.idx.msk [tilespmem:v14+s20+$0x0], $0xffff  }
0x5e6: {  	v10 =	vld.idx.msk [tilespmem:v19+s11+$0x0], $0xffff;
	v19 =	vor.u32 v0, v3  }
0x5e7: {  	v8 =	vadd.f32 v9, v8;
	v16 =	vld.idx.msk [tilespmem:v16+s20+$0x0], $0xffff  }
0x5e8: {  	v9 =	vmul.f32 v12, v17;
	v12 =	vld.idx.msk [tilespmem:v21+s11+$0x0], $0xffff;
	v15 =	vor.u32 v20, v7;
	v20 =	vor.u32 v20, v3  }
0x5e9: {  	v21 =	vld [tilespmem:$0x1FF40]  }
0x5ea: {  	v37 =	vld [tilespmem:$0x1FFA0]  }
0x5eb: {  	v8 =	vadd.f32 v9, v8;
	v9 =	vmul.f32 v10, v14;
	v10 =	vld.idx.msk [tilespmem:v19+s11+$0x0], $0xffff  }
0x5ec: {  	v13 =	vor.u32 v0, v7;
	v19 =	vld [tilespmem:$0x1FF30]  }
0x5ed: {  	v8 =	vadd.f32 v9, v8;
	v9 =	vmul.f32 v11, v16;
	v11 =	vld.idx.msk [tilespmem:v20+s11+$0x0], $0xffff  }
0x5ee: {  	v17 =	vor.u32 v21, v7;
	v20 =	vld [tilespmem:$0x1FF70]  }
0x5ef: {  	v18 =	vld.idx.msk [tilespmem:v18+s20+$0x0], $0xffff;
	v21 =	vor.u32 v21, v3  }
0x5f0: {  	v0 =	vld [tilespmem:$0x1FF80]  }
0x5f1: {  	v13 =	vld.idx.msk [tilespmem:v13+s20+$0x0], $0xffff;
	v14 =	vor.u32 v19, v7  }
0x5f2: {  	v19 =	vor.u32 v19, v3;
	v15 =	vld.idx.msk [tilespmem:v15+s20+$0x0], $0xffff  }
0x5f3: {  	v6 =	vadd.s32 s19, v37;
	v17 =	vld.idx.msk [tilespmem:v17+s20+$0x0], $0xffff;
	v16 =	vor.u32 v20, v7;
	v20 =	vor.u32 v20, v3  }
0x5f4: {  	(v2sf) =	vpush v6, $0xF;
	v8 =	vadd.f32 v9, v8;
	v9 =	vmul.f32 v12, v18;
	v12 =	vld.idx.msk [tilespmem:v21+s11+$0x0], $0xffff  }
0x5f5: {  	(v2sf) =	vpush v6, $0xB;
	v18 =	vor.u32 v0, v7;
	v21 =	vor.u32 v0, v3;
	v0 =	vld [tilespmem:$0x1FFC0]  }
0x5f6: {  	v14 =	vld.idx.msk [tilespmem:v14+s20+$0x0], $0xffff;
	v8 =	vadd.f32 v9, v8;
	v9 =	vmul.f32 v10, v13  }
0x5f7: {  	(v2sf) =	vpush v6, $0x6;
	v10 =	vld.idx.msk [tilespmem:v19+s11+$0x0], $0xffff  }
0x5f8: {  	(v2sf) =	vpush v6, $0xE;
	v8 =	vadd.f32 v9, v8;
	v9 =	vmul.f32 v11, v15;
	v11 =	vld.idx.msk [tilespmem:v20+s11+$0x0], $0xffff  }
0x5f9: {  	(v2sf) =	vpush v6, $0xA;
	v20 =	vld [tilespmem:$0x1FF10]  }
0x5fa: {  	v19 =	vor.u32 v0, v3;
	v8 =	vadd.f32 v9, v8;
	v9 =	vmul.f32 v12, v17;
	v12 =	vld.idx.msk [tilespmem:v21+s11+$0x0], $0xffff  }
0x5fb: {  	(v2sf) =	vpush v6, $0xD;
	v21 =	vld [tilespmem:$0x1FEE0]  }
0x5fc: {  	(v2sf) =	vpush v6, $0x9  }
0x5fd: {  	(v2sf) =	vpush v6, $0x5;
	v18 =	vld.idx.msk [tilespmem:v18+s20+$0x0], $0xffff;
	v13 =	vor.u32 v0, v7  }
0x5fe: {  	v16 =	vld.idx.msk [tilespmem:v16+s20+$0x0], $0xffff;
	v15 =	vor.u32 v20, v7;
	v20 =	vor.u32 v20, v3  }
0x5ff: {  	v8 =	vadd.f32 v9, v8;
	v9 =	vmul.f32 v10, v14;
	v10 =	vld.idx.msk [tilespmem:v19+s11+$0x0], $0xffff  }
0x600: {  	v17 =	vor.u32 v21, v7;
	v21 =	vor.u32 v21, v3;
	v19 =	vld [tilespmem:$0x1FEF0];
	_ =	sdelay $0x1  }
0x601: {  	v13 =	vld.idx.msk [tilespmem:v13+s20+$0x0], $0xffff  }
0x602: {  	s18 =	spop (v2sf);
	(v2sf) =	vpush v6, $0xC;
	v8 =	vadd.f32 v9, v8;
	v9 =	vmul.f32 v11, v16;
	v11 =	vld.idx.msk [tilespmem:v20+s11+$0x0], $0xffff  }
0x603: {  	s7 =	spop (v2sf);
	(v2sf) =	vpush v6, $0x8;
	v20 =	vld [tilespmem:$0x1FF00]  }
0x604: {  	v14 =	vor.u32 v19, v7;
	v8 =	vadd.f32 v9, v8;
	v9 =	vmul.f32 v12, v18;
	v12 =	vld.idx.msk [tilespmem:v21+s11+$0x0], $0xffff  }
0x605: {  	s22 =	spop (v2sf);
	(v2sf) =	vpush v6, $0x4;
	v19 =	vor.u32 v19, v3;
	v15 =	vld.idx.msk [tilespmem:v15+s20+$0x0], $0xffff  }
0x606: {  	[dreg:$0x3] =	wrdreg s0;
	s0 =	spop (v2sf);
	(v2sf) =	vpush v6, $0x2;
	v21 =	vld [tilespmem:$0x1FDE0]  }
0x607: {  	s29 =	spop (v2sf);
	(v2sf) =	vpush v6, $0x1;
	v17 =	vld.idx.msk [tilespmem:v17+s20+$0x0], $0xffff  }
0x608: {  	v10 =	vmul.f32 v10, v13;
	v9 =	vadd.f32 v9, v8;
	v8 =	vld [tilespmem:$0x1FDF0];
	v16 =	vor.u32 v20, v7  }
0x609: {  	s23 =	spop (v2sf);
	(v2sf) =	vpush v6, $0x0;
	v14 =	vld.idx.msk [tilespmem:v14+s20+$0x0], $0xffff;
	v20 =	vor.u32 v20, v3  }
0x60a: {  	s1 =	spop (v2sf);
	(v2sf) =	vpush v6, $0x7;
	v23 =	vadd.f32 v10, v9;
	v13 =	vld.idx.msk [tilespmem:v19+s11+$0x0], $0xffff;
	v11 =	vmul.f32 v11, v15  }
0x60b: {  	s30 =	spop (v2sf);
	(v2sf) =	vpush v6, $0x3;
	v9 =	vld [tilespmem:$0x1FE00];
	v18 =	vor.u32 v21, v7  }
0x60c: {  	s13 =	smulhi.u32 $0x66666667, s18;
	v21 =	vor.u32 v21, v3;
	v23 =	vadd.f32 v11, v23;
	v11 =	vld [tilespmem:$0x1FE10]  }
0x60d: {  	s4 =	smulhi.u32 $0x66666667, s7;
	v17 =	vmul.f32 v12, v17;
	v19 =	vor.u32 v8, v7;
	v16 =	vld.idx.msk [tilespmem:v16+s20+$0x0], $0xffff  }
0x60e: {  	s31 =	smulhi.u32 $0x66666667, s0;
	v15 =	vld.idx.msk [tilespmem:v20+s11+$0x0], $0xffff  }
0x60f: {  	s26 =	smulhi.u32 $0x66666667, s29;
	v22 =	vor.u32 v8, v3;
	v17 =	vadd.f32 v17, v23;
	v23 =	vmul.f32 v13, v14;
	v13 =	vld [tilespmem:$0x1FE20]  }
0x610: {  	[dreg:$0x6] =	wrdreg s22;
	s6 =	smulhi.u32 $0x66666667, s23;
	v18 =	vld.idx.msk [tilespmem:v18+s20+$0x0], $0xffff  }
0x611: {  	s9 =	smulhi.u32 $0x66666667, s1;
	[dreg:$0x8] =	wrdreg s30;
	s30 =	sshra.s32 s18, $0x1F;
	v25 =	vor.u32 v9, v3;
	v28 =	vld.idx.msk [tilespmem:v21+s11+$0x0], $0xffff  }
0x612: {  	s18 =	smul.u32 $0x66666667, s30;
	s15 =	spop (v2sf);
	v10 =	vor.u32 v27, v7;
	v19 =	vld.idx.msk [tilespmem:v19+s20+$0x0], $0xffff;
	v20 =	vor.u32 v9, v7  }
0x613: {  	s22 =	spop (v2sf);
	s3 =	smulhi.u32 $0x66666667, s15;
	v17 =	vadd.f32 v23, v17;
	v26 =	vor.u32 v11, v7;
	v23 =	vmul.f32 v15, v16;
	v15 =	vld [tilespmem:$0x1FE30]  }
0x614: {  	s16 =	smov.u32 s19;
	s8 =	spop (v2sf);
	s14 =	smulhi.u32 $0x66666667, s22;
	v8 =	vor.u32 v24, v7;
	v24 =	vld.idx.msk [tilespmem:v22+s11+$0x0], $0xffff;
	v29 =	vor.u32 v11, v3;
	v22 =	vor.u32 v13, v7  }
0x615: {  	p0 =	sne.s32 s19, $0x290;
	[dreg:$0x5] =	wrdreg s16;
	s24 =	smulhi.u32 $0x66666667, s8;
	v27 =	vor.u32 v13, v3;
	v13 =	vor.u32 v31, v7;
	v31 =	vadd.f32 v23, v17;
	v17 =	vld [tilespmem:$0x1FE40]  }
.Ltmp1:
0x616: {  	s28 =	spop (v2sf);
	v12 =	vor.u32 v49, v7;
	v25 =	vld.idx.msk [tilespmem:v25+s11+$0x0], $0xffff;
	(pc) =	sbr.rel @p0 .LBB2_5-.Ltmp1, $4  }
0x617: {  	s5 =	spop (v2sf);
	s25 =	smulhi.u32 $0x66666667, s28;
	v14 =	vor.u32 v30, v7;
	v9 =	vor.u32 v1, v7;
	v11 =	vor.u32 v42, v7;
	v21 =	vld.idx.msk [tilespmem:v20+s20+$0x0], $0xffff  }
0x618: {  	s10 =	spop (v2sf);
	s2 =	smulhi.u32 $0x66666667, s5;
	v16 =	vor.u32 v2, v7;
	v20 =	vld.idx.msk [tilespmem:v26+s20+$0x0], $0xffff;
	v30 =	vor.u32 v15, v7;
	v26 =	vor.u32 v15, v3  }
0x619: {  	s19 =	sadd.s32 $0x10, s19;
	s21 =	spop (v2sf);
	s16 =	smulhi.u32 $0x66666667, s10;
	v23 =	vld.idx.msk [tilespmem:v29+s11+$0x0], $0xffff;
	v15 =	vor.u32 v32, v7;
	v32 =	vmul.f32 v28, v18;
	v18 =	vor.u32 v51, v7  }
0x61a: {  	s23 =	sshra.s32 s23, $0x1F;
	s17 =	smulhi.u32 $0x66666667, s21;
	s12 =	spop (v2sf);
	v22 =	vld.idx.msk [tilespmem:v22+s20+$0x0], $0xffff;
	v29 =	vor.u32 v17, v7;
	v28 =	vor.u32 v17, v3;
	v17 =	vor.u32 v43, v7  }
0x61b: {  	_ =	sdelay $0x3  }
0x61c: {  	v19 =	vmul.f32 v24, v19;
	v24 =	vld.idx.msk [tilespmem:v27+s11+$0x0], $0xffff  }
0x61d: {  	v0 =	vld [tilespmem:$0x1FE50]  }
0x61e: {  	v30 =	vld.idx.msk [tilespmem:v30+s20+$0x0], $0xffff  }
0x61f: {  	v34 =	vld [tilespmem:$0x1FE60]  }
0x620: {  	v29 =	vld.idx.msk [tilespmem:v29+s20+$0x0], $0xffff  }
0x621: {  	v35 =	vld [tilespmem:$0x1FE70]  }
0x622: {  	v1 =	vld [tilespmem:$0x1FE80]  }
0x623: {  	v43 =	vld [tilespmem:$0x1FD00]  }
0x624: {  	v31 =	vadd.f32 v32, v31;
	v2 =	vld [tilespmem:$0x1FEA0]  }
0x625: {  	v18 =	vld.idx.msk [tilespmem:v18+s20+$0x0], $0xffff;
	v27 =	vor.u32 v0, v7  }
0x626: {  	v17 =	vld.idx.msk [tilespmem:v17+s20+$0x0], $0xffff;
	v21 =	vmul.f32 v25, v21;
	v19 =	vadd.f32 v19, v31;
	v51 =	vor.u32 v0, v3  }
0x627: {  	v25 =	vld.idx.msk [tilespmem:v26+s11+$0x0], $0xffff;
	v26 =	vor.u32 v34, v7  }
0x628: {  	v19 =	vadd.f32 v21, v19;
	v21 =	vld.idx.msk [tilespmem:v28+s11+$0x0], $0xffff;
	v31 =	vor.u32 v34, v3  }
0x629: {  	v20 =	vmul.f32 v23, v20;
	v23 =	vor.u32 v35, v7;
	v0 =	vld [tilespmem:$0x1FBF0]  }
0x62a: {  	s19 =	smul.u32 $0x66666667, s23;
	s15 =	sshra.s32 s15, $0x1F;
	v28 =	vor.u32 v35, v3;
	v27 =	vld.idx.msk [tilespmem:v27+s20+$0x0], $0xffff  }
0x62b: {  	s22 =	sshra.s32 s22, $0x1F;
	s15 =	smul.u32 $0x66666667, s15;
	v19 =	vadd.f32 v20, v19;
	v20 =	vmul.f32 v24, v22;
	v24 =	vld.idx.msk [tilespmem:v51+s11+$0x0], $0xffff  }
0x62c: {  	s1 =	sshra.s32 s1, $0x1F;
	s22 =	smul.u32 $0x66666667, s22;
	v42 =	vor.u32 v1, v3;
	v26 =	vld.idx.msk [tilespmem:v26+s20+$0x0], $0xffff  }
0x62d: {  	s10 =	sshra.s32 s10, $0x1F;
	s23 =	smul.u32 $0x66666667, s1;
	v22 =	vor.u32 v1, v7;
	v19 =	vadd.f32 v20, v19;
	v20 =	vmul.f32 v25, v30;
	v30 =	vld.idx.msk [tilespmem:v31+s11+$0x0], $0xffff  }
0x62e: {  	s30 =	sshra.s32 s21, $0x1F;
	s10 =	smul.u32 $0x66666667, s10;
	v25 =	vor.u32 v43, v7;
	v23 =	vld.idx.msk [tilespmem:v23+s20+$0x0], $0xffff  }
0x62f: {  	s0 =	sshra.s32 s0, $0x1F;
	s1 =	smul.u32 $0x66666667, s30;
	v31 =	vor.u32 v43, v3;
	v19 =	vadd.f32 v20, v19;
	v20 =	vmul.f32 v21, v29;
	v28 =	vld.idx.msk [tilespmem:v28+s11+$0x0], $0xffff  }
0x630: {  	s5 =	sshra.s32 s5, $0x1F;
	s0 =	smul.u32 $0x66666667, s0;
	s15 =	sadd.s32 s15, s3;
	v33 =	vor.u32 v2, v7;
	v51 =	vld [tilespmem:$0x1FEB0]  }
0x631: {  	s7 =	sshra.s32 s7, $0x1F;
	s5 =	smul.u32 $0x66666667, s5;
	s21 =	sshrl.u32 s15, $0x1F;
	v34 =	vor.u32 v2, v3;
	v32 =	vld.idx.msk [tilespmem:v42+s11+$0x0], $0xffff;
	v19 =	vadd.f32 v20, v19;
	v20 =	vmul.f32 v24, v27  }
0x632: {  	s6 =	sadd.s32 s19, s6;
	s14 =	sadd.s32 s22, s14;
	s3 =	sadd.s32 s10, s16;
	v21 =	vmov s21;
	v35 =	vor.u32 v0, v7;
	v22 =	vld.idx.msk [tilespmem:v22+s20+$0x0], $0xffff  }
0x633: {  	s1 =	sadd.s32 s1, s17;
	s30 =	sshrl.u32 s6, $0x1F;
	s22 =	sshrl.u32 s14, $0x1F;
	v25 =	vld.idx.msk [tilespmem:v25+s20+$0x0], $0xffff;
	v26 =	vmul.f32 v30, v26;
	v19 =	vadd.f32 v20, v19;
	v20 =	vor.u32 v0, v3  }
0x634: {  	s9 =	sadd.s32 s23, s9;
	s23 =	sshra.s32 s29, $0x1F;
	s0 =	sadd.s32 s0, s31;
	v29 =	vmov s22;
	v42 =	vmov v49;
	v21 =	vsel vm0, s30, v21;
	v31 =	vld.idx.msk [tilespmem:v31+s11+$0x0], $0xffff  }
0x635: {  	s10 =	smul.u32 $0x66666667, s23;
	s19 =	sshrl.u32 s9, $0x1F;
	s21 =	sshrl.u32 s0, $0x1F;
	v33 =	vld.idx.msk [tilespmem:v33+s20+$0x0], $0xffff;
	v49 =	vor.u32 v51, v7;
	v23 =	vmul.f32 v28, v23;
	v19 =	vadd.f32 v26, v19  }
0x636: {  	s6 =	sshra.s32 s6, $0x3;
	s2 =	sadd.s32 s5, s2;
	s15 =	sshra.s32 s15, $0x3;
	v34 =	vld.idx.msk [tilespmem:v34+s11+$0x0], $0xffff;
	v21 =	vsel vm1, s21, v21;
	v28 =	vsel vm0, s19, v29;
	v29 =	vor.u32 v51, v3  }
0x637: {  	s14 =	sshra.s32 s14, $0x3;
	s29 =	sshrl.u32 s3, $0x1F;
	s10 =	sadd.s32 s10, s26;
	v24 =	vmov s15;
	v22 =	vmul.f32 v32, v22;
	v19 =	vadd.f32 v23, v19;
	v23 =	vld.idx.msk [tilespmem:v35+s20+$0x0], $0xffff  }
0x638: {  	s31 =	sadd.s32 s18, s13;
	s16 =	sshra.s32 s12, $0x1F;
	s23 =	sshrl.u32 s10, $0x1F;
	v27 =	vmov s14;
	v30 =	vmov s29;
	v24 =	vsel vm0, s6, v24;
	v20 =	vld.idx.msk [tilespmem:v20+s11+$0x0], $0xffff  }
0x639: {  	s26 =	smul.u32 $0x66666667, s7;
	s30 =	sshra.s32 s0, $0x3;
	s15 =	sshra.s32 s1, $0x1F;
	v28 =	vsel vm1, s23, v28;
	v19 =	vadd.f32 v22, v19;
	v22 =	vmul.f32 v31, v25;
	v25 =	vld [tilespmem:$0x1FC00]  }
0x63a: {  	s22 =	sshra.s32 s3, $0x3;
	s3 =	sshra.s32 s3, $0x1F;
	s29 =	sshra.s32 s28, $0x1F;
	v30 =	vnsel vm4, $0x0, v30;
	v24 =	vsel vm1, s30, v24;
	v26 =	vmov s15;
	v7 =	vld.idx.msk [tilespmem:v49+s20+$0x0], $0xffff  }
0x63b: {  	s0 =	sadd.s32 s26, s4;
	s14 =	sshrl.u32 s2, $0x1F;
	s7 =	smul.u32 $0x66666667, s29;
	v26 =	vsel vm4, s22, v26;
	v19 =	vadd.f32 v22, v19;
	v22 =	vld.idx.msk [tilespmem:v29+s11+$0x0], $0xffff;
	v29 =	vmul.f32 v34, v33  }
0x63c: {  	s18 =	smul.u32 $0x66666667, s16;
	s19 =	sshrl.u32 s0, $0x1F;
	v30 =	vsel vm0, s14, v30;
	s22 =	sshra.s32 s2, $0x3;
	v26 =	vsel vm13, s3, v26;
	vm13 =	vcmask $0xF0C;
	v31 =	vld [tilespmem:$0x1FC10]  }
0x63d: {  	v16 =	vld.idx.msk [tilespmem:v16+s20+$0x0], $0xffff;
	s7 =	sadd.s32 s7, s25;
	s15 =	smulhi.u32 $0x66666667, s12;
	s2 =	sshra.s32 s2, $0x1F;
	v26 =	vsel vm0, s22, v26;
	v19 =	vadd.f32 v29, v19;
	v20 =	vmul.f32 v20, v23  }
0x63e: {  	s8 =	sshra.s32 s8, $0x1F;
	s26 =	sshra.s32 s7, $0x3;
	v26 =	vsel vm13, s2, v26;
	v23 =	vsel vm2, s19, v28;
	v28 =	vld [tilespmem:$0x1FC20];
	v25 =	vor.u32 v25, v3  }
0x63f: {  	v15 =	vld.idx.msk [tilespmem:v15+s20+$0x0], $0xffff;
	s23 =	sshrl.u32 s7, $0x1F;
	s30 =	sshra.s32 s7, $0x1F;
	s6 =	sadd.s32 s18, s15;
	vm13 =	vcmask $0x1714;
	v19 =	vadd.f32 v20, v19;
	v20 =	vsel vm1, s26, v26  }
0x640: {  	v14 =	vld.idx.msk [tilespmem:v14+s20+$0x0], $0xffff;
	s21 =	smul.u32 $0x66666667, s8;
	s25 =	sshrl.u32 s6, $0x1F;
	s8 =	sshra.s32 s6, $0x3;
	v26 =	vsel vm1, s23, v30;
	v20 =	vsel vm13, s30, v20;
	v7 =	vmul.f32 v22, v7  }
0x641: {  	s6 =	sshra.s32 s6, $0x1F;
	v31 =	vor.u32 v31, v3;
	v22 =	vsel vm2, s25, v26;
	v26 =	vld [tilespmem:$0x1FC30];
	v20 =	vsel vm2, s8, v20  }
0x642: {  	s9 =	sshra.s32 s9, $0x3;
	v7 =	vadd.f32 v7, v19;
	v19 =	vsel vm14, s6, v20;
	v20 =	vld [tilespmem:$0x1FEC0]  }
0x643: {  	s17 =	sshrl.u32 s31, $0x1F;
	s5 =	sshra.s32 s31, $0x3;
	s28 =	rddreg [dreg:$0x8];
	v28 =	vor.u32 v28, v3;
	v25 =	vld.idx.msk [tilespmem:v25+s11+$0x0], $0xffff  }
0x644: {  	v13 =	vld.idx.msk [tilespmem:v13+s20+$0x0], $0xffff;
	s10 =	sshra.s32 s10, $0x3;
	v27 =	vsel vm0, s9, v27;
	s29 =	smulhi.u32 $0x66666667, s28;
	s4 =	sshra.s32 s28, $0x1F  }
0x645: {  	s0 =	sshra.s32 s0, $0x3;
	v27 =	vsel vm1, s10, v27;
	s4 =	smul.u32 $0x66666667, s4;
	s10 =	rddreg [dreg:$0x6];
	v49 =	vld [tilespmem:$0x1FED0]  }
0x646: {  	s12 =	smulhi.u32 $0x66666667, s10;
	s3 =	sadd.s32 s21, s24;
	s8 =	sshra.s32 s10, $0x1F;
	v29 =	vld.idx.msk [tilespmem:v31+s11+$0x0], $0xffff;
	v26 =	vor.u32 v26, v3  }
0x647: {  	v12 =	vld.idx.msk [tilespmem:v12+s20+$0x0], $0xffff;
	v21 =	vsel vm2, s17, v21;
	v24 =	vsel vm2, s5, v24;
	v27 =	vsel vm2, s0, v27;
	s31 =	sshrl.u32 s3, $0x1F;
	s2 =	sadd.s32 s4, s29;
	s13 =	smul.u32 $0x66666667, s8  }
0x648: {  	s14 =	sshra.s32 s3, $0x3;
	s15 =	sshrl.u32 s2, $0x1F;
	v22 =	vsel vm5, s31, v22;
	v20 =	vor.u32 v20, v3;
	v18 =	vmul.f32 v25, v18;
	v25 =	vld.idx.msk [tilespmem:v28+s11+$0x0], $0xffff  }
0x649: {  	s3 =	sshra.s32 s3, $0x1F;
	v21 =	vcombine.low v23, v21;
	v22 =	vsel vm6, s15, v22;
	v31 =	vld [tilespmem:$0x1FF90];
	v19 =	vsel vm5, s14, v19;
	s16 =	sadd.s32 s13, s12  }
0x64a: {  	s17 =	sshra.s32 s2, $0x3;
	v34 =	vld [tilespmem:$0x1FCD0];
	v19 =	vsel vm11, s3, v19;
	s18 =	sshrl.u32 s16, $0x1F;
	v7 =	vadd.f32 v18, v7;
	v18 =	vor.u32 v49, v3  }
0x64b: {  	s2 =	sshra.s32 s2, $0x1F;
	s19 =	sshrl.u32 s1, $0x1F;
	v19 =	vsel vm6, s17, v19;
	v22 =	vsel vm7, s18, v22;
	v17 =	vmul.f32 v29, v17;
	v26 =	vld.idx.msk [tilespmem:v26+s11+$0x0], $0xffff  }
0x64c: {  	s21 =	sshra.s32 s16, $0x3;
	v19 =	vsel vm3, s2, v19;
	v22 =	vsel vm15, s19, v22;
	v28 =	vor.u32 v42, v3;
	v42 =	vld [tilespmem:$0x1FFB0]  }
0x64d: {  	s0 =	sshra.s32 s16, $0x1F;
	v19 =	vsel vm7, s21, v19;
	v7 =	vadd.f32 v17, v7;
	v17 =	vld.idx.msk [tilespmem:v20+s11+$0x0], $0xffff;
	v16 =	vmul.f32 v25, v16  }
0x64e: {  	v43 =	vld [tilespmem:$0x1FE90];
	s22 =	sshra.s32 s1, $0x3;
	v19 =	vsel vm12, s0, v19;
	v23 =	vor.u32 v31, v3;
	v22 =	vperm.xlane v22, v41  }
0x64f: {  	v19 =	vsel vm15, s22, v19;
	v20 =	vcombine.low v27, v24;
	v7 =	vadd.f32 v16, v7;
	v18 =	vld.idx.msk [tilespmem:v18+s11+$0x0], $0xffff  }
0x650: {  	v11 =	vld.idx.msk [tilespmem:v11+s20+$0x0], $0xffff;
	v16 =	vperm.xlane v21, v40;
	v15 =	vmul.f32 v26, v15;
	v21 =	vor.u32 v34, v3  }
0x651: {  	v19 =	vperm.xlane v19, v41;
	v24 =	vld.idx.msk [tilespmem:v28+s11+$0x0], $0xffff;
	v20 =	vperm.xlane v20, v40  }
0x652: {  	v10 =	vld.idx.msk [tilespmem:v10+s20+$0x0], $0xffff;
	v7 =	vadd.f32 v15, v7;
	v14 =	vmul.f32 v17, v14;
	v15 =	vor.u32 v42, v3  }
0x653: {  	v17 =	vsel vm8, v19, v20;
	v19 =	vld.idx.msk [tilespmem:v23+s11+$0x0], $0xffff;
	v3 =	vor.u32 v43, v3  }
0x654: {  	v9 =	vld.idx.msk [tilespmem:v9+s20+$0x0], $0xffff;
	s23 =	rddreg [dreg:$0x5];
	v16 =	vsel vm8, v22, v16;
	v7 =	vadd.f32 v14, v7;
	v13 =	vmul.f32 v18, v13  }
0x655: {  	v16 =	vadd.s32 v16, v17;
	v17 =	vmov s23;
	v14 =	vld.idx.msk [tilespmem:v21+s11+$0x0], $0xffff  }
0x656: {  	v8 =	vld.idx.msk [tilespmem:v8+s20+$0x0], $0xffff;
	v12 =	vmul.f32 v24, v12;
	v7 =	vadd.f32 v13, v7;
	v13 =	vmul.u32 $0xFFFFFFEC, v16  }
0x657: {  	vm9 =	vlt.s32 v6, $0x1;
	v32 =	vsub.s32 v48, v17;
	v15 =	vld.idx.msk [tilespmem:v15+s11+$0x0], $0xffff  }
0x658: {  	v33 =	vmul.f32 v19, v11;
	v11 =	vld.idx.msk [tilespmem:v3+s11+$0x0], $0xffff;
	vm10 =	vne.s32 v13, v32;
	v6 =	vadd.f32 v12, v7  }
0x659: {  	v32 =	vimm.s32 $0x0;
	vm9 =	vmand vm9, vm10  }
0x65a: {  	v3 =	vsel vm9, $0xFFFFFFFF, v32;
	v6 =	vadd.f32 v33, v6;
	v33 =	vmul.f32 v14, v10  }
0x65b: {  	v32 =	vor.u32 s23, v36;
	vm9 =	vlt.u32 v17, $0x20;
	v3 =	vadd.s32 v3, v16  }
0x65c: {  	v9 =	vmul.f32 v15, v9;
	v3 =	vsel vm9, v32, v3;
	v7 =	vadd.f32 v33, v6  }
0x65d: {  	v35 =	vld [tilespmem:$0x1FCC0];
	v8 =	vmul.f32 v11, v8;
	v3 =	vshll.u32 v3, $0x6  }
0x65e: {  	v30 =	vld [tilespmem:$0x1FFC0];
	v6 =	vshll.u32 v32, $0x6;
	v33 =	vor.u32 v36, v3;
	v7 =	vadd.f32 v9, v7  }
0x65f: {  	v29 =	vld [tilespmem:$0x1FF80];
	v9 =	vor.u32 v36, v6  }
0x660: {  	s24 =	rddreg [dreg:$0x3];
	v31 =	vld [tilespmem:$0x1FF10];
	v11 =	vor.u32 v53, v6;
	v7 =	vadd.f32 v8, v7  }
0x661: {  	s25 =	sadd.s32 $0x10, s24;
	v27 =	vld [tilespmem:$0x1FF30];
	v32 =	vor.u32 v53, v3  }
0x662: {  	v26 =	vld [tilespmem:$0x1FF70];
	v12 =	vor.u32 v56, v6;
	[tilespmem:s25+$0x0] =	vst v7  }
0x663: {  	v13 =	vor.u32 v57, v6;
	v7 =	vld.idx.msk [tilespmem:v33+s11+$0x0], $0xffff  }
0x664: {  	v14 =	vor.u32 v57, v3;
	v9 =	vld.idx.msk [tilespmem:v9+s20+$0x0], $0xffff  }
0x665: {  	v15 =	vor.u32 v4, v6;
	v11 =	vld.idx.msk [tilespmem:v11+s20+$0x0], $0xffff  }
0x666: {  	v33 =	vor.u32 v56, v3;
	v8 =	vld.idx.msk [tilespmem:v32+s11+$0x0], $0xffff  }
0x667: {  	v16 =	vor.u32 v4, v3;
	v12 =	vld.idx.msk [tilespmem:v12+s20+$0x0], $0xffff  }
0x668: {  	v17 =	vor.u32 v38, v6;
	v13 =	vld.idx.msk [tilespmem:v13+s20+$0x0], $0xffff  }
0x669: {  	v32 =	vld.idx.msk [tilespmem:v14+s11+$0x0], $0xffff;
	v14 =	vor.u32 v39, v6  }
0x66a: {  	v19 =	vor.u32 v39, v3;
	v15 =	vld.idx.msk [tilespmem:v15+s20+$0x0], $0xffff  }
0x66b: {  	v18 =	vor.u32 v38, v3;
	v10 =	vld.idx.msk [tilespmem:v33+s11+$0x0], $0xffff  }
0x66c: {  	v7 =	vmul.f32 v7, v9;
	v8 =	vmul.f32 v8, v11;
	v11 =	vld.idx.msk [tilespmem:v16+s11+$0x0], $0xffff;
	v16 =	vor.u32 v44, v6  }
0x66d: {  	v17 =	vld.idx.msk [tilespmem:v17+s20+$0x0], $0xffff;
	v33 =	vor.u32 v44, v3  }
0x66e: {  	v14 =	vld.idx.msk [tilespmem:v14+s20+$0x0], $0xffff;
	v7 =	vadd.f32 $0.0e+00, v7  }
0x66f: {  	v9 =	vmul.f32 v32, v13;
	v13 =	vld.idx.msk [tilespmem:v19+s11+$0x0], $0xffff;
	v19 =	vor.u32 v46, v6  }
0x670: {  	v32 =	vor.u32 v46, v3;
	v7 =	vadd.f32 v8, v7;
	v10 =	vmul.f32 v10, v12;
	v12 =	vld.idx.msk [tilespmem:v18+s11+$0x0], $0xffff  }
0x671: {  	v18 =	vor.u32 v45, v6;
	v16 =	vld.idx.msk [tilespmem:v16+s20+$0x0], $0xffff  }
0x672: {  	v8 =	vld.idx.msk [tilespmem:v33+s11+$0x0], $0xffff;
	v7 =	vadd.f32 v10, v7;
	v10 =	vor.u32 v45, v3  }
0x673: {  	v20 =	vld [tilespmem:$0x1FC90];
	v11 =	vmul.f32 v11, v15;
	v15 =	vor.u32 v47, v6  }
0x674: {  	v19 =	vld.idx.msk [tilespmem:v19+s20+$0x0], $0xffff;
	v13 =	vmul.f32 v13, v14;
	v14 =	vor.u32 v52, v6;
	v7 =	vadd.f32 v9, v7  }
0x675: {  	v33 =	vor.u32 v47, v3;
	v9 =	vld.idx.msk [tilespmem:v32+s11+$0x0], $0xffff  }
0x676: {  	v18 =	vld.idx.msk [tilespmem:v18+s20+$0x0], $0xffff;
	v12 =	vmul.f32 v12, v17;
	v17 =	vor.u32 v50, v6;
	v7 =	vadd.f32 v11, v7  }
0x677: {  	v8 =	vmul.f32 v8, v16;
	v16 =	vor.u32 v54, v6;
	v10 =	vld.idx.msk [tilespmem:v10+s11+$0x0], $0xffff  }
0x678: {  	v15 =	vld.idx.msk [tilespmem:v15+s20+$0x0], $0xffff;
	v7 =	vadd.f32 v12, v7;
	v12 =	vor.u32 v50, v3  }
0x679: {  	v32 =	vor.u32 v54, v3;
	v14 =	vld.idx.msk [tilespmem:v14+s20+$0x0], $0xffff  }
0x67a: {  	v11 =	vld.idx.msk [tilespmem:v33+s11+$0x0], $0xffff;
	v7 =	vadd.f32 v13, v7;
	v13 =	vor.u32 v52, v3  }
0x67b: {  	v17 =	vld.idx.msk [tilespmem:v17+s20+$0x0], $0xffff  }
0x67c: {  	v16 =	vld.idx.msk [tilespmem:v16+s20+$0x0], $0xffff;
	v7 =	vadd.f32 v8, v7;
	v10 =	vmul.f32 v10, v18  }
0x67d: {  	v18 =	vor.u32 v55, v6;
	v12 =	vld.idx.msk [tilespmem:v12+s11+$0x0], $0xffff  }
0x67e: {  	v9 =	vmul.f32 v9, v19;
	v8 =	vld.idx.msk [tilespmem:v32+s11+$0x0], $0xffff;
	v7 =	vadd.f32 v10, v7;
	v10 =	vor.u32 v55, v3  }
0x67f: {  	v19 =	vor.u32 v59, v6;
	v13 =	vld.idx.msk [tilespmem:v13+s11+$0x0], $0xffff  }
0x680: {  	v22 =	vld [tilespmem:$0x1FF50];
	v33 =	vor.u32 v59, v3;
	v11 =	vmul.f32 v11, v15;
	v7 =	vadd.f32 v9, v7  }
0x681: {  	v23 =	vld [tilespmem:$0x1FF60];
	v15 =	vor.u32 v58, v6  }
0x682: {  	v32 =	vor.u32 v58, v3;
	v18 =	vld.idx.msk [tilespmem:v18+s20+$0x0], $0xffff;
	v7 =	vadd.f32 v11, v7;
	v12 =	vmul.f32 v12, v17  }
0x683: {  	v8 =	vmul.f32 v8, v16;
	v10 =	vld.idx.msk [tilespmem:v10+s11+$0x0], $0xffff  }
0x684: {  	v19 =	vld.idx.msk [tilespmem:v19+s20+$0x0], $0xffff;
	v16 =	vor.u32 v60, v6;
	v7 =	vadd.f32 v12, v7;
	v13 =	vmul.f32 v13, v14  }
0x685: {  	v9 =	vld.idx.msk [tilespmem:v33+s11+$0x0], $0xffff;
	v17 =	vor.u32 v62, v6  }
0x686: {  	v15 =	vld.idx.msk [tilespmem:v15+s20+$0x0], $0xffff;
	v12 =	vor.u32 v62, v3;
	v7 =	vadd.f32 v13, v7  }
0x687: {  	v11 =	vld.idx.msk [tilespmem:v32+s11+$0x0], $0xffff;
	v14 =	vor.u32 v61, v6  }
0x688: {  	v21 =	vld [tilespmem:$0x1FCB0];
	v13 =	vor.u32 v61, v3;
	v7 =	vadd.f32 v8, v7;
	v10 =	vmul.f32 v10, v18  }
0x689: {  	v16 =	vld.idx.msk [tilespmem:v16+s20+$0x0], $0xffff  }
0x68a: {  	v32 =	vor.u32 v63, v3;
	v9 =	vmul.f32 v9, v19;
	v17 =	vld.idx.msk [tilespmem:v17+s20+$0x0], $0xffff;
	v7 =	vadd.f32 v10, v7  }
0x68b: {  	v12 =	vld.idx.msk [tilespmem:v12+s11+$0x0], $0xffff  }
0x68c: {  	v11 =	vmul.f32 v11, v15;
	v8 =	vor.u32 v60, v3;
	v14 =	vld.idx.msk [tilespmem:v14+s20+$0x0], $0xffff;
	v7 =	vadd.f32 v9, v7  }
0x68d: {  	v33 =	vor.u32 v5, v3;
	v15 =	vor.u32 v20, v6;
	v13 =	vld.idx.msk [tilespmem:v13+s11+$0x0], $0xffff  }
0x68e: {  	v18 =	vor.u32 v5, v6;
	v7 =	vadd.f32 v11, v7;
	v11 =	vor.u32 v20, v3;
	v20 =	vld [tilespmem:$0x1FCA0]  }
0x68f: {  	v9 =	vld.idx.msk [tilespmem:v32+s11+$0x0], $0xffff  }
0x690: {  	v19 =	vor.u32 v63, v6;
	v32 =	vld [tilespmem:$0x1FF20]  }
0x691: {  	v8 =	vld.idx.msk [tilespmem:v8+s11+$0x0], $0xffff  }
0x692: {  	v10 =	vld.idx.msk [tilespmem:v33+s11+$0x0], $0xffff;
	v12 =	vmul.f32 v12, v17  }
0x693: {  	v18 =	vld.idx.msk [tilespmem:v18+s20+$0x0], $0xffff;
	v17 =	vor.u32 v20, v6  }
0x694: {  	v24 =	vld [tilespmem:$0x1FF40];
	v7 =	vadd.f32 v12, v7;
	v13 =	vmul.f32 v13, v14;
	v12 =	vor.u32 v20, v3  }
0x695: {  	v19 =	vld.idx.msk [tilespmem:v19+s20+$0x0], $0xffff;
	v14 =	vor.u32 v32, v6  }
0x696: {  	v15 =	vld.idx.msk [tilespmem:v15+s20+$0x0], $0xffff;
	v7 =	vadd.f32 v13, v7;
	v13 =	vor.u32 v32, v3;
	v8 =	vmul.f32 v8, v16  }
0x697: {  	v16 =	vor.u32 v21, v6;
	v11 =	vld.idx.msk [tilespmem:v11+s11+$0x0], $0xffff  }
0x698: {  	v10 =	vmul.f32 v10, v18;
	v7 =	vadd.f32 v8, v7;
	v8 =	vor.u32 v21, v3;
	v17 =	vld.idx.msk [tilespmem:v17+s20+$0x0], $0xffff  }
0x699: {  	v18 =	vor.u32 v22, v6;
	v12 =	vld.idx.msk [tilespmem:v12+s11+$0x0], $0xffff  }
0x69a: {  	v9 =	vmul.f32 v9, v19;
	v14 =	vld.idx.msk [tilespmem:v14+s20+$0x0], $0xffff;
	v7 =	vadd.f32 v10, v7;
	v10 =	vor.u32 v22, v3  }
0x69b: {  	v19 =	vor.u32 v35, v6;
	v13 =	vld.idx.msk [tilespmem:v13+s11+$0x0], $0xffff  }
0x69c: {  	v33 =	vor.u32 v35, v3;
	v16 =	vld.idx.msk [tilespmem:v16+s20+$0x0], $0xffff;
	v7 =	vadd.f32 v9, v7;
	v11 =	vmul.f32 v11, v15  }
0x69d: {  	v35 =	vor.u32 v23, v3;
	v8 =	vld.idx.msk [tilespmem:v8+s11+$0x0], $0xffff  }
0x69e: {  	v18 =	vld.idx.msk [tilespmem:v18+s20+$0x0], $0xffff;
	v15 =	vor.u32 v23, v6;
	v7 =	vadd.f32 v11, v7;
	v12 =	vmul.f32 v12, v17  }
0x69f: {  	v10 =	vld.idx.msk [tilespmem:v10+s11+$0x0], $0xffff;
	v17 =	vor.u32 v24, v6  }
0x6a0: {  	v19 =	vld.idx.msk [tilespmem:v19+s20+$0x0], $0xffff;
	v13 =	vmul.f32 v13, v14;
	v7 =	vadd.f32 v12, v7;
	v12 =	vor.u32 v24, v3  }
0x6a1: {  	v9 =	vld.idx.msk [tilespmem:v33+s11+$0x0], $0xffff;
	v14 =	vor.u32 v27, v6  }
0x6a2: {  	v11 =	vld.idx.msk [tilespmem:v35+s11+$0x0], $0xffff;
	v8 =	vmul.f32 v8, v16;
	v7 =	vadd.f32 v13, v7;
	v13 =	vor.u32 v27, v3  }
0x6a3: {  	v15 =	vld.idx.msk [tilespmem:v15+s20+$0x0], $0xffff;
	v16 =	vor.u32 v26, v6  }
0x6a4: {  	v33 =	vor.u32 v26, v3;
	v10 =	vmul.f32 v10, v18;
	v17 =	vld.idx.msk [tilespmem:v17+s20+$0x0], $0xffff;
	v7 =	vadd.f32 v8, v7  }
0x6a5: {  	v18 =	vor.u32 v29, v6;
	v12 =	vld.idx.msk [tilespmem:v12+s11+$0x0], $0xffff  }
0x6a6: {  	v9 =	vmul.f32 v9, v19;
	v14 =	vld.idx.msk [tilespmem:v14+s20+$0x0], $0xffff;
	v7 =	vadd.f32 v10, v7;
	v10 =	vor.u32 v29, v3  }
0x6a7: {  	v13 =	vld.idx.msk [tilespmem:v13+s11+$0x0], $0xffff  }
0x6a8: {  	v11 =	vmul.f32 v11, v15;
	v16 =	vld.idx.msk [tilespmem:v16+s20+$0x0], $0xffff;
	v7 =	vadd.f32 v9, v7  }
0x6a9: {  	v19 =	vor.u32 v30, v6;
	v8 =	vld.idx.msk [tilespmem:v33+s11+$0x0], $0xffff  }
0x6aa: {  	v35 =	vor.u32 v30, v3;
	v18 =	vld.idx.msk [tilespmem:v18+s20+$0x0], $0xffff;
	v7 =	vadd.f32 v11, v7;
	v12 =	vmul.f32 v12, v17  }
0x6ab: {  	v33 =	vor.u32 v31, v3;
	v10 =	vld.idx.msk [tilespmem:v10+s11+$0x0], $0xffff  }
0x6ac: {  	v20 =	vld [tilespmem:$0x1FDE0];
	v7 =	vadd.f32 v12, v7;
	v13 =	vmul.f32 v13, v14  }
0x6ad: {  	v30 =	vld [tilespmem:$0x1FEE0]  }
0x6ae: {  	v19 =	vld.idx.msk [tilespmem:v19+s20+$0x0], $0xffff;
	v8 =	vmul.f32 v8, v16;
	v7 =	vadd.f32 v13, v7  }
0x6af: {  	v9 =	vld.idx.msk [tilespmem:v35+s11+$0x0], $0xffff  }
0x6b0: {  	v11 =	vld.idx.msk [tilespmem:v33+s11+$0x0], $0xffff;
	v7 =	vadd.f32 v8, v7;
	v10 =	vmul.f32 v10, v18  }
0x6b1: {  	v15 =	vor.u32 v31, v6;
	v33 =	vld [tilespmem:$0x1FF00]  }
0x6b2: {  	v18 =	vor.u32 v20, v6;
	v7 =	vadd.f32 v10, v7;
	v10 =	vor.u32 v20, v3;
	v20 =	vld [tilespmem:$0x1FDF0];
	_ =	sdelay $0x1  }
0x6b3: {  	v25 =	vld [tilespmem:$0x1FEF0];
	v17 =	vor.u32 v30, v6  }
0x6b4: {  	v12 =	vor.u32 v30, v3;
	v9 =	vmul.f32 v9, v19  }
0x6b5: {  	v15 =	vld.idx.msk [tilespmem:v15+s20+$0x0], $0xffff;
	v35 =	vor.u32 v33, v3  }
0x6b6: {  	v7 =	vadd.f32 v9, v7;
	v19 =	vor.u32 v20, v6;
	v9 =	vor.u32 v20, v3;
	v20 =	vld [tilespmem:$0x1FE00];
	_ =	sdelay $0x1  }
0x6b7: {  	v14 =	vor.u32 v25, v6;
	v17 =	vld.idx.msk [tilespmem:v17+s20+$0x0], $0xffff  }
0x6b8: {  	v13 =	vor.u32 v25, v3;
	v12 =	vld.idx.msk [tilespmem:v12+s11+$0x0], $0xffff  }
0x6b9: {  	v8 =	vld.idx.msk [tilespmem:v35+s11+$0x0], $0xffff  }
0x6ba: {  	v11 =	vmul.f32 v11, v15;
	v15 =	vor.u32 v20, v6;
	v35 =	vor.u32 v20, v3;
	v20 =	vld [tilespmem:$0x1FE10];
	_ =	sdelay $0x1  }
0x6bb: {  	v14 =	vld.idx.msk [tilespmem:v14+s20+$0x0], $0xffff  }
0x6bc: {  	v16 =	vor.u32 v33, v6;
	v13 =	vld.idx.msk [tilespmem:v13+s11+$0x0], $0xffff;
	v7 =	vadd.f32 v11, v7;
	v12 =	vmul.f32 v12, v17;
	_ =	sdelay $0x1  }
0x6bd: {  	v7 =	vadd.f32 v12, v7;
	v17 =	vor.u32 v20, v6;
	v12 =	vor.u32 v20, v3;
	v20 =	vld [tilespmem:$0x1FE20];
	_ =	sdelay $0x2  }
0x6be: {  	v16 =	vld.idx.msk [tilespmem:v16+s20+$0x0], $0xffff;
	v13 =	vmul.f32 v13, v14;
	_ =	sdelay $0x1  }
0x6bf: {  	v7 =	vadd.f32 v13, v7;
	v14 =	vor.u32 v20, v6;
	v13 =	vor.u32 v20, v3;
	v20 =	vld [tilespmem:$0x1FE30];
	_ =	sdelay $0x1  }
0x6c0: {  	v18 =	vld.idx.msk [tilespmem:v18+s20+$0x0], $0xffff  }
0x6c1: {  	v10 =	vld.idx.msk [tilespmem:v10+s11+$0x0], $0xffff;
	v8 =	vmul.f32 v8, v16;
	_ =	sdelay $0x1  }
0x6c2: {  	v7 =	vadd.f32 v8, v7;
	v16 =	vor.u32 v20, v6;
	v8 =	vor.u32 v20, v3;
	v20 =	vld [tilespmem:$0x1FE40];
	_ =	sdelay $0x2  }
0x6c3: {  	v19 =	vld.idx.msk [tilespmem:v19+s20+$0x0], $0xffff;
	v10 =	vmul.f32 v10, v18  }
0x6c4: {  	v9 =	vld.idx.msk [tilespmem:v9+s11+$0x0], $0xffff  }
0x6c5: {  	v7 =	vadd.f32 v10, v7;
	v18 =	vor.u32 v20, v6;
	v10 =	vor.u32 v20, v3;
	v20 =	vld [tilespmem:$0x1FE50];
	_ =	sdelay $0x1  }
0x6c6: {  	v15 =	vld.idx.msk [tilespmem:v15+s20+$0x0], $0xffff  }
0x6c7: {  	v11 =	vld.idx.msk [tilespmem:v35+s11+$0x0], $0xffff  }
0x6c8: {  	v14 =	vld.idx.msk [tilespmem:v14+s20+$0x0], $0xffff  }
0x6c9: {  	v9 =	vmul.f32 v9, v19;
	v19 =	vor.u32 v20, v6;
	v35 =	vor.u32 v20, v3;
	v20 =	vld [tilespmem:$0x1FE60]  }
0x6ca: {  	v13 =	vld.idx.msk [tilespmem:v13+s11+$0x0], $0xffff  }
0x6cb: {  	v17 =	vld.idx.msk [tilespmem:v17+s20+$0x0], $0xffff  }
0x6cc: {  	v7 =	vadd.f32 v9, v7;
	v12 =	vld.idx.msk [tilespmem:v12+s11+$0x0], $0xffff;
	v11 =	vmul.f32 v11, v15  }
0x6cd: {  	v16 =	vld.idx.msk [tilespmem:v16+s20+$0x0], $0xffff  }
0x6ce: {  	v7 =	vadd.f32 v11, v7;
	v15 =	vor.u32 v20, v6;
	v11 =	vor.u32 v20, v3;
	v20 =	vld [tilespmem:$0x1FE70]  }
0x6cf: {  	v8 =	vld.idx.msk [tilespmem:v8+s11+$0x0], $0xffff;
	v13 =	vmul.f32 v13, v14;
	v14 =	vor.u32 v1, v6  }
0x6d0: {  	v18 =	vld.idx.msk [tilespmem:v18+s20+$0x0], $0xffff  }
0x6d1: {  	v9 =	vld.idx.msk [tilespmem:v35+s11+$0x0], $0xffff  }
0x6d2: {  	v12 =	vmul.f32 v12, v17;
	v35 =	vld [tilespmem:$0x1FD00]  }
0x6d3: {  	v10 =	vld.idx.msk [tilespmem:v10+s11+$0x0], $0xffff;
	v17 =	vor.u32 v20, v6  }
0x6d4: {  	v7 =	vadd.f32 v12, v7;
	v14 =	vld.idx.msk [tilespmem:v14+s20+$0x0], $0xffff;
	v12 =	vor.u32 v20, v3  }
0x6d5: {  	v19 =	vld.idx.msk [tilespmem:v19+s20+$0x0], $0xffff  }
0x6d6: {  	v7 =	vadd.f32 v13, v7;
	v13 =	vor.u32 v1, v3;
	v8 =	vmul.f32 v8, v16;
	v15 =	vld.idx.msk [tilespmem:v15+s20+$0x0], $0xffff  }
0x6d7: {  	v16 =	vor.u32 v35, v6;
	v1 =	vor.u32 v35, v3;
	v35 =	vld [tilespmem:$0x1FC00]  }
0x6d8: {  	v7 =	vadd.f32 v8, v7;
	v10 =	vmul.f32 v10, v18;
	v18 =	vor.u32 v2, v6;
	v17 =	vld.idx.msk [tilespmem:v17+s20+$0x0], $0xffff  }
0x6d9: {  	v12 =	vld.idx.msk [tilespmem:v12+s11+$0x0], $0xffff  }
0x6da: {  	v7 =	vadd.f32 v10, v7;
	v11 =	vld.idx.msk [tilespmem:v11+s11+$0x0], $0xffff;
	v9 =	vmul.f32 v9, v19  }
0x6db: {  	v13 =	vld.idx.msk [tilespmem:v13+s11+$0x0], $0xffff  }
0x6dc: {  	v7 =	vadd.f32 v9, v7;
	v9 =	vld.idx.msk [tilespmem:v16+s20+$0x0], $0xffff  }
0x6dd: {  	v16 =	vld.idx.msk [tilespmem:v18+s20+$0x0], $0xffff  }
0x6de: {  	v18 =	vor.u32 v35, v3;
	v12 =	vmul.f32 v12, v17;
	v17 =	vor.u32 v35, v6;
	v35 =	vld [tilespmem:$0x1FC10]  }
0x6df: {  	v11 =	vmul.f32 v11, v15  }
0x6e0: {  	v10 =	vor.u32 v2, v3;
	v8 =	vld.idx.msk [tilespmem:v1+s11+$0x0], $0xffff  }
0x6e1: {  	v19 =	vor.u32 v0, v6;
	v7 =	vadd.f32 v11, v7  }
0x6e2: {  	v13 =	vmul.f32 v13, v14  }
0x6e3: {  	v7 =	vadd.f32 v12, v7;
	v14 =	vor.u32 v35, v6;
	v21 =	vor.u32 v35, v3;
	v35 =	vld [tilespmem:$0x1FC20]  }
0x6e4: {  	v20 =	vor.u32 v0, v3  }
0x6e5: {  	v10 =	vld.idx.msk [tilespmem:v10+s11+$0x0], $0xffff;
	v11 =	vor.u32 v51, v3;
	v8 =	vmul.f32 v8, v9;
	v7 =	vadd.f32 v13, v7  }
0x6e6: {  	v15 =	vor.u32 v51, v6;
	v12 =	vld.idx.msk [tilespmem:v19+s20+$0x0], $0xffff  }
0x6e7: {  	v7 =	vadd.f32 v8, v7;
	v8 =	vld.idx.msk [tilespmem:v17+s20+$0x0], $0xffff  }
0x6e8: {  	v9 =	vor.u32 v35, v6;
	v17 =	vor.u32 v35, v3;
	v35 =	vld [tilespmem:$0x1FC30]  }
0x6e9: {  	v19 =	vld.idx.msk [tilespmem:v20+s11+$0x0], $0xffff  }
0x6ea: {  	v11 =	vld.idx.msk [tilespmem:v11+s11+$0x0], $0xffff  }
0x6eb: {  	v13 =	vld.idx.msk [tilespmem:v15+s20+$0x0], $0xffff  }
0x6ec: {  	v28 =	vld [tilespmem:$0x1FEC0];
	v10 =	vmul.f32 v10, v16  }
0x6ed: {  	v18 =	vld.idx.msk [tilespmem:v18+s11+$0x0], $0xffff;
	v20 =	vor.u32 v35, v3  }
0x6ee: {  	v7 =	vadd.f32 v10, v7;
	v10 =	vld.idx.msk [tilespmem:v14+s20+$0x0], $0xffff;
	v14 =	vmul.f32 v19, v12  }
0x6ef: {  	v0 =	vld.idx.msk [tilespmem:v21+s11+$0x0], $0xffff  }
0x6f0: {  	v11 =	vmul.f32 v11, v13;
	v19 =	vadd.f32 v14, v7;
	v15 =	vor.u32 v35, v6;
	v16 =	vld.idx.msk [tilespmem:v17+s11+$0x0], $0xffff  }
0x6f1: {  	v35 =	vld [tilespmem:$0x1FC40]  }
0x6f2: {  	v12 =	vor.u32 v28, v6;
	v17 =	vadd.f32 v11, v19;
	v19 =	vld.idx.msk [tilespmem:v20+s11+$0x0], $0xffff  }
0x6f3: {  	v7 =	vor.u32 v28, v3;
	v20 =	vld [tilespmem:$0x1FF90]  }
0x6f4: {  	v13 =	vor.u32 v49, v6;
	v9 =	vld.idx.msk [tilespmem:v9+s20+$0x0], $0xffff  }
0x6f5: {  	v11 =	vor.u32 v49, v3;
	v14 =	vld.idx.msk [tilespmem:v15+s20+$0x0], $0xffff;
	v15 =	vmul.f32 v18, v8  }
0x6f6: {  	v8 =	vor.u32 v35, v6  }
0x6f7: {  	v0 =	vmul.f32 v0, v10;
	v15 =	vadd.f32 v15, v17;
	v17 =	vld.idx.msk [tilespmem:v12+s20+$0x0], $0xffff;
	v12 =	vor.u32 v35, v3  }
0x6f8: {  	v7 =	vld.idx.msk [tilespmem:v7+s11+$0x0], $0xffff;
	v35 =	vor.u32 v20, v6  }
0x6f9: {  	v13 =	vld.idx.msk [tilespmem:v13+s20+$0x0], $0xffff;
	v0 =	vadd.f32 v0, v15;
	v15 =	vmul.f32 v16, v9;
	v18 =	vor.u32 v20, v3  }
0x6fa: {  	v11 =	vld.idx.msk [tilespmem:v11+s11+$0x0], $0xffff;
	v9 =	vor.u32 v34, v6  }
0x6fb: {  	v8 =	vld.idx.msk [tilespmem:v8+s20+$0x0], $0xffff;
	v0 =	vadd.f32 v15, v0;
	v15 =	vor.u32 v34, v3;
	v34 =	vmul.f32 v19, v14  }
0x6fc: {  	v14 =	vor.u32 v42, v6;
	v12 =	vld.idx.msk [tilespmem:v12+s11+$0x0], $0xffff  }
0x6fd: {  	v0 =	vadd.f32 v34, v0;
	v1 =	vld.idx.msk [tilespmem:v35+s20+$0x0], $0xffff;
	v35 =	vmul.f32 v7, v17;
	v7 =	vor.u32 v42, v3  }
0x6fe: {  	v6 =	vor.u32 v43, v6;
	v16 =	vld.idx.msk [tilespmem:v18+s11+$0x0], $0xffff  }
0x6ff: {  	v11 =	vmul.f32 v11, v13;
	v9 =	vld.idx.msk [tilespmem:v9+s20+$0x0], $0xffff;
	v3 =	vor.u32 v43, v3;
	v0 =	vadd.f32 v35, v0  }
0x700: {  	v34 =	vld.idx.msk [tilespmem:v15+s11+$0x0], $0xffff  }
0x701: {  	v43 =	vld.idx.msk [tilespmem:v14+s20+$0x0], $0xffff;
	v35 =	vmul.f32 v12, v8;
	v0 =	vadd.f32 v11, v0  }
0x702: {  	v7 =	vld.idx.msk [tilespmem:v7+s11+$0x0], $0xffff  }
0x703: {  	v6 =	vld.idx.msk [tilespmem:v6+s20+$0x0], $0xffff;
	v1 =	vmul.f32 v16, v1;
	v0 =	vadd.f32 v35, v0  }
0x704: {  	v3 =	vld.idx.msk [tilespmem:v3+s11+$0x0], $0xffff  }
0x705: {  	v34 =	vmul.f32 v34, v9;
	v0 =	vadd.f32 v1, v0;
	_ =	sdelay $0x1  }
0x706: {  	s31 =	rddreg [dreg:$0x10];
	v0 =	vadd.f32 v34, v0;
	v35 =	vmul.f32 v7, v43  }
0x707: {  	s8 =	sadd.s32 $0x1, s31;
	vm10 =	vcmask $0x704  }
0x708: {  	p0 =	sne.s32 s8, $0x8;
	vm9 =	vcmask $0xF0C;
	v21 =	vmovc v32;
	v17 =	vmovc v27;
	v43 =	vmul.f32 v3, v6;
	v0 =	vadd.f32 v35, v0  }
.Ltmp2:
0x709: {  	s26 =	rddreg [dreg:$0x11];
	v27 =	vmovc v29;
	v29 =	vmovc v20;
	v18 =	vmov v31;
	v20 =	vmov v30;
	v15 =	vmov v2;
	(pc) =	sbr.rel @p0 .LBB2_2-.Ltmp2, $4  }
0x70a: {  	s7 =	simm.s32 $0x18200;
	s0 =	smul.u32 $0x54, s26;
	v16 =	vimm.s32 $0x0;
	v34 =	vmovc v53;
	v53 =	vmovc v57;
	v57 =	vmov v38;
	v0 =	vadd.f32 v43, v0  }
0x70b: {  	s29 =	rddreg [dreg:$0xd];
	s4 =	simm.s32 $0x0;
	s28 =	sadd.s32 $0x10, s25;
	v38 =	vmovc v39;
	v39 =	vmovc v44;
	v44 =	vmov v45;
	v45 =	vmov v46;
	v46 =	vmov v47  }
0x70c: {  	s30 =	simm.s32 $0x18CA0;
	s6 =	simm.s32 $0xD200;
	s0 =	sadd.s32 s0, s29;
	v47 =	vmovc v50;
	v50 =	vmovc v52;
	v52 =	vmov v54;
	v54 =	vmov v55;
	v55 =	vmov v59;
	[tilespmem:s28+$0x0] =	vst v0  }
0x70d: {  	v30 =	vld [tilespmem:$0x1FFC0];
	v59 =	vmovc v62;
	v62 =	vmovc v60;
	v60 =	vmov v5;
	v35 =	vmov v56;
	v56 =	vmov v4;
	[hbm4b:s0+s4] =	stream.linear.scatter [tilespmem:s30], [sflag:$0x4], $0x2A0, $0x38  }
0x70e: {  	s0 =	simm.s32 $0x3  }
0x70f: {  	_ =	swait.ge [sflag:s0], $0x2A0  }
0x710: {  	[sflag:s0] =	ssyncset.done $0x0  }
0x711: {  	s1 =	simm.s32 $0x4;
	[sflag:s0] =	ssyncadd.s32 $0xFFFFFD60  }
0x712: {  	_ =	swait.ge [sflag:s1], $0x2A0  }
0x713: {  	s3 =	rddreg [dreg:$0xf]  }
0x714: {  	s31 =	rddreg [dreg:$0xe];
	s3 =	sadd.s32 $0x1, s3  }
0x715: {  	p0 =	sne.s32 s3, s31  }
.Ltmp3:
0x716: {  	_ = 	snop;
	(pc) =	sbr.rel @p0 .LBB2_1-.Ltmp3, $3  }
0x717: {  	_ =	sdelay $0x1  }
0x718: {  	[sflag:s1] =	ssyncset.done $0x0  }
0x719: {  	s2 =	simm.s32 $0x2A00;
	s5 =	simm.s32 $0x17A00;
	[sflag:s1] =	ssyncadd.s32 $0xFFFFFD60  }
0x71a: {  	_ =	sfence.sel $0x180000  }
0x71b: {  	[bflag:$0x0] =	sbarrier.arrive $0xFFFF  }
0x71c: {  	_ =	strace $0x90000047  }
0x71d: {  	s0 =	stileid.u32;
	[bflag:$0x2] =	sbarrier.arrive $0xFFFF  }
0x71e: {  	p0 =	sne.s32 s0, $0x0;
	s0 =	rddreg [dreg:$0x1]  }
0x71f: {  	s0 =	sadd.s32 @!p0 $0x100000, s0  }
0x720: {  	[sflag:s0] =	ssyncadd.tile.s32 @!p0 $0x1;
	_ =	shalt  }
.Lfunc_end2:
_tile_overlayer_lowered:
.L_overlay_start_2:
0x721: {  	(tag) =	ssettag $0x2  }
0x722: {  	s0 =	rddreg [dreg:$0x0];
	s2 =	stileid.u32  }
0x723: {  	s1 =	rddreg [dreg:$0x1];
	p0 =	sne.s32 s2, $0x0  }
0x724: {  	s3 =	rddreg [dreg:$0x2];
	[bflag:$0x3] =	sbarrier.arrive $0xFFFF;
	s2 =	simm.s32 @!p0 $0x1C05  }
0x725: {  	[timem:s3], [sflag:s2] =	dma.local @!p0 [hbm:s0], s1  }
0x726: {  	s0 =	simm.s32 @!p0 $0x5  }
0x727: {  	_ =	swait.ge @!p0 [sflag:s0], s1  }
0x728: {  	s1 =	ssub.s32 @!p0 $0x0, s1;
	[sflag:s0] =	ssyncset.done @!p0 $0x0  }
0x729: {  	[sflag:s0] =	ssyncadd.s32 @!p0 s1  }
0x72a: {  	[bflag:$0x3] =	sbarrier.arrive $0xFFFF  }
0x72b: {  	_ =	shalt  }

</sc_bundles>
